<compile_context>
chip_gen: v7x
topology: tpu7x:2x2x1
jax: 0.10.2.dev20260603
libtpu: 0.0.44.dev20260713+nightly
codegen_flags: <defaults>
</compile_context>

<pallas_src>
import functools

import jax
import jax.numpy as jnp
from jax import lax
from jax.experimental import pallas as pl
from jax.experimental.pallas import tpu as pltpu
from jax.experimental.pallas import tpu_sc as plsc

N = 10000
E = 160000
D = 256
HID = 256
NCLS = 40

NP = 10240
TRASH = 10240
ACC = 10368
NTILES = 16
EPT = E // NTILES
CH = 80
RPT = NP // NTILES

NPH = NP // 2

def _dot(a, b):
    return jax.lax.dot(a, b, preferred_element_type=jnp.float32)



def _sc_mesh():
    return plsc.VectorSubcoreMesh(core_axis_name="c", subcore_axis_name="s",
                                  num_cores=2, num_subcores=16)


def _make_degree_kernel():

    @functools.partial(
        pl.kernel,
        out_type=jax.ShapeDtypeStruct((2, NP), jnp.float32),
        mesh=_sc_mesh(),
        scratch_types=[
            pltpu.VMEM((40, 128), jnp.int32),
            pltpu.VMEM((128,), jnp.float32),
            pltpu.VMEM((RPT,), jnp.float32),
            pltpu.VMEM_SHARED((ACC,), jnp.float32),
            pltpu.SemaphoreType.DMA,
            pltpu.SemaphoreType.DMA,
        ],
    )
    def deg_kernel(dstidx_hbm, out_hbm, didx, ones, zb, acc, semA, semB):
        c = lax.axis_index("c")
        s = lax.axis_index("s")
        pltpu.sync_copy(dstidx_hbm.at[s, pl.ds(c * 40, 40)], didx)

        @pl.loop(0, 8)
        def _(r):
            ones[pl.ds(r * 16, 16)] = jnp.full((16,), 1.0, jnp.float32)

        @pl.loop(0, RPT // 16)
        def _(r):
            zb[pl.ds(r * 16, 16)] = jnp.zeros((16,), jnp.float32)

        pltpu.sync_copy(zb, acc.at[pl.ds(s * RPT, RPT)])
        plsc.subcore_barrier()

        def issue(j, sem):
            pltpu.async_copy(ones, acc.at[didx.at[j]], sem, add=True)

        def wait(sem):
            pltpu.make_async_copy(ones, acc.at[pl.ds(0, 128)], sem).wait()

        issue(0, semA)
        issue(1, semB)

        @pl.loop(0, 19)
        def _(t):
            wait(semA)
            issue(2 * t + 2, semA)
            wait(semB)
            issue(2 * t + 3, semB)

        wait(semA)
        wait(semB)
        plsc.subcore_barrier()
        pltpu.sync_copy(acc.at[pl.ds(s * RPT, RPT)],
                        out_hbm.at[c, pl.ds(s * RPT, RPT)])

    return deg_kernel


def _make_propagate_kernel(n_phases, node_div):

    nph = NP // node_div
    rpt = nph // NTILES
    accr = nph + 64

    @functools.partial(
        pl.kernel,
        out_type=jax.ShapeDtypeStruct((n_phases, NP, 128), jnp.float32),
        mesh=_sc_mesh(),
        scratch_types=[
            pltpu.VMEM((CH, 128), jnp.int32),
            pltpu.VMEM((CH, 128), jnp.int32),
            pltpu.VMEM((128, 128), jnp.float32),
            pltpu.VMEM((128, 128), jnp.float32),
            pltpu.VMEM((128, 128), jnp.float32),
            pltpu.VMEM((128, 128), jnp.float32),
            pltpu.SemaphoreType.DMA,
            pltpu.SemaphoreType.DMA,
            pltpu.SemaphoreType.DMA,
            pltpu.SemaphoreType.DMA,
            pltpu.VMEM_SHARED((accr, 128), jnp.float32),
        ],
    )
    def prop_kernel(u_hbm, srcidx_hbm, dstidx_hbm, out_hbm,
                    sidx, didx, b00, b01, b10, b11,
                    gs0, gs1, ss0, ss1, acc):
        c = lax.axis_index("c")
        s = lax.axis_index("s")

        bufs = ((b00, b01), (b10, b11))
        gsem = (gs0, gs1)
        ssem = (ss0, ss1)
        NG = CH // 2

        def issue_gathers(g, p, k):
            for b in range(2):
                pltpu.async_copy(u_hbm.at[k].at[sidx.at[g * 2 + b]],
                                 bufs[p][b], gsem[p])

        def wait_gathers(p):
            for b in range(2):
                pltpu.make_async_copy(u_hbm.at[0].at[pl.ds(0, 128)],
                                      bufs[p][b], gsem[p]).wait()

        def issue_scatters(g, p):
            for b in range(2):
                pltpu.async_copy(bufs[p][b], acc.at[didx.at[g * 2 + b]],
                                 ssem[p], add=True)

        def wait_scatters(p):
            for b in range(2):
                pltpu.make_async_copy(bufs[p][b], acc.at[pl.ds(0, 128)],
                                      ssem[p]).wait()

        pltpu.sync_copy(srcidx_hbm.at[s], sidx)
        for k in range(n_phases):
            for sp in range(node_div // 2):
                pltpu.sync_copy(dstidx_hbm.at[sp, c, s], didx)

                @pl.loop(0, 128)
                def _(r):
                    for q in range(8):
                        b00[r, pl.ds(q * 16, 16)] = (
                            jnp.zeros((16,), jnp.float32))
                nfull, rem = divmod(rpt, 128)
                for z in range(nfull):
                    pltpu.sync_copy(
                        b00, acc.at[pl.ds(s * rpt + z * 128, 128)])
                if rem:
                    pltpu.sync_copy(
                        b00.at[pl.ds(0, rem)],
                        acc.at[pl.ds(s * rpt + nfull * 128, rem)])

                plsc.subcore_barrier()

                def grp(g, p):
                    wait_gathers(p)
                    issue_scatters(g, p)
                    wait_scatters(1 - p)
                    issue_gathers(g + 1, 1 - p, k)

                issue_gathers(0, 0, k)
                wait_gathers(0)
                issue_scatters(0, 0)
                issue_gathers(1, 1, k)

                @pl.loop(0, (NG - 2) // 2)
                def _(t):
                    grp(2 * t + 1, 1)
                    grp(2 * t + 2, 0)

                wait_gathers(1)
                issue_scatters(NG - 1, 1)
                wait_scatters(0)
                wait_scatters(1)
                plsc.subcore_barrier()
                pltpu.sync_copy(
                    acc.at[pl.ds(s * rpt, rpt)],
                    out_hbm.at[k, pl.ds((2 * sp + c) * nph + s * rpt, rpt)])

    return prop_kernel


@functools.lru_cache(maxsize=None)
def _get_degree_kernel():
    return _make_degree_kernel()


@functools.lru_cache(maxsize=None)
def _get_propagate_kernel(n_phases, node_div):
    return _make_propagate_kernel(n_phases, node_div)


def _degree(dstidx):
    return _get_degree_kernel()(dstidx)


def _prop_hidden(u, srcidx, dstidx_r, node_div):
    return _get_propagate_kernel(2, node_div)(u, srcidx, dstidx_r)


def _prop_out(u3p, srcidx, dstidx2):
    return _get_propagate_kernel(1, 2)(u3p.reshape(1, NP, 128), srcidx,
                                       dstidx2).reshape(NP, 128)



BR = 256
NB = NP // BR


def _dinv(deg_ref):
    d = deg_ref[:, 0:1] + deg_ref[:, 1:2] + 1.0
    return jax.lax.rsqrt(d)


def _cat2(u_ref):
    return jnp.concatenate([u_ref[0], u_ref[1]], axis=1)


def _halves(z):
    return jnp.stack([z[:, 0:128], z[:, 128:256]])


def _mm1_body(x_ref, w_ref, deg_ref, u_ref):
    dinv = _dinv(deg_ref)
    z = _dot(x_ref[...], w_ref[...]) * dinv
    u_ref[...] = _halves(z)


def _mm1(x_pad, W1, degT):
    return pl.pallas_call(
        _mm1_body,
        grid=(NB,),
        in_specs=[
            pl.BlockSpec((BR, D), lambda i: (i, 0)),
            pl.BlockSpec((D, HID), lambda i: (0, 0)),
            pl.BlockSpec((BR, 2), lambda i: (i, 0)),
        ],
        out_specs=pl.BlockSpec((2, BR, 128), lambda i: (0, i, 0)),
        out_shape=jax.ShapeDtypeStruct((2, NP, 128), jnp.float32),
    )(x_pad, W1, degT)


def _mm2_body(s_ref, u_ref, deg_ref, b_ref, w_ref, u2_ref, h_ref):
    dinv = _dinv(deg_ref)
    h1 = jnp.maximum(dinv * (_cat2(s_ref) + _cat2(u_ref)) + b_ref[...], 0.0)
    h_ref[...] = h1
    z = _dot(h1, w_ref[...]) * dinv
    u2_ref[...] = _halves(z)


def _mm2(s1, u1, degT, b2d, W):
    return pl.pallas_call(
        _mm2_body,
        grid=(NB,),
        in_specs=[
            pl.BlockSpec((2, BR, 128), lambda i: (0, i, 0)),
            pl.BlockSpec((2, BR, 128), lambda i: (0, i, 0)),
            pl.BlockSpec((BR, 2), lambda i: (i, 0)),
            pl.BlockSpec((1, HID), lambda i: (0, 0)),
            pl.BlockSpec((HID, HID), lambda i: (0, 0)),
        ],
        out_specs=[
            pl.BlockSpec((2, BR, 128), lambda i: (0, i, 0)),
            pl.BlockSpec((BR, HID), lambda i: (i, 0)),
        ],
        out_shape=[
            jax.ShapeDtypeStruct((2, NP, 128), jnp.float32),
            jax.ShapeDtypeStruct((NP, HID), jnp.float32),
        ],
    )(s1, u1, degT, b2d, W)


def _mm3_body(x_ref, h1_ref, s_ref, u_ref, deg_ref, b_ref, w_ref, u3_ref):
    dinv = _dinv(deg_ref)
    h2 = jnp.maximum(dinv * (_cat2(s_ref) + _cat2(u_ref)) + b_ref[...], 0.0)
    z = (_dot(x_ref[...], w_ref[0:D, :])
         + _dot(h1_ref[...], w_ref[D:D + HID, :])
         + _dot(h2, w_ref[D + HID:, :]))
    u = z * dinv
    u3_ref[...] = jnp.concatenate(
        [u, jnp.zeros((BR, 64), jnp.float32)], axis=1)


def _mm3(x_pad, h1, s2, u2, degT, b2d, Wo_pad):
    return pl.pallas_call(
        _mm3_body,
        grid=(NB,),
        in_specs=[
            pl.BlockSpec((BR, D), lambda i: (i, 0)),
            pl.BlockSpec((BR, HID), lambda i: (i, 0)),
            pl.BlockSpec((2, BR, 128), lambda i: (0, i, 0)),
            pl.BlockSpec((2, BR, 128), lambda i: (0, i, 0)),
            pl.BlockSpec((BR, 2), lambda i: (i, 0)),
            pl.BlockSpec((1, HID), lambda i: (0, 0)),
            pl.BlockSpec((D + 2 * HID, 64), lambda i: (0, 0)),
        ],
        out_specs=pl.BlockSpec((BR, 128), lambda i: (i, 0)),
        out_shape=jax.ShapeDtypeStruct((NP, 128), jnp.float32),
    )(x_pad, h1, s2, u2, degT, b2d, Wo_pad)


def _mm4_body(s_ref, u_ref, deg_ref, b_ref, o_ref):
    dinv = _dinv(deg_ref)
    cat = s_ref[:, 0:64] + u_ref[:, 0:64]
    o_ref[...] = jnp.maximum(dinv * cat + b_ref[...], 0.0)


def _mm4(s3, u3p, degT, bo2d):
    return pl.pallas_call(
        _mm4_body,
        grid=(NB,),
        in_specs=[
            pl.BlockSpec((BR, 128), lambda i: (i, 0)),
            pl.BlockSpec((BR, 128), lambda i: (i, 0)),
            pl.BlockSpec((BR, 2), lambda i: (i, 0)),
            pl.BlockSpec((1, 64), lambda i: (0, 0)),
        ],
        out_specs=pl.BlockSpec((BR, 64), lambda i: (i, 0)),
        out_shape=jax.ShapeDtypeStruct((NP, 64), jnp.float32),
    )(s3, u3p, degT, bo2d)



def kernel(x, edge_index, W1, b1, W2, b2, W_out, b_out):
    src = edge_index[0].astype(jnp.int32)
    dst = edge_index[1].astype(jnp.int32)

    src16 = src.reshape(NTILES, EPT)
    dst16 = dst.reshape(NTILES, EPT)
    pad_e = CH * 128 - EPT
    src_l = jnp.concatenate(
        [src16, jnp.zeros((NTILES, pad_e), jnp.int32)], axis=1
    ).reshape(NTILES, CH, 128)
    srcidx = src_l
    dstidx = jnp.concatenate(
        [dst16, jnp.full((NTILES, pad_e), TRASH, jnp.int32)], axis=1
    ).reshape(NTILES, CH, 128)
    dst_s = jnp.concatenate(
        [dst16, jnp.full((NTILES, pad_e), -1, jnp.int32)], axis=1
    ).reshape(NTILES, CH, 128)

    trash_spread = (jnp.arange(128, dtype=jnp.int32) % 64)[None, None, :]

    def route(node_div):
        nph = NP // node_div
        return jnp.stack([
            jnp.stack([
                jnp.where((dst_s >= q * nph) & (dst_s < (q + 1) * nph),
                          dst_s - q * nph, nph + trash_spread)
                for q in (2 * p, 2 * p + 1)], axis=0)
            for p in range(node_div // 2)])

    dstidx2 = route(2)

    x_pad = jnp.pad(x, ((0, NP - N), (0, 0)))
    Wo_pad = jnp.pad(W_out, ((0, 0), (0, 64 - NCLS)))
    bo_pad = jnp.pad(b_out, (0, 64 - NCLS)).reshape(1, 64)
    b1_2d = b1.reshape(1, HID)
    b2_2d = b2.reshape(1, HID)

    deg2 = _degree(dstidx)
    degT = deg2.T

    u1 = _mm1(x_pad, W1, degT)
    s1 = _prop_hidden(u1, srcidx, dstidx2, 2)
    u2, h1 = _mm2(s1, u1, degT, b1_2d, W2)
    s2 = _prop_hidden(u2, srcidx, dstidx2, 2)
    u3p = _mm3(x_pad, h1, s2, u2, degT, b2_2d, Wo_pad)
    s3 = _prop_out(u3p, srcidx, dstidx2)
    out = _mm4(s3, u3p, degT, bo_pad)
    return out[:N, :NCLS]

# --- scband reference (transcript-rebuilt; emitter-appended) ---
"""Pipeline reference for scband-gnn-nodes-38594576122038 (READ-ONLY COPY).

The authoritative reference and input builder live on the scoring server;
editing this copy changes nothing except your own understanding.
"""

import jax, jax.numpy as jnp
import numpy as np

N_NODES = 10000
N_EDGES = 160000
D_FEAT = 256
HIDDEN = 256
N_CLASSES = 40


def glorot(key, shape):
    fan_in, fan_out = shape[0], shape[1]
    limit = jnp.sqrt(6.0 / (fan_in + fan_out))
    return jax.random.uniform(key, shape, minval=-limit, maxval=limit, dtype=jnp.float32)


def setup_inputs(seed: int = 0) -> dict:
    key = jax.random.key(seed)
    ks = jax.random.split(key, 10)
    x = jax.random.normal(ks[0], (N_NODES, D_FEAT), dtype=jnp.float32)
    edge_index = jax.random.randint(ks[1], (2, N_EDGES), 0, N_NODES, dtype=jnp.int64)
    W1 = glorot(ks[2], (D_FEAT, HIDDEN))
    b1 = jnp.zeros((HIDDEN,), dtype=jnp.float32)
    W2 = glorot(ks[3], (HIDDEN, HIDDEN))
    b2 = jnp.zeros((HIDDEN,), dtype=jnp.float32)
    d_cat = D_FEAT + 2 * HIDDEN
    W_out = glorot(ks[4], (d_cat, N_CLASSES))
    b_out = jnp.zeros((N_CLASSES,), dtype=jnp.float32)
    return {"x": x, "edge_index": edge_index, "W1": W1, "b1": b1, "W2": W2, "b2": b2, "W_out": W_out, "b_out": b_out}


def gcn_conv(x, src, dst, norm, W, b):
    # GCNConv: D^{-1/2} (A + I) D^{-1/2} X W + b
    h = x @ W
    msg = h[src] * norm[:, None]
    out = jax.ops.segment_sum(msg, dst, num_segments=x.shape[0])
    return out + b


def build_norm(edge_index, n_nodes):
    loop = jnp.arange(n_nodes, dtype=edge_index.dtype)
    src = jnp.concatenate([edge_index[0], loop])
    dst = jnp.concatenate([edge_index[1], loop])
    deg = jnp.zeros((n_nodes,), dtype=jnp.float32).at[dst].add(1.0)
    dinv = jnp.where(deg > 0, jax.lax.rsqrt(deg), 0.0)
    norm = dinv[src] * dinv[dst]
    return src, dst, norm


def reference(x, edge_index, W1, b1, W2, b2, W_out, b_out):
    src, dst, norm = build_norm(edge_index, x.shape[0])
    l = [x]
    h = jax.nn.relu(gcn_conv(x, src, dst, norm, W1, b1))
    l.append(h)
    h = jax.nn.relu(gcn_conv(h, src, dst, norm, W2, b2))
    l.append(h)
    x_cat = jnp.concatenate(l, axis=1)
    out = jax.nn.relu(gcn_conv(x_cat, src, dst, norm, W_out, b_out))
    return out

if __name__ == "__main__":
    import jax
    _d = setup_inputs()
    print(jax.jit(kernel)(*tuple(_d.values())))

</pallas_src>

<mosaic_0001>
#map = affine_map<(d0, d1) -> (0, 0, 0)>
#map1 = affine_map<(d0, d1) -> (0, 0)>
module attributes {stable_mosaic.version = 14 : i64} {
  func.func @deg_kernel(%arg0: i32, %arg1: i32, %arg2: memref<16x80x128xi32, #tpu.memory_space<hbm>>, %arg3: memref<2x10240xf32, #tpu.memory_space<hbm>>, %arg4: memref<40x128xi32, #tpu.memory_space<vmem>>, %arg5: memref<128xf32, #tpu.memory_space<vmem>>, %arg6: memref<640xf32, #tpu.memory_space<vmem>>, %arg7: memref<10368xf32, #tpu.memory_space<vmem_shared>>, %arg8: memref<!tpu.dma_semaphore, #tpu.memory_space<semaphore_mem>>, %arg9: memref<!tpu.dma_semaphore, #tpu.memory_space<semaphore_mem>>) attributes {dimension_semantics = [#tpu.dimension_semantics<core_parallel>, #tpu.dimension_semantics<subcore_parallel>], iteration_bounds = array<i64: 2, 16>, scalar_prefetch = 0 : i64, scratch_operands = 6 : i64, tpu.core_type = #tpu.core_type<sc_vector_subcore>, window_params = [{transform_indices = #map}, {transform_indices = #map1}]} {
    %mul3A = arith.constant 40 : i32
    %mul3A_0 = arith.muli %arg0, %mul3A : i32
    "tpu.region"() ({
      %run_scoped3A = tpu.sem_alloc : memref<!tpu.dma_semaphore, #tpu.memory_space<semaphore_mem>>
      %dma_start3A_40 = arith.constant 0 : i32
      %dma_start3A_41 = tpu.memref_slice %arg2[%arg1, %mul3A_0, %dma_start3A_40] : memref<16x80x128xi32, #tpu.memory_space<hbm>> -> memref<1x40x128xi32, #tpu.memory_space<hbm>>
      %dma_start3A_42 = tpu.memref_squeeze %dma_start3A_41 : memref<1x40x128xi32, #tpu.memory_space<hbm>> -> memref<40x128xi32, #tpu.memory_space<hbm>>
      %dma_start3A_43 = arith.constant 0 : i32
      %dma_start3A_44 = tpu.memref_slice %arg2[%arg1, %mul3A_0, %dma_start3A_43] : memref<16x80x128xi32, #tpu.memory_space<hbm>> -> memref<1x40x128xi32, #tpu.memory_space<hbm>>
      %dma_start3A_45 = tpu.memref_squeeze %dma_start3A_44 : memref<1x40x128xi32, #tpu.memory_space<hbm>> -> memref<40x128xi32, #tpu.memory_space<hbm>>
      tpu.enqueue_dma source(%dma_start3A_45 : memref<40x128xi32, #tpu.memory_space<hbm>>) target(%arg4 : memref<40x128xi32, #tpu.memory_space<vmem>>) target_semaphore(%run_scoped3A : memref<!tpu.dma_semaphore, #tpu.memory_space<semaphore_mem>>)
      %dma_wait3A_46 = arith.constant 0 : i32
      %dma_wait3A_47 = tpu.memref_slice %arg2[%arg1, %mul3A_0, %dma_wait3A_46] : memref<16x80x128xi32, #tpu.memory_space<hbm>> -> memref<1x40x128xi32, #tpu.memory_space<hbm>>
      %dma_wait3A_48 = tpu.memref_squeeze %dma_wait3A_47 : memref<1x40x128xi32, #tpu.memory_space<hbm>> -> memref<40x128xi32, #tpu.memory_space<hbm>>
      %dma_wait3A_49 = arith.constant 0 : i32
      %dma_wait3A_50 = tpu.memref_slice %arg2[%arg1, %mul3A_0, %dma_wait3A_49] : memref<16x80x128xi32, #tpu.memory_space<hbm>> -> memref<1x40x128xi32, #tpu.memory_space<hbm>>
      %dma_wait3A_51 = tpu.memref_squeeze %dma_wait3A_50 : memref<1x40x128xi32, #tpu.memory_space<hbm>> -> memref<40x128xi32, #tpu.memory_space<hbm>>
      tpu.wait_dma2 semaphore(%run_scoped3A : memref<!tpu.dma_semaphore, #tpu.memory_space<semaphore_mem>>) src(%dma_wait3A_51 : memref<40x128xi32, #tpu.memory_space<hbm>>) dst(%arg4 : memref<40x128xi32, #tpu.memory_space<vmem>>)
      tpu.yield
    }) : () -> ()
    %scan3A = arith.constant 0 : i32
    %scan3A_1 = arith.constant 8 : i32
    %scan3A_2 = arith.addi %scan3A, %scan3A_1 : i32
    %scan3A_3 = arith.constant 1 : i32
    scf.for %scan3A_40 = %scan3A to %scan3A_2 step %scan3A_3  : i32 {
      %mul3A_41 = arith.constant 1 : i32
      %mul3A_42 = arith.muli %scan3A_40, %mul3A_41 : i32
      %add3A = arith.constant 0 : i32
      %add3A_43 = arith.addi %add3A, %mul3A_42 : i32
      %broadcast_in_dim3A = arith.constant 1.000000e+00 : f32
      %broadcast_in_dim3A_44 = vector.broadcast %broadcast_in_dim3A : f32 to vector<16xf32>
      %mul3A_45 = arith.constant 16 : i32
      %mul3A_46 = arith.muli %add3A_43, %mul3A_45 : i32
      %swap3A = arith.index_cast %mul3A_46 : i32 to index
      %swap3A_47 = tpu.vector_load %arg5[%swap3A] {strides = array<i32>} : memref<128xf32, #tpu.memory_space<vmem>>, vector<16xf32>,
      %swap3A_48 = vector.shape_cast %swap3A_47 : vector<16xf32> to vector<16xf32>
      %swap3A_49 = vector.shape_cast %broadcast_in_dim3A_44 : vector<16xf32> to vector<16xf32>
      tpu.vector_store %arg5[%swap3A], %swap3A_49 {strides = array<i32>} : memref<128xf32, #tpu.memory_space<vmem>>, vector<16xf32>,
    }
    %scan3A_4 = arith.constant 8 : i32
    %scan3A_5 = arith.constant 0 : i32
    %scan3A_6 = arith.constant 40 : i32
    %scan3A_7 = arith.addi %scan3A_5, %scan3A_6 : i32
    %scan3A_8 = arith.constant 1 : i32
    scf.for %scan3A_40 = %scan3A_5 to %scan3A_7 step %scan3A_8  : i32 {
      %mul3A_41 = arith.constant 1 : i32
      %mul3A_42 = arith.muli %scan3A_40, %mul3A_41 : i32
      %add3A = arith.constant 0 : i32
      %add3A_43 = arith.addi %add3A, %mul3A_42 : i32
      %broadcast_in_dim3A = arith.constant 0.000000e+00 : f32
      %broadcast_in_dim3A_44 = vector.broadcast %broadcast_in_dim3A : f32 to vector<16xf32>
      %mul3A_45 = arith.constant 16 : i32
      %mul3A_46 = arith.muli %add3A_43, %mul3A_45 : i32
      %swap3A = arith.index_cast %mul3A_46 : i32 to index
      %swap3A_47 = tpu.vector_load %arg6[%swap3A] {strides = array<i32>} : memref<640xf32, #tpu.memory_space<vmem>>, vector<16xf32>,
      %swap3A_48 = vector.shape_cast %swap3A_47 : vector<16xf32> to vector<16xf32>
      %swap3A_49 = vector.shape_cast %broadcast_in_dim3A_44 : vector<16xf32> to vector<16xf32>
      tpu.vector_store %arg6[%swap3A], %swap3A_49 {strides = array<i32>} : memref<640xf32, #tpu.memory_space<vmem>>, vector<16xf32>,
    }
    %scan3A_9 = arith.constant 40 : i32
    %mul3A_10 = arith.constant 640 : i32
    %mul3A_11 = arith.muli %arg1, %mul3A_10 : i32
    "tpu.region"() ({
      %run_scoped3A = tpu.sem_alloc : memref<!tpu.dma_semaphore, #tpu.memory_space<semaphore_mem>>
      %dma_start3A_40 = tpu.memref_slice %arg7[%mul3A_11] : memref<10368xf32, #tpu.memory_space<vmem_shared>> -> memref<640xf32, #tpu.memory_space<vmem_shared>>
      %dma_start3A_41 = tpu.memref_slice %arg7[%mul3A_11] : memref<10368xf32, #tpu.memory_space<vmem_shared>> -> memref<640xf32, #tpu.memory_space<vmem_shared>>
      tpu.enqueue_dma source(%arg6 : memref<640xf32, #tpu.memory_space<vmem>>) target(%dma_start3A_41 : memref<640xf32, #tpu.memory_space<vmem_shared>>) target_semaphore(%run_scoped3A : memref<!tpu.dma_semaphore, #tpu.memory_space<semaphore_mem>>)
      %dma_wait3A_42 = tpu.memref_slice %arg7[%mul3A_11] : memref<10368xf32, #tpu.memory_space<vmem_shared>> -> memref<640xf32, #tpu.memory_space<vmem_shared>>
      %dma_wait3A_43 = tpu.memref_slice %arg7[%mul3A_11] : memref<10368xf32, #tpu.memory_space<vmem_shared>> -> memref<640xf32, #tpu.memory_space<vmem_shared>>
      tpu.wait_dma2 semaphore(%run_scoped3A : memref<!tpu.dma_semaphore, #tpu.memory_space<semaphore_mem>>) src(%arg6 : memref<640xf32, #tpu.memory_space<vmem>>) dst(%dma_wait3A_43 : memref<640xf32, #tpu.memory_space<vmem_shared>>)
      tpu.yield
    }) : () -> ()
    %barrier3A = arith.constant 0 : index
    tpu.barrier barrier_id(%barrier3A)
    %dma_start3A = arith.constant 0 : i32
    %dma_start3A_12 = arith.constant 0 : i32
    %dma_start3A_13 = tpu.memref_slice %arg4[%dma_start3A, %dma_start3A_12] : memref<40x128xi32, #tpu.memory_space<vmem>> -> memref<1x128xi32, #tpu.memory_space<vmem>>
    %dma_start3A_14 = tpu.memref_squeeze %dma_start3A_13 : memref<1x128xi32, #tpu.memory_space<vmem>> -> memref<128xi32, #tpu.memory_space<vmem>>
    %dma_start3A_15 = arith.constant 0 : i32
    %dma_start3A_16 = tpu.memref_slice %arg7[%dma_start3A_15] : memref<10368xf32, #tpu.memory_space<vmem_shared>> -> memref<10368xf32, #tpu.memory_space<vmem_shared>>
    tpu.enqueue_indirect_dma source(%arg5 : memref<128xf32, #tpu.memory_space<vmem>>) target(%dma_start3A_16 : memref<10368xf32, #tpu.memory_space<vmem_shared>>) offsets(%dma_start3A_14 : memref<128xi32, #tpu.memory_space<vmem>>) semaphore(%arg8 : memref<!tpu.dma_semaphore, #tpu.memory_space<semaphore_mem>>) {add = true}
    %dma_start3A_17 = arith.constant 1 : i32
    %dma_start3A_18 = arith.constant 0 : i32
    %dma_start3A_19 = tpu.memref_slice %arg4[%dma_start3A_17, %dma_start3A_18] : memref<40x128xi32, #tpu.memory_space<vmem>> -> memref<1x128xi32, #tpu.memory_space<vmem>>
    %dma_start3A_20 = tpu.memref_squeeze %dma_start3A_19 : memref<1x128xi32, #tpu.memory_space<vmem>> -> memref<128xi32, #tpu.memory_space<vmem>>
    %dma_start3A_21 = arith.constant 0 : i32
    %dma_start3A_22 = tpu.memref_slice %arg7[%dma_start3A_21] : memref<10368xf32, #tpu.memory_space<vmem_shared>> -> memref<10368xf32, #tpu.memory_space<vmem_shared>>
    tpu.enqueue_indirect_dma source(%arg5 : memref<128xf32, #tpu.memory_space<vmem>>) target(%dma_start3A_22 : memref<10368xf32, #tpu.memory_space<vmem_shared>>) offsets(%dma_start3A_20 : memref<128xi32, #tpu.memory_space<vmem>>) semaphore(%arg9 : memref<!tpu.dma_semaphore, #tpu.memory_space<semaphore_mem>>) {add = true}
    %scan3A_23 = arith.constant 0 : i32
    %scan3A_24 = arith.constant 19 : i32
    %scan3A_25 = arith.addi %scan3A_23, %scan3A_24 : i32
    %scan3A_26 = arith.constant 1 : i32
    scf.for %scan3A_40 = %scan3A_23 to %scan3A_25 step %scan3A_26  : i32 {
      %mul3A_41 = arith.constant 1 : i32
      %mul3A_42 = arith.muli %scan3A_40, %mul3A_41 : i32
      %add3A = arith.constant 0 : i32
      %add3A_43 = arith.addi %add3A, %mul3A_42 : i32
      %dma_wait3A_44 = arith.constant 0 : i32
      %dma_wait3A_45 = tpu.memref_slice %arg7[%dma_wait3A_44] : memref<10368xf32, #tpu.memory_space<vmem_shared>> -> memref<128xf32, #tpu.memory_space<vmem_shared>>
      %dma_wait3A_46 = arith.constant 0 : i32
      %dma_wait3A_47 = tpu.memref_slice %arg7[%dma_wait3A_46] : memref<10368xf32, #tpu.memory_space<vmem_shared>> -> memref<128xf32, #tpu.memory_space<vmem_shared>>
      tpu.wait_dma2 semaphore(%arg8 : memref<!tpu.dma_semaphore, #tpu.memory_space<semaphore_mem>>) src(%arg5 : memref<128xf32, #tpu.memory_space<vmem>>) dst(%dma_wait3A_47 : memref<128xf32, #tpu.memory_space<vmem_shared>>)
      %mul3A_48 = arith.constant 2 : i32
      %mul3A_49 = arith.muli %mul3A_48, %add3A_43 : i32
      %add3A_50 = arith.constant 2 : i32
      %add3A_51 = arith.addi %mul3A_49, %add3A_50 : i32
      %dma_start3A_52 = arith.constant 0 : i32
      %dma_start3A_53 = tpu.memref_slice %arg4[%add3A_51, %dma_start3A_52] : memref<40x128xi32, #tpu.memory_space<vmem>> -> memref<1x128xi32, #tpu.memory_space<vmem>>
      %dma_start3A_54 = tpu.memref_squeeze %dma_start3A_53 : memref<1x128xi32, #tpu.memory_space<vmem>> -> memref<128xi32, #tpu.memory_space<vmem>>
      %dma_start3A_55 = arith.constant 0 : i32
      %dma_start3A_56 = tpu.memref_slice %arg7[%dma_start3A_55] : memref<10368xf32, #tpu.memory_space<vmem_shared>> -> memref<10368xf32, #tpu.memory_space<vmem_shared>>
      tpu.enqueue_indirect_dma source(%arg5 : memref<128xf32, #tpu.memory_space<vmem>>) target(%dma_start3A_56 : memref<10368xf32, #tpu.memory_space<vmem_shared>>) offsets(%dma_start3A_54 : memref<128xi32, #tpu.memory_space<vmem>>) semaphore(%arg8 : memref<!tpu.dma_semaphore, #tpu.memory_space<semaphore_mem>>) {add = true}
      %dma_wait3A_57 = arith.constant 0 : i32
      %dma_wait3A_58 = tpu.memref_slice %arg7[%dma_wait3A_57] : memref<10368xf32, #tpu.memory_space<vmem_shared>> -> memref<128xf32, #tpu.memory_space<vmem_shared>>
      %dma_wait3A_59 = arith.constant 0 : i32
      %dma_wait3A_60 = tpu.memref_slice %arg7[%dma_wait3A_59] : memref<10368xf32, #tpu.memory_space<vmem_shared>> -> memref<128xf32, #tpu.memory_space<vmem_shared>>
      tpu.wait_dma2 semaphore(%arg9 : memref<!tpu.dma_semaphore, #tpu.memory_space<semaphore_mem>>) src(%arg5 : memref<128xf32, #tpu.memory_space<vmem>>) dst(%dma_wait3A_60 : memref<128xf32, #tpu.memory_space<vmem_shared>>)
      %mul3A_61 = arith.constant 2 : i32
      %mul3A_62 = arith.muli %mul3A_61, %add3A_43 : i32
      %add3A_63 = arith.constant 3 : i32
      %add3A_64 = arith.addi %mul3A_62, %add3A_63 : i32
      %dma_start3A_65 = arith.constant 0 : i32
      %dma_start3A_66 = tpu.memref_slice %arg4[%add3A_64, %dma_start3A_65] : memref<40x128xi32, #tpu.memory_space<vmem>> -> memref<1x128xi32, #tpu.memory_space<vmem>>
      %dma_start3A_67 = tpu.memref_squeeze %dma_start3A_66 : memref<1x128xi32, #tpu.memory_space<vmem>> -> memref<128xi32, #tpu.memory_space<vmem>>
      %dma_start3A_68 = arith.constant 0 : i32
      %dma_start3A_69 = tpu.memref_slice %arg7[%dma_start3A_68] : memref<10368xf32, #tpu.memory_space<vmem_shared>> -> memref<10368xf32, #tpu.memory_space<vmem_shared>>
      tpu.enqueue_indirect_dma source(%arg5 : memref<128xf32, #tpu.memory_space<vmem>>) target(%dma_start3A_69 : memref<10368xf32, #tpu.memory_space<vmem_shared>>) offsets(%dma_start3A_67 : memref<128xi32, #tpu.memory_space<vmem>>) semaphore(%arg9 : memref<!tpu.dma_semaphore, #tpu.memory_space<semaphore_mem>>) {add = true}
    }
    %scan3A_27 = arith.constant 19 : i32
    %dma_wait3A = arith.constant 0 : i32
    %dma_wait3A_28 = tpu.memref_slice %arg7[%dma_wait3A] : memref<10368xf32, #tpu.memory_space<vmem_shared>> -> memref<128xf32, #tpu.memory_space<vmem_shared>>
    %dma_wait3A_29 = arith.constant 0 : i32
    %dma_wait3A_30 = tpu.memref_slice %arg7[%dma_wait3A_29] : memref<10368xf32, #tpu.memory_space<vmem_shared>> -> memref<128xf32, #tpu.memory_space<vmem_shared>>
    tpu.wait_dma2 semaphore(%arg8 : memref<!tpu.dma_semaphore, #tpu.memory_space<semaphore_mem>>) src(%arg5 : memref<128xf32, #tpu.memory_space<vmem>>) dst(%dma_wait3A_30 : memref<128xf32, #tpu.memory_space<vmem_shared>>)
    %dma_wait3A_31 = arith.constant 0 : i32
    %dma_wait3A_32 = tpu.memref_slice %arg7[%dma_wait3A_31] : memref<10368xf32, #tpu.memory_space<vmem_shared>> -> memref<128xf32, #tpu.memory_space<vmem_shared>>
    %dma_wait3A_33 = arith.constant 0 : i32
    %dma_wait3A_34 = tpu.memref_slice %arg7[%dma_wait3A_33] : memref<10368xf32, #tpu.memory_space<vmem_shared>> -> memref<128xf32, #tpu.memory_space<vmem_shared>>
    tpu.wait_dma2 semaphore(%arg9 : memref<!tpu.dma_semaphore, #tpu.memory_space<semaphore_mem>>) src(%arg5 : memref<128xf32, #tpu.memory_space<vmem>>) dst(%dma_wait3A_34 : memref<128xf32, #tpu.memory_space<vmem_shared>>)
    %barrier3A_35 = arith.constant 0 : index
    tpu.barrier barrier_id(%barrier3A_35)
    %mul3A_36 = arith.constant 640 : i32
    %mul3A_37 = arith.muli %arg1, %mul3A_36 : i32
    %mul3A_38 = arith.constant 640 : i32
    %mul3A_39 = arith.muli %arg1, %mul3A_38 : i32
    "tpu.region"() ({
      %run_scoped3A = tpu.sem_alloc : memref<!tpu.dma_semaphore, #tpu.memory_space<semaphore_mem>>
      %dma_start3A_40 = tpu.memref_slice %arg3[%arg0, %mul3A_39] : memref<2x10240xf32, #tpu.memory_space<hbm>> -> memref<1x640xf32, #tpu.memory_space<hbm>>
      %dma_start3A_41 = tpu.memref_squeeze %dma_start3A_40 : memref<1x640xf32, #tpu.memory_space<hbm>> -> memref<640xf32, #tpu.memory_space<hbm>>
      %dma_start3A_42 = tpu.memref_slice %arg7[%mul3A_37] : memref<10368xf32, #tpu.memory_space<vmem_shared>> -> memref<640xf32, #tpu.memory_space<vmem_shared>>
      tpu.enqueue_dma source(%dma_start3A_42 : memref<640xf32, #tpu.memory_space<vmem_shared>>) target(%dma_start3A_41 : memref<640xf32, #tpu.memory_space<hbm>>) target_semaphore(%run_scoped3A : memref<!tpu.dma_semaphore, #tpu.memory_space<semaphore_mem>>)
      %dma_wait3A_43 = tpu.memref_slice %arg3[%arg0, %mul3A_39] : memref<2x10240xf32, #tpu.memory_space<hbm>> -> memref<1x640xf32, #tpu.memory_space<hbm>>
      %dma_wait3A_44 = tpu.memref_squeeze %dma_wait3A_43 : memref<1x640xf32, #tpu.memory_space<hbm>> -> memref<640xf32, #tpu.memory_space<hbm>>
      %dma_wait3A_45 = tpu.memref_slice %arg7[%mul3A_37] : memref<10368xf32, #tpu.memory_space<vmem_shared>> -> memref<640xf32, #tpu.memory_space<vmem_shared>>
      tpu.wait_dma2 semaphore(%run_scoped3A : memref<!tpu.dma_semaphore, #tpu.memory_space<semaphore_mem>>) src(%dma_wait3A_45 : memref<640xf32, #tpu.memory_space<vmem_shared>>) dst(%dma_wait3A_44 : memref<640xf32, #tpu.memory_space<hbm>>)
      tpu.yield
    }) : () -> ()
    return
  }
}

#map = affine_map<(d0, d1) -> (0, 0, 0)>
#map1 = affine_map<(d0, d1) -> (0, 0, 0, 0, 0)>
module attributes {stable_mosaic.version = 14 : i64} {
  func.func @prop_kernel(%arg0: i32, %arg1: i32, %arg2: memref<2x10240x128xf32, #tpu.memory_space<hbm>>, %arg3: memref<16x80x128xi32, #tpu.memory_space<hbm>>, %arg4: memref<1x2x16x80x128xi32, #tpu.memory_space<hbm>>, %arg5: memref<2x10240x128xf32, #tpu.memory_space<hbm>>, %arg6: memref<80x128xi32, #tpu.memory_space<vmem>>, %arg7: memref<80x128xi32, #tpu.memory_space<vmem>>, %arg8: memref<128x128xf32, #tpu.memory_space<vmem>>, %arg9: memref<128x128xf32, #tpu.memory_space<vmem>>, %arg10: memref<128x128xf32, #tpu.memory_space<vmem>>, %arg11: memref<128x128xf32, #tpu.memory_space<vmem>>, %arg12: memref<!tpu.dma_semaphore, #tpu.memory_space<semaphore_mem>>, %arg13: memref<!tpu.dma_semaphore, #tpu.memory_space<semaphore_mem>>, %arg14: memref<!tpu.dma_semaphore, #tpu.memory_space<semaphore_mem>>, %arg15: memref<!tpu.dma_semaphore, #tpu.memory_space<semaphore_mem>>, %arg16: memref<5184x128xf32, #tpu.memory_space<vmem_shared>>) attributes {dimension_semantics = [#tpu.dimension_semantics<core_parallel>, #tpu.dimension_semantics<subcore_parallel>], iteration_bounds = array<i64: 2, 16>, scalar_prefetch = 0 : i64, scratch_operands = 11 : i64, tpu.core_type = #tpu.core_type<sc_vector_subcore>, window_params = [{transform_indices = #map}, {transform_indices = #map}, {transform_indices = #map1}, {transform_indices = #map}]} {
    "tpu.region"() ({
      %run_scoped3A_383 = tpu.sem_alloc : memref<!tpu.dma_semaphore, #tpu.memory_space<semaphore_mem>>
      %dma_start3A_384 = arith.constant 0 : i32
      %dma_start3A_385 = arith.constant 0 : i32
      %dma_start3A_386 = tpu.memref_slice %arg3[%arg1, %dma_start3A_384, %dma_start3A_385] : memref<16x80x128xi32, #tpu.memory_space<hbm>> -> memref<1x80x128xi32, #tpu.memory_space<hbm>>
      %dma_start3A_387 = tpu.memref_squeeze %dma_start3A_386 : memref<1x80x128xi32, #tpu.memory_space<hbm>> -> memref<80x128xi32, #tpu.memory_space<hbm>>
      %dma_start3A_388 = arith.constant 0 : i32
      %dma_start3A_389 = arith.constant 0 : i32
      %dma_start3A_390 = tpu.memref_slice %arg3[%arg1, %dma_start3A_388, %dma_start3A_389] : memref<16x80x128xi32, #tpu.memory_space<hbm>> -> memref<1x80x128xi32, #tpu.memory_space<hbm>>
      %dma_start3A_391 = tpu.memref_squeeze %dma_start3A_390 : memref<1x80x128xi32, #tpu.memory_space<hbm>> -> memref<80x128xi32, #tpu.memory_space<hbm>>
      tpu.enqueue_dma source(%dma_start3A_391 : memref<80x128xi32, #tpu.memory_space<hbm>>) target(%arg6 : memref<80x128xi32, #tpu.memory_space<vmem>>) target_semaphore(%run_scoped3A_383 : memref<!tpu.dma_semaphore, #tpu.memory_space<semaphore_mem>>)
      %dma_wait3A_392 = arith.constant 0 : i32
      %dma_wait3A_393 = arith.constant 0 : i32
      %dma_wait3A_394 = tpu.memref_slice %arg3[%arg1, %dma_wait3A_392, %dma_wait3A_393] : memref<16x80x128xi32, #tpu.memory_space<hbm>> -> memref<1x80x128xi32, #tpu.memory_space<hbm>>
      %dma_wait3A_395 = tpu.memref_squeeze %dma_wait3A_394 : memref<1x80x128xi32, #tpu.memory_space<hbm>> -> memref<80x128xi32, #tpu.memory_space<hbm>>
      %dma_wait3A_396 = arith.constant 0 : i32
      %dma_wait3A_397 = arith.constant 0 : i32
      %dma_wait3A_398 = tpu.memref_slice %arg3[%arg1, %dma_wait3A_396, %dma_wait3A_397] : memref<16x80x128xi32, #tpu.memory_space<hbm>> -> memref<1x80x128xi32, #tpu.memory_space<hbm>>
      %dma_wait3A_399 = tpu.memref_squeeze %dma_wait3A_398 : memref<1x80x128xi32, #tpu.memory_space<hbm>> -> memref<80x128xi32, #tpu.memory_space<hbm>>
      tpu.wait_dma2 semaphore(%run_scoped3A_383 : memref<!tpu.dma_semaphore, #tpu.memory_space<semaphore_mem>>) src(%dma_wait3A_399 : memref<80x128xi32, #tpu.memory_space<hbm>>) dst(%arg6 : memref<80x128xi32, #tpu.memory_space<vmem>>)
      tpu.yield
    }) : () -> ()
    %run_scoped3A = arith.constant 0 : i32
    "tpu.region"() ({
      %run_scoped3A_383 = tpu.sem_alloc : memref<!tpu.dma_semaphore, #tpu.memory_space<semaphore_mem>>
      %dma_start3A_384 = arith.constant 0 : i32
      %dma_start3A_385 = arith.constant 0 : i32
      %dma_start3A_386 = tpu.memref_slice %arg4[%run_scoped3A, %arg0, %arg1, %dma_start3A_384, %dma_start3A_385] : memref<1x2x16x80x128xi32, #tpu.memory_space<hbm>> -> memref<1x1x1x80x128xi32, #tpu.memory_space<hbm>>
      %dma_start3A_387 = tpu.memref_squeeze %dma_start3A_386 : memref<1x1x1x80x128xi32, #tpu.memory_space<hbm>> -> memref<80x128xi32, #tpu.memory_space<hbm>>
      %dma_start3A_388 = arith.constant 0 : i32
      %dma_start3A_389 = arith.constant 0 : i32
      %dma_start3A_390 = tpu.memref_slice %arg4[%run_scoped3A, %arg0, %arg1, %dma_start3A_388, %dma_start3A_389] : memref<1x2x16x80x128xi32, #tpu.memory_space<hbm>> -> memref<1x1x1x80x128xi32, #tpu.memory_space<hbm>>
      %dma_start3A_391 = tpu.memref_squeeze %dma_start3A_390 : memref<1x1x1x80x128xi32, #tpu.memory_space<hbm>> -> memref<80x128xi32, #tpu.memory_space<hbm>>
      tpu.enqueue_dma source(%dma_start3A_391 : memref<80x128xi32, #tpu.memory_space<hbm>>) target(%arg7 : memref<80x128xi32, #tpu.memory_space<vmem>>) target_semaphore(%run_scoped3A_383 : memref<!tpu.dma_semaphore, #tpu.memory_space<semaphore_mem>>)
      %dma_wait3A_392 = arith.constant 0 : i32
      %dma_wait3A_393 = arith.constant 0 : i32
      %dma_wait3A_394 = tpu.memref_slice %arg4[%run_scoped3A, %arg0, %arg1, %dma_wait3A_392, %dma_wait3A_393] : memref<1x2x16x80x128xi32, #tpu.memory_space<hbm>> -> memref<1x1x1x80x128xi32, #tpu.memory_space<hbm>>
      %dma_wait3A_395 = tpu.memref_squeeze %dma_wait3A_394 : memref<1x1x1x80x128xi32, #tpu.memory_space<hbm>> -> memref<80x128xi32, #tpu.memory_space<hbm>>
      %dma_wait3A_396 = arith.constant 0 : i32
      %dma_wait3A_397 = arith.constant 0 : i32
      %dma_wait3A_398 = tpu.memref_slice %arg4[%run_scoped3A, %arg0, %arg1, %dma_wait3A_396, %dma_wait3A_397] : memref<1x2x16x80x128xi32, #tpu.memory_space<hbm>> -> memref<1x1x1x80x128xi32, #tpu.memory_space<hbm>>
      %dma_wait3A_399 = tpu.memref_squeeze %dma_wait3A_398 : memref<1x1x1x80x128xi32, #tpu.memory_space<hbm>> -> memref<80x128xi32, #tpu.memory_space<hbm>>
      tpu.wait_dma2 semaphore(%run_scoped3A_383 : memref<!tpu.dma_semaphore, #tpu.memory_space<semaphore_mem>>) src(%dma_wait3A_399 : memref<80x128xi32, #tpu.memory_space<hbm>>) dst(%arg7 : memref<80x128xi32, #tpu.memory_space<vmem>>)
      tpu.yield
    }) : () -> ()
    %scan3A = arith.constant 0 : i32
    %scan3A_0 = arith.constant 128 : i32
    %scan3A_1 = arith.addi %scan3A, %scan3A_0 : i32
    %scan3A_2 = arith.constant 1 : i32
    scf.for %scan3A_383 = %scan3A to %scan3A_1 step %scan3A_2  : i32 {
      %mul3A_384 = arith.constant 1 : i32
      %mul3A_385 = arith.muli %scan3A_383, %mul3A_384 : i32
      %add3A_386 = arith.constant 0 : i32
      %add3A_387 = arith.addi %add3A_386, %mul3A_385 : i32
      %broadcast_in_dim3A = arith.constant 0.000000e+00 : f32
      %broadcast_in_dim3A_388 = vector.broadcast %broadcast_in_dim3A : f32 to vector<16xf32>
      %swap3A = arith.index_cast %add3A_387 : i32 to index
      %swap3A_389 = arith.constant 0 : index
      %swap3A_390 = tpu.vector_load %arg8[%swap3A, %swap3A_389] {strides = array<i32>} : memref<128x128xf32, #tpu.memory_space<vmem>>, vector<1x16xf32>,
      %swap3A_391 = vector.shape_cast %swap3A_390 : vector<1x16xf32> to vector<16xf32>
      %swap3A_392 = vector.shape_cast %broadcast_in_dim3A_388 : vector<16xf32> to vector<1x16xf32>
      tpu.vector_store %arg8[%swap3A, %swap3A_389], %swap3A_392 {strides = array<i32>} : memref<128x128xf32, #tpu.memory_space<vmem>>, vector<1x16xf32>,
      %broadcast_in_dim3A_393 = arith.constant 0.000000e+00 : f32
      %broadcast_in_dim3A_394 = vector.broadcast %broadcast_in_dim3A_393 : f32 to vector<16xf32>
      %swap3A_395 = arith.index_cast %add3A_387 : i32 to index
      %swap3A_396 = arith.constant 16 : index
      %swap3A_397 = tpu.vector_load %arg8[%swap3A_395, %swap3A_396] {strides = array<i32>} : memref<128x128xf32, #tpu.memory_space<vmem>>, vector<1x16xf32>,
      %swap3A_398 = vector.shape_cast %swap3A_397 : vector<1x16xf32> to vector<16xf32>
      %swap3A_399 = vector.shape_cast %broadcast_in_dim3A_394 : vector<16xf32> to vector<1x16xf32>
      tpu.vector_store %arg8[%swap3A_395, %swap3A_396], %swap3A_399 {strides = array<i32>} : memref<128x128xf32, #tpu.memory_space<vmem>>, vector<1x16xf32>,
      %broadcast_in_dim3A_400 = arith.constant 0.000000e+00 : f32
      %broadcast_in_dim3A_401 = vector.broadcast %broadcast_in_dim3A_400 : f32 to vector<16xf32>
      %swap3A_402 = arith.index_cast %add3A_387 : i32 to index
      %swap3A_403 = arith.constant 32 : index
      %swap3A_404 = tpu.vector_load %arg8[%swap3A_402, %swap3A_403] {strides = array<i32>} : memref<128x128xf32, #tpu.memory_space<vmem>>, vector<1x16xf32>,
      %swap3A_405 = vector.shape_cast %swap3A_404 : vector<1x16xf32> to vector<16xf32>
      %swap3A_406 = vector.shape_cast %broadcast_in_dim3A_401 : vector<16xf32> to vector<1x16xf32>
      tpu.vector_store %arg8[%swap3A_402, %swap3A_403], %swap3A_406 {strides = array<i32>} : memref<128x128xf32, #tpu.memory_space<vmem>>, vector<1x16xf32>,
      %broadcast_in_dim3A_407 = arith.constant 0.000000e+00 : f32
      %broadcast_in_dim3A_408 = vector.broadcast %broadcast_in_dim3A_407 : f32 to vector<16xf32>
      %swap3A_409 = arith.index_cast %add3A_387 : i32 to index
      %swap3A_410 = arith.constant 48 : index
      %swap3A_411 = tpu.vector_load %arg8[%swap3A_409, %swap3A_410] {strides = array<i32>} : memref<128x128xf32, #tpu.memory_space<vmem>>, vector<1x16xf32>,
      %swap3A_412 = vector.shape_cast %swap3A_411 : vector<1x16xf32> to vector<16xf32>
      %swap3A_413 = vector.shape_cast %broadcast_in_dim3A_408 : vector<16xf32> to vector<1x16xf32>
      tpu.vector_store %arg8[%swap3A_409, %swap3A_410], %swap3A_413 {strides = array<i32>} : memref<128x128xf32, #tpu.memory_space<vmem>>, vector<1x16xf32>,
      %broadcast_in_dim3A_414 = arith.constant 0.000000e+00 : f32
      %broadcast_in_dim3A_415 = vector.broadcast %broadcast_in_dim3A_414 : f32 to vector<16xf32>
      %swap3A_416 = arith.index_cast %add3A_387 : i32 to index
      %swap3A_417 = arith.constant 64 : index
      %swap3A_418 = tpu.vector_load %arg8[%swap3A_416, %swap3A_417] {strides = array<i32>} : memref<128x128xf32, #tpu.memory_space<vmem>>, vector<1x16xf32>,
      %swap3A_419 = vector.shape_cast %swap3A_418 : vector<1x16xf32> to vector<16xf32>
      %swap3A_420 = vector.shape_cast %broadcast_in_dim3A_415 : vector<16xf32> to vector<1x16xf32>
      tpu.vector_store %arg8[%swap3A_416, %swap3A_417], %swap3A_420 {strides = array<i32>} : memref<128x128xf32, #tpu.memory_space<vmem>>, vector<1x16xf32>,
      %broadcast_in_dim3A_421 = arith.constant 0.000000e+00 : f32
      %broadcast_in_dim3A_422 = vector.broadcast %broadcast_in_dim3A_421 : f32 to vector<16xf32>
      %swap3A_423 = arith.index_cast %add3A_387 : i32 to index
      %swap3A_424 = arith.constant 80 : index
      %swap3A_425 = tpu.vector_load %arg8[%swap3A_423, %swap3A_424] {strides = array<i32>} : memref<128x128xf32, #tpu.memory_space<vmem>>, vector<1x16xf32>,
      %swap3A_426 = vector.shape_cast %swap3A_425 : vector<1x16xf32> to vector<16xf32>
      %swap3A_427 = vector.shape_cast %broadcast_in_dim3A_422 : vector<16xf32> to vector<1x16xf32>
      tpu.vector_store %arg8[%swap3A_423, %swap3A_424], %swap3A_427 {strides = array<i32>} : memref<128x128xf32, #tpu.memory_space<vmem>>, vector<1x16xf32>,
      %broadcast_in_dim3A_428 = arith.constant 0.000000e+00 : f32
      %broadcast_in_dim3A_429 = vector.broadcast %broadcast_in_dim3A_428 : f32 to vector<16xf32>
      %swap3A_430 = arith.index_cast %add3A_387 : i32 to index
      %swap3A_431 = arith.constant 96 : index
      %swap3A_432 = tpu.vector_load %arg8[%swap3A_430, %swap3A_431] {strides = array<i32>} : memref<128x128xf32, #tpu.memory_space<vmem>>, vector<1x16xf32>,
      %swap3A_433 = vector.shape_cast %swap3A_432 : vector<1x16xf32> to vector<16xf32>
      %swap3A_434 = vector.shape_cast %broadcast_in_dim3A_429 : vector<16xf32> to vector<1x16xf32>
      tpu.vector_store %arg8[%swap3A_430, %swap3A_431], %swap3A_434 {strides = array<i32>} : memref<128x128xf32, #tpu.memory_space<vmem>>, vector<1x16xf32>,
      %broadcast_in_dim3A_435 = arith.constant 0.000000e+00 : f32
      %broadcast_in_dim3A_436 = vector.broadcast %broadcast_in_dim3A_435 : f32 to vector<16xf32>
      %swap3A_437 = arith.index_cast %add3A_387 : i32 to index
      %swap3A_438 = arith.constant 112 : index
      %swap3A_439 = tpu.vector_load %arg8[%swap3A_437, %swap3A_438] {strides = array<i32>} : memref<128x128xf32, #tpu.memory_space<vmem>>, vector<1x16xf32>,
      %swap3A_440 = vector.shape_cast %swap3A_439 : vector<1x16xf32> to vector<16xf32>
      %swap3A_441 = vector.shape_cast %broadcast_in_dim3A_436 : vector<16xf32> to vector<1x16xf32>
      tpu.vector_store %arg8[%swap3A_437, %swap3A_438], %swap3A_441 {strides = array<i32>} : memref<128x128xf32, #tpu.memory_space<vmem>>, vector<1x16xf32>,
    }
    %scan3A_3 = arith.constant 128 : i32
    %mul3A = arith.constant 320 : i32
    %mul3A_4 = arith.muli %arg1, %mul3A : i32
    %add3A = arith.constant 0 : i32
    %add3A_5 = arith.addi %mul3A_4, %add3A : i32
    "tpu.region"() ({
      %run_scoped3A_383 = tpu.sem_alloc : memref<!tpu.dma_semaphore, #tpu.memory_space<semaphore_mem>>
      %dma_start3A_384 = arith.constant 0 : i32
      %dma_start3A_385 = tpu.memref_slice %arg16[%add3A_5, %dma_start3A_384] : memref<5184x128xf32, #tpu.memory_space<vmem_shared>> -> memref<128x128xf32, #tpu.memory_space<vmem_shared>>
      %dma_start3A_386 = arith.constant 0 : i32
      %dma_start3A_387 = tpu.memref_slice %arg16[%add3A_5, %dma_start3A_386] : memref<5184x128xf32, #tpu.memory_space<vmem_shared>> -> memref<128x128xf32, #tpu.memory_space<vmem_shared>>
      tpu.enqueue_dma source(%arg8 : memref<128x128xf32, #tpu.memory_space<vmem>>) target(%dma_start3A_387 : memref<128x128xf32, #tpu.memory_space<vmem_shared>>) target_semaphore(%run_scoped3A_383 : memref<!tpu.dma_semaphore, #tpu.memory_space<semaphore_mem>>)
      %dma_wait3A_388 = arith.constant 0 : i32
      %dma_wait3A_389 = tpu.memref_slice %arg16[%add3A_5, %dma_wait3A_388] : memref<5184x128xf32, #tpu.memory_space<vmem_shared>> -> memref<128x128xf32, #tpu.memory_space<vmem_shared>>
      %dma_wait3A_390 = arith.constant 0 : i32
      %dma_wait3A_391 = tpu.memref_slice %arg16[%add3A_5, %dma_wait3A_390] : memref<5184x128xf32, #tpu.memory_space<vmem_shared>> -> memref<128x128xf32, #tpu.memory_space<vmem_shared>>
      tpu.wait_dma2 semaphore(%run_scoped3A_383 : memref<!tpu.dma_semaphore, #tpu.memory_space<semaphore_mem>>) src(%arg8 : memref<128x128xf32, #tpu.memory_space<vmem>>) dst(%dma_wait3A_391 : memref<128x128xf32, #tpu.memory_space<vmem_shared>>)
      tpu.yield
    }) : () -> ()
    %mul3A_6 = arith.constant 320 : i32
    %mul3A_7 = arith.muli %arg1, %mul3A_6 : i32
    %add3A_8 = arith.constant 128 : i32
    %add3A_9 = arith.addi %mul3A_7, %add3A_8 : i32
    "tpu.region"() ({
      %run_scoped3A_383 = tpu.sem_alloc : memref<!tpu.dma_semaphore, #tpu.memory_space<semaphore_mem>>
      %dma_start3A_384 = arith.constant 0 : i32
      %dma_start3A_385 = tpu.memref_slice %arg16[%add3A_9, %dma_start3A_384] : memref<5184x128xf32, #tpu.memory_space<vmem_shared>> -> memref<128x128xf32, #tpu.memory_space<vmem_shared>>
      %dma_start3A_386 = arith.constant 0 : i32
      %dma_start3A_387 = tpu.memref_slice %arg16[%add3A_9, %dma_start3A_386] : memref<5184x128xf32, #tpu.memory_space<vmem_shared>> -> memref<128x128xf32, #tpu.memory_space<vmem_shared>>
      tpu.enqueue_dma source(%arg8 : memref<128x128xf32, #tpu.memory_space<vmem>>) target(%dma_start3A_387 : memref<128x128xf32, #tpu.memory_space<vmem_shared>>) target_semaphore(%run_scoped3A_383 : memref<!tpu.dma_semaphore, #tpu.memory_space<semaphore_mem>>)
      %dma_wait3A_388 = arith.constant 0 : i32
      %dma_wait3A_389 = tpu.memref_slice %arg16[%add3A_9, %dma_wait3A_388] : memref<5184x128xf32, #tpu.memory_space<vmem_shared>> -> memref<128x128xf32, #tpu.memory_space<vmem_shared>>
      %dma_wait3A_390 = arith.constant 0 : i32
      %dma_wait3A_391 = tpu.memref_slice %arg16[%add3A_9, %dma_wait3A_390] : memref<5184x128xf32, #tpu.memory_space<vmem_shared>> -> memref<128x128xf32, #tpu.memory_space<vmem_shared>>
      tpu.wait_dma2 semaphore(%run_scoped3A_383 : memref<!tpu.dma_semaphore, #tpu.memory_space<semaphore_mem>>) src(%arg8 : memref<128x128xf32, #tpu.memory_space<vmem>>) dst(%dma_wait3A_391 : memref<128x128xf32, #tpu.memory_space<vmem_shared>>)
      tpu.yield
    }) : () -> ()
    %mul3A_10 = arith.constant 320 : i32
    %mul3A_11 = arith.muli %arg1, %mul3A_10 : i32
    %add3A_12 = arith.constant 256 : i32
    %add3A_13 = arith.addi %mul3A_11, %add3A_12 : i32
    "tpu.region"() ({
      %run_scoped3A_383 = tpu.sem_alloc : memref<!tpu.dma_semaphore, #tpu.memory_space<semaphore_mem>>
      %dma_start3A_384 = arith.constant 0 : i32
      %dma_start3A_385 = arith.constant 0 : i32
      %dma_start3A_386 = tpu.memref_slice %arg8[%dma_start3A_384, %dma_start3A_385] : memref<128x128xf32, #tpu.memory_space<vmem>> -> memref<64x128xf32, #tpu.memory_space<vmem>>
      %dma_start3A_387 = arith.constant 0 : i32
      %dma_start3A_388 = tpu.memref_slice %arg16[%add3A_13, %dma_start3A_387] : memref<5184x128xf32, #tpu.memory_space<vmem_shared>> -> memref<64x128xf32, #tpu.memory_space<vmem_shared>>
      %dma_start3A_389 = arith.constant 0 : i32
      %dma_start3A_390 = tpu.memref_slice %arg16[%add3A_13, %dma_start3A_389] : memref<5184x128xf32, #tpu.memory_space<vmem_shared>> -> memref<64x128xf32, #tpu.memory_space<vmem_shared>>
      %dma_start3A_391 = arith.constant 0 : i32
      %dma_start3A_392 = arith.constant 0 : i32
      %dma_start3A_393 = tpu.memref_slice %arg8[%dma_start3A_391, %dma_start3A_392] : memref<128x128xf32, #tpu.memory_space<vmem>> -> memref<64x128xf32, #tpu.memory_space<vmem>>
      tpu.enqueue_dma source(%dma_start3A_393 : memref<64x128xf32, #tpu.memory_space<vmem>>) target(%dma_start3A_390 : memref<64x128xf32, #tpu.memory_space<vmem_shared>>) target_semaphore(%run_scoped3A_383 : memref<!tpu.dma_semaphore, #tpu.memory_space<semaphore_mem>>)
      %dma_wait3A_394 = arith.constant 0 : i32
      %dma_wait3A_395 = arith.constant 0 : i32
      %dma_wait3A_396 = tpu.memref_slice %arg8[%dma_wait3A_394, %dma_wait3A_395] : memref<128x128xf32, #tpu.memory_space<vmem>> -> memref<64x128xf32, #tpu.memory_space<vmem>>
      %dma_wait3A_397 = arith.constant 0 : i32
      %dma_wait3A_398 = tpu.memref_slice %arg16[%add3A_13, %dma_wait3A_397] : memref<5184x128xf32, #tpu.memory_space<vmem_shared>> -> memref<64x128xf32, #tpu.memory_space<vmem_shared>>
      %dma_wait3A_399 = arith.constant 0 : i32
      %dma_wait3A_400 = tpu.memref_slice %arg16[%add3A_13, %dma_wait3A_399] : memref<5184x128xf32, #tpu.memory_space<vmem_shared>> -> memref<64x128xf32, #tpu.memory_space<vmem_shared>>
      %dma_wait3A_401 = arith.constant 0 : i32
      %dma_wait3A_402 = arith.constant 0 : i32
      %dma_wait3A_403 = tpu.memref_slice %arg8[%dma_wait3A_401, %dma_wait3A_402] : memref<128x128xf32, #tpu.memory_space<vmem>> -> memref<64x128xf32, #tpu.memory_space<vmem>>
      tpu.wait_dma2 semaphore(%run_scoped3A_383 : memref<!tpu.dma_semaphore, #tpu.memory_space<semaphore_mem>>) src(%dma_wait3A_403 : memref<64x128xf32, #tpu.memory_space<vmem>>) dst(%dma_wait3A_400 : memref<64x128xf32, #tpu.memory_space<vmem_shared>>)
      tpu.yield
    }) : () -> ()
    %barrier3A = arith.constant 0 : index
    tpu.barrier barrier_id(%barrier3A)
    %dma_start3A = arith.constant 0 : i32
    %dma_start3A_14 = arith.constant 0 : i32
    %dma_start3A_15 = arith.constant 0 : i32
    %dma_start3A_16 = tpu.memref_slice %arg6[%dma_start3A_14, %dma_start3A_15] : memref<80x128xi32, #tpu.memory_space<vmem>> -> memref<1x128xi32, #tpu.memory_space<vmem>>
    %dma_start3A_17 = tpu.memref_squeeze %dma_start3A_16 : memref<1x128xi32, #tpu.memory_space<vmem>> -> memref<128xi32, #tpu.memory_space<vmem>>
    %dma_start3A_18 = arith.constant 0 : i32
    %dma_start3A_19 = arith.constant 0 : i32
    %dma_start3A_20 = tpu.memref_slice %arg2[%dma_start3A, %dma_start3A_18, %dma_start3A_19] : memref<2x10240x128xf32, #tpu.memory_space<hbm>> -> memref<1x10240x128xf32, #tpu.memory_space<hbm>>
    %dma_start3A_21 = tpu.memref_squeeze %dma_start3A_20 : memref<1x10240x128xf32, #tpu.memory_space<hbm>> -> memref<10240x128xf32, #tpu.memory_space<hbm>>
    %dma_start3A_22 = arith.constant 0 : i32
    %dma_start3A_23 = arith.constant 0 : i32
    %dma_start3A_24 = tpu.memref_slice %dma_start3A_21[%dma_start3A_22, %dma_start3A_23] : memref<10240x128xf32, #tpu.memory_space<hbm>> -> memref<10240x128xf32, #tpu.memory_space<hbm>>
    tpu.enqueue_indirect_dma source(%dma_start3A_24 : memref<10240x128xf32, #tpu.memory_space<hbm>>) target(%arg8 : memref<128x128xf32, #tpu.memory_space<vmem>>) offsets(%dma_start3A_17 : memref<128xi32, #tpu.memory_space<vmem>>) semaphore(%arg12 : memref<!tpu.dma_semaphore, #tpu.memory_space<semaphore_mem>>)
    %dma_start3A_25 = arith.constant 0 : i32
    %dma_start3A_26 = arith.constant 1 : i32
    %dma_start3A_27 = arith.constant 0 : i32
    %dma_start3A_28 = tpu.memref_slice %arg6[%dma_start3A_26, %dma_start3A_27] : memref<80x128xi32, #tpu.memory_space<vmem>> -> memref<1x128xi32, #tpu.memory_space<vmem>>
    %dma_start3A_29 = tpu.memref_squeeze %dma_start3A_28 : memref<1x128xi32, #tpu.memory_space<vmem>> -> memref<128xi32, #tpu.memory_space<vmem>>
    %dma_start3A_30 = arith.constant 0 : i32
    %dma_start3A_31 = arith.constant 0 : i32
    %dma_start3A_32 = tpu.memref_slice %arg2[%dma_start3A_25, %dma_start3A_30, %dma_start3A_31] : memref<2x10240x128xf32, #tpu.memory_space<hbm>> -> memref<1x10240x128xf32, #tpu.memory_space<hbm>>
    %dma_start3A_33 = tpu.memref_squeeze %dma_start3A_32 : memref<1x10240x128xf32, #tpu.memory_space<hbm>> -> memref<10240x128xf32, #tpu.memory_space<hbm>>
    %dma_start3A_34 = arith.constant 0 : i32
    %dma_start3A_35 = arith.constant 0 : i32
    %dma_start3A_36 = tpu.memref_slice %dma_start3A_33[%dma_start3A_34, %dma_start3A_35] : memref<10240x128xf32, #tpu.memory_space<hbm>> -> memref<10240x128xf32, #tpu.memory_space<hbm>>
    tpu.enqueue_indirect_dma source(%dma_start3A_36 : memref<10240x128xf32, #tpu.memory_space<hbm>>) target(%arg9 : memref<128x128xf32, #tpu.memory_space<vmem>>) offsets(%dma_start3A_29 : memref<128xi32, #tpu.memory_space<vmem>>) semaphore(%arg12 : memref<!tpu.dma_semaphore, #tpu.memory_space<semaphore_mem>>)
    %dma_wait3A = arith.constant 0 : i32
    %dma_wait3A_37 = arith.constant 0 : i32
    %dma_wait3A_38 = arith.constant 0 : i32
    %dma_wait3A_39 = tpu.memref_slice %arg2[%dma_wait3A, %dma_wait3A_37, %dma_wait3A_38] : memref<2x10240x128xf32, #tpu.memory_space<hbm>> -> memref<1x10240x128xf32, #tpu.memory_space<hbm>>
    %dma_wait3A_40 = tpu.memref_squeeze %dma_wait3A_39 : memref<1x10240x128xf32, #tpu.memory_space<hbm>> -> memref<10240x128xf32, #tpu.memory_space<hbm>>
    %dma_wait3A_41 = arith.constant 0 : i32
    %dma_wait3A_42 = arith.constant 0 : i32
    %dma_wait3A_43 = tpu.memref_slice %dma_wait3A_40[%dma_wait3A_41, %dma_wait3A_42] : memref<10240x128xf32, #tpu.memory_space<hbm>> -> memref<128x128xf32, #tpu.memory_space<hbm>>
    %dma_wait3A_44 = arith.constant 0 : i32
    %dma_wait3A_45 = arith.constant 0 : i32
    %dma_wait3A_46 = tpu.memref_slice %arg2[%dma_wait3A, %dma_wait3A_44, %dma_wait3A_45] : memref<2x10240x128xf32, #tpu.memory_space<hbm>> -> memref<1x10240x128xf32, #tpu.memory_space<hbm>>
    %dma_wait3A_47 = tpu.memref_squeeze %dma_wait3A_46 : memref<1x10240x128xf32, #tpu.memory_space<hbm>> -> memref<10240x128xf32, #tpu.memory_space<hbm>>
    %dma_wait3A_48 = arith.constant 0 : i32
    %dma_wait3A_49 = arith.constant 0 : i32
    %dma_wait3A_50 = tpu.memref_slice %dma_wait3A_47[%dma_wait3A_48, %dma_wait3A_49] : memref<10240x128xf32, #tpu.memory_space<hbm>> -> memref<128x128xf32, #tpu.memory_space<hbm>>
    tpu.wait_dma2 semaphore(%arg12 : memref<!tpu.dma_semaphore, #tpu.memory_space<semaphore_mem>>) src(%dma_wait3A_50 : memref<128x128xf32, #tpu.memory_space<hbm>>) dst(%arg8 : memref<128x128xf32, #tpu.memory_space<vmem>>)
    %dma_wait3A_51 = arith.constant 0 : i32
    %dma_wait3A_52 = arith.constant 0 : i32
    %dma_wait3A_53 = arith.constant 0 : i32
    %dma_wait3A_54 = tpu.memref_slice %arg2[%dma_wait3A_51, %dma_wait3A_52, %dma_wait3A_53] : memref<2x10240x128xf32, #tpu.memory_space<hbm>> -> memref<1x10240x128xf32, #tpu.memory_space<hbm>>
    %dma_wait3A_55 = tpu.memref_squeeze %dma_wait3A_54 : memref<1x10240x128xf32, #tpu.memory_space<hbm>> -> memref<10240x128xf32, #tpu.memory_space<hbm>>
    %dma_wait3A_56 = arith.constant 0 : i32
    %dma_wait3A_57 = arith.constant 0 : i32
    %dma_wait3A_58 = tpu.memref_slice %dma_wait3A_55[%dma_wait3A_56, %dma_wait3A_57] : memref<10240x128xf32, #tpu.memory_space<hbm>> -> memref<128x128xf32, #tpu.memory_space<hbm>>
    %dma_wait3A_59 = arith.constant 0 : i32
    %dma_wait3A_60 = arith.constant 0 : i32
    %dma_wait3A_61 = tpu.memref_slice %arg2[%dma_wait3A_51, %dma_wait3A_59, %dma_wait3A_60] : memref<2x10240x128xf32, #tpu.memory_space<hbm>> -> memref<1x10240x128xf32, #tpu.memory_space<hbm>>
    %dma_wait3A_62 = tpu.memref_squeeze %dma_wait3A_61 : memref<1x10240x128xf32, #tpu.memory_space<hbm>> -> memref<10240x128xf32, #tpu.memory_space<hbm>>
    %dma_wait3A_63 = arith.constant 0 : i32
    %dma_wait3A_64 = arith.constant 0 : i32
    %dma_wait3A_65 = tpu.memref_slice %dma_wait3A_62[%dma_wait3A_63, %dma_wait3A_64] : memref<10240x128xf32, #tpu.memory_space<hbm>> -> memref<128x128xf32, #tpu.memory_space<hbm>>
    tpu.wait_dma2 semaphore(%arg12 : memref<!tpu.dma_semaphore, #tpu.memory_space<semaphore_mem>>) src(%dma_wait3A_65 : memref<128x128xf32, #tpu.memory_space<hbm>>) dst(%arg9 : memref<128x128xf32, #tpu.memory_space<vmem>>)
    %dma_start3A_66 = arith.constant 0 : i32
    %dma_start3A_67 = arith.constant 0 : i32
    %dma_start3A_68 = tpu.memref_slice %arg7[%dma_start3A_66, %dma_start3A_67] : memref<80x128xi32, #tpu.memory_space<vmem>> -> memref<1x128xi32, #tpu.memory_space<vmem>>
    %dma_start3A_69 = tpu.memref_squeeze %dma_start3A_68 : memref<1x128xi32, #tpu.memory_space<vmem>> -> memref<128xi32, #tpu.memory_space<vmem>>
    %dma_start3A_70 = arith.constant 0 : i32
    %dma_start3A_71 = arith.constant 0 : i32
    %dma_start3A_72 = tpu.memref_slice %arg16[%dma_start3A_70, %dma_start3A_71] : memref<5184x128xf32, #tpu.memory_space<vmem_shared>> -> memref<5184x128xf32, #tpu.memory_space<vmem_shared>>
    tpu.enqueue_indirect_dma source(%arg8 : memref<128x128xf32, #tpu.memory_space<vmem>>) target(%dma_start3A_72 : memref<5184x128xf32, #tpu.memory_space<vmem_shared>>) offsets(%dma_start3A_69 : memref<128xi32, #tpu.memory_space<vmem>>) semaphore(%arg14 : memref<!tpu.dma_semaphore, #tpu.memory_space<semaphore_mem>>) {add = true}
    %dma_start3A_73 = arith.constant 1 : i32
    %dma_start3A_74 = arith.constant 0 : i32
    %dma_start3A_75 = tpu.memref_slice %arg7[%dma_start3A_73, %dma_start3A_74] : memref<80x128xi32, #tpu.memory_space<vmem>> -> memref<1x128xi32, #tpu.memory_space<vmem>>
    %dma_start3A_76 = tpu.memref_squeeze %dma_start3A_75 : memref<1x128xi32, #tpu.memory_space<vmem>> -> memref<128xi32, #tpu.memory_space<vmem>>
    %dma_start3A_77 = arith.constant 0 : i32
    %dma_start3A_78 = arith.constant 0 : i32
    %dma_start3A_79 = tpu.memref_slice %arg16[%dma_start3A_77, %dma_start3A_78] : memref<5184x128xf32, #tpu.memory_space<vmem_shared>> -> memref<5184x128xf32, #tpu.memory_space<vmem_shared>>
    tpu.enqueue_indirect_dma source(%arg9 : memref<128x128xf32, #tpu.memory_space<vmem>>) target(%dma_start3A_79 : memref<5184x128xf32, #tpu.memory_space<vmem_shared>>) offsets(%dma_start3A_76 : memref<128xi32, #tpu.memory_space<vmem>>) semaphore(%arg14 : memref<!tpu.dma_semaphore, #tpu.memory_space<semaphore_mem>>) {add = true}
    %dma_start3A_80 = arith.constant 0 : i32
    %dma_start3A_81 = arith.constant 2 : i32
    %dma_start3A_82 = arith.constant 0 : i32
    %dma_start3A_83 = tpu.memref_slice %arg6[%dma_start3A_81, %dma_start3A_82] : memref<80x128xi32, #tpu.memory_space<vmem>> -> memref<1x128xi32, #tpu.memory_space<vmem>>
    %dma_start3A_84 = tpu.memref_squeeze %dma_start3A_83 : memref<1x128xi32, #tpu.memory_space<vmem>> -> memref<128xi32, #tpu.memory_space<vmem>>
    %dma_start3A_85 = arith.constant 0 : i32
    %dma_start3A_86 = arith.constant 0 : i32
    %dma_start3A_87 = tpu.memref_slice %arg2[%dma_start3A_80, %dma_start3A_85, %dma_start3A_86] : memref<2x10240x128xf32, #tpu.memory_space<hbm>> -> memref<1x10240x128xf32, #tpu.memory_space<hbm>>
    %dma_start3A_88 = tpu.memref_squeeze %dma_start3A_87 : memref<1x10240x128xf32, #tpu.memory_space<hbm>> -> memref<10240x128xf32, #tpu.memory_space<hbm>>
    %dma_start3A_89 = arith.constant 0 : i32
    %dma_start3A_90 = arith.constant 0 : i32
    %dma_start3A_91 = tpu.memref_slice %dma_start3A_88[%dma_start3A_89, %dma_start3A_90] : memref<10240x128xf32, #tpu.memory_space<hbm>> -> memref<10240x128xf32, #tpu.memory_space<hbm>>
    tpu.enqueue_indirect_dma source(%dma_start3A_91 : memref<10240x128xf32, #tpu.memory_space<hbm>>) target(%arg10 : memref<128x128xf32, #tpu.memory_space<vmem>>) offsets(%dma_start3A_84 : memref<128xi32, #tpu.memory_space<vmem>>) semaphore(%arg13 : memref<!tpu.dma_semaphore, #tpu.memory_space<semaphore_mem>>)
    %dma_start3A_92 = arith.constant 0 : i32
    %dma_start3A_93 = arith.constant 3 : i32
    %dma_start3A_94 = arith.constant 0 : i32
    %dma_start3A_95 = tpu.memref_slice %arg6[%dma_start3A_93, %dma_start3A_94] : memref<80x128xi32, #tpu.memory_space<vmem>> -> memref<1x128xi32, #tpu.memory_space<vmem>>
    %dma_start3A_96 = tpu.memref_squeeze %dma_start3A_95 : memref<1x128xi32, #tpu.memory_space<vmem>> -> memref<128xi32, #tpu.memory_space<vmem>>
    %dma_start3A_97 = arith.constant 0 : i32
    %dma_start3A_98 = arith.constant 0 : i32
    %dma_start3A_99 = tpu.memref_slice %arg2[%dma_start3A_92, %dma_start3A_97, %dma_start3A_98] : memref<2x10240x128xf32, #tpu.memory_space<hbm>> -> memref<1x10240x128xf32, #tpu.memory_space<hbm>>
    %dma_start3A_100 = tpu.memref_squeeze %dma_start3A_99 : memref<1x10240x128xf32, #tpu.memory_space<hbm>> -> memref<10240x128xf32, #tpu.memory_space<hbm>>
    %dma_start3A_101 = arith.constant 0 : i32
    %dma_start3A_102 = arith.constant 0 : i32
    %dma_start3A_103 = tpu.memref_slice %dma_start3A_100[%dma_start3A_101, %dma_start3A_102] : memref<10240x128xf32, #tpu.memory_space<hbm>> -> memref<10240x128xf32, #tpu.memory_space<hbm>>
    tpu.enqueue_indirect_dma source(%dma_start3A_103 : memref<10240x128xf32, #tpu.memory_space<hbm>>) target(%arg11 : memref<128x128xf32, #tpu.memory_space<vmem>>) offsets(%dma_start3A_96 : memref<128xi32, #tpu.memory_space<vmem>>) semaphore(%arg13 : memref<!tpu.dma_semaphore, #tpu.memory_space<semaphore_mem>>)
    %scan3A_104 = arith.constant 0 : i32
    %scan3A_105 = arith.constant 19 : i32
    %scan3A_106 = arith.addi %scan3A_104, %scan3A_105 : i32
    %scan3A_107 = arith.constant 1 : i32
    scf.for %scan3A_383 = %scan3A_104 to %scan3A_106 step %scan3A_107  : i32 {
      %mul3A_384 = arith.constant 1 : i32
      %mul3A_385 = arith.muli %scan3A_383, %mul3A_384 : i32
      %add3A_386 = arith.constant 0 : i32
      %add3A_387 = arith.addi %add3A_386, %mul3A_385 : i32
      %mul3A_388 = arith.constant 2 : i32
      %mul3A_389 = arith.muli %mul3A_388, %add3A_387 : i32
      %add3A_390 = arith.constant 1 : i32
      %add3A_391 = arith.addi %mul3A_389, %add3A_390 : i32
      %dma_wait3A_392 = arith.constant 0 : i32
      %dma_wait3A_393 = arith.constant 0 : i32
      %dma_wait3A_394 = arith.constant 0 : i32
      %dma_wait3A_395 = tpu.memref_slice %arg2[%dma_wait3A_392, %dma_wait3A_393, %dma_wait3A_394] : memref<2x10240x128xf32, #tpu.memory_space<hbm>> -> memref<1x10240x128xf32, #tpu.memory_space<hbm>>
      %dma_wait3A_396 = tpu.memref_squeeze %dma_wait3A_395 : memref<1x10240x128xf32, #tpu.memory_space<hbm>> -> memref<10240x128xf32, #tpu.memory_space<hbm>>
      %dma_wait3A_397 = arith.constant 0 : i32
      %dma_wait3A_398 = arith.constant 0 : i32
      %dma_wait3A_399 = tpu.memref_slice %dma_wait3A_396[%dma_wait3A_397, %dma_wait3A_398] : memref<10240x128xf32, #tpu.memory_space<hbm>> -> memref<128x128xf32, #tpu.memory_space<hbm>>
      %dma_wait3A_400 = arith.constant 0 : i32
      %dma_wait3A_401 = arith.constant 0 : i32
      %dma_wait3A_402 = tpu.memref_slice %arg2[%dma_wait3A_392, %dma_wait3A_400, %dma_wait3A_401] : memref<2x10240x128xf32, #tpu.memory_space<hbm>> -> memref<1x10240x128xf32, #tpu.memory_space<hbm>>
      %dma_wait3A_403 = tpu.memref_squeeze %dma_wait3A_402 : memref<1x10240x128xf32, #tpu.memory_space<hbm>> -> memref<10240x128xf32, #tpu.memory_space<hbm>>
      %dma_wait3A_404 = arith.constant 0 : i32
      %dma_wait3A_405 = arith.constant 0 : i32
      %dma_wait3A_406 = tpu.memref_slice %dma_wait3A_403[%dma_wait3A_404, %dma_wait3A_405] : memref<10240x128xf32, #tpu.memory_space<hbm>> -> memref<128x128xf32, #tpu.memory_space<hbm>>
      tpu.wait_dma2 semaphore(%arg13 : memref<!tpu.dma_semaphore, #tpu.memory_space<semaphore_mem>>) src(%dma_wait3A_406 : memref<128x128xf32, #tpu.memory_space<hbm>>) dst(%arg10 : memref<128x128xf32, #tpu.memory_space<vmem>>)
      %dma_wait3A_407 = arith.constant 0 : i32
      %dma_wait3A_408 = arith.constant 0 : i32
      %dma_wait3A_409 = arith.constant 0 : i32
      %dma_wait3A_410 = tpu.memref_slice %arg2[%dma_wait3A_407, %dma_wait3A_408, %dma_wait3A_409] : memref<2x10240x128xf32, #tpu.memory_space<hbm>> -> memref<1x10240x128xf32, #tpu.memory_space<hbm>>
      %dma_wait3A_411 = tpu.memref_squeeze %dma_wait3A_410 : memref<1x10240x128xf32, #tpu.memory_space<hbm>> -> memref<10240x128xf32, #tpu.memory_space<hbm>>
      %dma_wait3A_412 = arith.constant 0 : i32
      %dma_wait3A_413 = arith.constant 0 : i32
      %dma_wait3A_414 = tpu.memref_slice %dma_wait3A_411[%dma_wait3A_412, %dma_wait3A_413] : memref<10240x128xf32, #tpu.memory_space<hbm>> -> memref<128x128xf32, #tpu.memory_space<hbm>>
      %dma_wait3A_415 = arith.constant 0 : i32
      %dma_wait3A_416 = arith.constant 0 : i32
      %dma_wait3A_417 = tpu.memref_slice %arg2[%dma_wait3A_407, %dma_wait3A_415, %dma_wait3A_416] : memref<2x10240x128xf32, #tpu.memory_space<hbm>> -> memref<1x10240x128xf32, #tpu.memory_space<hbm>>
      %dma_wait3A_418 = tpu.memref_squeeze %dma_wait3A_417 : memref<1x10240x128xf32, #tpu.memory_space<hbm>> -> memref<10240x128xf32, #tpu.memory_space<hbm>>
      %dma_wait3A_419 = arith.constant 0 : i32
      %dma_wait3A_420 = arith.constant 0 : i32
      %dma_wait3A_421 = tpu.memref_slice %dma_wait3A_418[%dma_wait3A_419, %dma_wait3A_420] : memref<10240x128xf32, #tpu.memory_space<hbm>> -> memref<128x128xf32, #tpu.memory_space<hbm>>
      tpu.wait_dma2 semaphore(%arg13 : memref<!tpu.dma_semaphore, #tpu.memory_space<semaphore_mem>>) src(%dma_wait3A_421 : memref<128x128xf32, #tpu.memory_space<hbm>>) dst(%arg11 : memref<128x128xf32, #tpu.memory_space<vmem>>)
      %mul3A_422 = arith.constant 2 : i32
      %mul3A_423 = arith.muli %add3A_391, %mul3A_422 : i32
      %add3A_424 = arith.constant 0 : i32
      %add3A_425 = arith.addi %mul3A_423, %add3A_424 : i32
      %dma_start3A_426 = arith.constant 0 : i32
      %dma_start3A_427 = tpu.memref_slice %arg7[%add3A_425, %dma_start3A_426] : memref<80x128xi32, #tpu.memory_space<vmem>> -> memref<1x128xi32, #tpu.memory_space<vmem>>
      %dma_start3A_428 = tpu.memref_squeeze %dma_start3A_427 : memref<1x128xi32, #tpu.memory_space<vmem>> -> memref<128xi32, #tpu.memory_space<vmem>>
      %dma_start3A_429 = arith.constant 0 : i32
      %dma_start3A_430 = arith.constant 0 : i32
      %dma_start3A_431 = tpu.memref_slice %arg16[%dma_start3A_429, %dma_start3A_430] : memref<5184x128xf32, #tpu.memory_space<vmem_shared>> -> memref<5184x128xf32, #tpu.memory_space<vmem_shared>>
      tpu.enqueue_indirect_dma source(%arg10 : memref<128x128xf32, #tpu.memory_space<vmem>>) target(%dma_start3A_431 : memref<5184x128xf32, #tpu.memory_space<vmem_shared>>) offsets(%dma_start3A_428 : memref<128xi32, #tpu.memory_space<vmem>>) semaphore(%arg15 : memref<!tpu.dma_semaphore, #tpu.memory_space<semaphore_mem>>) {add = true}
      %mul3A_432 = arith.constant 2 : i32
      %mul3A_433 = arith.muli %add3A_391, %mul3A_432 : i32
      %add3A_434 = arith.constant 1 : i32
      %add3A_435 = arith.addi %mul3A_433, %add3A_434 : i32
      %dma_start3A_436 = arith.constant 0 : i32
      %dma_start3A_437 = tpu.memref_slice %arg7[%add3A_435, %dma_start3A_436] : memref<80x128xi32, #tpu.memory_space<vmem>> -> memref<1x128xi32, #tpu.memory_space<vmem>>
      %dma_start3A_438 = tpu.memref_squeeze %dma_start3A_437 : memref<1x128xi32, #tpu.memory_space<vmem>> -> memref<128xi32, #tpu.memory_space<vmem>>
      %dma_start3A_439 = arith.constant 0 : i32
      %dma_start3A_440 = arith.constant 0 : i32
      %dma_start3A_441 = tpu.memref_slice %arg16[%dma_start3A_439, %dma_start3A_440] : memref<5184x128xf32, #tpu.memory_space<vmem_shared>> -> memref<5184x128xf32, #tpu.memory_space<vmem_shared>>
      tpu.enqueue_indirect_dma source(%arg11 : memref<128x128xf32, #tpu.memory_space<vmem>>) target(%dma_start3A_441 : memref<5184x128xf32, #tpu.memory_space<vmem_shared>>) offsets(%dma_start3A_438 : memref<128xi32, #tpu.memory_space<vmem>>) semaphore(%arg15 : memref<!tpu.dma_semaphore, #tpu.memory_space<semaphore_mem>>) {add = true}
      %dma_wait3A_442 = arith.constant 0 : i32
      %dma_wait3A_443 = arith.constant 0 : i32
      %dma_wait3A_444 = tpu.memref_slice %arg16[%dma_wait3A_442, %dma_wait3A_443] : memref<5184x128xf32, #tpu.memory_space<vmem_shared>> -> memref<128x128xf32, #tpu.memory_space<vmem_shared>>
      %dma_wait3A_445 = arith.constant 0 : i32
      %dma_wait3A_446 = arith.constant 0 : i32
      %dma_wait3A_447 = tpu.memref_slice %arg16[%dma_wait3A_445, %dma_wait3A_446] : memref<5184x128xf32, #tpu.memory_space<vmem_shared>> -> memref<128x128xf32, #tpu.memory_space<vmem_shared>>
      tpu.wait_dma2 semaphore(%arg14 : memref<!tpu.dma_semaphore, #tpu.memory_space<semaphore_mem>>) src(%arg8 : memref<128x128xf32, #tpu.memory_space<vmem>>) dst(%dma_wait3A_447 : memref<128x128xf32, #tpu.memory_space<vmem_shared>>)
      %dma_wait3A_448 = arith.constant 0 : i32
      %dma_wait3A_449 = arith.constant 0 : i32
      %dma_wait3A_450 = tpu.memref_slice %arg16[%dma_wait3A_448, %dma_wait3A_449] : memref<5184x128xf32, #tpu.memory_space<vmem_shared>> -> memref<128x128xf32, #tpu.memory_space<vmem_shared>>
      %dma_wait3A_451 = arith.constant 0 : i32
      %dma_wait3A_452 = arith.constant 0 : i32
      %dma_wait3A_453 = tpu.memref_slice %arg16[%dma_wait3A_451, %dma_wait3A_452] : memref<5184x128xf32, #tpu.memory_space<vmem_shared>> -> memref<128x128xf32, #tpu.memory_space<vmem_shared>>
      tpu.wait_dma2 semaphore(%arg14 : memref<!tpu.dma_semaphore, #tpu.memory_space<semaphore_mem>>) src(%arg9 : memref<128x128xf32, #tpu.memory_space<vmem>>) dst(%dma_wait3A_453 : memref<128x128xf32, #tpu.memory_space<vmem_shared>>)
      %add3A_454 = arith.constant 1 : i32
      %add3A_455 = arith.addi %add3A_391, %add3A_454 : i32
      %mul3A_456 = arith.constant 2 : i32
      %mul3A_457 = arith.muli %add3A_455, %mul3A_456 : i32
      %add3A_458 = arith.constant 0 : i32
      %add3A_459 = arith.addi %mul3A_457, %add3A_458 : i32
      %dma_start3A_460 = arith.constant 0 : i32
      %dma_start3A_461 = arith.constant 0 : i32
      %dma_start3A_462 = tpu.memref_slice %arg6[%add3A_459, %dma_start3A_461] : memref<80x128xi32, #tpu.memory_space<vmem>> -> memref<1x128xi32, #tpu.memory_space<vmem>>
      %dma_start3A_463 = tpu.memref_squeeze %dma_start3A_462 : memref<1x128xi32, #tpu.memory_space<vmem>> -> memref<128xi32, #tpu.memory_space<vmem>>
      %dma_start3A_464 = arith.constant 0 : i32
      %dma_start3A_465 = arith.constant 0 : i32
      %dma_start3A_466 = tpu.memref_slice %arg2[%dma_start3A_460, %dma_start3A_464, %dma_start3A_465] : memref<2x10240x128xf32, #tpu.memory_space<hbm>> -> memref<1x10240x128xf32, #tpu.memory_space<hbm>>
      %dma_start3A_467 = tpu.memref_squeeze %dma_start3A_466 : memref<1x10240x128xf32, #tpu.memory_space<hbm>> -> memref<10240x128xf32, #tpu.memory_space<hbm>>
      %dma_start3A_468 = arith.constant 0 : i32
      %dma_start3A_469 = arith.constant 0 : i32
      %dma_start3A_470 = tpu.memref_slice %dma_start3A_467[%dma_start3A_468, %dma_start3A_469] : memref<10240x128xf32, #tpu.memory_space<hbm>> -> memref<10240x128xf32, #tpu.memory_space<hbm>>
      tpu.enqueue_indirect_dma source(%dma_start3A_470 : memref<10240x128xf32, #tpu.memory_space<hbm>>) target(%arg8 : memref<128x128xf32, #tpu.memory_space<vmem>>) offsets(%dma_start3A_463 : memref<128xi32, #tpu.memory_space<vmem>>) semaphore(%arg12 : memref<!tpu.dma_semaphore, #tpu.memory_space<semaphore_mem>>)
      %mul3A_471 = arith.constant 2 : i32
      %mul3A_472 = arith.muli %add3A_455, %mul3A_471 : i32
      %add3A_473 = arith.constant 1 : i32
      %add3A_474 = arith.addi %mul3A_472, %add3A_473 : i32
      %dma_start3A_475 = arith.constant 0 : i32
      %dma_start3A_476 = arith.constant 0 : i32
      %dma_start3A_477 = tpu.memref_slice %arg6[%add3A_474, %dma_start3A_476] : memref<80x128xi32, #tpu.memory_space<vmem>> -> memref<1x128xi32, #tpu.memory_space<vmem>>
      %dma_start3A_478 = tpu.memref_squeeze %dma_start3A_477 : memref<1x128xi32, #tpu.memory_space<vmem>> -> memref<128xi32, #tpu.memory_space<vmem>>
      %dma_start3A_479 = arith.constant 0 : i32
      %dma_start3A_480 = arith.constant 0 : i32
      %dma_start3A_481 = tpu.memref_slice %arg2[%dma_start3A_475, %dma_start3A_479, %dma_start3A_480] : memref<2x10240x128xf32, #tpu.memory_space<hbm>> -> memref<1x10240x128xf32, #tpu.memory_space<hbm>>
      %dma_start3A_482 = tpu.memref_squeeze %dma_start3A_481 : memref<1x10240x128xf32, #tpu.memory_space<hbm>> -> memref<10240x128xf32, #tpu.memory_space<hbm>>
      %dma_start3A_483 = arith.constant 0 : i32
      %dma_start3A_484 = arith.constant 0 : i32
      %dma_start3A_485 = tpu.memref_slice %dma_start3A_482[%dma_start3A_483, %dma_start3A_484] : memref<10240x128xf32, #tpu.memory_space<hbm>> -> memref<10240x128xf32, #tpu.memory_space<hbm>>
      tpu.enqueue_indirect_dma source(%dma_start3A_485 : memref<10240x128xf32, #tpu.memory_space<hbm>>) target(%arg9 : memref<128x128xf32, #tpu.memory_space<vmem>>) offsets(%dma_start3A_478 : memref<128xi32, #tpu.memory_space<vmem>>) semaphore(%arg12 : memref<!tpu.dma_semaphore, #tpu.memory_space<semaphore_mem>>)
      %mul3A_486 = arith.constant 2 : i32
      %mul3A_487 = arith.muli %mul3A_486, %add3A_387 : i32
      %add3A_488 = arith.constant 2 : i32
      %add3A_489 = arith.addi %mul3A_487, %add3A_488 : i32
      %dma_wait3A_490 = arith.constant 0 : i32
      %dma_wait3A_491 = arith.constant 0 : i32
      %dma_wait3A_492 = arith.constant 0 : i32
      %dma_wait3A_493 = tpu.memref_slice %arg2[%dma_wait3A_490, %dma_wait3A_491, %dma_wait3A_492] : memref<2x10240x128xf32, #tpu.memory_space<hbm>> -> memref<1x10240x128xf32, #tpu.memory_space<hbm>>
      %dma_wait3A_494 = tpu.memref_squeeze %dma_wait3A_493 : memref<1x10240x128xf32, #tpu.memory_space<hbm>> -> memref<10240x128xf32, #tpu.memory_space<hbm>>
      %dma_wait3A_495 = arith.constant 0 : i32
      %dma_wait3A_496 = arith.constant 0 : i32
      %dma_wait3A_497 = tpu.memref_slice %dma_wait3A_494[%dma_wait3A_495, %dma_wait3A_496] : memref<10240x128xf32, #tpu.memory_space<hbm>> -> memref<128x128xf32, #tpu.memory_space<hbm>>
      %dma_wait3A_498 = arith.constant 0 : i32
      %dma_wait3A_499 = arith.constant 0 : i32
      %dma_wait3A_500 = tpu.memref_slice %arg2[%dma_wait3A_490, %dma_wait3A_498, %dma_wait3A_499] : memref<2x10240x128xf32, #tpu.memory_space<hbm>> -> memref<1x10240x128xf32, #tpu.memory_space<hbm>>
      %dma_wait3A_501 = tpu.memref_squeeze %dma_wait3A_500 : memref<1x10240x128xf32, #tpu.memory_space<hbm>> -> memref<10240x128xf32, #tpu.memory_space<hbm>>
      %dma_wait3A_502 = arith.constant 0 : i32
      %dma_wait3A_503 = arith.constant 0 : i32
      %dma_wait3A_504 = tpu.memref_slice %dma_wait3A_501[%dma_wait3A_502, %dma_wait3A_503] : memref<10240x128xf32, #tpu.memory_space<hbm>> -> memref<128x128xf32, #tpu.memory_space<hbm>>
      tpu.wait_dma2 semaphore(%arg12 : memref<!tpu.dma_semaphore, #tpu.memory_space<semaphore_mem>>) src(%dma_wait3A_504 : memref<128x128xf32, #tpu.memory_space<hbm>>) dst(%arg8 : memref<128x128xf32, #tpu.memory_space<vmem>>)
      %dma_wait3A_505 = arith.constant 0 : i32
      %dma_wait3A_506 = arith.constant 0 : i32
      %dma_wait3A_507 = arith.constant 0 : i32
      %dma_wait3A_508 = tpu.memref_slice %arg2[%dma_wait3A_505, %dma_wait3A_506, %dma_wait3A_507] : memref<2x10240x128xf32, #tpu.memory_space<hbm>> -> memref<1x10240x128xf32, #tpu.memory_space<hbm>>
      %dma_wait3A_509 = tpu.memref_squeeze %dma_wait3A_508 : memref<1x10240x128xf32, #tpu.memory_space<hbm>> -> memref<10240x128xf32, #tpu.memory_space<hbm>>
      %dma_wait3A_510 = arith.constant 0 : i32
      %dma_wait3A_511 = arith.constant 0 : i32
      %dma_wait3A_512 = tpu.memref_slice %dma_wait3A_509[%dma_wait3A_510, %dma_wait3A_511] : memref<10240x128xf32, #tpu.memory_space<hbm>> -> memref<128x128xf32, #tpu.memory_space<hbm>>
      %dma_wait3A_513 = arith.constant 0 : i32
      %dma_wait3A_514 = arith.constant 0 : i32
      %dma_wait3A_515 = tpu.memref_slice %arg2[%dma_wait3A_505, %dma_wait3A_513, %dma_wait3A_514] : memref<2x10240x128xf32, #tpu.memory_space<hbm>> -> memref<1x10240x128xf32, #tpu.memory_space<hbm>>
      %dma_wait3A_516 = tpu.memref_squeeze %dma_wait3A_515 : memref<1x10240x128xf32, #tpu.memory_space<hbm>> -> memref<10240x128xf32, #tpu.memory_space<hbm>>
      %dma_wait3A_517 = arith.constant 0 : i32
      %dma_wait3A_518 = arith.constant 0 : i32
      %dma_wait3A_519 = tpu.memref_slice %dma_wait3A_516[%dma_wait3A_517, %dma_wait3A_518] : memref<10240x128xf32, #tpu.memory_space<hbm>> -> memref<128x128xf32, #tpu.memory_space<hbm>>
      tpu.wait_dma2 semaphore(%arg12 : memref<!tpu.dma_semaphore, #tpu.memory_space<semaphore_mem>>) src(%dma_wait3A_519 : memref<128x128xf32, #tpu.memory_space<hbm>>) dst(%arg9 : memref<128x128xf32, #tpu.memory_space<vmem>>)
      %mul3A_520 = arith.constant 2 : i32
      %mul3A_521 = arith.muli %add3A_489, %mul3A_520 : i32
      %add3A_522 = arith.constant 0 : i32
      %add3A_523 = arith.addi %mul3A_521, %add3A_522 : i32
      %dma_start3A_524 = arith.constant 0 : i32
      %dma_start3A_525 = tpu.memref_slice %arg7[%add3A_523, %dma_start3A_524] : memref<80x128xi32, #tpu.memory_space<vmem>> -> memref<1x128xi32, #tpu.memory_space<vmem>>
      %dma_start3A_526 = tpu.memref_squeeze %dma_start3A_525 : memref<1x128xi32, #tpu.memory_space<vmem>> -> memref<128xi32, #tpu.memory_space<vmem>>
      %dma_start3A_527 = arith.constant 0 : i32
      %dma_start3A_528 = arith.constant 0 : i32
      %dma_start3A_529 = tpu.memref_slice %arg16[%dma_start3A_527, %dma_start3A_528] : memref<5184x128xf32, #tpu.memory_space<vmem_shared>> -> memref<5184x128xf32, #tpu.memory_space<vmem_shared>>
      tpu.enqueue_indirect_dma source(%arg8 : memref<128x128xf32, #tpu.memory_space<vmem>>) target(%dma_start3A_529 : memref<5184x128xf32, #tpu.memory_space<vmem_shared>>) offsets(%dma_start3A_526 : memref<128xi32, #tpu.memory_space<vmem>>) semaphore(%arg14 : memref<!tpu.dma_semaphore, #tpu.memory_space<semaphore_mem>>) {add = true}
      %mul3A_530 = arith.constant 2 : i32
      %mul3A_531 = arith.muli %add3A_489, %mul3A_530 : i32
      %add3A_532 = arith.constant 1 : i32
      %add3A_533 = arith.addi %mul3A_531, %add3A_532 : i32
      %dma_start3A_534 = arith.constant 0 : i32
      %dma_start3A_535 = tpu.memref_slice %arg7[%add3A_533, %dma_start3A_534] : memref<80x128xi32, #tpu.memory_space<vmem>> -> memref<1x128xi32, #tpu.memory_space<vmem>>
      %dma_start3A_536 = tpu.memref_squeeze %dma_start3A_535 : memref<1x128xi32, #tpu.memory_space<vmem>> -> memref<128xi32, #tpu.memory_space<vmem>>
      %dma_start3A_537 = arith.constant 0 : i32
      %dma_start3A_538 = arith.constant 0 : i32
      %dma_start3A_539 = tpu.memref_slice %arg16[%dma_start3A_537, %dma_start3A_538] : memref<5184x128xf32, #tpu.memory_space<vmem_shared>> -> memref<5184x128xf32, #tpu.memory_space<vmem_shared>>
      tpu.enqueue_indirect_dma source(%arg9 : memref<128x128xf32, #tpu.memory_space<vmem>>) target(%dma_start3A_539 : memref<5184x128xf32, #tpu.memory_space<vmem_shared>>) offsets(%dma_start3A_536 : memref<128xi32, #tpu.memory_space<vmem>>) semaphore(%arg14 : memref<!tpu.dma_semaphore, #tpu.memory_space<semaphore_mem>>) {add = true}
      %dma_wait3A_540 = arith.constant 0 : i32
      %dma_wait3A_541 = arith.constant 0 : i32
      %dma_wait3A_542 = tpu.memref_slice %arg16[%dma_wait3A_540, %dma_wait3A_541] : memref<5184x128xf32, #tpu.memory_space<vmem_shared>> -> memref<128x128xf32, #tpu.memory_space<vmem_shared>>
      %dma_wait3A_543 = arith.constant 0 : i32
      %dma_wait3A_544 = arith.constant 0 : i32
      %dma_wait3A_545 = tpu.memref_slice %arg16[%dma_wait3A_543, %dma_wait3A_544] : memref<5184x128xf32, #tpu.memory_space<vmem_shared>> -> memref<128x128xf32, #tpu.memory_space<vmem_shared>>
      tpu.wait_dma2 semaphore(%arg15 : memref<!tpu.dma_semaphore, #tpu.memory_space<semaphore_mem>>) src(%arg10 : memref<128x128xf32, #tpu.memory_space<vmem>>) dst(%dma_wait3A_545 : memref<128x128xf32, #tpu.memory_space<vmem_shared>>)
      %dma_wait3A_546 = arith.constant 0 : i32
      %dma_wait3A_547 = arith.constant 0 : i32
      %dma_wait3A_548 = tpu.memref_slice %arg16[%dma_wait3A_546, %dma_wait3A_547] : memref<5184x128xf32, #tpu.memory_space<vmem_shared>> -> memref<128x128xf32, #tpu.memory_space<vmem_shared>>
      %dma_wait3A_549 = arith.constant 0 : i32
      %dma_wait3A_550 = arith.constant 0 : i32
      %dma_wait3A_551 = tpu.memref_slice %arg16[%dma_wait3A_549, %dma_wait3A_550] : memref<5184x128xf32, #tpu.memory_space<vmem_shared>> -> memref<128x128xf32, #tpu.memory_space<vmem_shared>>
      tpu.wait_dma2 semaphore(%arg15 : memref<!tpu.dma_semaphore, #tpu.memory_space<semaphore_mem>>) src(%arg11 : memref<128x128xf32, #tpu.memory_space<vmem>>) dst(%dma_wait3A_551 : memref<128x128xf32, #tpu.memory_space<vmem_shared>>)
      %add3A_552 = arith.constant 1 : i32
      %add3A_553 = arith.addi %add3A_489, %add3A_552 : i32
      %mul3A_554 = arith.constant 2 : i32
      %mul3A_555 = arith.muli %add3A_553, %mul3A_554 : i32
      %add3A_556 = arith.constant 0 : i32
      %add3A_557 = arith.addi %mul3A_555, %add3A_556 : i32
      %dma_start3A_558 = arith.constant 0 : i32
      %dma_start3A_559 = arith.constant 0 : i32
      %dma_start3A_560 = tpu.memref_slice %arg6[%add3A_557, %dma_start3A_559] : memref<80x128xi32, #tpu.memory_space<vmem>> -> memref<1x128xi32, #tpu.memory_space<vmem>>
      %dma_start3A_561 = tpu.memref_squeeze %dma_start3A_560 : memref<1x128xi32, #tpu.memory_space<vmem>> -> memref<128xi32, #tpu.memory_space<vmem>>
      %dma_start3A_562 = arith.constant 0 : i32
      %dma_start3A_563 = arith.constant 0 : i32
      %dma_start3A_564 = tpu.memref_slice %arg2[%dma_start3A_558, %dma_start3A_562, %dma_start3A_563] : memref<2x10240x128xf32, #tpu.memory_space<hbm>> -> memref<1x10240x128xf32, #tpu.memory_space<hbm>>
      %dma_start3A_565 = tpu.memref_squeeze %dma_start3A_564 : memref<1x10240x128xf32, #tpu.memory_space<hbm>> -> memref<10240x128xf32, #tpu.memory_space<hbm>>
      %dma_start3A_566 = arith.constant 0 : i32
      %dma_start3A_567 = arith.constant 0 : i32
      %dma_start3A_568 = tpu.memref_slice %dma_start3A_565[%dma_start3A_566, %dma_start3A_567] : memref<10240x128xf32, #tpu.memory_space<hbm>> -> memref<10240x128xf32, #tpu.memory_space<hbm>>
      tpu.enqueue_indirect_dma source(%dma_start3A_568 : memref<10240x128xf32, #tpu.memory_space<hbm>>) target(%arg10 : memref<128x128xf32, #tpu.memory_space<vmem>>) offsets(%dma_start3A_561 : memref<128xi32, #tpu.memory_space<vmem>>) semaphore(%arg13 : memref<!tpu.dma_semaphore, #tpu.memory_space<semaphore_mem>>)
      %mul3A_569 = arith.constant 2 : i32
      %mul3A_570 = arith.muli %add3A_553, %mul3A_569 : i32
      %add3A_571 = arith.constant 1 : i32
      %add3A_572 = arith.addi %mul3A_570, %add3A_571 : i32
      %dma_start3A_573 = arith.constant 0 : i32
      %dma_start3A_574 = arith.constant 0 : i32
      %dma_start3A_575 = tpu.memref_slice %arg6[%add3A_572, %dma_start3A_574] : memref<80x128xi32, #tpu.memory_space<vmem>> -> memref<1x128xi32, #tpu.memory_space<vmem>>
      %dma_start3A_576 = tpu.memref_squeeze %dma_start3A_575 : memref<1x128xi32, #tpu.memory_space<vmem>> -> memref<128xi32, #tpu.memory_space<vmem>>
      %dma_start3A_577 = arith.constant 0 : i32
      %dma_start3A_578 = arith.constant 0 : i32
      %dma_start3A_579 = tpu.memref_slice %arg2[%dma_start3A_573, %dma_start3A_577, %dma_start3A_578] : memref<2x10240x128xf32, #tpu.memory_space<hbm>> -> memref<1x10240x128xf32, #tpu.memory_space<hbm>>
      %dma_start3A_580 = tpu.memref_squeeze %dma_start3A_579 : memref<1x10240x128xf32, #tpu.memory_space<hbm>> -> memref<10240x128xf32, #tpu.memory_space<hbm>>
      %dma_start3A_581 = arith.constant 0 : i32
      %dma_start3A_582 = arith.constant 0 : i32
      %dma_start3A_583 = tpu.memref_slice %dma_start3A_580[%dma_start3A_581, %dma_start3A_582] : memref<10240x128xf32, #tpu.memory_space<hbm>> -> memref<10240x128xf32, #tpu.memory_space<hbm>>
      tpu.enqueue_indirect_dma source(%dma_start3A_583 : memref<10240x128xf32, #tpu.memory_space<hbm>>) target(%arg11 : memref<128x128xf32, #tpu.memory_space<vmem>>) offsets(%dma_start3A_576 : memref<128xi32, #tpu.memory_space<vmem>>) semaphore(%arg13 : memref<!tpu.dma_semaphore, #tpu.memory_space<semaphore_mem>>)
    }
    %scan3A_108 = arith.constant 19 : i32
    %dma_wait3A_109 = arith.constant 0 : i32
    %dma_wait3A_110 = arith.constant 0 : i32
    %dma_wait3A_111 = arith.constant 0 : i32
    %dma_wait3A_112 = tpu.memref_slice %arg2[%dma_wait3A_109, %dma_wait3A_110, %dma_wait3A_111] : memref<2x10240x128xf32, #tpu.memory_space<hbm>> -> memref<1x10240x128xf32, #tpu.memory_space<hbm>>
    %dma_wait3A_113 = tpu.memref_squeeze %dma_wait3A_112 : memref<1x10240x128xf32, #tpu.memory_space<hbm>> -> memref<10240x128xf32, #tpu.memory_space<hbm>>
    %dma_wait3A_114 = arith.constant 0 : i32
    %dma_wait3A_115 = arith.constant 0 : i32
    %dma_wait3A_116 = tpu.memref_slice %dma_wait3A_113[%dma_wait3A_114, %dma_wait3A_115] : memref<10240x128xf32, #tpu.memory_space<hbm>> -> memref<128x128xf32, #tpu.memory_space<hbm>>
    %dma_wait3A_117 = arith.constant 0 : i32
    %dma_wait3A_118 = arith.constant 0 : i32
    %dma_wait3A_119 = tpu.memref_slice %arg2[%dma_wait3A_109, %dma_wait3A_117, %dma_wait3A_118] : memref<2x10240x128xf32, #tpu.memory_space<hbm>> -> memref<1x10240x128xf32, #tpu.memory_space<hbm>>
    %dma_wait3A_120 = tpu.memref_squeeze %dma_wait3A_119 : memref<1x10240x128xf32, #tpu.memory_space<hbm>> -> memref<10240x128xf32, #tpu.memory_space<hbm>>
    %dma_wait3A_121 = arith.constant 0 : i32
    %dma_wait3A_122 = arith.constant 0 : i32
    %dma_wait3A_123 = tpu.memref_slice %dma_wait3A_120[%dma_wait3A_121, %dma_wait3A_122] : memref<10240x128xf32, #tpu.memory_space<hbm>> -> memref<128x128xf32, #tpu.memory_space<hbm>>
    tpu.wait_dma2 semaphore(%arg13 : memref<!tpu.dma_semaphore, #tpu.memory_space<semaphore_mem>>) src(%dma_wait3A_123 : memref<128x128xf32, #tpu.memory_space<hbm>>) dst(%arg10 : memref<128x128xf32, #tpu.memory_space<vmem>>)
    %dma_wait3A_124 = arith.constant 0 : i32
    %dma_wait3A_125 = arith.constant 0 : i32
    %dma_wait3A_126 = arith.constant 0 : i32
    %dma_wait3A_127 = tpu.memref_slice %arg2[%dma_wait3A_124, %dma_wait3A_125, %dma_wait3A_126] : memref<2x10240x128xf32, #tpu.memory_space<hbm>> -> memref<1x10240x128xf32, #tpu.memory_space<hbm>>
    %dma_wait3A_128 = tpu.memref_squeeze %dma_wait3A_127 : memref<1x10240x128xf32, #tpu.memory_space<hbm>> -> memref<10240x128xf32, #tpu.memory_space<hbm>>
    %dma_wait3A_129 = arith.constant 0 : i32
    %dma_wait3A_130 = arith.constant 0 : i32
    %dma_wait3A_131 = tpu.memref_slice %dma_wait3A_128[%dma_wait3A_129, %dma_wait3A_130] : memref<10240x128xf32, #tpu.memory_space<hbm>> -> memref<128x128xf32, #tpu.memory_space<hbm>>
    %dma_wait3A_132 = arith.constant 0 : i32
    %dma_wait3A_133 = arith.constant 0 : i32
    %dma_wait3A_134 = tpu.memref_slice %arg2[%dma_wait3A_124, %dma_wait3A_132, %dma_wait3A_133] : memref<2x10240x128xf32, #tpu.memory_space<hbm>> -> memref<1x10240x128xf32, #tpu.memory_space<hbm>>
    %dma_wait3A_135 = tpu.memref_squeeze %dma_wait3A_134 : memref<1x10240x128xf32, #tpu.memory_space<hbm>> -> memref<10240x128xf32, #tpu.memory_space<hbm>>
    %dma_wait3A_136 = arith.constant 0 : i32
    %dma_wait3A_137 = arith.constant 0 : i32
    %dma_wait3A_138 = tpu.memref_slice %dma_wait3A_135[%dma_wait3A_136, %dma_wait3A_137] : memref<10240x128xf32, #tpu.memory_space<hbm>> -> memref<128x128xf32, #tpu.memory_space<hbm>>
    tpu.wait_dma2 semaphore(%arg13 : memref<!tpu.dma_semaphore, #tpu.memory_space<semaphore_mem>>) src(%dma_wait3A_138 : memref<128x128xf32, #tpu.memory_space<hbm>>) dst(%arg11 : memref<128x128xf32, #tpu.memory_space<vmem>>)
    %dma_start3A_139 = arith.constant 78 : i32
    %dma_start3A_140 = arith.constant 0 : i32
    %dma_start3A_141 = tpu.memref_slice %arg7[%dma_start3A_139, %dma_start3A_140] : memref<80x128xi32, #tpu.memory_space<vmem>> -> memref<1x128xi32, #tpu.memory_space<vmem>>
    %dma_start3A_142 = tpu.memref_squeeze %dma_start3A_141 : memref<1x128xi32, #tpu.memory_space<vmem>> -> memref<128xi32, #tpu.memory_space<vmem>>
    %dma_start3A_143 = arith.constant 0 : i32
    %dma_start3A_144 = arith.constant 0 : i32
    %dma_start3A_145 = tpu.memref_slice %arg16[%dma_start3A_143, %dma_start3A_144] : memref<5184x128xf32, #tpu.memory_space<vmem_shared>> -> memref<5184x128xf32, #tpu.memory_space<vmem_shared>>
    tpu.enqueue_indirect_dma source(%arg10 : memref<128x128xf32, #tpu.memory_space<vmem>>) target(%dma_start3A_145 : memref<5184x128xf32, #tpu.memory_space<vmem_shared>>) offsets(%dma_start3A_142 : memref<128xi32, #tpu.memory_space<vmem>>) semaphore(%arg15 : memref<!tpu.dma_semaphore, #tpu.memory_space<semaphore_mem>>) {add = true}
    %dma_start3A_146 = arith.constant 79 : i32
    %dma_start3A_147 = arith.constant 0 : i32
    %dma_start3A_148 = tpu.memref_slice %arg7[%dma_start3A_146, %dma_start3A_147] : memref<80x128xi32, #tpu.memory_space<vmem>> -> memref<1x128xi32, #tpu.memory_space<vmem>>
    %dma_start3A_149 = tpu.memref_squeeze %dma_start3A_148 : memref<1x128xi32, #tpu.memory_space<vmem>> -> memref<128xi32, #tpu.memory_space<vmem>>
    %dma_start3A_150 = arith.constant 0 : i32
    %dma_start3A_151 = arith.constant 0 : i32
    %dma_start3A_152 = tpu.memref_slice %arg16[%dma_start3A_150, %dma_start3A_151] : memref<5184x128xf32, #tpu.memory_space<vmem_shared>> -> memref<5184x128xf32, #tpu.memory_space<vmem_shared>>
    tpu.enqueue_indirect_dma source(%arg11 : memref<128x128xf32, #tpu.memory_space<vmem>>) target(%dma_start3A_152 : memref<5184x128xf32, #tpu.memory_space<vmem_shared>>) offsets(%dma_start3A_149 : memref<128xi32, #tpu.memory_space<vmem>>) semaphore(%arg15 : memref<!tpu.dma_semaphore, #tpu.memory_space<semaphore_mem>>) {add = true}
    %dma_wait3A_153 = arith.constant 0 : i32
    %dma_wait3A_154 = arith.constant 0 : i32
    %dma_wait3A_155 = tpu.memref_slice %arg16[%dma_wait3A_153, %dma_wait3A_154] : memref<5184x128xf32, #tpu.memory_space<vmem_shared>> -> memref<128x128xf32, #tpu.memory_space<vmem_shared>>
    %dma_wait3A_156 = arith.constant 0 : i32
    %dma_wait3A_157 = arith.constant 0 : i32
    %dma_wait3A_158 = tpu.memref_slice %arg16[%dma_wait3A_156, %dma_wait3A_157] : memref<5184x128xf32, #tpu.memory_space<vmem_shared>> -> memref<128x128xf32, #tpu.memory_space<vmem_shared>>
    tpu.wait_dma2 semaphore(%arg14 : memref<!tpu.dma_semaphore, #tpu.memory_space<semaphore_mem>>) src(%arg8 : memref<128x128xf32, #tpu.memory_space<vmem>>) dst(%dma_wait3A_158 : memref<128x128xf32, #tpu.memory_space<vmem_shared>>)
    %dma_wait3A_159 = arith.constant 0 : i32
    %dma_wait3A_160 = arith.constant 0 : i32
    %dma_wait3A_161 = tpu.memref_slice %arg16[%dma_wait3A_159, %dma_wait3A_160] : memref<5184x128xf32, #tpu.memory_space<vmem_shared>> -> memref<128x128xf32, #tpu.memory_space<vmem_shared>>
    %dma_wait3A_162 = arith.constant 0 : i32
    %dma_wait3A_163 = arith.constant 0 : i32
    %dma_wait3A_164 = tpu.memref_slice %arg16[%dma_wait3A_162, %dma_wait3A_163] : memref<5184x128xf32, #tpu.memory_space<vmem_shared>> -> memref<128x128xf32, #tpu.memory_space<vmem_shared>>
    tpu.wait_dma2 semaphore(%arg14 : memref<!tpu.dma_semaphore, #tpu.memory_space<semaphore_mem>>) src(%arg9 : memref<128x128xf32, #tpu.memory_space<vmem>>) dst(%dma_wait3A_164 : memref<128x128xf32, #tpu.memory_space<vmem_shared>>)
    %dma_wait3A_165 = arith.constant 0 : i32
    %dma_wait3A_166 = arith.constant 0 : i32
    %dma_wait3A_167 = tpu.memref_slice %arg16[%dma_wait3A_165, %dma_wait3A_166] : memref<5184x128xf32, #tpu.memory_space<vmem_shared>> -> memref<128x128xf32, #tpu.memory_space<vmem_shared>>
    %dma_wait3A_168 = arith.constant 0 : i32
    %dma_wait3A_169 = arith.constant 0 : i32
    %dma_wait3A_170 = tpu.memref_slice %arg16[%dma_wait3A_168, %dma_wait3A_169] : memref<5184x128xf32, #tpu.memory_space<vmem_shared>> -> memref<128x128xf32, #tpu.memory_space<vmem_shared>>
    tpu.wait_dma2 semaphore(%arg15 : memref<!tpu.dma_semaphore, #tpu.memory_space<semaphore_mem>>) src(%arg10 : memref<128x128xf32, #tpu.memory_space<vmem>>) dst(%dma_wait3A_170 : memref<128x128xf32, #tpu.memory_space<vmem_shared>>)
    %dma_wait3A_171 = arith.constant 0 : i32
    %dma_wait3A_172 = arith.constant 0 : i32
    %dma_wait3A_173 = tpu.memref_slice %arg16[%dma_wait3A_171, %dma_wait3A_172] : memref<5184x128xf32, #tpu.memory_space<vmem_shared>> -> memref<128x128xf32, #tpu.memory_space<vmem_shared>>
    %dma_wait3A_174 = arith.constant 0 : i32
    %dma_wait3A_175 = arith.constant 0 : i32
    %dma_wait3A_176 = tpu.memref_slice %arg16[%dma_wait3A_174, %dma_wait3A_175] : memref<5184x128xf32, #tpu.memory_space<vmem_shared>> -> memref<128x128xf32, #tpu.memory_space<vmem_shared>>
    tpu.wait_dma2 semaphore(%arg15 : memref<!tpu.dma_semaphore, #tpu.memory_space<semaphore_mem>>) src(%arg11 : memref<128x128xf32, #tpu.memory_space<vmem>>) dst(%dma_wait3A_176 : memref<128x128xf32, #tpu.memory_space<vmem_shared>>)
    %barrier3A_177 = arith.constant 0 : index
    tpu.barrier barrier_id(%barrier3A_177)
    %mul3A_178 = arith.constant 320 : i32
    %mul3A_179 = arith.muli %arg1, %mul3A_178 : i32
    %add3A_180 = arith.constant 0 : i32
    %add3A_181 = arith.addi %add3A_180, %arg0 : i32
    %mul3A_182 = arith.constant 5120 : i32
    %mul3A_183 = arith.muli %add3A_181, %mul3A_182 : i32
    %mul3A_184 = arith.constant 320 : i32
    %mul3A_185 = arith.muli %arg1, %mul3A_184 : i32
    %add3A_186 = arith.addi %mul3A_183, %mul3A_185 : i32
    %run_scoped3A_187 = arith.constant 0 : i32
    "tpu.region"() ({
      %run_scoped3A_383 = tpu.sem_alloc : memref<!tpu.dma_semaphore, #tpu.memory_space<semaphore_mem>>
      %dma_start3A_384 = arith.constant 0 : i32
      %dma_start3A_385 = tpu.memref_slice %arg5[%run_scoped3A_187, %add3A_186, %dma_start3A_384] : memref<2x10240x128xf32, #tpu.memory_space<hbm>> -> memref<1x320x128xf32, #tpu.memory_space<hbm>>
      %dma_start3A_386 = tpu.memref_squeeze %dma_start3A_385 : memref<1x320x128xf32, #tpu.memory_space<hbm>> -> memref<320x128xf32, #tpu.memory_space<hbm>>
      %dma_start3A_387 = arith.constant 0 : i32
      %dma_start3A_388 = tpu.memref_slice %arg16[%mul3A_179, %dma_start3A_387] : memref<5184x128xf32, #tpu.memory_space<vmem_shared>> -> memref<320x128xf32, #tpu.memory_space<vmem_shared>>
      tpu.enqueue_dma source(%dma_start3A_388 : memref<320x128xf32, #tpu.memory_space<vmem_shared>>) target(%dma_start3A_386 : memref<320x128xf32, #tpu.memory_space<hbm>>) target_semaphore(%run_scoped3A_383 : memref<!tpu.dma_semaphore, #tpu.memory_space<semaphore_mem>>)
      %dma_wait3A_389 = arith.constant 0 : i32
      %dma_wait3A_390 = tpu.memref_slice %arg5[%run_scoped3A_187, %add3A_186, %dma_wait3A_389] : memref<2x10240x128xf32, #tpu.memory_space<hbm>> -> memref<1x320x128xf32, #tpu.memory_space<hbm>>
      %dma_wait3A_391 = tpu.memref_squeeze %dma_wait3A_390 : memref<1x320x128xf32, #tpu.memory_space<hbm>> -> memref<320x128xf32, #tpu.memory_space<hbm>>
      %dma_wait3A_392 = arith.constant 0 : i32
      %dma_wait3A_393 = tpu.memref_slice %arg16[%mul3A_179, %dma_wait3A_392] : memref<5184x128xf32, #tpu.memory_space<vmem_shared>> -> memref<320x128xf32, #tpu.memory_space<vmem_shared>>
      tpu.wait_dma2 semaphore(%run_scoped3A_383 : memref<!tpu.dma_semaphore, #tpu.memory_space<semaphore_mem>>) src(%dma_wait3A_393 : memref<320x128xf32, #tpu.memory_space<vmem_shared>>) dst(%dma_wait3A_391 : memref<320x128xf32, #tpu.memory_space<hbm>>)
      tpu.yield
    }) : () -> ()
    %run_scoped3A_188 = arith.constant 0 : i32
    "tpu.region"() ({
      %run_scoped3A_383 = tpu.sem_alloc : memref<!tpu.dma_semaphore, #tpu.memory_space<semaphore_mem>>
      %dma_start3A_384 = arith.constant 0 : i32
      %dma_start3A_385 = arith.constant 0 : i32
      %dma_start3A_386 = tpu.memref_slice %arg4[%run_scoped3A_188, %arg0, %arg1, %dma_start3A_384, %dma_start3A_385] : memref<1x2x16x80x128xi32, #tpu.memory_space<hbm>> -> memref<1x1x1x80x128xi32, #tpu.memory_space<hbm>>
      %dma_start3A_387 = tpu.memref_squeeze %dma_start3A_386 : memref<1x1x1x80x128xi32, #tpu.memory_space<hbm>> -> memref<80x128xi32, #tpu.memory_space<hbm>>
      %dma_start3A_388 = arith.constant 0 : i32
      %dma_start3A_389 = arith.constant 0 : i32
      %dma_start3A_390 = tpu.memref_slice %arg4[%run_scoped3A_188, %arg0, %arg1, %dma_start3A_388, %dma_start3A_389] : memref<1x2x16x80x128xi32, #tpu.memory_space<hbm>> -> memref<1x1x1x80x128xi32, #tpu.memory_space<hbm>>
      %dma_start3A_391 = tpu.memref_squeeze %dma_start3A_390 : memref<1x1x1x80x128xi32, #tpu.memory_space<hbm>> -> memref<80x128xi32, #tpu.memory_space<hbm>>
      tpu.enqueue_dma source(%dma_start3A_391 : memref<80x128xi32, #tpu.memory_space<hbm>>) target(%arg7 : memref<80x128xi32, #tpu.memory_space<vmem>>) target_semaphore(%run_scoped3A_383 : memref<!tpu.dma_semaphore, #tpu.memory_space<semaphore_mem>>)
      %dma_wait3A_392 = arith.constant 0 : i32
      %dma_wait3A_393 = arith.constant 0 : i32
      %dma_wait3A_394 = tpu.memref_slice %arg4[%run_scoped3A_188, %arg0, %arg1, %dma_wait3A_392, %dma_wait3A_393] : memref<1x2x16x80x128xi32, #tpu.memory_space<hbm>> -> memref<1x1x1x80x128xi32, #tpu.memory_space<hbm>>
      %dma_wait3A_395 = tpu.memref_squeeze %dma_wait3A_394 : memref<1x1x1x80x128xi32, #tpu.memory_space<hbm>> -> memref<80x128xi32, #tpu.memory_space<hbm>>
      %dma_wait3A_396 = arith.constant 0 : i32
      %dma_wait3A_397 = arith.constant 0 : i32
      %dma_wait3A_398 = tpu.memref_slice %arg4[%run_scoped3A_188, %arg0, %arg1, %dma_wait3A_396, %dma_wait3A_397] : memref<1x2x16x80x128xi32, #tpu.memory_space<hbm>> -> memref<1x1x1x80x128xi32, #tpu.memory_space<hbm>>
      %dma_wait3A_399 = tpu.memref_squeeze %dma_wait3A_398 : memref<1x1x1x80x128xi32, #tpu.memory_space<hbm>> -> memref<80x128xi32, #tpu.memory_space<hbm>>
      tpu.wait_dma2 semaphore(%run_scoped3A_383 : memref<!tpu.dma_semaphore, #tpu.memory_space<semaphore_mem>>) src(%dma_wait3A_399 : memref<80x128xi32, #tpu.memory_space<hbm>>) dst(%arg7 : memref<80x128xi32, #tpu.memory_space<vmem>>)
      tpu.yield
    }) : () -> ()
    %scan3A_189 = arith.constant 0 : i32
    %scan3A_190 = arith.constant 128 : i32
    %scan3A_191 = arith.addi %scan3A_189, %scan3A_190 : i32
    %scan3A_192 = arith.constant 1 : i32
    scf.for %scan3A_383 = %scan3A_189 to %scan3A_191 step %scan3A_192  : i32 {
      %mul3A_384 = arith.constant 1 : i32
      %mul3A_385 = arith.muli %scan3A_383, %mul3A_384 : i32
      %add3A_386 = arith.constant 0 : i32
      %add3A_387 = arith.addi %add3A_386, %mul3A_385 : i32
      %broadcast_in_dim3A = arith.constant 0.000000e+00 : f32
      %broadcast_in_dim3A_388 = vector.broadcast %broadcast_in_dim3A : f32 to vector<16xf32>
      %swap3A = arith.index_cast %add3A_387 : i32 to index
      %swap3A_389 = arith.constant 0 : index
      %swap3A_390 = tpu.vector_load %arg8[%swap3A, %swap3A_389] {strides = array<i32>} : memref<128x128xf32, #tpu.memory_space<vmem>>, vector<1x16xf32>,
      %swap3A_391 = vector.shape_cast %swap3A_390 : vector<1x16xf32> to vector<16xf32>
      %swap3A_392 = vector.shape_cast %broadcast_in_dim3A_388 : vector<16xf32> to vector<1x16xf32>
      tpu.vector_store %arg8[%swap3A, %swap3A_389], %swap3A_392 {strides = array<i32>} : memref<128x128xf32, #tpu.memory_space<vmem>>, vector<1x16xf32>,
      %broadcast_in_dim3A_393 = arith.constant 0.000000e+00 : f32
      %broadcast_in_dim3A_394 = vector.broadcast %broadcast_in_dim3A_393 : f32 to vector<16xf32>
      %swap3A_395 = arith.index_cast %add3A_387 : i32 to index
      %swap3A_396 = arith.constant 16 : index
      %swap3A_397 = tpu.vector_load %arg8[%swap3A_395, %swap3A_396] {strides = array<i32>} : memref<128x128xf32, #tpu.memory_space<vmem>>, vector<1x16xf32>,
      %swap3A_398 = vector.shape_cast %swap3A_397 : vector<1x16xf32> to vector<16xf32>
      %swap3A_399 = vector.shape_cast %broadcast_in_dim3A_394 : vector<16xf32> to vector<1x16xf32>
      tpu.vector_store %arg8[%swap3A_395, %swap3A_396], %swap3A_399 {strides = array<i32>} : memref<128x128xf32, #tpu.memory_space<vmem>>, vector<1x16xf32>,
      %broadcast_in_dim3A_400 = arith.constant 0.000000e+00 : f32
      %broadcast_in_dim3A_401 = vector.broadcast %broadcast_in_dim3A_400 : f32 to vector<16xf32>
      %swap3A_402 = arith.index_cast %add3A_387 : i32 to index
      %swap3A_403 = arith.constant 32 : index
      %swap3A_404 = tpu.vector_load %arg8[%swap3A_402, %swap3A_403] {strides = array<i32>} : memref<128x128xf32, #tpu.memory_space<vmem>>, vector<1x16xf32>,
      %swap3A_405 = vector.shape_cast %swap3A_404 : vector<1x16xf32> to vector<16xf32>
      %swap3A_406 = vector.shape_cast %broadcast_in_dim3A_401 : vector<16xf32> to vector<1x16xf32>
      tpu.vector_store %arg8[%swap3A_402, %swap3A_403], %swap3A_406 {strides = array<i32>} : memref<128x128xf32, #tpu.memory_space<vmem>>, vector<1x16xf32>,
      %broadcast_in_dim3A_407 = arith.constant 0.000000e+00 : f32
      %broadcast_in_dim3A_408 = vector.broadcast %broadcast_in_dim3A_407 : f32 to vector<16xf32>
      %swap3A_409 = arith.index_cast %add3A_387 : i32 to index
      %swap3A_410 = arith.constant 48 : index
      %swap3A_411 = tpu.vector_load %arg8[%swap3A_409, %swap3A_410] {strides = array<i32>} : memref<128x128xf32, #tpu.memory_space<vmem>>, vector<1x16xf32>,
      %swap3A_412 = vector.shape_cast %swap3A_411 : vector<1x16xf32> to vector<16xf32>
      %swap3A_413 = vector.shape_cast %broadcast_in_dim3A_408 : vector<16xf32> to vector<1x16xf32>
      tpu.vector_store %arg8[%swap3A_409, %swap3A_410], %swap3A_413 {strides = array<i32>} : memref<128x128xf32, #tpu.memory_space<vmem>>, vector<1x16xf32>,
      %broadcast_in_dim3A_414 = arith.constant 0.000000e+00 : f32
      %broadcast_in_dim3A_415 = vector.broadcast %broadcast_in_dim3A_414 : f32 to vector<16xf32>
      %swap3A_416 = arith.index_cast %add3A_387 : i32 to index
      %swap3A_417 = arith.constant 64 : index
      %swap3A_418 = tpu.vector_load %arg8[%swap3A_416, %swap3A_417] {strides = array<i32>} : memref<128x128xf32, #tpu.memory_space<vmem>>, vector<1x16xf32>,
      %swap3A_419 = vector.shape_cast %swap3A_418 : vector<1x16xf32> to vector<16xf32>
      %swap3A_420 = vector.shape_cast %broadcast_in_dim3A_415 : vector<16xf32> to vector<1x16xf32>
      tpu.vector_store %arg8[%swap3A_416, %swap3A_417], %swap3A_420 {strides = array<i32>} : memref<128x128xf32, #tpu.memory_space<vmem>>, vector<1x16xf32>,
      %broadcast_in_dim3A_421 = arith.constant 0.000000e+00 : f32
      %broadcast_in_dim3A_422 = vector.broadcast %broadcast_in_dim3A_421 : f32 to vector<16xf32>
      %swap3A_423 = arith.index_cast %add3A_387 : i32 to index
      %swap3A_424 = arith.constant 80 : index
      %swap3A_425 = tpu.vector_load %arg8[%swap3A_423, %swap3A_424] {strides = array<i32>} : memref<128x128xf32, #tpu.memory_space<vmem>>, vector<1x16xf32>,
      %swap3A_426 = vector.shape_cast %swap3A_425 : vector<1x16xf32> to vector<16xf32>
      %swap3A_427 = vector.shape_cast %broadcast_in_dim3A_422 : vector<16xf32> to vector<1x16xf32>
      tpu.vector_store %arg8[%swap3A_423, %swap3A_424], %swap3A_427 {strides = array<i32>} : memref<128x128xf32, #tpu.memory_space<vmem>>, vector<1x16xf32>,
      %broadcast_in_dim3A_428 = arith.constant 0.000000e+00 : f32
      %broadcast_in_dim3A_429 = vector.broadcast %broadcast_in_dim3A_428 : f32 to vector<16xf32>
      %swap3A_430 = arith.index_cast %add3A_387 : i32 to index
      %swap3A_431 = arith.constant 96 : index
      %swap3A_432 = tpu.vector_load %arg8[%swap3A_430, %swap3A_431] {strides = array<i32>} : memref<128x128xf32, #tpu.memory_space<vmem>>, vector<1x16xf32>,
      %swap3A_433 = vector.shape_cast %swap3A_432 : vector<1x16xf32> to vector<16xf32>
      %swap3A_434 = vector.shape_cast %broadcast_in_dim3A_429 : vector<16xf32> to vector<1x16xf32>
      tpu.vector_store %arg8[%swap3A_430, %swap3A_431], %swap3A_434 {strides = array<i32>} : memref<128x128xf32, #tpu.memory_space<vmem>>, vector<1x16xf32>,
      %broadcast_in_dim3A_435 = arith.constant 0.000000e+00 : f32
      %broadcast_in_dim3A_436 = vector.broadcast %broadcast_in_dim3A_435 : f32 to vector<16xf32>
      %swap3A_437 = arith.index_cast %add3A_387 : i32 to index
      %swap3A_438 = arith.constant 112 : index
      %swap3A_439 = tpu.vector_load %arg8[%swap3A_437, %swap3A_438] {strides = array<i32>} : memref<128x128xf32, #tpu.memory_space<vmem>>, vector<1x16xf32>,
      %swap3A_440 = vector.shape_cast %swap3A_439 : vector<1x16xf32> to vector<16xf32>
      %swap3A_441 = vector.shape_cast %broadcast_in_dim3A_436 : vector<16xf32> to vector<1x16xf32>
      tpu.vector_store %arg8[%swap3A_437, %swap3A_438], %swap3A_441 {strides = array<i32>} : memref<128x128xf32, #tpu.memory_space<vmem>>, vector<1x16xf32>,
    }
    %scan3A_193 = arith.constant 128 : i32
    %mul3A_194 = arith.constant 320 : i32
    %mul3A_195 = arith.muli %arg1, %mul3A_194 : i32
    %add3A_196 = arith.constant 0 : i32
    %add3A_197 = arith.addi %mul3A_195, %add3A_196 : i32
    "tpu.region"() ({
      %run_scoped3A_383 = tpu.sem_alloc : memref<!tpu.dma_semaphore, #tpu.memory_space<semaphore_mem>>
      %dma_start3A_384 = arith.constant 0 : i32
      %dma_start3A_385 = tpu.memref_slice %arg16[%add3A_197, %dma_start3A_384] : memref<5184x128xf32, #tpu.memory_space<vmem_shared>> -> memref<128x128xf32, #tpu.memory_space<vmem_shared>>
      %dma_start3A_386 = arith.constant 0 : i32
      %dma_start3A_387 = tpu.memref_slice %arg16[%add3A_197, %dma_start3A_386] : memref<5184x128xf32, #tpu.memory_space<vmem_shared>> -> memref<128x128xf32, #tpu.memory_space<vmem_shared>>
      tpu.enqueue_dma source(%arg8 : memref<128x128xf32, #tpu.memory_space<vmem>>) target(%dma_start3A_387 : memref<128x128xf32, #tpu.memory_space<vmem_shared>>) target_semaphore(%run_scoped3A_383 : memref<!tpu.dma_semaphore, #tpu.memory_space<semaphore_mem>>)
      %dma_wait3A_388 = arith.constant 0 : i32
      %dma_wait3A_389 = tpu.memref_slice %arg16[%add3A_197, %dma_wait3A_388] : memref<5184x128xf32, #tpu.memory_space<vmem_shared>> -> memref<128x128xf32, #tpu.memory_space<vmem_shared>>
      %dma_wait3A_390 = arith.constant 0 : i32
      %dma_wait3A_391 = tpu.memref_slice %arg16[%add3A_197, %dma_wait3A_390] : memref<5184x128xf32, #tpu.memory_space<vmem_shared>> -> memref<128x128xf32, #tpu.memory_space<vmem_shared>>
      tpu.wait_dma2 semaphore(%run_scoped3A_383 : memref<!tpu.dma_semaphore, #tpu.memory_space<semaphore_mem>>) src(%arg8 : memref<128x128xf32, #tpu.memory_space<vmem>>) dst(%dma_wait3A_391 : memref<128x128xf32, #tpu.memory_space<vmem_shared>>)
      tpu.yield
    }) : () -> ()
    %mul3A_198 = arith.constant 320 : i32
    %mul3A_199 = arith.muli %arg1, %mul3A_198 : i32
    %add3A_200 = arith.constant 128 : i32
    %add3A_201 = arith.addi %mul3A_199, %add3A_200 : i32
    "tpu.region"() ({
      %run_scoped3A_383 = tpu.sem_alloc : memref<!tpu.dma_semaphore, #tpu.memory_space<semaphore_mem>>
      %dma_start3A_384 = arith.constant 0 : i32
      %dma_start3A_385 = tpu.memref_slice %arg16[%add3A_201, %dma_start3A_384] : memref<5184x128xf32, #tpu.memory_space<vmem_shared>> -> memref<128x128xf32, #tpu.memory_space<vmem_shared>>
      %dma_start3A_386 = arith.constant 0 : i32
      %dma_start3A_387 = tpu.memref_slice %arg16[%add3A_201, %dma_start3A_386] : memref<5184x128xf32, #tpu.memory_space<vmem_shared>> -> memref<128x128xf32, #tpu.memory_space<vmem_shared>>
      tpu.enqueue_dma source(%arg8 : memref<128x128xf32, #tpu.memory_space<vmem>>) target(%dma_start3A_387 : memref<128x128xf32, #tpu.memory_space<vmem_shared>>) target_semaphore(%run_scoped3A_383 : memref<!tpu.dma_semaphore, #tpu.memory_space<semaphore_mem>>)
      %dma_wait3A_388 = arith.constant 0 : i32
      %dma_wait3A_389 = tpu.memref_slice %arg16[%add3A_201, %dma_wait3A_388] : memref<5184x128xf32, #tpu.memory_space<vmem_shared>> -> memref<128x128xf32, #tpu.memory_space<vmem_shared>>
      %dma_wait3A_390 = arith.constant 0 : i32
      %dma_wait3A_391 = tpu.memref_slice %arg16[%add3A_201, %dma_wait3A_390] : memref<5184x128xf32, #tpu.memory_space<vmem_shared>> -> memref<128x128xf32, #tpu.memory_space<vmem_shared>>
      tpu.wait_dma2 semaphore(%run_scoped3A_383 : memref<!tpu.dma_semaphore, #tpu.memory_space<semaphore_mem>>) src(%arg8 : memref<128x128xf32, #tpu.memory_space<vmem>>) dst(%dma_wait3A_391 : memref<128x128xf32, #tpu.memory_space<vmem_shared>>)
      tpu.yield
    }) : () -> ()
    %mul3A_202 = arith.constant 320 : i32
    %mul3A_203 = arith.muli %arg1, %mul3A_202 : i32
    %add3A_204 = arith.constant 256 : i32
    %add3A_205 = arith.addi %mul3A_203, %add3A_204 : i32
    "tpu.region"() ({
      %run_scoped3A_383 = tpu.sem_alloc : memref<!tpu.dma_semaphore, #tpu.memory_space<semaphore_mem>>
      %dma_start3A_384 = arith.constant 0 : i32
      %dma_start3A_385 = arith.constant 0 : i32
      %dma_start3A_386 = tpu.memref_slice %arg8[%dma_start3A_384, %dma_start3A_385] : memref<128x128xf32, #tpu.memory_space<vmem>> -> memref<64x128xf32, #tpu.memory_space<vmem>>
      %dma_start3A_387 = arith.constant 0 : i32
      %dma_start3A_388 = tpu.memref_slice %arg16[%add3A_205, %dma_start3A_387] : memref<5184x128xf32, #tpu.memory_space<vmem_shared>> -> memref<64x128xf32, #tpu.memory_space<vmem_shared>>
      %dma_start3A_389 = arith.constant 0 : i32
      %dma_start3A_390 = tpu.memref_slice %arg16[%add3A_205, %dma_start3A_389] : memref<5184x128xf32, #tpu.memory_space<vmem_shared>> -> memref<64x128xf32, #tpu.memory_space<vmem_shared>>
      %dma_start3A_391 = arith.constant 0 : i32
      %dma_start3A_392 = arith.constant 0 : i32
      %dma_start3A_393 = tpu.memref_slice %arg8[%dma_start3A_391, %dma_start3A_392] : memref<128x128xf32, #tpu.memory_space<vmem>> -> memref<64x128xf32, #tpu.memory_space<vmem>>
      tpu.enqueue_dma source(%dma_start3A_393 : memref<64x128xf32, #tpu.memory_space<vmem>>) target(%dma_start3A_390 : memref<64x128xf32, #tpu.memory_space<vmem_shared>>) target_semaphore(%run_scoped3A_383 : memref<!tpu.dma_semaphore, #tpu.memory_space<semaphore_mem>>)
      %dma_wait3A_394 = arith.constant 0 : i32
      %dma_wait3A_395 = arith.constant 0 : i32
      %dma_wait3A_396 = tpu.memref_slice %arg8[%dma_wait3A_394, %dma_wait3A_395] : memref<128x128xf32, #tpu.memory_space<vmem>> -> memref<64x128xf32, #tpu.memory_space<vmem>>
      %dma_wait3A_397 = arith.constant 0 : i32
      %dma_wait3A_398 = tpu.memref_slice %arg16[%add3A_205, %dma_wait3A_397] : memref<5184x128xf32, #tpu.memory_space<vmem_shared>> -> memref<64x128xf32, #tpu.memory_space<vmem_shared>>
      %dma_wait3A_399 = arith.constant 0 : i32
      %dma_wait3A_400 = tpu.memref_slice %arg16[%add3A_205, %dma_wait3A_399] : memref<5184x128xf32, #tpu.memory_space<vmem_shared>> -> memref<64x128xf32, #tpu.memory_space<vmem_shared>>
      %dma_wait3A_401 = arith.constant 0 : i32
      %dma_wait3A_402 = arith.constant 0 : i32
      %dma_wait3A_403 = tpu.memref_slice %arg8[%dma_wait3A_401, %dma_wait3A_402] : memref<128x128xf32, #tpu.memory_space<vmem>> -> memref<64x128xf32, #tpu.memory_space<vmem>>
      tpu.wait_dma2 semaphore(%run_scoped3A_383 : memref<!tpu.dma_semaphore, #tpu.memory_space<semaphore_mem>>) src(%dma_wait3A_403 : memref<64x128xf32, #tpu.memory_space<vmem>>) dst(%dma_wait3A_400 : memref<64x128xf32, #tpu.memory_space<vmem_shared>>)
      tpu.yield
    }) : () -> ()
    %barrier3A_206 = arith.constant 0 : index
    tpu.barrier barrier_id(%barrier3A_206)
    %dma_start3A_207 = arith.constant 1 : i32
    %dma_start3A_208 = arith.constant 0 : i32
    %dma_start3A_209 = arith.constant 0 : i32
    %dma_start3A_210 = tpu.memref_slice %arg6[%dma_start3A_208, %dma_start3A_209] : memref<80x128xi32, #tpu.memory_space<vmem>> -> memref<1x128xi32, #tpu.memory_space<vmem>>
    %dma_start3A_211 = tpu.memref_squeeze %dma_start3A_210 : memref<1x128xi32, #tpu.memory_space<vmem>> -> memref<128xi32, #tpu.memory_space<vmem>>
    %dma_start3A_212 = arith.constant 0 : i32
    %dma_start3A_213 = arith.constant 0 : i32
    %dma_start3A_214 = tpu.memref_slice %arg2[%dma_start3A_207, %dma_start3A_212, %dma_start3A_213] : memref<2x10240x128xf32, #tpu.memory_space<hbm>> -> memref<1x10240x128xf32, #tpu.memory_space<hbm>>
    %dma_start3A_215 = tpu.memref_squeeze %dma_start3A_214 : memref<1x10240x128xf32, #tpu.memory_space<hbm>> -> memref<10240x128xf32, #tpu.memory_space<hbm>>
    %dma_start3A_216 = arith.constant 0 : i32
    %dma_start3A_217 = arith.constant 0 : i32
    %dma_start3A_218 = tpu.memref_slice %dma_start3A_215[%dma_start3A_216, %dma_start3A_217] : memref<10240x128xf32, #tpu.memory_space<hbm>> -> memref<10240x128xf32, #tpu.memory_space<hbm>>
    tpu.enqueue_indirect_dma source(%dma_start3A_218 : memref<10240x128xf32, #tpu.memory_space<hbm>>) target(%arg8 : memref<128x128xf32, #tpu.memory_space<vmem>>) offsets(%dma_start3A_211 : memref<128xi32, #tpu.memory_space<vmem>>) semaphore(%arg12 : memref<!tpu.dma_semaphore, #tpu.memory_space<semaphore_mem>>)
    %dma_start3A_219 = arith.constant 1 : i32
    %dma_start3A_220 = arith.constant 1 : i32
    %dma_start3A_221 = arith.constant 0 : i32
    %dma_start3A_222 = tpu.memref_slice %arg6[%dma_start3A_220, %dma_start3A_221] : memref<80x128xi32, #tpu.memory_space<vmem>> -> memref<1x128xi32, #tpu.memory_space<vmem>>
    %dma_start3A_223 = tpu.memref_squeeze %dma_start3A_222 : memref<1x128xi32, #tpu.memory_space<vmem>> -> memref<128xi32, #tpu.memory_space<vmem>>
    %dma_start3A_224 = arith.constant 0 : i32
    %dma_start3A_225 = arith.constant 0 : i32
    %dma_start3A_226 = tpu.memref_slice %arg2[%dma_start3A_219, %dma_start3A_224, %dma_start3A_225] : memref<2x10240x128xf32, #tpu.memory_space<hbm>> -> memref<1x10240x128xf32, #tpu.memory_space<hbm>>
    %dma_start3A_227 = tpu.memref_squeeze %dma_start3A_226 : memref<1x10240x128xf32, #tpu.memory_space<hbm>> -> memref<10240x128xf32, #tpu.memory_space<hbm>>
    %dma_start3A_228 = arith.constant 0 : i32
    %dma_start3A_229 = arith.constant 0 : i32
    %dma_start3A_230 = tpu.memref_slice %dma_start3A_227[%dma_start3A_228, %dma_start3A_229] : memref<10240x128xf32, #tpu.memory_space<hbm>> -> memref<10240x128xf32, #tpu.memory_space<hbm>>
    tpu.enqueue_indirect_dma source(%dma_start3A_230 : memref<10240x128xf32, #tpu.memory_space<hbm>>) target(%arg9 : memref<128x128xf32, #tpu.memory_space<vmem>>) offsets(%dma_start3A_223 : memref<128xi32, #tpu.memory_space<vmem>>) semaphore(%arg12 : memref<!tpu.dma_semaphore, #tpu.memory_space<semaphore_mem>>)
    %dma_wait3A_231 = arith.constant 0 : i32
    %dma_wait3A_232 = arith.constant 0 : i32
    %dma_wait3A_233 = arith.constant 0 : i32
    %dma_wait3A_234 = tpu.memref_slice %arg2[%dma_wait3A_231, %dma_wait3A_232, %dma_wait3A_233] : memref<2x10240x128xf32, #tpu.memory_space<hbm>> -> memref<1x10240x128xf32, #tpu.memory_space<hbm>>
    %dma_wait3A_235 = tpu.memref_squeeze %dma_wait3A_234 : memref<1x10240x128xf32, #tpu.memory_space<hbm>> -> memref<10240x128xf32, #tpu.memory_space<hbm>>
    %dma_wait3A_236 = arith.constant 0 : i32
    %dma_wait3A_237 = arith.constant 0 : i32
    %dma_wait3A_238 = tpu.memref_slice %dma_wait3A_235[%dma_wait3A_236, %dma_wait3A_237] : memref<10240x128xf32, #tpu.memory_space<hbm>> -> memref<128x128xf32, #tpu.memory_space<hbm>>
    %dma_wait3A_239 = arith.constant 0 : i32
    %dma_wait3A_240 = arith.constant 0 : i32
    %dma_wait3A_241 = tpu.memref_slice %arg2[%dma_wait3A_231, %dma_wait3A_239, %dma_wait3A_240] : memref<2x10240x128xf32, #tpu.memory_space<hbm>> -> memref<1x10240x128xf32, #tpu.memory_space<hbm>>
    %dma_wait3A_242 = tpu.memref_squeeze %dma_wait3A_241 : memref<1x10240x128xf32, #tpu.memory_space<hbm>> -> memref<10240x128xf32, #tpu.memory_space<hbm>>
    %dma_wait3A_243 = arith.constant 0 : i32
    %dma_wait3A_244 = arith.constant 0 : i32
    %dma_wait3A_245 = tpu.memref_slice %dma_wait3A_242[%dma_wait3A_243, %dma_wait3A_244] : memref<10240x128xf32, #tpu.memory_space<hbm>> -> memref<128x128xf32, #tpu.memory_space<hbm>>
    tpu.wait_dma2 semaphore(%arg12 : memref<!tpu.dma_semaphore, #tpu.memory_space<semaphore_mem>>) src(%dma_wait3A_245 : memref<128x128xf32, #tpu.memory_space<hbm>>) dst(%arg8 : memref<128x128xf32, #tpu.memory_space<vmem>>)
    %dma_wait3A_246 = arith.constant 0 : i32
    %dma_wait3A_247 = arith.constant 0 : i32
    %dma_wait3A_248 = arith.constant 0 : i32
    %dma_wait3A_249 = tpu.memref_slice %arg2[%dma_wait3A_246, %dma_wait3A_247, %dma_wait3A_248] : memref<2x10240x128xf32, #tpu.memory_space<hbm>> -> memref<1x10240x128xf32, #tpu.memory_space<hbm>>
    %dma_wait3A_250 = tpu.memref_squeeze %dma_wait3A_249 : memref<1x10240x128xf32, #tpu.memory_space<hbm>> -> memref<10240x128xf32, #tpu.memory_space<hbm>>
    %dma_wait3A_251 = arith.constant 0 : i32
    %dma_wait3A_252 = arith.constant 0 : i32
    %dma_wait3A_253 = tpu.memref_slice %dma_wait3A_250[%dma_wait3A_251, %dma_wait3A_252] : memref<10240x128xf32, #tpu.memory_space<hbm>> -> memref<128x128xf32, #tpu.memory_space<hbm>>
    %dma_wait3A_254 = arith.constant 0 : i32
    %dma_wait3A_255 = arith.constant 0 : i32
    %dma_wait3A_256 = tpu.memref_slice %arg2[%dma_wait3A_246, %dma_wait3A_254, %dma_wait3A_255] : memref<2x10240x128xf32, #tpu.memory_space<hbm>> -> memref<1x10240x128xf32, #tpu.memory_space<hbm>>
    %dma_wait3A_257 = tpu.memref_squeeze %dma_wait3A_256 : memref<1x10240x128xf32, #tpu.memory_space<hbm>> -> memref<10240x128xf32, #tpu.memory_space<hbm>>
    %dma_wait3A_258 = arith.constant 0 : i32
    %dma_wait3A_259 = arith.constant 0 : i32
    %dma_wait3A_260 = tpu.memref_slice %dma_wait3A_257[%dma_wait3A_258, %dma_wait3A_259] : memref<10240x128xf32, #tpu.memory_space<hbm>> -> memref<128x128xf32, #tpu.memory_space<hbm>>
    tpu.wait_dma2 semaphore(%arg12 : memref<!tpu.dma_semaphore, #tpu.memory_space<semaphore_mem>>) src(%dma_wait3A_260 : memref<128x128xf32, #tpu.memory_space<hbm>>) dst(%arg9 : memref<128x128xf32, #tpu.memory_space<vmem>>)
    %dma_start3A_261 = arith.constant 0 : i32
    %dma_start3A_262 = arith.constant 0 : i32
    %dma_start3A_263 = tpu.memref_slice %arg7[%dma_start3A_261, %dma_start3A_262] : memref<80x128xi32, #tpu.memory_space<vmem>> -> memref<1x128xi32, #tpu.memory_space<vmem>>
    %dma_start3A_264 = tpu.memref_squeeze %dma_start3A_263 : memref<1x128xi32, #tpu.memory_space<vmem>> -> memref<128xi32, #tpu.memory_space<vmem>>
    %dma_start3A_265 = arith.constant 0 : i32
    %dma_start3A_266 = arith.constant 0 : i32
    %dma_start3A_267 = tpu.memref_slice %arg16[%dma_start3A_265, %dma_start3A_266] : memref<5184x128xf32, #tpu.memory_space<vmem_shared>> -> memref<5184x128xf32, #tpu.memory_space<vmem_shared>>
    tpu.enqueue_indirect_dma source(%arg8 : memref<128x128xf32, #tpu.memory_space<vmem>>) target(%dma_start3A_267 : memref<5184x128xf32, #tpu.memory_space<vmem_shared>>) offsets(%dma_start3A_264 : memref<128xi32, #tpu.memory_space<vmem>>) semaphore(%arg14 : memref<!tpu.dma_semaphore, #tpu.memory_space<semaphore_mem>>) {add = true}
    %dma_start3A_268 = arith.constant 1 : i32
    %dma_start3A_269 = arith.constant 0 : i32
    %dma_start3A_270 = tpu.memref_slice %arg7[%dma_start3A_268, %dma_start3A_269] : memref<80x128xi32, #tpu.memory_space<vmem>> -> memref<1x128xi32, #tpu.memory_space<vmem>>
    %dma_start3A_271 = tpu.memref_squeeze %dma_start3A_270 : memref<1x128xi32, #tpu.memory_space<vmem>> -> memref<128xi32, #tpu.memory_space<vmem>>
    %dma_start3A_272 = arith.constant 0 : i32
    %dma_start3A_273 = arith.constant 0 : i32
    %dma_start3A_274 = tpu.memref_slice %arg16[%dma_start3A_272, %dma_start3A_273] : memref<5184x128xf32, #tpu.memory_space<vmem_shared>> -> memref<5184x128xf32, #tpu.memory_space<vmem_shared>>
    tpu.enqueue_indirect_dma source(%arg9 : memref<128x128xf32, #tpu.memory_space<vmem>>) target(%dma_start3A_274 : memref<5184x128xf32, #tpu.memory_space<vmem_shared>>) offsets(%dma_start3A_271 : memref<128xi32, #tpu.memory_space<vmem>>) semaphore(%arg14 : memref<!tpu.dma_semaphore, #tpu.memory_space<semaphore_mem>>) {add = true}
    %dma_start3A_275 = arith.constant 1 : i32
    %dma_start3A_276 = arith.constant 2 : i32
    %dma_start3A_277 = arith.constant 0 : i32
    %dma_start3A_278 = tpu.memref_slice %arg6[%dma_start3A_276, %dma_start3A_277] : memref<80x128xi32, #tpu.memory_space<vmem>> -> memref<1x128xi32, #tpu.memory_space<vmem>>
    %dma_start3A_279 = tpu.memref_squeeze %dma_start3A_278 : memref<1x128xi32, #tpu.memory_space<vmem>> -> memref<128xi32, #tpu.memory_space<vmem>>
    %dma_start3A_280 = arith.constant 0 : i32
    %dma_start3A_281 = arith.constant 0 : i32
    %dma_start3A_282 = tpu.memref_slice %arg2[%dma_start3A_275, %dma_start3A_280, %dma_start3A_281] : memref<2x10240x128xf32, #tpu.memory_space<hbm>> -> memref<1x10240x128xf32, #tpu.memory_space<hbm>>
    %dma_start3A_283 = tpu.memref_squeeze %dma_start3A_282 : memref<1x10240x128xf32, #tpu.memory_space<hbm>> -> memref<10240x128xf32, #tpu.memory_space<hbm>>
    %dma_start3A_284 = arith.constant 0 : i32
    %dma_start3A_285 = arith.constant 0 : i32
    %dma_start3A_286 = tpu.memref_slice %dma_start3A_283[%dma_start3A_284, %dma_start3A_285] : memref<10240x128xf32, #tpu.memory_space<hbm>> -> memref<10240x128xf32, #tpu.memory_space<hbm>>
    tpu.enqueue_indirect_dma source(%dma_start3A_286 : memref<10240x128xf32, #tpu.memory_space<hbm>>) target(%arg10 : memref<128x128xf32, #tpu.memory_space<vmem>>) offsets(%dma_start3A_279 : memref<128xi32, #tpu.memory_space<vmem>>) semaphore(%arg13 : memref<!tpu.dma_semaphore, #tpu.memory_space<semaphore_mem>>)
    %dma_start3A_287 = arith.constant 1 : i32
    %dma_start3A_288 = arith.constant 3 : i32
    %dma_start3A_289 = arith.constant 0 : i32
    %dma_start3A_290 = tpu.memref_slice %arg6[%dma_start3A_288, %dma_start3A_289] : memref<80x128xi32, #tpu.memory_space<vmem>> -> memref<1x128xi32, #tpu.memory_space<vmem>>
    %dma_start3A_291 = tpu.memref_squeeze %dma_start3A_290 : memref<1x128xi32, #tpu.memory_space<vmem>> -> memref<128xi32, #tpu.memory_space<vmem>>
    %dma_start3A_292 = arith.constant 0 : i32
    %dma_start3A_293 = arith.constant 0 : i32
    %dma_start3A_294 = tpu.memref_slice %arg2[%dma_start3A_287, %dma_start3A_292, %dma_start3A_293] : memref<2x10240x128xf32, #tpu.memory_space<hbm>> -> memref<1x10240x128xf32, #tpu.memory_space<hbm>>
    %dma_start3A_295 = tpu.memref_squeeze %dma_start3A_294 : memref<1x10240x128xf32, #tpu.memory_space<hbm>> -> memref<10240x128xf32, #tpu.memory_space<hbm>>
    %dma_start3A_296 = arith.constant 0 : i32
    %dma_start3A_297 = arith.constant 0 : i32
    %dma_start3A_298 = tpu.memref_slice %dma_start3A_295[%dma_start3A_296, %dma_start3A_297] : memref<10240x128xf32, #tpu.memory_space<hbm>> -> memref<10240x128xf32, #tpu.memory_space<hbm>>
    tpu.enqueue_indirect_dma source(%dma_start3A_298 : memref<10240x128xf32, #tpu.memory_space<hbm>>) target(%arg11 : memref<128x128xf32, #tpu.memory_space<vmem>>) offsets(%dma_start3A_291 : memref<128xi32, #tpu.memory_space<vmem>>) semaphore(%arg13 : memref<!tpu.dma_semaphore, #tpu.memory_space<semaphore_mem>>)
    %scan3A_299 = arith.constant 0 : i32
    %scan3A_300 = arith.constant 19 : i32
    %scan3A_301 = arith.addi %scan3A_299, %scan3A_300 : i32
    %scan3A_302 = arith.constant 1 : i32
    scf.for %scan3A_383 = %scan3A_299 to %scan3A_301 step %scan3A_302  : i32 {
      %mul3A_384 = arith.constant 1 : i32
      %mul3A_385 = arith.muli %scan3A_383, %mul3A_384 : i32
      %add3A_386 = arith.constant 0 : i32
      %add3A_387 = arith.addi %add3A_386, %mul3A_385 : i32
      %mul3A_388 = arith.constant 2 : i32
      %mul3A_389 = arith.muli %mul3A_388, %add3A_387 : i32
      %add3A_390 = arith.constant 1 : i32
      %add3A_391 = arith.addi %mul3A_389, %add3A_390 : i32
      %dma_wait3A_392 = arith.constant 0 : i32
      %dma_wait3A_393 = arith.constant 0 : i32
      %dma_wait3A_394 = arith.constant 0 : i32
      %dma_wait3A_395 = tpu.memref_slice %arg2[%dma_wait3A_392, %dma_wait3A_393, %dma_wait3A_394] : memref<2x10240x128xf32, #tpu.memory_space<hbm>> -> memref<1x10240x128xf32, #tpu.memory_space<hbm>>
      %dma_wait3A_396 = tpu.memref_squeeze %dma_wait3A_395 : memref<1x10240x128xf32, #tpu.memory_space<hbm>> -> memref<10240x128xf32, #tpu.memory_space<hbm>>
      %dma_wait3A_397 = arith.constant 0 : i32
      %dma_wait3A_398 = arith.constant 0 : i32
      %dma_wait3A_399 = tpu.memref_slice %dma_wait3A_396[%dma_wait3A_397, %dma_wait3A_398] : memref<10240x128xf32, #tpu.memory_space<hbm>> -> memref<128x128xf32, #tpu.memory_space<hbm>>
      %dma_wait3A_400 = arith.constant 0 : i32
      %dma_wait3A_401 = arith.constant 0 : i32
      %dma_wait3A_402 = tpu.memref_slice %arg2[%dma_wait3A_392, %dma_wait3A_400, %dma_wait3A_401] : memref<2x10240x128xf32, #tpu.memory_space<hbm>> -> memref<1x10240x128xf32, #tpu.memory_space<hbm>>
      %dma_wait3A_403 = tpu.memref_squeeze %dma_wait3A_402 : memref<1x10240x128xf32, #tpu.memory_space<hbm>> -> memref<10240x128xf32, #tpu.memory_space<hbm>>
      %dma_wait3A_404 = arith.constant 0 : i32
      %dma_wait3A_405 = arith.constant 0 : i32
      %dma_wait3A_406 = tpu.memref_slice %dma_wait3A_403[%dma_wait3A_404, %dma_wait3A_405] : memref<10240x128xf32, #tpu.memory_space<hbm>> -> memref<128x128xf32, #tpu.memory_space<hbm>>
      tpu.wait_dma2 semaphore(%arg13 : memref<!tpu.dma_semaphore, #tpu.memory_space<semaphore_mem>>) src(%dma_wait3A_406 : memref<128x128xf32, #tpu.memory_space<hbm>>) dst(%arg10 : memref<128x128xf32, #tpu.memory_space<vmem>>)
      %dma_wait3A_407 = arith.constant 0 : i32
      %dma_wait3A_408 = arith.constant 0 : i32
      %dma_wait3A_409 = arith.constant 0 : i32
      %dma_wait3A_410 = tpu.memref_slice %arg2[%dma_wait3A_407, %dma_wait3A_408, %dma_wait3A_409] : memref<2x10240x128xf32, #tpu.memory_space<hbm>> -> memref<1x10240x128xf32, #tpu.memory_space<hbm>>
      %dma_wait3A_411 = tpu.memref_squeeze %dma_wait3A_410 : memref<1x10240x128xf32, #tpu.memory_space<hbm>> -> memref<10240x128xf32, #tpu.memory_space<hbm>>
      %dma_wait3A_412 = arith.constant 0 : i32
      %dma_wait3A_413 = arith.constant 0 : i32
      %dma_wait3A_414 = tpu.memref_slice %dma_wait3A_411[%dma_wait3A_412, %dma_wait3A_413] : memref<10240x128xf32, #tpu.memory_space<hbm>> -> memref<128x128xf32, #tpu.memory_space<hbm>>
      %dma_wait3A_415 = arith.constant 0 : i32
      %dma_wait3A_416 = arith.constant 0 : i32
      %dma_wait3A_417 = tpu.memref_slice %arg2[%dma_wait3A_407, %dma_wait3A_415, %dma_wait3A_416] : memref<2x10240x128xf32, #tpu.memory_space<hbm>> -> memref<1x10240x128xf32, #tpu.memory_space<hbm>>
      %dma_wait3A_418 = tpu.memref_squeeze %dma_wait3A_417 : memref<1x10240x128xf32, #tpu.memory_space<hbm>> -> memref<10240x128xf32, #tpu.memory_space<hbm>>
      %dma_wait3A_419 = arith.constant 0 : i32
      %dma_wait3A_420 = arith.constant 0 : i32
      %dma_wait3A_421 = tpu.memref_slice %dma_wait3A_418[%dma_wait3A_419, %dma_wait3A_420] : memref<10240x128xf32, #tpu.memory_space<hbm>> -> memref<128x128xf32, #tpu.memory_space<hbm>>
      tpu.wait_dma2 semaphore(%arg13 : memref<!tpu.dma_semaphore, #tpu.memory_space<semaphore_mem>>) src(%dma_wait3A_421 : memref<128x128xf32, #tpu.memory_space<hbm>>) dst(%arg11 : memref<128x128xf32, #tpu.memory_space<vmem>>)
      %mul3A_422 = arith.constant 2 : i32
      %mul3A_423 = arith.muli %add3A_391, %mul3A_422 : i32
      %add3A_424 = arith.constant 0 : i32
      %add3A_425 = arith.addi %mul3A_423, %add3A_424 : i32
      %dma_start3A_426 = arith.constant 0 : i32
      %dma_start3A_427 = tpu.memref_slice %arg7[%add3A_425, %dma_start3A_426] : memref<80x128xi32, #tpu.memory_space<vmem>> -> memref<1x128xi32, #tpu.memory_space<vmem>>
      %dma_start3A_428 = tpu.memref_squeeze %dma_start3A_427 : memref<1x128xi32, #tpu.memory_space<vmem>> -> memref<128xi32, #tpu.memory_space<vmem>>
      %dma_start3A_429 = arith.constant 0 : i32
      %dma_start3A_430 = arith.constant 0 : i32
      %dma_start3A_431 = tpu.memref_slice %arg16[%dma_start3A_429, %dma_start3A_430] : memref<5184x128xf32, #tpu.memory_space<vmem_shared>> -> memref<5184x128xf32, #tpu.memory_space<vmem_shared>>
      tpu.enqueue_indirect_dma source(%arg10 : memref<128x128xf32, #tpu.memory_space<vmem>>) target(%dma_start3A_431 : memref<5184x128xf32, #tpu.memory_space<vmem_shared>>) offsets(%dma_start3A_428 : memref<128xi32, #tpu.memory_space<vmem>>) semaphore(%arg15 : memref<!tpu.dma_semaphore, #tpu.memory_space<semaphore_mem>>) {add = true}
      %mul3A_432 = arith.constant 2 : i32
      %mul3A_433 = arith.muli %add3A_391, %mul3A_432 : i32
      %add3A_434 = arith.constant 1 : i32
      %add3A_435 = arith.addi %mul3A_433, %add3A_434 : i32
      %dma_start3A_436 = arith.constant 0 : i32
      %dma_start3A_437 = tpu.memref_slice %arg7[%add3A_435, %dma_start3A_436] : memref<80x128xi32, #tpu.memory_space<vmem>> -> memref<1x128xi32, #tpu.memory_space<vmem>>
      %dma_start3A_438 = tpu.memref_squeeze %dma_start3A_437 : memref<1x128xi32, #tpu.memory_space<vmem>> -> memref<128xi32, #tpu.memory_space<vmem>>
      %dma_start3A_439 = arith.constant 0 : i32
      %dma_start3A_440 = arith.constant 0 : i32
      %dma_start3A_441 = tpu.memref_slice %arg16[%dma_start3A_439, %dma_start3A_440] : memref<5184x128xf32, #tpu.memory_space<vmem_shared>> -> memref<5184x128xf32, #tpu.memory_space<vmem_shared>>
      tpu.enqueue_indirect_dma source(%arg11 : memref<128x128xf32, #tpu.memory_space<vmem>>) target(%dma_start3A_441 : memref<5184x128xf32, #tpu.memory_space<vmem_shared>>) offsets(%dma_start3A_438 : memref<128xi32, #tpu.memory_space<vmem>>) semaphore(%arg15 : memref<!tpu.dma_semaphore, #tpu.memory_space<semaphore_mem>>) {add = true}
      %dma_wait3A_442 = arith.constant 0 : i32
      %dma_wait3A_443 = arith.constant 0 : i32
      %dma_wait3A_444 = tpu.memref_slice %arg16[%dma_wait3A_442, %dma_wait3A_443] : memref<5184x128xf32, #tpu.memory_space<vmem_shared>> -> memref<128x128xf32, #tpu.memory_space<vmem_shared>>
      %dma_wait3A_445 = arith.constant 0 : i32
      %dma_wait3A_446 = arith.constant 0 : i32
      %dma_wait3A_447 = tpu.memref_slice %arg16[%dma_wait3A_445, %dma_wait3A_446] : memref<5184x128xf32, #tpu.memory_space<vmem_shared>> -> memref<128x128xf32, #tpu.memory_space<vmem_shared>>
      tpu.wait_dma2 semaphore(%arg14 : memref<!tpu.dma_semaphore, #tpu.memory_space<semaphore_mem>>) src(%arg8 : memref<128x128xf32, #tpu.memory_space<vmem>>) dst(%dma_wait3A_447 : memref<128x128xf32, #tpu.memory_space<vmem_shared>>)
      %dma_wait3A_448 = arith.constant 0 : i32
      %dma_wait3A_449 = arith.constant 0 : i32
      %dma_wait3A_450 = tpu.memref_slice %arg16[%dma_wait3A_448, %dma_wait3A_449] : memref<5184x128xf32, #tpu.memory_space<vmem_shared>> -> memref<128x128xf32, #tpu.memory_space<vmem_shared>>
      %dma_wait3A_451 = arith.constant 0 : i32
      %dma_wait3A_452 = arith.constant 0 : i32
      %dma_wait3A_453 = tpu.memref_slice %arg16[%dma_wait3A_451, %dma_wait3A_452] : memref<5184x128xf32, #tpu.memory_space<vmem_shared>> -> memref<128x128xf32, #tpu.memory_space<vmem_shared>>
      tpu.wait_dma2 semaphore(%arg14 : memref<!tpu.dma_semaphore, #tpu.memory_space<semaphore_mem>>) src(%arg9 : memref<128x128xf32, #tpu.memory_space<vmem>>) dst(%dma_wait3A_453 : memref<128x128xf32, #tpu.memory_space<vmem_shared>>)
      %add3A_454 = arith.constant 1 : i32
      %add3A_455 = arith.addi %add3A_391, %add3A_454 : i32
      %mul3A_456 = arith.constant 2 : i32
      %mul3A_457 = arith.muli %add3A_455, %mul3A_456 : i32
      %add3A_458 = arith.constant 0 : i32
      %add3A_459 = arith.addi %mul3A_457, %add3A_458 : i32
      %dma_start3A_460 = arith.constant 1 : i32
      %dma_start3A_461 = arith.constant 0 : i32
      %dma_start3A_462 = tpu.memref_slice %arg6[%add3A_459, %dma_start3A_461] : memref<80x128xi32, #tpu.memory_space<vmem>> -> memref<1x128xi32, #tpu.memory_space<vmem>>
      %dma_start3A_463 = tpu.memref_squeeze %dma_start3A_462 : memref<1x128xi32, #tpu.memory_space<vmem>> -> memref<128xi32, #tpu.memory_space<vmem>>
      %dma_start3A_464 = arith.constant 0 : i32
      %dma_start3A_465 = arith.constant 0 : i32
      %dma_start3A_466 = tpu.memref_slice %arg2[%dma_start3A_460, %dma_start3A_464, %dma_start3A_465] : memref<2x10240x128xf32, #tpu.memory_space<hbm>> -> memref<1x10240x128xf32, #tpu.memory_space<hbm>>
      %dma_start3A_467 = tpu.memref_squeeze %dma_start3A_466 : memref<1x10240x128xf32, #tpu.memory_space<hbm>> -> memref<10240x128xf32, #tpu.memory_space<hbm>>
      %dma_start3A_468 = arith.constant 0 : i32
      %dma_start3A_469 = arith.constant 0 : i32
      %dma_start3A_470 = tpu.memref_slice %dma_start3A_467[%dma_start3A_468, %dma_start3A_469] : memref<10240x128xf32, #tpu.memory_space<hbm>> -> memref<10240x128xf32, #tpu.memory_space<hbm>>
      tpu.enqueue_indirect_dma source(%dma_start3A_470 : memref<10240x128xf32, #tpu.memory_space<hbm>>) target(%arg8 : memref<128x128xf32, #tpu.memory_space<vmem>>) offsets(%dma_start3A_463 : memref<128xi32, #tpu.memory_space<vmem>>) semaphore(%arg12 : memref<!tpu.dma_semaphore, #tpu.memory_space<semaphore_mem>>)
      %mul3A_471 = arith.constant 2 : i32
      %mul3A_472 = arith.muli %add3A_455, %mul3A_471 : i32
      %add3A_473 = arith.constant 1 : i32
      %add3A_474 = arith.addi %mul3A_472, %add3A_473 : i32
      %dma_start3A_475 = arith.constant 1 : i32
      %dma_start3A_476 = arith.constant 0 : i32
      %dma_start3A_477 = tpu.memref_slice %arg6[%add3A_474, %dma_start3A_476] : memref<80x128xi32, #tpu.memory_space<vmem>> -> memref<1x128xi32, #tpu.memory_space<vmem>>
      %dma_start3A_478 = tpu.memref_squeeze %dma_start3A_477 : memref<1x128xi32, #tpu.memory_space<vmem>> -> memref<128xi32, #tpu.memory_space<vmem>>
      %dma_start3A_479 = arith.constant 0 : i32
      %dma_start3A_480 = arith.constant 0 : i32
      %dma_start3A_481 = tpu.memref_slice %arg2[%dma_start3A_475, %dma_start3A_479, %dma_start3A_480] : memref<2x10240x128xf32, #tpu.memory_space<hbm>> -> memref<1x10240x128xf32, #tpu.memory_space<hbm>>
      %dma_start3A_482 = tpu.memref_squeeze %dma_start3A_481 : memref<1x10240x128xf32, #tpu.memory_space<hbm>> -> memref<10240x128xf32, #tpu.memory_space<hbm>>
      %dma_start3A_483 = arith.constant 0 : i32
      %dma_start3A_484 = arith.constant 0 : i32
      %dma_start3A_485 = tpu.memref_slice %dma_start3A_482[%dma_start3A_483, %dma_start3A_484] : memref<10240x128xf32, #tpu.memory_space<hbm>> -> memref<10240x128xf32, #tpu.memory_space<hbm>>
      tpu.enqueue_indirect_dma source(%dma_start3A_485 : memref<10240x128xf32, #tpu.memory_space<hbm>>) target(%arg9 : memref<128x128xf32, #tpu.memory_space<vmem>>) offsets(%dma_start3A_478 : memref<128xi32, #tpu.memory_space<vmem>>) semaphore(%arg12 : memref<!tpu.dma_semaphore, #tpu.memory_space<semaphore_mem>>)
      %mul3A_486 = arith.constant 2 : i32
      %mul3A_487 = arith.muli %mul3A_486, %add3A_387 : i32
      %add3A_488 = arith.constant 2 : i32
      %add3A_489 = arith.addi %mul3A_487, %add3A_488 : i32
      %dma_wait3A_490 = arith.constant 0 : i32
      %dma_wait3A_491 = arith.constant 0 : i32
      %dma_wait3A_492 = arith.constant 0 : i32
      %dma_wait3A_493 = tpu.memref_slice %arg2[%dma_wait3A_490, %dma_wait3A_491, %dma_wait3A_492] : memref<2x10240x128xf32, #tpu.memory_space<hbm>> -> memref<1x10240x128xf32, #tpu.memory_space<hbm>>
      %dma_wait3A_494 = tpu.memref_squeeze %dma_wait3A_493 : memref<1x10240x128xf32, #tpu.memory_space<hbm>> -> memref<10240x128xf32, #tpu.memory_space<hbm>>
      %dma_wait3A_495 = arith.constant 0 : i32
      %dma_wait3A_496 = arith.constant 0 : i32
      %dma_wait3A_497 = tpu.memref_slice %dma_wait3A_494[%dma_wait3A_495, %dma_wait3A_496] : memref<10240x128xf32, #tpu.memory_space<hbm>> -> memref<128x128xf32, #tpu.memory_space<hbm>>
      %dma_wait3A_498 = arith.constant 0 : i32
      %dma_wait3A_499 = arith.constant 0 : i32
      %dma_wait3A_500 = tpu.memref_slice %arg2[%dma_wait3A_490, %dma_wait3A_498, %dma_wait3A_499] : memref<2x10240x128xf32, #tpu.memory_space<hbm>> -> memref<1x10240x128xf32, #tpu.memory_space<hbm>>
      %dma_wait3A_501 = tpu.memref_squeeze %dma_wait3A_500 : memref<1x10240x128xf32, #tpu.memory_space<hbm>> -> memref<10240x128xf32, #tpu.memory_space<hbm>>
      %dma_wait3A_502 = arith.constant 0 : i32
      %dma_wait3A_503 = arith.constant 0 : i32
      %dma_wait3A_504 = tpu.memref_slice %dma_wait3A_501[%dma_wait3A_502, %dma_wait3A_503] : memref<10240x128xf32, #tpu.memory_space<hbm>> -> memref<128x128xf32, #tpu.memory_space<hbm>>
      tpu.wait_dma2 semaphore(%arg12 : memref<!tpu.dma_semaphore, #tpu.memory_space<semaphore_mem>>) src(%dma_wait3A_504 : memref<128x128xf32, #tpu.memory_space<hbm>>) dst(%arg8 : memref<128x128xf32, #tpu.memory_space<vmem>>)
      %dma_wait3A_505 = arith.constant 0 : i32
      %dma_wait3A_506 = arith.constant 0 : i32
      %dma_wait3A_507 = arith.constant 0 : i32
      %dma_wait3A_508 = tpu.memref_slice %arg2[%dma_wait3A_505, %dma_wait3A_506, %dma_wait3A_507] : memref<2x10240x128xf32, #tpu.memory_space<hbm>> -> memref<1x10240x128xf32, #tpu.memory_space<hbm>>
      %dma_wait3A_509 = tpu.memref_squeeze %dma_wait3A_508 : memref<1x10240x128xf32, #tpu.memory_space<hbm>> -> memref<10240x128xf32, #tpu.memory_space<hbm>>
      %dma_wait3A_510 = arith.constant 0 : i32
      %dma_wait3A_511 = arith.constant 0 : i32
      %dma_wait3A_512 = tpu.memref_slice %dma_wait3A_509[%dma_wait3A_510, %dma_wait3A_511] : memref<10240x128xf32, #tpu.memory_space<hbm>> -> memref<128x128xf32, #tpu.memory_space<hbm>>
      %dma_wait3A_513 = arith.constant 0 : i32
      %dma_wait3A_514 = arith.constant 0 : i32
      %dma_wait3A_515 = tpu.memref_slice %arg2[%dma_wait3A_505, %dma_wait3A_513, %dma_wait3A_514] : memref<2x10240x128xf32, #tpu.memory_space<hbm>> -> memref<1x10240x128xf32, #tpu.memory_space<hbm>>
      %dma_wait3A_516 = tpu.memref_squeeze %dma_wait3A_515 : memref<1x10240x128xf32, #tpu.memory_space<hbm>> -> memref<10240x128xf32, #tpu.memory_space<hbm>>
      %dma_wait3A_517 = arith.constant 0 : i32
      %dma_wait3A_518 = arith.constant 0 : i32
      %dma_wait3A_519 = tpu.memref_slice %dma_wait3A_516[%dma_wait3A_517, %dma_wait3A_518] : memref<10240x128xf32, #tpu.memory_space<hbm>> -> memref<128x128xf32, #tpu.memory_space<hbm>>
      tpu.wait_dma2 semaphore(%arg12 : memref<!tpu.dma_semaphore, #tpu.memory_space<semaphore_mem>>) src(%dma_wait3A_519 : memref<128x128xf32, #tpu.memory_space<hbm>>) dst(%arg9 : memref<128x128xf32, #tpu.memory_space<vmem>>)
      %mul3A_520 = arith.constant 2 : i32
      %mul3A_521 = arith.muli %add3A_489, %mul3A_520 : i32
      %add3A_522 = arith.constant 0 : i32
      %add3A_523 = arith.addi %mul3A_521, %add3A_522 : i32
      %dma_start3A_524 = arith.constant 0 : i32
      %dma_start3A_525 = tpu.memref_slice %arg7[%add3A_523, %dma_start3A_524] : memref<80x128xi32, #tpu.memory_space<vmem>> -> memref<1x128xi32, #tpu.memory_space<vmem>>
      %dma_start3A_526 = tpu.memref_squeeze %dma_start3A_525 : memref<1x128xi32, #tpu.memory_space<vmem>> -> memref<128xi32, #tpu.memory_space<vmem>>
      %dma_start3A_527 = arith.constant 0 : i32
      %dma_start3A_528 = arith.constant 0 : i32
      %dma_start3A_529 = tpu.memref_slice %arg16[%dma_start3A_527, %dma_start3A_528] : memref<5184x128xf32, #tpu.memory_space<vmem_shared>> -> memref<5184x128xf32, #tpu.memory_space<vmem_shared>>
      tpu.enqueue_indirect_dma source(%arg8 : memref<128x128xf32, #tpu.memory_space<vmem>>) target(%dma_start3A_529 : memref<5184x128xf32, #tpu.memory_space<vmem_shared>>) offsets(%dma_start3A_526 : memref<128xi32, #tpu.memory_space<vmem>>) semaphore(%arg14 : memref<!tpu.dma_semaphore, #tpu.memory_space<semaphore_mem>>) {add = true}
      %mul3A_530 = arith.constant 2 : i32
      %mul3A_531 = arith.muli %add3A_489, %mul3A_530 : i32
      %add3A_532 = arith.constant 1 : i32
      %add3A_533 = arith.addi %mul3A_531, %add3A_532 : i32
      %dma_start3A_534 = arith.constant 0 : i32
      %dma_start3A_535 = tpu.memref_slice %arg7[%add3A_533, %dma_start3A_534] : memref<80x128xi32, #tpu.memory_space<vmem>> -> memref<1x128xi32, #tpu.memory_space<vmem>>
      %dma_start3A_536 = tpu.memref_squeeze %dma_start3A_535 : memref<1x128xi32, #tpu.memory_space<vmem>> -> memref<128xi32, #tpu.memory_space<vmem>>
      %dma_start3A_537 = arith.constant 0 : i32
      %dma_start3A_538 = arith.constant 0 : i32
      %dma_start3A_539 = tpu.memref_slice %arg16[%dma_start3A_537, %dma_start3A_538] : memref<5184x128xf32, #tpu.memory_space<vmem_shared>> -> memref<5184x128xf32, #tpu.memory_space<vmem_shared>>
      tpu.enqueue_indirect_dma source(%arg9 : memref<128x128xf32, #tpu.memory_space<vmem>>) target(%dma_start3A_539 : memref<5184x128xf32, #tpu.memory_space<vmem_shared>>) offsets(%dma_start3A_536 : memref<128xi32, #tpu.memory_space<vmem>>) semaphore(%arg14 : memref<!tpu.dma_semaphore, #tpu.memory_space<semaphore_mem>>) {add = true}
      %dma_wait3A_540 = arith.constant 0 : i32
      %dma_wait3A_541 = arith.constant 0 : i32
      %dma_wait3A_542 = tpu.memref_slice %arg16[%dma_wait3A_540, %dma_wait3A_541] : memref<5184x128xf32, #tpu.memory_space<vmem_shared>> -> memref<128x128xf32, #tpu.memory_space<vmem_shared>>
      %dma_wait3A_543 = arith.constant 0 : i32
      %dma_wait3A_544 = arith.constant 0 : i32
      %dma_wait3A_545 = tpu.memref_slice %arg16[%dma_wait3A_543, %dma_wait3A_544] : memref<5184x128xf32, #tpu.memory_space<vmem_shared>> -> memref<128x128xf32, #tpu.memory_space<vmem_shared>>
      tpu.wait_dma2 semaphore(%arg15 : memref<!tpu.dma_semaphore, #tpu.memory_space<semaphore_mem>>) src(%arg10 : memref<128x128xf32, #tpu.memory_space<vmem>>) dst(%dma_wait3A_545 : memref<128x128xf32, #tpu.memory_space<vmem_shared>>)
      %dma_wait3A_546 = arith.constant 0 : i32
      %dma_wait3A_547 = arith.constant 0 : i32
      %dma_wait3A_548 = tpu.memref_slice %arg16[%dma_wait3A_546, %dma_wait3A_547] : memref<5184x128xf32, #tpu.memory_space<vmem_shared>> -> memref<128x128xf32, #tpu.memory_space<vmem_shared>>
      %dma_wait3A_549 = arith.constant 0 : i32
      %dma_wait3A_550 = arith.constant 0 : i32
      %dma_wait3A_551 = tpu.memref_slice %arg16[%dma_wait3A_549, %dma_wait3A_550] : memref<5184x128xf32, #tpu.memory_space<vmem_shared>> -> memref<128x128xf32, #tpu.memory_space<vmem_shared>>
      tpu.wait_dma2 semaphore(%arg15 : memref<!tpu.dma_semaphore, #tpu.memory_space<semaphore_mem>>) src(%arg11 : memref<128x128xf32, #tpu.memory_space<vmem>>) dst(%dma_wait3A_551 : memref<128x128xf32, #tpu.memory_space<vmem_shared>>)
      %add3A_552 = arith.constant 1 : i32
      %add3A_553 = arith.addi %add3A_489, %add3A_552 : i32
      %mul3A_554 = arith.constant 2 : i32
      %mul3A_555 = arith.muli %add3A_553, %mul3A_554 : i32
      %add3A_556 = arith.constant 0 : i32
      %add3A_557 = arith.addi %mul3A_555, %add3A_556 : i32
      %dma_start3A_558 = arith.constant 1 : i32
      %dma_start3A_559 = arith.constant 0 : i32
      %dma_start3A_560 = tpu.memref_slice %arg6[%add3A_557, %dma_start3A_559] : memref<80x128xi32, #tpu.memory_space<vmem>> -> memref<1x128xi32, #tpu.memory_space<vmem>>
      %dma_start3A_561 = tpu.memref_squeeze %dma_start3A_560 : memref<1x128xi32, #tpu.memory_space<vmem>> -> memref<128xi32, #tpu.memory_space<vmem>>
      %dma_start3A_562 = arith.constant 0 : i32
      %dma_start3A_563 = arith.constant 0 : i32
      %dma_start3A_564 = tpu.memref_slice %arg2[%dma_start3A_558, %dma_start3A_562, %dma_start3A_563] : memref<2x10240x128xf32, #tpu.memory_space<hbm>> -> memref<1x10240x128xf32, #tpu.memory_space<hbm>>
      %dma_start3A_565 = tpu.memref_squeeze %dma_start3A_564 : memref<1x10240x128xf32, #tpu.memory_space<hbm>> -> memref<10240x128xf32, #tpu.memory_space<hbm>>
      %dma_start3A_566 = arith.constant 0 : i32
      %dma_start3A_567 = arith.constant 0 : i32
      %dma_start3A_568 = tpu.memref_slice %dma_start3A_565[%dma_start3A_566, %dma_start3A_567] : memref<10240x128xf32, #tpu.memory_space<hbm>> -> memref<10240x128xf32, #tpu.memory_space<hbm>>
      tpu.enqueue_indirect_dma source(%dma_start3A_568 : memref<10240x128xf32, #tpu.memory_space<hbm>>) target(%arg10 : memref<128x128xf32, #tpu.memory_space<vmem>>) offsets(%dma_start3A_561 : memref<128xi32, #tpu.memory_space<vmem>>) semaphore(%arg13 : memref<!tpu.dma_semaphore, #tpu.memory_space<semaphore_mem>>)
      %mul3A_569 = arith.constant 2 : i32
      %mul3A_570 = arith.muli %add3A_553, %mul3A_569 : i32
      %add3A_571 = arith.constant 1 : i32
      %add3A_572 = arith.addi %mul3A_570, %add3A_571 : i32
      %dma_start3A_573 = arith.constant 1 : i32
      %dma_start3A_574 = arith.constant 0 : i32
      %dma_start3A_575 = tpu.memref_slice %arg6[%add3A_572, %dma_start3A_574] : memref<80x128xi32, #tpu.memory_space<vmem>> -> memref<1x128xi32, #tpu.memory_space<vmem>>
      %dma_start3A_576 = tpu.memref_squeeze %dma_start3A_575 : memref<1x128xi32, #tpu.memory_space<vmem>> -> memref<128xi32, #tpu.memory_space<vmem>>
      %dma_start3A_577 = arith.constant 0 : i32
      %dma_start3A_578 = arith.constant 0 : i32
      %dma_start3A_579 = tpu.memref_slice %arg2[%dma_start3A_573, %dma_start3A_577, %dma_start3A_578] : memref<2x10240x128xf32, #tpu.memory_space<hbm>> -> memref<1x10240x128xf32, #tpu.memory_space<hbm>>
      %dma_start3A_580 = tpu.memref_squeeze %dma_start3A_579 : memref<1x10240x128xf32, #tpu.memory_space<hbm>> -> memref<10240x128xf32, #tpu.memory_space<hbm>>
      %dma_start3A_581 = arith.constant 0 : i32
      %dma_start3A_582 = arith.constant 0 : i32
      %dma_start3A_583 = tpu.memref_slice %dma_start3A_580[%dma_start3A_581, %dma_start3A_582] : memref<10240x128xf32, #tpu.memory_space<hbm>> -> memref<10240x128xf32, #tpu.memory_space<hbm>>
      tpu.enqueue_indirect_dma source(%dma_start3A_583 : memref<10240x128xf32, #tpu.memory_space<hbm>>) target(%arg11 : memref<128x128xf32, #tpu.memory_space<vmem>>) offsets(%dma_start3A_576 : memref<128xi32, #tpu.memory_space<vmem>>) semaphore(%arg13 : memref<!tpu.dma_semaphore, #tpu.memory_space<semaphore_mem>>)
    }
    %scan3A_303 = arith.constant 19 : i32
    %dma_wait3A_304 = arith.constant 0 : i32
    %dma_wait3A_305 = arith.constant 0 : i32
    %dma_wait3A_306 = arith.constant 0 : i32
    %dma_wait3A_307 = tpu.memref_slice %arg2[%dma_wait3A_304, %dma_wait3A_305, %dma_wait3A_306] : memref<2x10240x128xf32, #tpu.memory_space<hbm>> -> memref<1x10240x128xf32, #tpu.memory_space<hbm>>
    %dma_wait3A_308 = tpu.memref_squeeze %dma_wait3A_307 : memref<1x10240x128xf32, #tpu.memory_space<hbm>> -> memref<10240x128xf32, #tpu.memory_space<hbm>>
    %dma_wait3A_309 = arith.constant 0 : i32
    %dma_wait3A_310 = arith.constant 0 : i32
    %dma_wait3A_311 = tpu.memref_slice %dma_wait3A_308[%dma_wait3A_309, %dma_wait3A_310] : memref<10240x128xf32, #tpu.memory_space<hbm>> -> memref<128x128xf32, #tpu.memory_space<hbm>>
    %dma_wait3A_312 = arith.constant 0 : i32
    %dma_wait3A_313 = arith.constant 0 : i32
    %dma_wait3A_314 = tpu.memref_slice %arg2[%dma_wait3A_304, %dma_wait3A_312, %dma_wait3A_313] : memref<2x10240x128xf32, #tpu.memory_space<hbm>> -> memref<1x10240x128xf32, #tpu.memory_space<hbm>>
    %dma_wait3A_315 = tpu.memref_squeeze %dma_wait3A_314 : memref<1x10240x128xf32, #tpu.memory_space<hbm>> -> memref<10240x128xf32, #tpu.memory_space<hbm>>
    %dma_wait3A_316 = arith.constant 0 : i32
    %dma_wait3A_317 = arith.constant 0 : i32
    %dma_wait3A_318 = tpu.memref_slice %dma_wait3A_315[%dma_wait3A_316, %dma_wait3A_317] : memref<10240x128xf32, #tpu.memory_space<hbm>> -> memref<128x128xf32, #tpu.memory_space<hbm>>
    tpu.wait_dma2 semaphore(%arg13 : memref<!tpu.dma_semaphore, #tpu.memory_space<semaphore_mem>>) src(%dma_wait3A_318 : memref<128x128xf32, #tpu.memory_space<hbm>>) dst(%arg10 : memref<128x128xf32, #tpu.memory_space<vmem>>)
    %dma_wait3A_319 = arith.constant 0 : i32
    %dma_wait3A_320 = arith.constant 0 : i32
    %dma_wait3A_321 = arith.constant 0 : i32
    %dma_wait3A_322 = tpu.memref_slice %arg2[%dma_wait3A_319, %dma_wait3A_320, %dma_wait3A_321] : memref<2x10240x128xf32, #tpu.memory_space<hbm>> -> memref<1x10240x128xf32, #tpu.memory_space<hbm>>
    %dma_wait3A_323 = tpu.memref_squeeze %dma_wait3A_322 : memref<1x10240x128xf32, #tpu.memory_space<hbm>> -> memref<10240x128xf32, #tpu.memory_space<hbm>>
    %dma_wait3A_324 = arith.constant 0 : i32
    %dma_wait3A_325 = arith.constant 0 : i32
    %dma_wait3A_326 = tpu.memref_slice %dma_wait3A_323[%dma_wait3A_324, %dma_wait3A_325] : memref<10240x128xf32, #tpu.memory_space<hbm>> -> memref<128x128xf32, #tpu.memory_space<hbm>>
    %dma_wait3A_327 = arith.constant 0 : i32
    %dma_wait3A_328 = arith.constant 0 : i32
    %dma_wait3A_329 = tpu.memref_slice %arg2[%dma_wait3A_319, %dma_wait3A_327, %dma_wait3A_328] : memref<2x10240x128xf32, #tpu.memory_space<hbm>> -> memref<1x10240x128xf32, #tpu.memory_space<hbm>>
    %dma_wait3A_330 = tpu.memref_squeeze %dma_wait3A_329 : memref<1x10240x128xf32, #tpu.memory_space<hbm>> -> memref<10240x128xf32, #tpu.memory_space<hbm>>
    %dma_wait3A_331 = arith.constant 0 : i32
    %dma_wait3A_332 = arith.constant 0 : i32
    %dma_wait3A_333 = tpu.memref_slice %dma_wait3A_330[%dma_wait3A_331, %dma_wait3A_332] : memref<10240x128xf32, #tpu.memory_space<hbm>> -> memref<128x128xf32, #tpu.memory_space<hbm>>
    tpu.wait_dma2 semaphore(%arg13 : memref<!tpu.dma_semaphore, #tpu.memory_space<semaphore_mem>>) src(%dma_wait3A_333 : memref<128x128xf32, #tpu.memory_space<hbm>>) dst(%arg11 : memref<128x128xf32, #tpu.memory_space<vmem>>)
    %dma_start3A_334 = arith.constant 78 : i32
    %dma_start3A_335 = arith.constant 0 : i32
    %dma_start3A_336 = tpu.memref_slice %arg7[%dma_start3A_334, %dma_start3A_335] : memref<80x128xi32, #tpu.memory_space<vmem>> -> memref<1x128xi32, #tpu.memory_space<vmem>>
    %dma_start3A_337 = tpu.memref_squeeze %dma_start3A_336 : memref<1x128xi32, #tpu.memory_space<vmem>> -> memref<128xi32, #tpu.memory_space<vmem>>
    %dma_start3A_338 = arith.constant 0 : i32
    %dma_start3A_339 = arith.constant 0 : i32
    %dma_start3A_340 = tpu.memref_slice %arg16[%dma_start3A_338, %dma_start3A_339] : memref<5184x128xf32, #tpu.memory_space<vmem_shared>> -> memref<5184x128xf32, #tpu.memory_space<vmem_shared>>
    tpu.enqueue_indirect_dma source(%arg10 : memref<128x128xf32, #tpu.memory_space<vmem>>) target(%dma_start3A_340 : memref<5184x128xf32, #tpu.memory_space<vmem_shared>>) offsets(%dma_start3A_337 : memref<128xi32, #tpu.memory_space<vmem>>) semaphore(%arg15 : memref<!tpu.dma_semaphore, #tpu.memory_space<semaphore_mem>>) {add = true}
    %dma_start3A_341 = arith.constant 79 : i32
    %dma_start3A_342 = arith.constant 0 : i32
    %dma_start3A_343 = tpu.memref_slice %arg7[%dma_start3A_341, %dma_start3A_342] : memref<80x128xi32, #tpu.memory_space<vmem>> -> memref<1x128xi32, #tpu.memory_space<vmem>>
    %dma_start3A_344 = tpu.memref_squeeze %dma_start3A_343 : memref<1x128xi32, #tpu.memory_space<vmem>> -> memref<128xi32, #tpu.memory_space<vmem>>
    %dma_start3A_345 = arith.constant 0 : i32
    %dma_start3A_346 = arith.constant 0 : i32
    %dma_start3A_347 = tpu.memref_slice %arg16[%dma_start3A_345, %dma_start3A_346] : memref<5184x128xf32, #tpu.memory_space<vmem_shared>> -> memref<5184x128xf32, #tpu.memory_space<vmem_shared>>
    tpu.enqueue_indirect_dma source(%arg11 : memref<128x128xf32, #tpu.memory_space<vmem>>) target(%dma_start3A_347 : memref<5184x128xf32, #tpu.memory_space<vmem_shared>>) offsets(%dma_start3A_344 : memref<128xi32, #tpu.memory_space<vmem>>) semaphore(%arg15 : memref<!tpu.dma_semaphore, #tpu.memory_space<semaphore_mem>>) {add = true}
    %dma_wait3A_348 = arith.constant 0 : i32
    %dma_wait3A_349 = arith.constant 0 : i32
    %dma_wait3A_350 = tpu.memref_slice %arg16[%dma_wait3A_348, %dma_wait3A_349] : memref<5184x128xf32, #tpu.memory_space<vmem_shared>> -> memref<128x128xf32, #tpu.memory_space<vmem_shared>>
    %dma_wait3A_351 = arith.constant 0 : i32
    %dma_wait3A_352 = arith.constant 0 : i32
    %dma_wait3A_353 = tpu.memref_slice %arg16[%dma_wait3A_351, %dma_wait3A_352] : memref<5184x128xf32, #tpu.memory_space<vmem_shared>> -> memref<128x128xf32, #tpu.memory_space<vmem_shared>>
    tpu.wait_dma2 semaphore(%arg14 : memref<!tpu.dma_semaphore, #tpu.memory_space<semaphore_mem>>) src(%arg8 : memref<128x128xf32, #tpu.memory_space<vmem>>) dst(%dma_wait3A_353 : memref<128x128xf32, #tpu.memory_space<vmem_shared>>)
    %dma_wait3A_354 = arith.constant 0 : i32
    %dma_wait3A_355 = arith.constant 0 : i32
    %dma_wait3A_356 = tpu.memref_slice %arg16[%dma_wait3A_354, %dma_wait3A_355] : memref<5184x128xf32, #tpu.memory_space<vmem_shared>> -> memref<128x128xf32, #tpu.memory_space<vmem_shared>>
    %dma_wait3A_357 = arith.constant 0 : i32
    %dma_wait3A_358 = arith.constant 0 : i32
    %dma_wait3A_359 = tpu.memref_slice %arg16[%dma_wait3A_357, %dma_wait3A_358] : memref<5184x128xf32, #tpu.memory_space<vmem_shared>> -> memref<128x128xf32, #tpu.memory_space<vmem_shared>>
    tpu.wait_dma2 semaphore(%arg14 : memref<!tpu.dma_semaphore, #tpu.memory_space<semaphore_mem>>) src(%arg9 : memref<128x128xf32, #tpu.memory_space<vmem>>) dst(%dma_wait3A_359 : memref<128x128xf32, #tpu.memory_space<vmem_shared>>)
    %dma_wait3A_360 = arith.constant 0 : i32
    %dma_wait3A_361 = arith.constant 0 : i32
    %dma_wait3A_362 = tpu.memref_slice %arg16[%dma_wait3A_360, %dma_wait3A_361] : memref<5184x128xf32, #tpu.memory_space<vmem_shared>> -> memref<128x128xf32, #tpu.memory_space<vmem_shared>>
    %dma_wait3A_363 = arith.constant 0 : i32
    %dma_wait3A_364 = arith.constant 0 : i32
    %dma_wait3A_365 = tpu.memref_slice %arg16[%dma_wait3A_363, %dma_wait3A_364] : memref<5184x128xf32, #tpu.memory_space<vmem_shared>> -> memref<128x128xf32, #tpu.memory_space<vmem_shared>>
    tpu.wait_dma2 semaphore(%arg15 : memref<!tpu.dma_semaphore, #tpu.memory_space<semaphore_mem>>) src(%arg10 : memref<128x128xf32, #tpu.memory_space<vmem>>) dst(%dma_wait3A_365 : memref<128x128xf32, #tpu.memory_space<vmem_shared>>)
    %dma_wait3A_366 = arith.constant 0 : i32
    %dma_wait3A_367 = arith.constant 0 : i32
    %dma_wait3A_368 = tpu.memref_slice %arg16[%dma_wait3A_366, %dma_wait3A_367] : memref<5184x128xf32, #tpu.memory_space<vmem_shared>> -> memref<128x128xf32, #tpu.memory_space<vmem_shared>>
    %dma_wait3A_369 = arith.constant 0 : i32
    %dma_wait3A_370 = arith.constant 0 : i32
    %dma_wait3A_371 = tpu.memref_slice %arg16[%dma_wait3A_369, %dma_wait3A_370] : memref<5184x128xf32, #tpu.memory_space<vmem_shared>> -> memref<128x128xf32, #tpu.memory_space<vmem_shared>>
    tpu.wait_dma2 semaphore(%arg15 : memref<!tpu.dma_semaphore, #tpu.memory_space<semaphore_mem>>) src(%arg11 : memref<128x128xf32, #tpu.memory_space<vmem>>) dst(%dma_wait3A_371 : memref<128x128xf32, #tpu.memory_space<vmem_shared>>)
    %barrier3A_372 = arith.constant 0 : index
    tpu.barrier barrier_id(%barrier3A_372)
    %mul3A_373 = arith.constant 320 : i32
    %mul3A_374 = arith.muli %arg1, %mul3A_373 : i32
    %add3A_375 = arith.constant 0 : i32
    %add3A_376 = arith.addi %add3A_375, %arg0 : i32
    %mul3A_377 = arith.constant 5120 : i32
    %mul3A_378 = arith.muli %add3A_376, %mul3A_377 : i32
    %mul3A_379 = arith.constant 320 : i32
    %mul3A_380 = arith.muli %arg1, %mul3A_379 : i32
    %add3A_381 = arith.addi %mul3A_378, %mul3A_380 : i32
    %run_scoped3A_382 = arith.constant 1 : i32
    "tpu.region"() ({
      %run_scoped3A_383 = tpu.sem_alloc : memref<!tpu.dma_semaphore, #tpu.memory_space<semaphore_mem>>
      %dma_start3A_384 = arith.constant 0 : i32
      %dma_start3A_385 = tpu.memref_slice %arg5[%run_scoped3A_382, %add3A_381, %dma_start3A_384] : memref<2x10240x128xf32, #tpu.memory_space<hbm>> -> memref<1x320x128xf32, #tpu.memory_space<hbm>>
      %dma_start3A_386 = tpu.memref_squeeze %dma_start3A_385 : memref<1x320x128xf32, #tpu.memory_space<hbm>> -> memref<320x128xf32, #tpu.memory_space<hbm>>
      %dma_start3A_387 = arith.constant 0 : i32
      %dma_start3A_388 = tpu.memref_slice %arg16[%mul3A_374, %dma_start3A_387] : memref<5184x128xf32, #tpu.memory_space<vmem_shared>> -> memref<320x128xf32, #tpu.memory_space<vmem_shared>>
      tpu.enqueue_dma source(%dma_start3A_388 : memref<320x128xf32, #tpu.memory_space<vmem_shared>>) target(%dma_start3A_386 : memref<320x128xf32, #tpu.memory_space<hbm>>) target_semaphore(%run_scoped3A_383 : memref<!tpu.dma_semaphore, #tpu.memory_space<semaphore_mem>>)
      %dma_wait3A_389 = arith.constant 0 : i32
      %dma_wait3A_390 = tpu.memref_slice %arg5[%run_scoped3A_382, %add3A_381, %dma_wait3A_389] : memref<2x10240x128xf32, #tpu.memory_space<hbm>> -> memref<1x320x128xf32, #tpu.memory_space<hbm>>
      %dma_wait3A_391 = tpu.memref_squeeze %dma_wait3A_390 : memref<1x320x128xf32, #tpu.memory_space<hbm>> -> memref<320x128xf32, #tpu.memory_space<hbm>>
      %dma_wait3A_392 = arith.constant 0 : i32
      %dma_wait3A_393 = tpu.memref_slice %arg16[%mul3A_374, %dma_wait3A_392] : memref<5184x128xf32, #tpu.memory_space<vmem_shared>> -> memref<320x128xf32, #tpu.memory_space<vmem_shared>>
      tpu.wait_dma2 semaphore(%run_scoped3A_383 : memref<!tpu.dma_semaphore, #tpu.memory_space<semaphore_mem>>) src(%dma_wait3A_393 : memref<320x128xf32, #tpu.memory_space<vmem_shared>>) dst(%dma_wait3A_391 : memref<320x128xf32, #tpu.memory_space<hbm>>)
      tpu.yield
    }) : () -> ()
    return
  }
}

#map = affine_map<(d0, d1) -> (0, 0, 0)>
#map1 = affine_map<(d0, d1) -> (0, 0, 0, 0, 0)>
module attributes {stable_mosaic.version = 14 : i64} {
  func.func @prop_kernel(%arg0: i32, %arg1: i32, %arg2: memref<1x10240x128xf32, #tpu.memory_space<hbm>>, %arg3: memref<16x80x128xi32, #tpu.memory_space<hbm>>, %arg4: memref<1x2x16x80x128xi32, #tpu.memory_space<hbm>>, %arg5: memref<1x10240x128xf32, #tpu.memory_space<hbm>>, %arg6: memref<80x128xi32, #tpu.memory_space<vmem>>, %arg7: memref<80x128xi32, #tpu.memory_space<vmem>>, %arg8: memref<128x128xf32, #tpu.memory_space<vmem>>, %arg9: memref<128x128xf32, #tpu.memory_space<vmem>>, %arg10: memref<128x128xf32, #tpu.memory_space<vmem>>, %arg11: memref<128x128xf32, #tpu.memory_space<vmem>>, %arg12: memref<!tpu.dma_semaphore, #tpu.memory_space<semaphore_mem>>, %arg13: memref<!tpu.dma_semaphore, #tpu.memory_space<semaphore_mem>>, %arg14: memref<!tpu.dma_semaphore, #tpu.memory_space<semaphore_mem>>, %arg15: memref<!tpu.dma_semaphore, #tpu.memory_space<semaphore_mem>>, %arg16: memref<5184x128xf32, #tpu.memory_space<vmem_shared>>) attributes {dimension_semantics = [#tpu.dimension_semantics<core_parallel>, #tpu.dimension_semantics<subcore_parallel>], iteration_bounds = array<i64: 2, 16>, scalar_prefetch = 0 : i64, scratch_operands = 11 : i64, tpu.core_type = #tpu.core_type<sc_vector_subcore>, window_params = [{transform_indices = #map}, {transform_indices = #map}, {transform_indices = #map1}, {transform_indices = #map}]} {
    "tpu.region"() ({
      %run_scoped3A_188 = tpu.sem_alloc : memref<!tpu.dma_semaphore, #tpu.memory_space<semaphore_mem>>
      %dma_start3A_189 = arith.constant 0 : i32
      %dma_start3A_190 = arith.constant 0 : i32
      %dma_start3A_191 = tpu.memref_slice %arg3[%arg1, %dma_start3A_189, %dma_start3A_190] : memref<16x80x128xi32, #tpu.memory_space<hbm>> -> memref<1x80x128xi32, #tpu.memory_space<hbm>>
      %dma_start3A_192 = tpu.memref_squeeze %dma_start3A_191 : memref<1x80x128xi32, #tpu.memory_space<hbm>> -> memref<80x128xi32, #tpu.memory_space<hbm>>
      %dma_start3A_193 = arith.constant 0 : i32
      %dma_start3A_194 = arith.constant 0 : i32
      %dma_start3A_195 = tpu.memref_slice %arg3[%arg1, %dma_start3A_193, %dma_start3A_194] : memref<16x80x128xi32, #tpu.memory_space<hbm>> -> memref<1x80x128xi32, #tpu.memory_space<hbm>>
      %dma_start3A_196 = tpu.memref_squeeze %dma_start3A_195 : memref<1x80x128xi32, #tpu.memory_space<hbm>> -> memref<80x128xi32, #tpu.memory_space<hbm>>
      tpu.enqueue_dma source(%dma_start3A_196 : memref<80x128xi32, #tpu.memory_space<hbm>>) target(%arg6 : memref<80x128xi32, #tpu.memory_space<vmem>>) target_semaphore(%run_scoped3A_188 : memref<!tpu.dma_semaphore, #tpu.memory_space<semaphore_mem>>)
      %dma_wait3A_197 = arith.constant 0 : i32
      %dma_wait3A_198 = arith.constant 0 : i32
      %dma_wait3A_199 = tpu.memref_slice %arg3[%arg1, %dma_wait3A_197, %dma_wait3A_198] : memref<16x80x128xi32, #tpu.memory_space<hbm>> -> memref<1x80x128xi32, #tpu.memory_space<hbm>>
      %dma_wait3A_200 = tpu.memref_squeeze %dma_wait3A_199 : memref<1x80x128xi32, #tpu.memory_space<hbm>> -> memref<80x128xi32, #tpu.memory_space<hbm>>
      %dma_wait3A_201 = arith.constant 0 : i32
      %dma_wait3A_202 = arith.constant 0 : i32
      %dma_wait3A_203 = tpu.memref_slice %arg3[%arg1, %dma_wait3A_201, %dma_wait3A_202] : memref<16x80x128xi32, #tpu.memory_space<hbm>> -> memref<1x80x128xi32, #tpu.memory_space<hbm>>
      %dma_wait3A_204 = tpu.memref_squeeze %dma_wait3A_203 : memref<1x80x128xi32, #tpu.memory_space<hbm>> -> memref<80x128xi32, #tpu.memory_space<hbm>>
      tpu.wait_dma2 semaphore(%run_scoped3A_188 : memref<!tpu.dma_semaphore, #tpu.memory_space<semaphore_mem>>) src(%dma_wait3A_204 : memref<80x128xi32, #tpu.memory_space<hbm>>) dst(%arg6 : memref<80x128xi32, #tpu.memory_space<vmem>>)
      tpu.yield
    }) : () -> ()
    %run_scoped3A = arith.constant 0 : i32
    "tpu.region"() ({
      %run_scoped3A_188 = tpu.sem_alloc : memref<!tpu.dma_semaphore, #tpu.memory_space<semaphore_mem>>
      %dma_start3A_189 = arith.constant 0 : i32
      %dma_start3A_190 = arith.constant 0 : i32
      %dma_start3A_191 = tpu.memref_slice %arg4[%run_scoped3A, %arg0, %arg1, %dma_start3A_189, %dma_start3A_190] : memref<1x2x16x80x128xi32, #tpu.memory_space<hbm>> -> memref<1x1x1x80x128xi32, #tpu.memory_space<hbm>>
      %dma_start3A_192 = tpu.memref_squeeze %dma_start3A_191 : memref<1x1x1x80x128xi32, #tpu.memory_space<hbm>> -> memref<80x128xi32, #tpu.memory_space<hbm>>
      %dma_start3A_193 = arith.constant 0 : i32
      %dma_start3A_194 = arith.constant 0 : i32
      %dma_start3A_195 = tpu.memref_slice %arg4[%run_scoped3A, %arg0, %arg1, %dma_start3A_193, %dma_start3A_194] : memref<1x2x16x80x128xi32, #tpu.memory_space<hbm>> -> memref<1x1x1x80x128xi32, #tpu.memory_space<hbm>>
      %dma_start3A_196 = tpu.memref_squeeze %dma_start3A_195 : memref<1x1x1x80x128xi32, #tpu.memory_space<hbm>> -> memref<80x128xi32, #tpu.memory_space<hbm>>
      tpu.enqueue_dma source(%dma_start3A_196 : memref<80x128xi32, #tpu.memory_space<hbm>>) target(%arg7 : memref<80x128xi32, #tpu.memory_space<vmem>>) target_semaphore(%run_scoped3A_188 : memref<!tpu.dma_semaphore, #tpu.memory_space<semaphore_mem>>)
      %dma_wait3A_197 = arith.constant 0 : i32
      %dma_wait3A_198 = arith.constant 0 : i32
      %dma_wait3A_199 = tpu.memref_slice %arg4[%run_scoped3A, %arg0, %arg1, %dma_wait3A_197, %dma_wait3A_198] : memref<1x2x16x80x128xi32, #tpu.memory_space<hbm>> -> memref<1x1x1x80x128xi32, #tpu.memory_space<hbm>>
      %dma_wait3A_200 = tpu.memref_squeeze %dma_wait3A_199 : memref<1x1x1x80x128xi32, #tpu.memory_space<hbm>> -> memref<80x128xi32, #tpu.memory_space<hbm>>
      %dma_wait3A_201 = arith.constant 0 : i32
      %dma_wait3A_202 = arith.constant 0 : i32
      %dma_wait3A_203 = tpu.memref_slice %arg4[%run_scoped3A, %arg0, %arg1, %dma_wait3A_201, %dma_wait3A_202] : memref<1x2x16x80x128xi32, #tpu.memory_space<hbm>> -> memref<1x1x1x80x128xi32, #tpu.memory_space<hbm>>
      %dma_wait3A_204 = tpu.memref_squeeze %dma_wait3A_203 : memref<1x1x1x80x128xi32, #tpu.memory_space<hbm>> -> memref<80x128xi32, #tpu.memory_space<hbm>>
      tpu.wait_dma2 semaphore(%run_scoped3A_188 : memref<!tpu.dma_semaphore, #tpu.memory_space<semaphore_mem>>) src(%dma_wait3A_204 : memref<80x128xi32, #tpu.memory_space<hbm>>) dst(%arg7 : memref<80x128xi32, #tpu.memory_space<vmem>>)
      tpu.yield
    }) : () -> ()
    %scan3A = arith.constant 0 : i32
    %scan3A_0 = arith.constant 128 : i32
    %scan3A_1 = arith.addi %scan3A, %scan3A_0 : i32
    %scan3A_2 = arith.constant 1 : i32
    scf.for %scan3A_188 = %scan3A to %scan3A_1 step %scan3A_2  : i32 {
      %mul3A_189 = arith.constant 1 : i32
      %mul3A_190 = arith.muli %scan3A_188, %mul3A_189 : i32
      %add3A_191 = arith.constant 0 : i32
      %add3A_192 = arith.addi %add3A_191, %mul3A_190 : i32
      %broadcast_in_dim3A = arith.constant 0.000000e+00 : f32
      %broadcast_in_dim3A_193 = vector.broadcast %broadcast_in_dim3A : f32 to vector<16xf32>
      %swap3A = arith.index_cast %add3A_192 : i32 to index
      %swap3A_194 = arith.constant 0 : index
      %swap3A_195 = tpu.vector_load %arg8[%swap3A, %swap3A_194] {strides = array<i32>} : memref<128x128xf32, #tpu.memory_space<vmem>>, vector<1x16xf32>,
      %swap3A_196 = vector.shape_cast %swap3A_195 : vector<1x16xf32> to vector<16xf32>
      %swap3A_197 = vector.shape_cast %broadcast_in_dim3A_193 : vector<16xf32> to vector<1x16xf32>
      tpu.vector_store %arg8[%swap3A, %swap3A_194], %swap3A_197 {strides = array<i32>} : memref<128x128xf32, #tpu.memory_space<vmem>>, vector<1x16xf32>,
      %broadcast_in_dim3A_198 = arith.constant 0.000000e+00 : f32
      %broadcast_in_dim3A_199 = vector.broadcast %broadcast_in_dim3A_198 : f32 to vector<16xf32>
      %swap3A_200 = arith.index_cast %add3A_192 : i32 to index
      %swap3A_201 = arith.constant 16 : index
      %swap3A_202 = tpu.vector_load %arg8[%swap3A_200, %swap3A_201] {strides = array<i32>} : memref<128x128xf32, #tpu.memory_space<vmem>>, vector<1x16xf32>,
      %swap3A_203 = vector.shape_cast %swap3A_202 : vector<1x16xf32> to vector<16xf32>
      %swap3A_204 = vector.shape_cast %broadcast_in_dim3A_199 : vector<16xf32> to vector<1x16xf32>
      tpu.vector_store %arg8[%swap3A_200, %swap3A_201], %swap3A_204 {strides = array<i32>} : memref<128x128xf32, #tpu.memory_space<vmem>>, vector<1x16xf32>,
      %broadcast_in_dim3A_205 = arith.constant 0.000000e+00 : f32
      %broadcast_in_dim3A_206 = vector.broadcast %broadcast_in_dim3A_205 : f32 to vector<16xf32>
      %swap3A_207 = arith.index_cast %add3A_192 : i32 to index
      %swap3A_208 = arith.constant 32 : index
      %swap3A_209 = tpu.vector_load %arg8[%swap3A_207, %swap3A_208] {strides = array<i32>} : memref<128x128xf32, #tpu.memory_space<vmem>>, vector<1x16xf32>,
      %swap3A_210 = vector.shape_cast %swap3A_209 : vector<1x16xf32> to vector<16xf32>
      %swap3A_211 = vector.shape_cast %broadcast_in_dim3A_206 : vector<16xf32> to vector<1x16xf32>
      tpu.vector_store %arg8[%swap3A_207, %swap3A_208], %swap3A_211 {strides = array<i32>} : memref<128x128xf32, #tpu.memory_space<vmem>>, vector<1x16xf32>,
      %broadcast_in_dim3A_212 = arith.constant 0.000000e+00 : f32
      %broadcast_in_dim3A_213 = vector.broadcast %broadcast_in_dim3A_212 : f32 to vector<16xf32>
      %swap3A_214 = arith.index_cast %add3A_192 : i32 to index
      %swap3A_215 = arith.constant 48 : index
      %swap3A_216 = tpu.vector_load %arg8[%swap3A_214, %swap3A_215] {strides = array<i32>} : memref<128x128xf32, #tpu.memory_space<vmem>>, vector<1x16xf32>,
      %swap3A_217 = vector.shape_cast %swap3A_216 : vector<1x16xf32> to vector<16xf32>
      %swap3A_218 = vector.shape_cast %broadcast_in_dim3A_213 : vector<16xf32> to vector<1x16xf32>
      tpu.vector_store %arg8[%swap3A_214, %swap3A_215], %swap3A_218 {strides = array<i32>} : memref<128x128xf32, #tpu.memory_space<vmem>>, vector<1x16xf32>,
      %broadcast_in_dim3A_219 = arith.constant 0.000000e+00 : f32
      %broadcast_in_dim3A_220 = vector.broadcast %broadcast_in_dim3A_219 : f32 to vector<16xf32>
      %swap3A_221 = arith.index_cast %add3A_192 : i32 to index
      %swap3A_222 = arith.constant 64 : index
      %swap3A_223 = tpu.vector_load %arg8[%swap3A_221, %swap3A_222] {strides = array<i32>} : memref<128x128xf32, #tpu.memory_space<vmem>>, vector<1x16xf32>,
      %swap3A_224 = vector.shape_cast %swap3A_223 : vector<1x16xf32> to vector<16xf32>
      %swap3A_225 = vector.shape_cast %broadcast_in_dim3A_220 : vector<16xf32> to vector<1x16xf32>
      tpu.vector_store %arg8[%swap3A_221, %swap3A_222], %swap3A_225 {strides = array<i32>} : memref<128x128xf32, #tpu.memory_space<vmem>>, vector<1x16xf32>,
      %broadcast_in_dim3A_226 = arith.constant 0.000000e+00 : f32
      %broadcast_in_dim3A_227 = vector.broadcast %broadcast_in_dim3A_226 : f32 to vector<16xf32>
      %swap3A_228 = arith.index_cast %add3A_192 : i32 to index
      %swap3A_229 = arith.constant 80 : index
      %swap3A_230 = tpu.vector_load %arg8[%swap3A_228, %swap3A_229] {strides = array<i32>} : memref<128x128xf32, #tpu.memory_space<vmem>>, vector<1x16xf32>,
      %swap3A_231 = vector.shape_cast %swap3A_230 : vector<1x16xf32> to vector<16xf32>
      %swap3A_232 = vector.shape_cast %broadcast_in_dim3A_227 : vector<16xf32> to vector<1x16xf32>
      tpu.vector_store %arg8[%swap3A_228, %swap3A_229], %swap3A_232 {strides = array<i32>} : memref<128x128xf32, #tpu.memory_space<vmem>>, vector<1x16xf32>,
      %broadcast_in_dim3A_233 = arith.constant 0.000000e+00 : f32
      %broadcast_in_dim3A_234 = vector.broadcast %broadcast_in_dim3A_233 : f32 to vector<16xf32>
      %swap3A_235 = arith.index_cast %add3A_192 : i32 to index
      %swap3A_236 = arith.constant 96 : index
      %swap3A_237 = tpu.vector_load %arg8[%swap3A_235, %swap3A_236] {strides = array<i32>} : memref<128x128xf32, #tpu.memory_space<vmem>>, vector<1x16xf32>,
      %swap3A_238 = vector.shape_cast %swap3A_237 : vector<1x16xf32> to vector<16xf32>
      %swap3A_239 = vector.shape_cast %broadcast_in_dim3A_234 : vector<16xf32> to vector<1x16xf32>
      tpu.vector_store %arg8[%swap3A_235, %swap3A_236], %swap3A_239 {strides = array<i32>} : memref<128x128xf32, #tpu.memory_space<vmem>>, vector<1x16xf32>,
      %broadcast_in_dim3A_240 = arith.constant 0.000000e+00 : f32
      %broadcast_in_dim3A_241 = vector.broadcast %broadcast_in_dim3A_240 : f32 to vector<16xf32>
      %swap3A_242 = arith.index_cast %add3A_192 : i32 to index
      %swap3A_243 = arith.constant 112 : index
      %swap3A_244 = tpu.vector_load %arg8[%swap3A_242, %swap3A_243] {strides = array<i32>} : memref<128x128xf32, #tpu.memory_space<vmem>>, vector<1x16xf32>,
      %swap3A_245 = vector.shape_cast %swap3A_244 : vector<1x16xf32> to vector<16xf32>
      %swap3A_246 = vector.shape_cast %broadcast_in_dim3A_241 : vector<16xf32> to vector<1x16xf32>
      tpu.vector_store %arg8[%swap3A_242, %swap3A_243], %swap3A_246 {strides = array<i32>} : memref<128x128xf32, #tpu.memory_space<vmem>>, vector<1x16xf32>,
    }
    %scan3A_3 = arith.constant 128 : i32
    %mul3A = arith.constant 320 : i32
    %mul3A_4 = arith.muli %arg1, %mul3A : i32
    %add3A = arith.constant 0 : i32
    %add3A_5 = arith.addi %mul3A_4, %add3A : i32
    "tpu.region"() ({
      %run_scoped3A_188 = tpu.sem_alloc : memref<!tpu.dma_semaphore, #tpu.memory_space<semaphore_mem>>
      %dma_start3A_189 = arith.constant 0 : i32
      %dma_start3A_190 = tpu.memref_slice %arg16[%add3A_5, %dma_start3A_189] : memref<5184x128xf32, #tpu.memory_space<vmem_shared>> -> memref<128x128xf32, #tpu.memory_space<vmem_shared>>
      %dma_start3A_191 = arith.constant 0 : i32
      %dma_start3A_192 = tpu.memref_slice %arg16[%add3A_5, %dma_start3A_191] : memref<5184x128xf32, #tpu.memory_space<vmem_shared>> -> memref<128x128xf32, #tpu.memory_space<vmem_shared>>
      tpu.enqueue_dma source(%arg8 : memref<128x128xf32, #tpu.memory_space<vmem>>) target(%dma_start3A_192 : memref<128x128xf32, #tpu.memory_space<vmem_shared>>) target_semaphore(%run_scoped3A_188 : memref<!tpu.dma_semaphore, #tpu.memory_space<semaphore_mem>>)
      %dma_wait3A_193 = arith.constant 0 : i32
      %dma_wait3A_194 = tpu.memref_slice %arg16[%add3A_5, %dma_wait3A_193] : memref<5184x128xf32, #tpu.memory_space<vmem_shared>> -> memref<128x128xf32, #tpu.memory_space<vmem_shared>>
      %dma_wait3A_195 = arith.constant 0 : i32
      %dma_wait3A_196 = tpu.memref_slice %arg16[%add3A_5, %dma_wait3A_195] : memref<5184x128xf32, #tpu.memory_space<vmem_shared>> -> memref<128x128xf32, #tpu.memory_space<vmem_shared>>
      tpu.wait_dma2 semaphore(%run_scoped3A_188 : memref<!tpu.dma_semaphore, #tpu.memory_space<semaphore_mem>>) src(%arg8 : memref<128x128xf32, #tpu.memory_space<vmem>>) dst(%dma_wait3A_196 : memref<128x128xf32, #tpu.memory_space<vmem_shared>>)
      tpu.yield
    }) : () -> ()
    %mul3A_6 = arith.constant 320 : i32
    %mul3A_7 = arith.muli %arg1, %mul3A_6 : i32
    %add3A_8 = arith.constant 128 : i32
    %add3A_9 = arith.addi %mul3A_7, %add3A_8 : i32
    "tpu.region"() ({
      %run_scoped3A_188 = tpu.sem_alloc : memref<!tpu.dma_semaphore, #tpu.memory_space<semaphore_mem>>
      %dma_start3A_189 = arith.constant 0 : i32
      %dma_start3A_190 = tpu.memref_slice %arg16[%add3A_9, %dma_start3A_189] : memref<5184x128xf32, #tpu.memory_space<vmem_shared>> -> memref<128x128xf32, #tpu.memory_space<vmem_shared>>
      %dma_start3A_191 = arith.constant 0 : i32
      %dma_start3A_192 = tpu.memref_slice %arg16[%add3A_9, %dma_start3A_191] : memref<5184x128xf32, #tpu.memory_space<vmem_shared>> -> memref<128x128xf32, #tpu.memory_space<vmem_shared>>
      tpu.enqueue_dma source(%arg8 : memref<128x128xf32, #tpu.memory_space<vmem>>) target(%dma_start3A_192 : memref<128x128xf32, #tpu.memory_space<vmem_shared>>) target_semaphore(%run_scoped3A_188 : memref<!tpu.dma_semaphore, #tpu.memory_space<semaphore_mem>>)
      %dma_wait3A_193 = arith.constant 0 : i32
      %dma_wait3A_194 = tpu.memref_slice %arg16[%add3A_9, %dma_wait3A_193] : memref<5184x128xf32, #tpu.memory_space<vmem_shared>> -> memref<128x128xf32, #tpu.memory_space<vmem_shared>>
      %dma_wait3A_195 = arith.constant 0 : i32
      %dma_wait3A_196 = tpu.memref_slice %arg16[%add3A_9, %dma_wait3A_195] : memref<5184x128xf32, #tpu.memory_space<vmem_shared>> -> memref<128x128xf32, #tpu.memory_space<vmem_shared>>
      tpu.wait_dma2 semaphore(%run_scoped3A_188 : memref<!tpu.dma_semaphore, #tpu.memory_space<semaphore_mem>>) src(%arg8 : memref<128x128xf32, #tpu.memory_space<vmem>>) dst(%dma_wait3A_196 : memref<128x128xf32, #tpu.memory_space<vmem_shared>>)
      tpu.yield
    }) : () -> ()
    %mul3A_10 = arith.constant 320 : i32
    %mul3A_11 = arith.muli %arg1, %mul3A_10 : i32
    %add3A_12 = arith.constant 256 : i32
    %add3A_13 = arith.addi %mul3A_11, %add3A_12 : i32
    "tpu.region"() ({
      %run_scoped3A_188 = tpu.sem_alloc : memref<!tpu.dma_semaphore, #tpu.memory_space<semaphore_mem>>
      %dma_start3A_189 = arith.constant 0 : i32
      %dma_start3A_190 = arith.constant 0 : i32
      %dma_start3A_191 = tpu.memref_slice %arg8[%dma_start3A_189, %dma_start3A_190] : memref<128x128xf32, #tpu.memory_space<vmem>> -> memref<64x128xf32, #tpu.memory_space<vmem>>
      %dma_start3A_192 = arith.constant 0 : i32
      %dma_start3A_193 = tpu.memref_slice %arg16[%add3A_13, %dma_start3A_192] : memref<5184x128xf32, #tpu.memory_space<vmem_shared>> -> memref<64x128xf32, #tpu.memory_space<vmem_shared>>
      %dma_start3A_194 = arith.constant 0 : i32
      %dma_start3A_195 = tpu.memref_slice %arg16[%add3A_13, %dma_start3A_194] : memref<5184x128xf32, #tpu.memory_space<vmem_shared>> -> memref<64x128xf32, #tpu.memory_space<vmem_shared>>
      %dma_start3A_196 = arith.constant 0 : i32
      %dma_start3A_197 = arith.constant 0 : i32
      %dma_start3A_198 = tpu.memref_slice %arg8[%dma_start3A_196, %dma_start3A_197] : memref<128x128xf32, #tpu.memory_space<vmem>> -> memref<64x128xf32, #tpu.memory_space<vmem>>
      tpu.enqueue_dma source(%dma_start3A_198 : memref<64x128xf32, #tpu.memory_space<vmem>>) target(%dma_start3A_195 : memref<64x128xf32, #tpu.memory_space<vmem_shared>>) target_semaphore(%run_scoped3A_188 : memref<!tpu.dma_semaphore, #tpu.memory_space<semaphore_mem>>)
      %dma_wait3A_199 = arith.constant 0 : i32
      %dma_wait3A_200 = arith.constant 0 : i32
      %dma_wait3A_201 = tpu.memref_slice %arg8[%dma_wait3A_199, %dma_wait3A_200] : memref<128x128xf32, #tpu.memory_space<vmem>> -> memref<64x128xf32, #tpu.memory_space<vmem>>
      %dma_wait3A_202 = arith.constant 0 : i32
      %dma_wait3A_203 = tpu.memref_slice %arg16[%add3A_13, %dma_wait3A_202] : memref<5184x128xf32, #tpu.memory_space<vmem_shared>> -> memref<64x128xf32, #tpu.memory_space<vmem_shared>>
      %dma_wait3A_204 = arith.constant 0 : i32
      %dma_wait3A_205 = tpu.memref_slice %arg16[%add3A_13, %dma_wait3A_204] : memref<5184x128xf32, #tpu.memory_space<vmem_shared>> -> memref<64x128xf32, #tpu.memory_space<vmem_shared>>
      %dma_wait3A_206 = arith.constant 0 : i32
      %dma_wait3A_207 = arith.constant 0 : i32
      %dma_wait3A_208 = tpu.memref_slice %arg8[%dma_wait3A_206, %dma_wait3A_207] : memref<128x128xf32, #tpu.memory_space<vmem>> -> memref<64x128xf32, #tpu.memory_space<vmem>>
      tpu.wait_dma2 semaphore(%run_scoped3A_188 : memref<!tpu.dma_semaphore, #tpu.memory_space<semaphore_mem>>) src(%dma_wait3A_208 : memref<64x128xf32, #tpu.memory_space<vmem>>) dst(%dma_wait3A_205 : memref<64x128xf32, #tpu.memory_space<vmem_shared>>)
      tpu.yield
    }) : () -> ()
    %barrier3A = arith.constant 0 : index
    tpu.barrier barrier_id(%barrier3A)
    %dma_start3A = arith.constant 0 : i32
    %dma_start3A_14 = arith.constant 0 : i32
    %dma_start3A_15 = arith.constant 0 : i32
    %dma_start3A_16 = tpu.memref_slice %arg6[%dma_start3A_14, %dma_start3A_15] : memref<80x128xi32, #tpu.memory_space<vmem>> -> memref<1x128xi32, #tpu.memory_space<vmem>>
    %dma_start3A_17 = tpu.memref_squeeze %dma_start3A_16 : memref<1x128xi32, #tpu.memory_space<vmem>> -> memref<128xi32, #tpu.memory_space<vmem>>
    %dma_start3A_18 = arith.constant 0 : i32
    %dma_start3A_19 = arith.constant 0 : i32
    %dma_start3A_20 = tpu.memref_slice %arg2[%dma_start3A, %dma_start3A_18, %dma_start3A_19] : memref<1x10240x128xf32, #tpu.memory_space<hbm>> -> memref<1x10240x128xf32, #tpu.memory_space<hbm>>
    %dma_start3A_21 = tpu.memref_squeeze %dma_start3A_20 : memref<1x10240x128xf32, #tpu.memory_space<hbm>> -> memref<10240x128xf32, #tpu.memory_space<hbm>>
    %dma_start3A_22 = arith.constant 0 : i32
    %dma_start3A_23 = arith.constant 0 : i32
    %dma_start3A_24 = tpu.memref_slice %dma_start3A_21[%dma_start3A_22, %dma_start3A_23] : memref<10240x128xf32, #tpu.memory_space<hbm>> -> memref<10240x128xf32, #tpu.memory_space<hbm>>
    tpu.enqueue_indirect_dma source(%dma_start3A_24 : memref<10240x128xf32, #tpu.memory_space<hbm>>) target(%arg8 : memref<128x128xf32, #tpu.memory_space<vmem>>) offsets(%dma_start3A_17 : memref<128xi32, #tpu.memory_space<vmem>>) semaphore(%arg12 : memref<!tpu.dma_semaphore, #tpu.memory_space<semaphore_mem>>)
    %dma_start3A_25 = arith.constant 0 : i32
    %dma_start3A_26 = arith.constant 1 : i32
    %dma_start3A_27 = arith.constant 0 : i32
    %dma_start3A_28 = tpu.memref_slice %arg6[%dma_start3A_26, %dma_start3A_27] : memref<80x128xi32, #tpu.memory_space<vmem>> -> memref<1x128xi32, #tpu.memory_space<vmem>>
    %dma_start3A_29 = tpu.memref_squeeze %dma_start3A_28 : memref<1x128xi32, #tpu.memory_space<vmem>> -> memref<128xi32, #tpu.memory_space<vmem>>
    %dma_start3A_30 = arith.constant 0 : i32
    %dma_start3A_31 = arith.constant 0 : i32
    %dma_start3A_32 = tpu.memref_slice %arg2[%dma_start3A_25, %dma_start3A_30, %dma_start3A_31] : memref<1x10240x128xf32, #tpu.memory_space<hbm>> -> memref<1x10240x128xf32, #tpu.memory_space<hbm>>
    %dma_start3A_33 = tpu.memref_squeeze %dma_start3A_32 : memref<1x10240x128xf32, #tpu.memory_space<hbm>> -> memref<10240x128xf32, #tpu.memory_space<hbm>>
    %dma_start3A_34 = arith.constant 0 : i32
    %dma_start3A_35 = arith.constant 0 : i32
    %dma_start3A_36 = tpu.memref_slice %dma_start3A_33[%dma_start3A_34, %dma_start3A_35] : memref<10240x128xf32, #tpu.memory_space<hbm>> -> memref<10240x128xf32, #tpu.memory_space<hbm>>
    tpu.enqueue_indirect_dma source(%dma_start3A_36 : memref<10240x128xf32, #tpu.memory_space<hbm>>) target(%arg9 : memref<128x128xf32, #tpu.memory_space<vmem>>) offsets(%dma_start3A_29 : memref<128xi32, #tpu.memory_space<vmem>>) semaphore(%arg12 : memref<!tpu.dma_semaphore, #tpu.memory_space<semaphore_mem>>)
    %dma_wait3A = arith.constant 0 : i32
    %dma_wait3A_37 = arith.constant 0 : i32
    %dma_wait3A_38 = arith.constant 0 : i32
    %dma_wait3A_39 = tpu.memref_slice %arg2[%dma_wait3A, %dma_wait3A_37, %dma_wait3A_38] : memref<1x10240x128xf32, #tpu.memory_space<hbm>> -> memref<1x10240x128xf32, #tpu.memory_space<hbm>>
    %dma_wait3A_40 = tpu.memref_squeeze %dma_wait3A_39 : memref<1x10240x128xf32, #tpu.memory_space<hbm>> -> memref<10240x128xf32, #tpu.memory_space<hbm>>
    %dma_wait3A_41 = arith.constant 0 : i32
    %dma_wait3A_42 = arith.constant 0 : i32
    %dma_wait3A_43 = tpu.memref_slice %dma_wait3A_40[%dma_wait3A_41, %dma_wait3A_42] : memref<10240x128xf32, #tpu.memory_space<hbm>> -> memref<128x128xf32, #tpu.memory_space<hbm>>
    %dma_wait3A_44 = arith.constant 0 : i32
    %dma_wait3A_45 = arith.constant 0 : i32
    %dma_wait3A_46 = tpu.memref_slice %arg2[%dma_wait3A, %dma_wait3A_44, %dma_wait3A_45] : memref<1x10240x128xf32, #tpu.memory_space<hbm>> -> memref<1x10240x128xf32, #tpu.memory_space<hbm>>
    %dma_wait3A_47 = tpu.memref_squeeze %dma_wait3A_46 : memref<1x10240x128xf32, #tpu.memory_space<hbm>> -> memref<10240x128xf32, #tpu.memory_space<hbm>>
    %dma_wait3A_48 = arith.constant 0 : i32
    %dma_wait3A_49 = arith.constant 0 : i32
    %dma_wait3A_50 = tpu.memref_slice %dma_wait3A_47[%dma_wait3A_48, %dma_wait3A_49] : memref<10240x128xf32, #tpu.memory_space<hbm>> -> memref<128x128xf32, #tpu.memory_space<hbm>>
    tpu.wait_dma2 semaphore(%arg12 : memref<!tpu.dma_semaphore, #tpu.memory_space<semaphore_mem>>) src(%dma_wait3A_50 : memref<128x128xf32, #tpu.memory_space<hbm>>) dst(%arg8 : memref<128x128xf32, #tpu.memory_space<vmem>>)
    %dma_wait3A_51 = arith.constant 0 : i32
    %dma_wait3A_52 = arith.constant 0 : i32
    %dma_wait3A_53 = arith.constant 0 : i32
    %dma_wait3A_54 = tpu.memref_slice %arg2[%dma_wait3A_51, %dma_wait3A_52, %dma_wait3A_53] : memref<1x10240x128xf32, #tpu.memory_space<hbm>> -> memref<1x10240x128xf32, #tpu.memory_space<hbm>>
    %dma_wait3A_55 = tpu.memref_squeeze %dma_wait3A_54 : memref<1x10240x128xf32, #tpu.memory_space<hbm>> -> memref<10240x128xf32, #tpu.memory_space<hbm>>
    %dma_wait3A_56 = arith.constant 0 : i32
    %dma_wait3A_57 = arith.constant 0 : i32
    %dma_wait3A_58 = tpu.memref_slice %dma_wait3A_55[%dma_wait3A_56, %dma_wait3A_57] : memref<10240x128xf32, #tpu.memory_space<hbm>> -> memref<128x128xf32, #tpu.memory_space<hbm>>
    %dma_wait3A_59 = arith.constant 0 : i32
    %dma_wait3A_60 = arith.constant 0 : i32
    %dma_wait3A_61 = tpu.memref_slice %arg2[%dma_wait3A_51, %dma_wait3A_59, %dma_wait3A_60] : memref<1x10240x128xf32, #tpu.memory_space<hbm>> -> memref<1x10240x128xf32, #tpu.memory_space<hbm>>
    %dma_wait3A_62 = tpu.memref_squeeze %dma_wait3A_61 : memref<1x10240x128xf32, #tpu.memory_space<hbm>> -> memref<10240x128xf32, #tpu.memory_space<hbm>>
    %dma_wait3A_63 = arith.constant 0 : i32
    %dma_wait3A_64 = arith.constant 0 : i32
    %dma_wait3A_65 = tpu.memref_slice %dma_wait3A_62[%dma_wait3A_63, %dma_wait3A_64] : memref<10240x128xf32, #tpu.memory_space<hbm>> -> memref<128x128xf32, #tpu.memory_space<hbm>>
    tpu.wait_dma2 semaphore(%arg12 : memref<!tpu.dma_semaphore, #tpu.memory_space<semaphore_mem>>) src(%dma_wait3A_65 : memref<128x128xf32, #tpu.memory_space<hbm>>) dst(%arg9 : memref<128x128xf32, #tpu.memory_space<vmem>>)
    %dma_start3A_66 = arith.constant 0 : i32
    %dma_start3A_67 = arith.constant 0 : i32
    %dma_start3A_68 = tpu.memref_slice %arg7[%dma_start3A_66, %dma_start3A_67] : memref<80x128xi32, #tpu.memory_space<vmem>> -> memref<1x128xi32, #tpu.memory_space<vmem>>
    %dma_start3A_69 = tpu.memref_squeeze %dma_start3A_68 : memref<1x128xi32, #tpu.memory_space<vmem>> -> memref<128xi32, #tpu.memory_space<vmem>>
    %dma_start3A_70 = arith.constant 0 : i32
    %dma_start3A_71 = arith.constant 0 : i32
    %dma_start3A_72 = tpu.memref_slice %arg16[%dma_start3A_70, %dma_start3A_71] : memref<5184x128xf32, #tpu.memory_space<vmem_shared>> -> memref<5184x128xf32, #tpu.memory_space<vmem_shared>>
    tpu.enqueue_indirect_dma source(%arg8 : memref<128x128xf32, #tpu.memory_space<vmem>>) target(%dma_start3A_72 : memref<5184x128xf32, #tpu.memory_space<vmem_shared>>) offsets(%dma_start3A_69 : memref<128xi32, #tpu.memory_space<vmem>>) semaphore(%arg14 : memref<!tpu.dma_semaphore, #tpu.memory_space<semaphore_mem>>) {add = true}
    %dma_start3A_73 = arith.constant 1 : i32
    %dma_start3A_74 = arith.constant 0 : i32
    %dma_start3A_75 = tpu.memref_slice %arg7[%dma_start3A_73, %dma_start3A_74] : memref<80x128xi32, #tpu.memory_space<vmem>> -> memref<1x128xi32, #tpu.memory_space<vmem>>
    %dma_start3A_76 = tpu.memref_squeeze %dma_start3A_75 : memref<1x128xi32, #tpu.memory_space<vmem>> -> memref<128xi32, #tpu.memory_space<vmem>>
    %dma_start3A_77 = arith.constant 0 : i32
    %dma_start3A_78 = arith.constant 0 : i32
    %dma_start3A_79 = tpu.memref_slice %arg16[%dma_start3A_77, %dma_start3A_78] : memref<5184x128xf32, #tpu.memory_space<vmem_shared>> -> memref<5184x128xf32, #tpu.memory_space<vmem_shared>>
    tpu.enqueue_indirect_dma source(%arg9 : memref<128x128xf32, #tpu.memory_space<vmem>>) target(%dma_start3A_79 : memref<5184x128xf32, #tpu.memory_space<vmem_shared>>) offsets(%dma_start3A_76 : memref<128xi32, #tpu.memory_space<vmem>>) semaphore(%arg14 : memref<!tpu.dma_semaphore, #tpu.memory_space<semaphore_mem>>) {add = true}
    %dma_start3A_80 = arith.constant 0 : i32
    %dma_start3A_81 = arith.constant 2 : i32
    %dma_start3A_82 = arith.constant 0 : i32
    %dma_start3A_83 = tpu.memref_slice %arg6[%dma_start3A_81, %dma_start3A_82] : memref<80x128xi32, #tpu.memory_space<vmem>> -> memref<1x128xi32, #tpu.memory_space<vmem>>
    %dma_start3A_84 = tpu.memref_squeeze %dma_start3A_83 : memref<1x128xi32, #tpu.memory_space<vmem>> -> memref<128xi32, #tpu.memory_space<vmem>>
    %dma_start3A_85 = arith.constant 0 : i32
    %dma_start3A_86 = arith.constant 0 : i32
    %dma_start3A_87 = tpu.memref_slice %arg2[%dma_start3A_80, %dma_start3A_85, %dma_start3A_86] : memref<1x10240x128xf32, #tpu.memory_space<hbm>> -> memref<1x10240x128xf32, #tpu.memory_space<hbm>>
    %dma_start3A_88 = tpu.memref_squeeze %dma_start3A_87 : memref<1x10240x128xf32, #tpu.memory_space<hbm>> -> memref<10240x128xf32, #tpu.memory_space<hbm>>
    %dma_start3A_89 = arith.constant 0 : i32
    %dma_start3A_90 = arith.constant 0 : i32
    %dma_start3A_91 = tpu.memref_slice %dma_start3A_88[%dma_start3A_89, %dma_start3A_90] : memref<10240x128xf32, #tpu.memory_space<hbm>> -> memref<10240x128xf32, #tpu.memory_space<hbm>>
    tpu.enqueue_indirect_dma source(%dma_start3A_91 : memref<10240x128xf32, #tpu.memory_space<hbm>>) target(%arg10 : memref<128x128xf32, #tpu.memory_space<vmem>>) offsets(%dma_start3A_84 : memref<128xi32, #tpu.memory_space<vmem>>) semaphore(%arg13 : memref<!tpu.dma_semaphore, #tpu.memory_space<semaphore_mem>>)
    %dma_start3A_92 = arith.constant 0 : i32
    %dma_start3A_93 = arith.constant 3 : i32
    %dma_start3A_94 = arith.constant 0 : i32
    %dma_start3A_95 = tpu.memref_slice %arg6[%dma_start3A_93, %dma_start3A_94] : memref<80x128xi32, #tpu.memory_space<vmem>> -> memref<1x128xi32, #tpu.memory_space<vmem>>
    %dma_start3A_96 = tpu.memref_squeeze %dma_start3A_95 : memref<1x128xi32, #tpu.memory_space<vmem>> -> memref<128xi32, #tpu.memory_space<vmem>>
    %dma_start3A_97 = arith.constant 0 : i32
    %dma_start3A_98 = arith.constant 0 : i32
    %dma_start3A_99 = tpu.memref_slice %arg2[%dma_start3A_92, %dma_start3A_97, %dma_start3A_98] : memref<1x10240x128xf32, #tpu.memory_space<hbm>> -> memref<1x10240x128xf32, #tpu.memory_space<hbm>>
    %dma_start3A_100 = tpu.memref_squeeze %dma_start3A_99 : memref<1x10240x128xf32, #tpu.memory_space<hbm>> -> memref<10240x128xf32, #tpu.memory_space<hbm>>
    %dma_start3A_101 = arith.constant 0 : i32
    %dma_start3A_102 = arith.constant 0 : i32
    %dma_start3A_103 = tpu.memref_slice %dma_start3A_100[%dma_start3A_101, %dma_start3A_102] : memref<10240x128xf32, #tpu.memory_space<hbm>> -> memref<10240x128xf32, #tpu.memory_space<hbm>>
    tpu.enqueue_indirect_dma source(%dma_start3A_103 : memref<10240x128xf32, #tpu.memory_space<hbm>>) target(%arg11 : memref<128x128xf32, #tpu.memory_space<vmem>>) offsets(%dma_start3A_96 : memref<128xi32, #tpu.memory_space<vmem>>) semaphore(%arg13 : memref<!tpu.dma_semaphore, #tpu.memory_space<semaphore_mem>>)
    %scan3A_104 = arith.constant 0 : i32
    %scan3A_105 = arith.constant 19 : i32
    %scan3A_106 = arith.addi %scan3A_104, %scan3A_105 : i32
    %scan3A_107 = arith.constant 1 : i32
    scf.for %scan3A_188 = %scan3A_104 to %scan3A_106 step %scan3A_107  : i32 {
      %mul3A_189 = arith.constant 1 : i32
      %mul3A_190 = arith.muli %scan3A_188, %mul3A_189 : i32
      %add3A_191 = arith.constant 0 : i32
      %add3A_192 = arith.addi %add3A_191, %mul3A_190 : i32
      %mul3A_193 = arith.constant 2 : i32
      %mul3A_194 = arith.muli %mul3A_193, %add3A_192 : i32
      %add3A_195 = arith.constant 1 : i32
      %add3A_196 = arith.addi %mul3A_194, %add3A_195 : i32
      %dma_wait3A_197 = arith.constant 0 : i32
      %dma_wait3A_198 = arith.constant 0 : i32
      %dma_wait3A_199 = arith.constant 0 : i32
      %dma_wait3A_200 = tpu.memref_slice %arg2[%dma_wait3A_197, %dma_wait3A_198, %dma_wait3A_199] : memref<1x10240x128xf32, #tpu.memory_space<hbm>> -> memref<1x10240x128xf32, #tpu.memory_space<hbm>>
      %dma_wait3A_201 = tpu.memref_squeeze %dma_wait3A_200 : memref<1x10240x128xf32, #tpu.memory_space<hbm>> -> memref<10240x128xf32, #tpu.memory_space<hbm>>
      %dma_wait3A_202 = arith.constant 0 : i32
      %dma_wait3A_203 = arith.constant 0 : i32
      %dma_wait3A_204 = tpu.memref_slice %dma_wait3A_201[%dma_wait3A_202, %dma_wait3A_203] : memref<10240x128xf32, #tpu.memory_space<hbm>> -> memref<128x128xf32, #tpu.memory_space<hbm>>
      %dma_wait3A_205 = arith.constant 0 : i32
      %dma_wait3A_206 = arith.constant 0 : i32
      %dma_wait3A_207 = tpu.memref_slice %arg2[%dma_wait3A_197, %dma_wait3A_205, %dma_wait3A_206] : memref<1x10240x128xf32, #tpu.memory_space<hbm>> -> memref<1x10240x128xf32, #tpu.memory_space<hbm>>
      %dma_wait3A_208 = tpu.memref_squeeze %dma_wait3A_207 : memref<1x10240x128xf32, #tpu.memory_space<hbm>> -> memref<10240x128xf32, #tpu.memory_space<hbm>>
      %dma_wait3A_209 = arith.constant 0 : i32
      %dma_wait3A_210 = arith.constant 0 : i32
      %dma_wait3A_211 = tpu.memref_slice %dma_wait3A_208[%dma_wait3A_209, %dma_wait3A_210] : memref<10240x128xf32, #tpu.memory_space<hbm>> -> memref<128x128xf32, #tpu.memory_space<hbm>>
      tpu.wait_dma2 semaphore(%arg13 : memref<!tpu.dma_semaphore, #tpu.memory_space<semaphore_mem>>) src(%dma_wait3A_211 : memref<128x128xf32, #tpu.memory_space<hbm>>) dst(%arg10 : memref<128x128xf32, #tpu.memory_space<vmem>>)
      %dma_wait3A_212 = arith.constant 0 : i32
      %dma_wait3A_213 = arith.constant 0 : i32
      %dma_wait3A_214 = arith.constant 0 : i32
      %dma_wait3A_215 = tpu.memref_slice %arg2[%dma_wait3A_212, %dma_wait3A_213, %dma_wait3A_214] : memref<1x10240x128xf32, #tpu.memory_space<hbm>> -> memref<1x10240x128xf32, #tpu.memory_space<hbm>>
      %dma_wait3A_216 = tpu.memref_squeeze %dma_wait3A_215 : memref<1x10240x128xf32, #tpu.memory_space<hbm>> -> memref<10240x128xf32, #tpu.memory_space<hbm>>
      %dma_wait3A_217 = arith.constant 0 : i32
      %dma_wait3A_218 = arith.constant 0 : i32
      %dma_wait3A_219 = tpu.memref_slice %dma_wait3A_216[%dma_wait3A_217, %dma_wait3A_218] : memref<10240x128xf32, #tpu.memory_space<hbm>> -> memref<128x128xf32, #tpu.memory_space<hbm>>
      %dma_wait3A_220 = arith.constant 0 : i32
      %dma_wait3A_221 = arith.constant 0 : i32
      %dma_wait3A_222 = tpu.memref_slice %arg2[%dma_wait3A_212, %dma_wait3A_220, %dma_wait3A_221] : memref<1x10240x128xf32, #tpu.memory_space<hbm>> -> memref<1x10240x128xf32, #tpu.memory_space<hbm>>
      %dma_wait3A_223 = tpu.memref_squeeze %dma_wait3A_222 : memref<1x10240x128xf32, #tpu.memory_space<hbm>> -> memref<10240x128xf32, #tpu.memory_space<hbm>>
      %dma_wait3A_224 = arith.constant 0 : i32
      %dma_wait3A_225 = arith.constant 0 : i32
      %dma_wait3A_226 = tpu.memref_slice %dma_wait3A_223[%dma_wait3A_224, %dma_wait3A_225] : memref<10240x128xf32, #tpu.memory_space<hbm>> -> memref<128x128xf32, #tpu.memory_space<hbm>>
      tpu.wait_dma2 semaphore(%arg13 : memref<!tpu.dma_semaphore, #tpu.memory_space<semaphore_mem>>) src(%dma_wait3A_226 : memref<128x128xf32, #tpu.memory_space<hbm>>) dst(%arg11 : memref<128x128xf32, #tpu.memory_space<vmem>>)
      %mul3A_227 = arith.constant 2 : i32
      %mul3A_228 = arith.muli %add3A_196, %mul3A_227 : i32
      %add3A_229 = arith.constant 0 : i32
      %add3A_230 = arith.addi %mul3A_228, %add3A_229 : i32
      %dma_start3A_231 = arith.constant 0 : i32
      %dma_start3A_232 = tpu.memref_slice %arg7[%add3A_230, %dma_start3A_231] : memref<80x128xi32, #tpu.memory_space<vmem>> -> memref<1x128xi32, #tpu.memory_space<vmem>>
      %dma_start3A_233 = tpu.memref_squeeze %dma_start3A_232 : memref<1x128xi32, #tpu.memory_space<vmem>> -> memref<128xi32, #tpu.memory_space<vmem>>
      %dma_start3A_234 = arith.constant 0 : i32
      %dma_start3A_235 = arith.constant 0 : i32
      %dma_start3A_236 = tpu.memref_slice %arg16[%dma_start3A_234, %dma_start3A_235] : memref<5184x128xf32, #tpu.memory_space<vmem_shared>> -> memref<5184x128xf32, #tpu.memory_space<vmem_shared>>
      tpu.enqueue_indirect_dma source(%arg10 : memref<128x128xf32, #tpu.memory_space<vmem>>) target(%dma_start3A_236 : memref<5184x128xf32, #tpu.memory_space<vmem_shared>>) offsets(%dma_start3A_233 : memref<128xi32, #tpu.memory_space<vmem>>) semaphore(%arg15 : memref<!tpu.dma_semaphore, #tpu.memory_space<semaphore_mem>>) {add = true}
      %mul3A_237 = arith.constant 2 : i32
      %mul3A_238 = arith.muli %add3A_196, %mul3A_237 : i32
      %add3A_239 = arith.constant 1 : i32
      %add3A_240 = arith.addi %mul3A_238, %add3A_239 : i32
      %dma_start3A_241 = arith.constant 0 : i32
      %dma_start3A_242 = tpu.memref_slice %arg7[%add3A_240, %dma_start3A_241] : memref<80x128xi32, #tpu.memory_space<vmem>> -> memref<1x128xi32, #tpu.memory_space<vmem>>
      %dma_start3A_243 = tpu.memref_squeeze %dma_start3A_242 : memref<1x128xi32, #tpu.memory_space<vmem>> -> memref<128xi32, #tpu.memory_space<vmem>>
      %dma_start3A_244 = arith.constant 0 : i32
      %dma_start3A_245 = arith.constant 0 : i32
      %dma_start3A_246 = tpu.memref_slice %arg16[%dma_start3A_244, %dma_start3A_245] : memref<5184x128xf32, #tpu.memory_space<vmem_shared>> -> memref<5184x128xf32, #tpu.memory_space<vmem_shared>>
      tpu.enqueue_indirect_dma source(%arg11 : memref<128x128xf32, #tpu.memory_space<vmem>>) target(%dma_start3A_246 : memref<5184x128xf32, #tpu.memory_space<vmem_shared>>) offsets(%dma_start3A_243 : memref<128xi32, #tpu.memory_space<vmem>>) semaphore(%arg15 : memref<!tpu.dma_semaphore, #tpu.memory_space<semaphore_mem>>) {add = true}
      %dma_wait3A_247 = arith.constant 0 : i32
      %dma_wait3A_248 = arith.constant 0 : i32
      %dma_wait3A_249 = tpu.memref_slice %arg16[%dma_wait3A_247, %dma_wait3A_248] : memref<5184x128xf32, #tpu.memory_space<vmem_shared>> -> memref<128x128xf32, #tpu.memory_space<vmem_shared>>
      %dma_wait3A_250 = arith.constant 0 : i32
      %dma_wait3A_251 = arith.constant 0 : i32
      %dma_wait3A_252 = tpu.memref_slice %arg16[%dma_wait3A_250, %dma_wait3A_251] : memref<5184x128xf32, #tpu.memory_space<vmem_shared>> -> memref<128x128xf32, #tpu.memory_space<vmem_shared>>
      tpu.wait_dma2 semaphore(%arg14 : memref<!tpu.dma_semaphore, #tpu.memory_space<semaphore_mem>>) src(%arg8 : memref<128x128xf32, #tpu.memory_space<vmem>>) dst(%dma_wait3A_252 : memref<128x128xf32, #tpu.memory_space<vmem_shared>>)
      %dma_wait3A_253 = arith.constant 0 : i32
      %dma_wait3A_254 = arith.constant 0 : i32
      %dma_wait3A_255 = tpu.memref_slice %arg16[%dma_wait3A_253, %dma_wait3A_254] : memref<5184x128xf32, #tpu.memory_space<vmem_shared>> -> memref<128x128xf32, #tpu.memory_space<vmem_shared>>
      %dma_wait3A_256 = arith.constant 0 : i32
      %dma_wait3A_257 = arith.constant 0 : i32
      %dma_wait3A_258 = tpu.memref_slice %arg16[%dma_wait3A_256, %dma_wait3A_257] : memref<5184x128xf32, #tpu.memory_space<vmem_shared>> -> memref<128x128xf32, #tpu.memory_space<vmem_shared>>
      tpu.wait_dma2 semaphore(%arg14 : memref<!tpu.dma_semaphore, #tpu.memory_space<semaphore_mem>>) src(%arg9 : memref<128x128xf32, #tpu.memory_space<vmem>>) dst(%dma_wait3A_258 : memref<128x128xf32, #tpu.memory_space<vmem_shared>>)
      %add3A_259 = arith.constant 1 : i32
      %add3A_260 = arith.addi %add3A_196, %add3A_259 : i32
      %mul3A_261 = arith.constant 2 : i32
      %mul3A_262 = arith.muli %add3A_260, %mul3A_261 : i32
      %add3A_263 = arith.constant 0 : i32
      %add3A_264 = arith.addi %mul3A_262, %add3A_263 : i32
      %dma_start3A_265 = arith.constant 0 : i32
      %dma_start3A_266 = arith.constant 0 : i32
      %dma_start3A_267 = tpu.memref_slice %arg6[%add3A_264, %dma_start3A_266] : memref<80x128xi32, #tpu.memory_space<vmem>> -> memref<1x128xi32, #tpu.memory_space<vmem>>
      %dma_start3A_268 = tpu.memref_squeeze %dma_start3A_267 : memref<1x128xi32, #tpu.memory_space<vmem>> -> memref<128xi32, #tpu.memory_space<vmem>>
      %dma_start3A_269 = arith.constant 0 : i32
      %dma_start3A_270 = arith.constant 0 : i32
      %dma_start3A_271 = tpu.memref_slice %arg2[%dma_start3A_265, %dma_start3A_269, %dma_start3A_270] : memref<1x10240x128xf32, #tpu.memory_space<hbm>> -> memref<1x10240x128xf32, #tpu.memory_space<hbm>>
      %dma_start3A_272 = tpu.memref_squeeze %dma_start3A_271 : memref<1x10240x128xf32, #tpu.memory_space<hbm>> -> memref<10240x128xf32, #tpu.memory_space<hbm>>
      %dma_start3A_273 = arith.constant 0 : i32
      %dma_start3A_274 = arith.constant 0 : i32
      %dma_start3A_275 = tpu.memref_slice %dma_start3A_272[%dma_start3A_273, %dma_start3A_274] : memref<10240x128xf32, #tpu.memory_space<hbm>> -> memref<10240x128xf32, #tpu.memory_space<hbm>>
      tpu.enqueue_indirect_dma source(%dma_start3A_275 : memref<10240x128xf32, #tpu.memory_space<hbm>>) target(%arg8 : memref<128x128xf32, #tpu.memory_space<vmem>>) offsets(%dma_start3A_268 : memref<128xi32, #tpu.memory_space<vmem>>) semaphore(%arg12 : memref<!tpu.dma_semaphore, #tpu.memory_space<semaphore_mem>>)
      %mul3A_276 = arith.constant 2 : i32
      %mul3A_277 = arith.muli %add3A_260, %mul3A_276 : i32
      %add3A_278 = arith.constant 1 : i32
      %add3A_279 = arith.addi %mul3A_277, %add3A_278 : i32
      %dma_start3A_280 = arith.constant 0 : i32
      %dma_start3A_281 = arith.constant 0 : i32
      %dma_start3A_282 = tpu.memref_slice %arg6[%add3A_279, %dma_start3A_281] : memref<80x128xi32, #tpu.memory_space<vmem>> -> memref<1x128xi32, #tpu.memory_space<vmem>>
      %dma_start3A_283 = tpu.memref_squeeze %dma_start3A_282 : memref<1x128xi32, #tpu.memory_space<vmem>> -> memref<128xi32, #tpu.memory_space<vmem>>
      %dma_start3A_284 = arith.constant 0 : i32
      %dma_start3A_285 = arith.constant 0 : i32
      %dma_start3A_286 = tpu.memref_slice %arg2[%dma_start3A_280, %dma_start3A_284, %dma_start3A_285] : memref<1x10240x128xf32, #tpu.memory_space<hbm>> -> memref<1x10240x128xf32, #tpu.memory_space<hbm>>
      %dma_start3A_287 = tpu.memref_squeeze %dma_start3A_286 : memref<1x10240x128xf32, #tpu.memory_space<hbm>> -> memref<10240x128xf32, #tpu.memory_space<hbm>>
      %dma_start3A_288 = arith.constant 0 : i32
      %dma_start3A_289 = arith.constant 0 : i32
      %dma_start3A_290 = tpu.memref_slice %dma_start3A_287[%dma_start3A_288, %dma_start3A_289] : memref<10240x128xf32, #tpu.memory_space<hbm>> -> memref<10240x128xf32, #tpu.memory_space<hbm>>
      tpu.enqueue_indirect_dma source(%dma_start3A_290 : memref<10240x128xf32, #tpu.memory_space<hbm>>) target(%arg9 : memref<128x128xf32, #tpu.memory_space<vmem>>) offsets(%dma_start3A_283 : memref<128xi32, #tpu.memory_space<vmem>>) semaphore(%arg12 : memref<!tpu.dma_semaphore, #tpu.memory_space<semaphore_mem>>)
      %mul3A_291 = arith.constant 2 : i32
      %mul3A_292 = arith.muli %mul3A_291, %add3A_192 : i32
      %add3A_293 = arith.constant 2 : i32
      %add3A_294 = arith.addi %mul3A_292, %add3A_293 : i32
      %dma_wait3A_295 = arith.constant 0 : i32
      %dma_wait3A_296 = arith.constant 0 : i32
      %dma_wait3A_297 = arith.constant 0 : i32
      %dma_wait3A_298 = tpu.memref_slice %arg2[%dma_wait3A_295, %dma_wait3A_296, %dma_wait3A_297] : memref<1x10240x128xf32, #tpu.memory_space<hbm>> -> memref<1x10240x128xf32, #tpu.memory_space<hbm>>
      %dma_wait3A_299 = tpu.memref_squeeze %dma_wait3A_298 : memref<1x10240x128xf32, #tpu.memory_space<hbm>> -> memref<10240x128xf32, #tpu.memory_space<hbm>>
      %dma_wait3A_300 = arith.constant 0 : i32
      %dma_wait3A_301 = arith.constant 0 : i32
      %dma_wait3A_302 = tpu.memref_slice %dma_wait3A_299[%dma_wait3A_300, %dma_wait3A_301] : memref<10240x128xf32, #tpu.memory_space<hbm>> -> memref<128x128xf32, #tpu.memory_space<hbm>>
      %dma_wait3A_303 = arith.constant 0 : i32
      %dma_wait3A_304 = arith.constant 0 : i32
      %dma_wait3A_305 = tpu.memref_slice %arg2[%dma_wait3A_295, %dma_wait3A_303, %dma_wait3A_304] : memref<1x10240x128xf32, #tpu.memory_space<hbm>> -> memref<1x10240x128xf32, #tpu.memory_space<hbm>>
      %dma_wait3A_306 = tpu.memref_squeeze %dma_wait3A_305 : memref<1x10240x128xf32, #tpu.memory_space<hbm>> -> memref<10240x128xf32, #tpu.memory_space<hbm>>
      %dma_wait3A_307 = arith.constant 0 : i32
      %dma_wait3A_308 = arith.constant 0 : i32
      %dma_wait3A_309 = tpu.memref_slice %dma_wait3A_306[%dma_wait3A_307, %dma_wait3A_308] : memref<10240x128xf32, #tpu.memory_space<hbm>> -> memref<128x128xf32, #tpu.memory_space<hbm>>
      tpu.wait_dma2 semaphore(%arg12 : memref<!tpu.dma_semaphore, #tpu.memory_space<semaphore_mem>>) src(%dma_wait3A_309 : memref<128x128xf32, #tpu.memory_space<hbm>>) dst(%arg8 : memref<128x128xf32, #tpu.memory_space<vmem>>)
      %dma_wait3A_310 = arith.constant 0 : i32
      %dma_wait3A_311 = arith.constant 0 : i32
      %dma_wait3A_312 = arith.constant 0 : i32
      %dma_wait3A_313 = tpu.memref_slice %arg2[%dma_wait3A_310, %dma_wait3A_311, %dma_wait3A_312] : memref<1x10240x128xf32, #tpu.memory_space<hbm>> -> memref<1x10240x128xf32, #tpu.memory_space<hbm>>
      %dma_wait3A_314 = tpu.memref_squeeze %dma_wait3A_313 : memref<1x10240x128xf32, #tpu.memory_space<hbm>> -> memref<10240x128xf32, #tpu.memory_space<hbm>>
      %dma_wait3A_315 = arith.constant 0 : i32
      %dma_wait3A_316 = arith.constant 0 : i32
      %dma_wait3A_317 = tpu.memref_slice %dma_wait3A_314[%dma_wait3A_315, %dma_wait3A_316] : memref<10240x128xf32, #tpu.memory_space<hbm>> -> memref<128x128xf32, #tpu.memory_space<hbm>>
      %dma_wait3A_318 = arith.constant 0 : i32
      %dma_wait3A_319 = arith.constant 0 : i32
      %dma_wait3A_320 = tpu.memref_slice %arg2[%dma_wait3A_310, %dma_wait3A_318, %dma_wait3A_319] : memref<1x10240x128xf32, #tpu.memory_space<hbm>> -> memref<1x10240x128xf32, #tpu.memory_space<hbm>>
      %dma_wait3A_321 = tpu.memref_squeeze %dma_wait3A_320 : memref<1x10240x128xf32, #tpu.memory_space<hbm>> -> memref<10240x128xf32, #tpu.memory_space<hbm>>
      %dma_wait3A_322 = arith.constant 0 : i32
      %dma_wait3A_323 = arith.constant 0 : i32
      %dma_wait3A_324 = tpu.memref_slice %dma_wait3A_321[%dma_wait3A_322, %dma_wait3A_323] : memref<10240x128xf32, #tpu.memory_space<hbm>> -> memref<128x128xf32, #tpu.memory_space<hbm>>
      tpu.wait_dma2 semaphore(%arg12 : memref<!tpu.dma_semaphore, #tpu.memory_space<semaphore_mem>>) src(%dma_wait3A_324 : memref<128x128xf32, #tpu.memory_space<hbm>>) dst(%arg9 : memref<128x128xf32, #tpu.memory_space<vmem>>)
      %mul3A_325 = arith.constant 2 : i32
      %mul3A_326 = arith.muli %add3A_294, %mul3A_325 : i32
      %add3A_327 = arith.constant 0 : i32
      %add3A_328 = arith.addi %mul3A_326, %add3A_327 : i32
      %dma_start3A_329 = arith.constant 0 : i32
      %dma_start3A_330 = tpu.memref_slice %arg7[%add3A_328, %dma_start3A_329] : memref<80x128xi32, #tpu.memory_space<vmem>> -> memref<1x128xi32, #tpu.memory_space<vmem>>
      %dma_start3A_331 = tpu.memref_squeeze %dma_start3A_330 : memref<1x128xi32, #tpu.memory_space<vmem>> -> memref<128xi32, #tpu.memory_space<vmem>>
      %dma_start3A_332 = arith.constant 0 : i32
      %dma_start3A_333 = arith.constant 0 : i32
      %dma_start3A_334 = tpu.memref_slice %arg16[%dma_start3A_332, %dma_start3A_333] : memref<5184x128xf32, #tpu.memory_space<vmem_shared>> -> memref<5184x128xf32, #tpu.memory_space<vmem_shared>>
      tpu.enqueue_indirect_dma source(%arg8 : memref<128x128xf32, #tpu.memory_space<vmem>>) target(%dma_start3A_334 : memref<5184x128xf32, #tpu.memory_space<vmem_shared>>) offsets(%dma_start3A_331 : memref<128xi32, #tpu.memory_space<vmem>>) semaphore(%arg14 : memref<!tpu.dma_semaphore, #tpu.memory_space<semaphore_mem>>) {add = true}
      %mul3A_335 = arith.constant 2 : i32
      %mul3A_336 = arith.muli %add3A_294, %mul3A_335 : i32
      %add3A_337 = arith.constant 1 : i32
      %add3A_338 = arith.addi %mul3A_336, %add3A_337 : i32
      %dma_start3A_339 = arith.constant 0 : i32
      %dma_start3A_340 = tpu.memref_slice %arg7[%add3A_338, %dma_start3A_339] : memref<80x128xi32, #tpu.memory_space<vmem>> -> memref<1x128xi32, #tpu.memory_space<vmem>>
      %dma_start3A_341 = tpu.memref_squeeze %dma_start3A_340 : memref<1x128xi32, #tpu.memory_space<vmem>> -> memref<128xi32, #tpu.memory_space<vmem>>
      %dma_start3A_342 = arith.constant 0 : i32
      %dma_start3A_343 = arith.constant 0 : i32
      %dma_start3A_344 = tpu.memref_slice %arg16[%dma_start3A_342, %dma_start3A_343] : memref<5184x128xf32, #tpu.memory_space<vmem_shared>> -> memref<5184x128xf32, #tpu.memory_space<vmem_shared>>
      tpu.enqueue_indirect_dma source(%arg9 : memref<128x128xf32, #tpu.memory_space<vmem>>) target(%dma_start3A_344 : memref<5184x128xf32, #tpu.memory_space<vmem_shared>>) offsets(%dma_start3A_341 : memref<128xi32, #tpu.memory_space<vmem>>) semaphore(%arg14 : memref<!tpu.dma_semaphore, #tpu.memory_space<semaphore_mem>>) {add = true}
      %dma_wait3A_345 = arith.constant 0 : i32
      %dma_wait3A_346 = arith.constant 0 : i32
      %dma_wait3A_347 = tpu.memref_slice %arg16[%dma_wait3A_345, %dma_wait3A_346] : memref<5184x128xf32, #tpu.memory_space<vmem_shared>> -> memref<128x128xf32, #tpu.memory_space<vmem_shared>>
      %dma_wait3A_348 = arith.constant 0 : i32
      %dma_wait3A_349 = arith.constant 0 : i32
      %dma_wait3A_350 = tpu.memref_slice %arg16[%dma_wait3A_348, %dma_wait3A_349] : memref<5184x128xf32, #tpu.memory_space<vmem_shared>> -> memref<128x128xf32, #tpu.memory_space<vmem_shared>>
      tpu.wait_dma2 semaphore(%arg15 : memref<!tpu.dma_semaphore, #tpu.memory_space<semaphore_mem>>) src(%arg10 : memref<128x128xf32, #tpu.memory_space<vmem>>) dst(%dma_wait3A_350 : memref<128x128xf32, #tpu.memory_space<vmem_shared>>)
      %dma_wait3A_351 = arith.constant 0 : i32
      %dma_wait3A_352 = arith.constant 0 : i32
      %dma_wait3A_353 = tpu.memref_slice %arg16[%dma_wait3A_351, %dma_wait3A_352] : memref<5184x128xf32, #tpu.memory_space<vmem_shared>> -> memref<128x128xf32, #tpu.memory_space<vmem_shared>>
      %dma_wait3A_354 = arith.constant 0 : i32
      %dma_wait3A_355 = arith.constant 0 : i32
      %dma_wait3A_356 = tpu.memref_slice %arg16[%dma_wait3A_354, %dma_wait3A_355] : memref<5184x128xf32, #tpu.memory_space<vmem_shared>> -> memref<128x128xf32, #tpu.memory_space<vmem_shared>>
      tpu.wait_dma2 semaphore(%arg15 : memref<!tpu.dma_semaphore, #tpu.memory_space<semaphore_mem>>) src(%arg11 : memref<128x128xf32, #tpu.memory_space<vmem>>) dst(%dma_wait3A_356 : memref<128x128xf32, #tpu.memory_space<vmem_shared>>)
      %add3A_357 = arith.constant 1 : i32
      %add3A_358 = arith.addi %add3A_294, %add3A_357 : i32
      %mul3A_359 = arith.constant 2 : i32
      %mul3A_360 = arith.muli %add3A_358, %mul3A_359 : i32
      %add3A_361 = arith.constant 0 : i32
      %add3A_362 = arith.addi %mul3A_360, %add3A_361 : i32
      %dma_start3A_363 = arith.constant 0 : i32
      %dma_start3A_364 = arith.constant 0 : i32
      %dma_start3A_365 = tpu.memref_slice %arg6[%add3A_362, %dma_start3A_364] : memref<80x128xi32, #tpu.memory_space<vmem>> -> memref<1x128xi32, #tpu.memory_space<vmem>>
      %dma_start3A_366 = tpu.memref_squeeze %dma_start3A_365 : memref<1x128xi32, #tpu.memory_space<vmem>> -> memref<128xi32, #tpu.memory_space<vmem>>
      %dma_start3A_367 = arith.constant 0 : i32
      %dma_start3A_368 = arith.constant 0 : i32
      %dma_start3A_369 = tpu.memref_slice %arg2[%dma_start3A_363, %dma_start3A_367, %dma_start3A_368] : memref<1x10240x128xf32, #tpu.memory_space<hbm>> -> memref<1x10240x128xf32, #tpu.memory_space<hbm>>
      %dma_start3A_370 = tpu.memref_squeeze %dma_start3A_369 : memref<1x10240x128xf32, #tpu.memory_space<hbm>> -> memref<10240x128xf32, #tpu.memory_space<hbm>>
      %dma_start3A_371 = arith.constant 0 : i32
      %dma_start3A_372 = arith.constant 0 : i32
      %dma_start3A_373 = tpu.memref_slice %dma_start3A_370[%dma_start3A_371, %dma_start3A_372] : memref<10240x128xf32, #tpu.memory_space<hbm>> -> memref<10240x128xf32, #tpu.memory_space<hbm>>
      tpu.enqueue_indirect_dma source(%dma_start3A_373 : memref<10240x128xf32, #tpu.memory_space<hbm>>) target(%arg10 : memref<128x128xf32, #tpu.memory_space<vmem>>) offsets(%dma_start3A_366 : memref<128xi32, #tpu.memory_space<vmem>>) semaphore(%arg13 : memref<!tpu.dma_semaphore, #tpu.memory_space<semaphore_mem>>)
      %mul3A_374 = arith.constant 2 : i32
      %mul3A_375 = arith.muli %add3A_358, %mul3A_374 : i32
      %add3A_376 = arith.constant 1 : i32
      %add3A_377 = arith.addi %mul3A_375, %add3A_376 : i32
      %dma_start3A_378 = arith.constant 0 : i32
      %dma_start3A_379 = arith.constant 0 : i32
      %dma_start3A_380 = tpu.memref_slice %arg6[%add3A_377, %dma_start3A_379] : memref<80x128xi32, #tpu.memory_space<vmem>> -> memref<1x128xi32, #tpu.memory_space<vmem>>
      %dma_start3A_381 = tpu.memref_squeeze %dma_start3A_380 : memref<1x128xi32, #tpu.memory_space<vmem>> -> memref<128xi32, #tpu.memory_space<vmem>>
      %dma_start3A_382 = arith.constant 0 : i32
      %dma_start3A_383 = arith.constant 0 : i32
      %dma_start3A_384 = tpu.memref_slice %arg2[%dma_start3A_378, %dma_start3A_382, %dma_start3A_383] : memref<1x10240x128xf32, #tpu.memory_space<hbm>> -> memref<1x10240x128xf32, #tpu.memory_space<hbm>>
      %dma_start3A_385 = tpu.memref_squeeze %dma_start3A_384 : memref<1x10240x128xf32, #tpu.memory_space<hbm>> -> memref<10240x128xf32, #tpu.memory_space<hbm>>
      %dma_start3A_386 = arith.constant 0 : i32
      %dma_start3A_387 = arith.constant 0 : i32
      %dma_start3A_388 = tpu.memref_slice %dma_start3A_385[%dma_start3A_386, %dma_start3A_387] : memref<10240x128xf32, #tpu.memory_space<hbm>> -> memref<10240x128xf32, #tpu.memory_space<hbm>>
      tpu.enqueue_indirect_dma source(%dma_start3A_388 : memref<10240x128xf32, #tpu.memory_space<hbm>>) target(%arg11 : memref<128x128xf32, #tpu.memory_space<vmem>>) offsets(%dma_start3A_381 : memref<128xi32, #tpu.memory_space<vmem>>) semaphore(%arg13 : memref<!tpu.dma_semaphore, #tpu.memory_space<semaphore_mem>>)
    }
    %scan3A_108 = arith.constant 19 : i32
    %dma_wait3A_109 = arith.constant 0 : i32
    %dma_wait3A_110 = arith.constant 0 : i32
    %dma_wait3A_111 = arith.constant 0 : i32
    %dma_wait3A_112 = tpu.memref_slice %arg2[%dma_wait3A_109, %dma_wait3A_110, %dma_wait3A_111] : memref<1x10240x128xf32, #tpu.memory_space<hbm>> -> memref<1x10240x128xf32, #tpu.memory_space<hbm>>
    %dma_wait3A_113 = tpu.memref_squeeze %dma_wait3A_112 : memref<1x10240x128xf32, #tpu.memory_space<hbm>> -> memref<10240x128xf32, #tpu.memory_space<hbm>>
    %dma_wait3A_114 = arith.constant 0 : i32
    %dma_wait3A_115 = arith.constant 0 : i32
    %dma_wait3A_116 = tpu.memref_slice %dma_wait3A_113[%dma_wait3A_114, %dma_wait3A_115] : memref<10240x128xf32, #tpu.memory_space<hbm>> -> memref<128x128xf32, #tpu.memory_space<hbm>>
    %dma_wait3A_117 = arith.constant 0 : i32
    %dma_wait3A_118 = arith.constant 0 : i32
    %dma_wait3A_119 = tpu.memref_slice %arg2[%dma_wait3A_109, %dma_wait3A_117, %dma_wait3A_118] : memref<1x10240x128xf32, #tpu.memory_space<hbm>> -> memref<1x10240x128xf32, #tpu.memory_space<hbm>>
    %dma_wait3A_120 = tpu.memref_squeeze %dma_wait3A_119 : memref<1x10240x128xf32, #tpu.memory_space<hbm>> -> memref<10240x128xf32, #tpu.memory_space<hbm>>
    %dma_wait3A_121 = arith.constant 0 : i32
    %dma_wait3A_122 = arith.constant 0 : i32
    %dma_wait3A_123 = tpu.memref_slice %dma_wait3A_120[%dma_wait3A_121, %dma_wait3A_122] : memref<10240x128xf32, #tpu.memory_space<hbm>> -> memref<128x128xf32, #tpu.memory_space<hbm>>
    tpu.wait_dma2 semaphore(%arg13 : memref<!tpu.dma_semaphore, #tpu.memory_space<semaphore_mem>>) src(%dma_wait3A_123 : memref<128x128xf32, #tpu.memory_space<hbm>>) dst(%arg10 : memref<128x128xf32, #tpu.memory_space<vmem>>)
    %dma_wait3A_124 = arith.constant 0 : i32
    %dma_wait3A_125 = arith.constant 0 : i32
    %dma_wait3A_126 = arith.constant 0 : i32
    %dma_wait3A_127 = tpu.memref_slice %arg2[%dma_wait3A_124, %dma_wait3A_125, %dma_wait3A_126] : memref<1x10240x128xf32, #tpu.memory_space<hbm>> -> memref<1x10240x128xf32, #tpu.memory_space<hbm>>
    %dma_wait3A_128 = tpu.memref_squeeze %dma_wait3A_127 : memref<1x10240x128xf32, #tpu.memory_space<hbm>> -> memref<10240x128xf32, #tpu.memory_space<hbm>>
    %dma_wait3A_129 = arith.constant 0 : i32
    %dma_wait3A_130 = arith.constant 0 : i32
    %dma_wait3A_131 = tpu.memref_slice %dma_wait3A_128[%dma_wait3A_129, %dma_wait3A_130] : memref<10240x128xf32, #tpu.memory_space<hbm>> -> memref<128x128xf32, #tpu.memory_space<hbm>>
    %dma_wait3A_132 = arith.constant 0 : i32
    %dma_wait3A_133 = arith.constant 0 : i32
    %dma_wait3A_134 = tpu.memref_slice %arg2[%dma_wait3A_124, %dma_wait3A_132, %dma_wait3A_133] : memref<1x10240x128xf32, #tpu.memory_space<hbm>> -> memref<1x10240x128xf32, #tpu.memory_space<hbm>>
    %dma_wait3A_135 = tpu.memref_squeeze %dma_wait3A_134 : memref<1x10240x128xf32, #tpu.memory_space<hbm>> -> memref<10240x128xf32, #tpu.memory_space<hbm>>
    %dma_wait3A_136 = arith.constant 0 : i32
    %dma_wait3A_137 = arith.constant 0 : i32
    %dma_wait3A_138 = tpu.memref_slice %dma_wait3A_135[%dma_wait3A_136, %dma_wait3A_137] : memref<10240x128xf32, #tpu.memory_space<hbm>> -> memref<128x128xf32, #tpu.memory_space<hbm>>
    tpu.wait_dma2 semaphore(%arg13 : memref<!tpu.dma_semaphore, #tpu.memory_space<semaphore_mem>>) src(%dma_wait3A_138 : memref<128x128xf32, #tpu.memory_space<hbm>>) dst(%arg11 : memref<128x128xf32, #tpu.memory_space<vmem>>)
    %dma_start3A_139 = arith.constant 78 : i32
    %dma_start3A_140 = arith.constant 0 : i32
    %dma_start3A_141 = tpu.memref_slice %arg7[%dma_start3A_139, %dma_start3A_140] : memref<80x128xi32, #tpu.memory_space<vmem>> -> memref<1x128xi32, #tpu.memory_space<vmem>>
    %dma_start3A_142 = tpu.memref_squeeze %dma_start3A_141 : memref<1x128xi32, #tpu.memory_space<vmem>> -> memref<128xi32, #tpu.memory_space<vmem>>
    %dma_start3A_143 = arith.constant 0 : i32
    %dma_start3A_144 = arith.constant 0 : i32
    %dma_start3A_145 = tpu.memref_slice %arg16[%dma_start3A_143, %dma_start3A_144] : memref<5184x128xf32, #tpu.memory_space<vmem_shared>> -> memref<5184x128xf32, #tpu.memory_space<vmem_shared>>
    tpu.enqueue_indirect_dma source(%arg10 : memref<128x128xf32, #tpu.memory_space<vmem>>) target(%dma_start3A_145 : memref<5184x128xf32, #tpu.memory_space<vmem_shared>>) offsets(%dma_start3A_142 : memref<128xi32, #tpu.memory_space<vmem>>) semaphore(%arg15 : memref<!tpu.dma_semaphore, #tpu.memory_space<semaphore_mem>>) {add = true}
    %dma_start3A_146 = arith.constant 79 : i32
    %dma_start3A_147 = arith.constant 0 : i32
    %dma_start3A_148 = tpu.memref_slice %arg7[%dma_start3A_146, %dma_start3A_147] : memref<80x128xi32, #tpu.memory_space<vmem>> -> memref<1x128xi32, #tpu.memory_space<vmem>>
    %dma_start3A_149 = tpu.memref_squeeze %dma_start3A_148 : memref<1x128xi32, #tpu.memory_space<vmem>> -> memref<128xi32, #tpu.memory_space<vmem>>
    %dma_start3A_150 = arith.constant 0 : i32
    %dma_start3A_151 = arith.constant 0 : i32
    %dma_start3A_152 = tpu.memref_slice %arg16[%dma_start3A_150, %dma_start3A_151] : memref<5184x128xf32, #tpu.memory_space<vmem_shared>> -> memref<5184x128xf32, #tpu.memory_space<vmem_shared>>
    tpu.enqueue_indirect_dma source(%arg11 : memref<128x128xf32, #tpu.memory_space<vmem>>) target(%dma_start3A_152 : memref<5184x128xf32, #tpu.memory_space<vmem_shared>>) offsets(%dma_start3A_149 : memref<128xi32, #tpu.memory_space<vmem>>) semaphore(%arg15 : memref<!tpu.dma_semaphore, #tpu.memory_space<semaphore_mem>>) {add = true}
    %dma_wait3A_153 = arith.constant 0 : i32
    %dma_wait3A_154 = arith.constant 0 : i32
    %dma_wait3A_155 = tpu.memref_slice %arg16[%dma_wait3A_153, %dma_wait3A_154] : memref<5184x128xf32, #tpu.memory_space<vmem_shared>> -> memref<128x128xf32, #tpu.memory_space<vmem_shared>>
    %dma_wait3A_156 = arith.constant 0 : i32
    %dma_wait3A_157 = arith.constant 0 : i32
    %dma_wait3A_158 = tpu.memref_slice %arg16[%dma_wait3A_156, %dma_wait3A_157] : memref<5184x128xf32, #tpu.memory_space<vmem_shared>> -> memref<128x128xf32, #tpu.memory_space<vmem_shared>>
    tpu.wait_dma2 semaphore(%arg14 : memref<!tpu.dma_semaphore, #tpu.memory_space<semaphore_mem>>) src(%arg8 : memref<128x128xf32, #tpu.memory_space<vmem>>) dst(%dma_wait3A_158 : memref<128x128xf32, #tpu.memory_space<vmem_shared>>)
    %dma_wait3A_159 = arith.constant 0 : i32
    %dma_wait3A_160 = arith.constant 0 : i32
    %dma_wait3A_161 = tpu.memref_slice %arg16[%dma_wait3A_159, %dma_wait3A_160] : memref<5184x128xf32, #tpu.memory_space<vmem_shared>> -> memref<128x128xf32, #tpu.memory_space<vmem_shared>>
    %dma_wait3A_162 = arith.constant 0 : i32
    %dma_wait3A_163 = arith.constant 0 : i32
    %dma_wait3A_164 = tpu.memref_slice %arg16[%dma_wait3A_162, %dma_wait3A_163] : memref<5184x128xf32, #tpu.memory_space<vmem_shared>> -> memref<128x128xf32, #tpu.memory_space<vmem_shared>>
    tpu.wait_dma2 semaphore(%arg14 : memref<!tpu.dma_semaphore, #tpu.memory_space<semaphore_mem>>) src(%arg9 : memref<128x128xf32, #tpu.memory_space<vmem>>) dst(%dma_wait3A_164 : memref<128x128xf32, #tpu.memory_space<vmem_shared>>)
    %dma_wait3A_165 = arith.constant 0 : i32
    %dma_wait3A_166 = arith.constant 0 : i32
    %dma_wait3A_167 = tpu.memref_slice %arg16[%dma_wait3A_165, %dma_wait3A_166] : memref<5184x128xf32, #tpu.memory_space<vmem_shared>> -> memref<128x128xf32, #tpu.memory_space<vmem_shared>>
    %dma_wait3A_168 = arith.constant 0 : i32
    %dma_wait3A_169 = arith.constant 0 : i32
    %dma_wait3A_170 = tpu.memref_slice %arg16[%dma_wait3A_168, %dma_wait3A_169] : memref<5184x128xf32, #tpu.memory_space<vmem_shared>> -> memref<128x128xf32, #tpu.memory_space<vmem_shared>>
    tpu.wait_dma2 semaphore(%arg15 : memref<!tpu.dma_semaphore, #tpu.memory_space<semaphore_mem>>) src(%arg10 : memref<128x128xf32, #tpu.memory_space<vmem>>) dst(%dma_wait3A_170 : memref<128x128xf32, #tpu.memory_space<vmem_shared>>)
    %dma_wait3A_171 = arith.constant 0 : i32
    %dma_wait3A_172 = arith.constant 0 : i32
    %dma_wait3A_173 = tpu.memref_slice %arg16[%dma_wait3A_171, %dma_wait3A_172] : memref<5184x128xf32, #tpu.memory_space<vmem_shared>> -> memref<128x128xf32, #tpu.memory_space<vmem_shared>>
    %dma_wait3A_174 = arith.constant 0 : i32
    %dma_wait3A_175 = arith.constant 0 : i32
    %dma_wait3A_176 = tpu.memref_slice %arg16[%dma_wait3A_174, %dma_wait3A_175] : memref<5184x128xf32, #tpu.memory_space<vmem_shared>> -> memref<128x128xf32, #tpu.memory_space<vmem_shared>>
    tpu.wait_dma2 semaphore(%arg15 : memref<!tpu.dma_semaphore, #tpu.memory_space<semaphore_mem>>) src(%arg11 : memref<128x128xf32, #tpu.memory_space<vmem>>) dst(%dma_wait3A_176 : memref<128x128xf32, #tpu.memory_space<vmem_shared>>)
    %barrier3A_177 = arith.constant 0 : index
    tpu.barrier barrier_id(%barrier3A_177)
    %mul3A_178 = arith.constant 320 : i32
    %mul3A_179 = arith.muli %arg1, %mul3A_178 : i32
    %add3A_180 = arith.constant 0 : i32
    %add3A_181 = arith.addi %add3A_180, %arg0 : i32
    %mul3A_182 = arith.constant 5120 : i32
    %mul3A_183 = arith.muli %add3A_181, %mul3A_182 : i32
    %mul3A_184 = arith.constant 320 : i32
    %mul3A_185 = arith.muli %arg1, %mul3A_184 : i32
    %add3A_186 = arith.addi %mul3A_183, %mul3A_185 : i32
    %run_scoped3A_187 = arith.constant 0 : i32
    "tpu.region"() ({
      %run_scoped3A_188 = tpu.sem_alloc : memref<!tpu.dma_semaphore, #tpu.memory_space<semaphore_mem>>
      %dma_start3A_189 = arith.constant 0 : i32
      %dma_start3A_190 = tpu.memref_slice %arg5[%run_scoped3A_187, %add3A_186, %dma_start3A_189] : memref<1x10240x128xf32, #tpu.memory_space<hbm>> -> memref<1x320x128xf32, #tpu.memory_space<hbm>>
      %dma_start3A_191 = tpu.memref_squeeze %dma_start3A_190 : memref<1x320x128xf32, #tpu.memory_space<hbm>> -> memref<320x128xf32, #tpu.memory_space<hbm>>
      %dma_start3A_192 = arith.constant 0 : i32
      %dma_start3A_193 = tpu.memref_slice %arg16[%mul3A_179, %dma_start3A_192] : memref<5184x128xf32, #tpu.memory_space<vmem_shared>> -> memref<320x128xf32, #tpu.memory_space<vmem_shared>>
      tpu.enqueue_dma source(%dma_start3A_193 : memref<320x128xf32, #tpu.memory_space<vmem_shared>>) target(%dma_start3A_191 : memref<320x128xf32, #tpu.memory_space<hbm>>) target_semaphore(%run_scoped3A_188 : memref<!tpu.dma_semaphore, #tpu.memory_space<semaphore_mem>>)
      %dma_wait3A_194 = arith.constant 0 : i32
      %dma_wait3A_195 = tpu.memref_slice %arg5[%run_scoped3A_187, %add3A_186, %dma_wait3A_194] : memref<1x10240x128xf32, #tpu.memory_space<hbm>> -> memref<1x320x128xf32, #tpu.memory_space<hbm>>
      %dma_wait3A_196 = tpu.memref_squeeze %dma_wait3A_195 : memref<1x320x128xf32, #tpu.memory_space<hbm>> -> memref<320x128xf32, #tpu.memory_space<hbm>>
      %dma_wait3A_197 = arith.constant 0 : i32
      %dma_wait3A_198 = tpu.memref_slice %arg16[%mul3A_179, %dma_wait3A_197] : memref<5184x128xf32, #tpu.memory_space<vmem_shared>> -> memref<320x128xf32, #tpu.memory_space<vmem_shared>>
      tpu.wait_dma2 semaphore(%run_scoped3A_188 : memref<!tpu.dma_semaphore, #tpu.memory_space<semaphore_mem>>) src(%dma_wait3A_198 : memref<320x128xf32, #tpu.memory_space<vmem_shared>>) dst(%dma_wait3A_196 : memref<320x128xf32, #tpu.memory_space<hbm>>)
      tpu.yield
    }) : () -> ()
    return
  }
}

#map = affine_map<(d0, d1) -> (0, 0, 0)>
#map1 = affine_map<(d0, d1) -> (0, 0, 0, 0, 0)>
module attributes {stable_mosaic.version = 14 : i64} {
  func.func @prop_kernel(%arg0: i32, %arg1: i32, %arg2: memref<2x10240x128xf32, #tpu.memory_space<hbm>>, %arg3: memref<16x80x128xi32, #tpu.memory_space<hbm>>, %arg4: memref<1x2x16x80x128xi32, #tpu.memory_space<hbm>>, %arg5: memref<2x10240x128xf32, #tpu.memory_space<hbm>>, %arg6: memref<80x128xi32, #tpu.memory_space<vmem>>, %arg7: memref<80x128xi32, #tpu.memory_space<vmem>>, %arg8: memref<128x128xf32, #tpu.memory_space<vmem>>, %arg9: memref<128x128xf32, #tpu.memory_space<vmem>>, %arg10: memref<128x128xf32, #tpu.memory_space<vmem>>, %arg11: memref<128x128xf32, #tpu.memory_space<vmem>>, %arg12: memref<!tpu.dma_semaphore, #tpu.memory_space<semaphore_mem>>, %arg13: memref<!tpu.dma_semaphore, #tpu.memory_space<semaphore_mem>>, %arg14: memref<!tpu.dma_semaphore, #tpu.memory_space<semaphore_mem>>, %arg15: memref<!tpu.dma_semaphore, #tpu.memory_space<semaphore_mem>>, %arg16: memref<5184x128xf32, #tpu.memory_space<vmem_shared>>) attributes {dimension_semantics = [#tpu.dimension_semantics<core_parallel>, #tpu.dimension_semantics<subcore_parallel>], iteration_bounds = array<i64: 2, 16>, scalar_prefetch = 0 : i64, scratch_operands = 11 : i64, tpu.core_type = #tpu.core_type<sc_vector_subcore>, window_params = [{transform_indices = #map}, {transform_indices = #map}, {transform_indices = #map1}, {transform_indices = #map}]} {
    "tpu.region"() ({
      %run_scoped3A_383 = tpu.sem_alloc : memref<!tpu.dma_semaphore, #tpu.memory_space<semaphore_mem>>
      %dma_start3A_384 = arith.constant 0 : i32
      %dma_start3A_385 = arith.constant 0 : i32
      %dma_start3A_386 = tpu.memref_slice %arg3[%arg1, %dma_start3A_384, %dma_start3A_385] : memref<16x80x128xi32, #tpu.memory_space<hbm>> -> memref<1x80x128xi32, #tpu.memory_space<hbm>>
      %dma_start3A_387 = tpu.memref_squeeze %dma_start3A_386 : memref<1x80x128xi32, #tpu.memory_space<hbm>> -> memref<80x128xi32, #tpu.memory_space<hbm>>
      %dma_start3A_388 = arith.constant 0 : i32
      %dma_start3A_389 = arith.constant 0 : i32
      %dma_start3A_390 = tpu.memref_slice %arg3[%arg1, %dma_start3A_388, %dma_start3A_389] : memref<16x80x128xi32, #tpu.memory_space<hbm>> -> memref<1x80x128xi32, #tpu.memory_space<hbm>>
      %dma_start3A_391 = tpu.memref_squeeze %dma_start3A_390 : memref<1x80x128xi32, #tpu.memory_space<hbm>> -> memref<80x128xi32, #tpu.memory_space<hbm>>
      tpu.enqueue_dma source(%dma_start3A_391 : memref<80x128xi32, #tpu.memory_space<hbm>>) target(%arg6 : memref<80x128xi32, #tpu.memory_space<vmem>>) target_semaphore(%run_scoped3A_383 : memref<!tpu.dma_semaphore, #tpu.memory_space<semaphore_mem>>)
      %dma_wait3A_392 = arith.constant 0 : i32
      %dma_wait3A_393 = arith.constant 0 : i32
      %dma_wait3A_394 = tpu.memref_slice %arg3[%arg1, %dma_wait3A_392, %dma_wait3A_393] : memref<16x80x128xi32, #tpu.memory_space<hbm>> -> memref<1x80x128xi32, #tpu.memory_space<hbm>>
      %dma_wait3A_395 = tpu.memref_squeeze %dma_wait3A_394 : memref<1x80x128xi32, #tpu.memory_space<hbm>> -> memref<80x128xi32, #tpu.memory_space<hbm>>
      %dma_wait3A_396 = arith.constant 0 : i32
      %dma_wait3A_397 = arith.constant 0 : i32
      %dma_wait3A_398 = tpu.memref_slice %arg3[%arg1, %dma_wait3A_396, %dma_wait3A_397] : memref<16x80x128xi32, #tpu.memory_space<hbm>> -> memref<1x80x128xi32, #tpu.memory_space<hbm>>
      %dma_wait3A_399 = tpu.memref_squeeze %dma_wait3A_398 : memref<1x80x128xi32, #tpu.memory_space<hbm>> -> memref<80x128xi32, #tpu.memory_space<hbm>>
      tpu.wait_dma2 semaphore(%run_scoped3A_383 : memref<!tpu.dma_semaphore, #tpu.memory_space<semaphore_mem>>) src(%dma_wait3A_399 : memref<80x128xi32, #tpu.memory_space<hbm>>) dst(%arg6 : memref<80x128xi32, #tpu.memory_space<vmem>>)
      tpu.yield
    }) : () -> ()
    %run_scoped3A = arith.constant 0 : i32
    "tpu.region"() ({
      %run_scoped3A_383 = tpu.sem_alloc : memref<!tpu.dma_semaphore, #tpu.memory_space<semaphore_mem>>
      %dma_start3A_384 = arith.constant 0 : i32
      %dma_start3A_385 = arith.constant 0 : i32
      %dma_start3A_386 = tpu.memref_slice %arg4[%run_scoped3A, %arg0, %arg1, %dma_start3A_384, %dma_start3A_385] : memref<1x2x16x80x128xi32, #tpu.memory_space<hbm>> -> memref<1x1x1x80x128xi32, #tpu.memory_space<hbm>>
      %dma_start3A_387 = tpu.memref_squeeze %dma_start3A_386 : memref<1x1x1x80x128xi32, #tpu.memory_space<hbm>> -> memref<80x128xi32, #tpu.memory_space<hbm>>
      %dma_start3A_388 = arith.constant 0 : i32
      %dma_start3A_389 = arith.constant 0 : i32
      %dma_start3A_390 = tpu.memref_slice %arg4[%run_scoped3A, %arg0, %arg1, %dma_start3A_388, %dma_start3A_389] : memref<1x2x16x80x128xi32, #tpu.memory_space<hbm>> -> memref<1x1x1x80x128xi32, #tpu.memory_space<hbm>>
      %dma_start3A_391 = tpu.memref_squeeze %dma_start3A_390 : memref<1x1x1x80x128xi32, #tpu.memory_space<hbm>> -> memref<80x128xi32, #tpu.memory_space<hbm>>
      tpu.enqueue_dma source(%dma_start3A_391 : memref<80x128xi32, #tpu.memory_space<hbm>>) target(%arg7 : memref<80x128xi32, #tpu.memory_space<vmem>>) target_semaphore(%run_scoped3A_383 : memref<!tpu.dma_semaphore, #tpu.memory_space<semaphore_mem>>)
      %dma_wait3A_392 = arith.constant 0 : i32
      %dma_wait3A_393 = arith.constant 0 : i32
      %dma_wait3A_394 = tpu.memref_slice %arg4[%run_scoped3A, %arg0, %arg1, %dma_wait3A_392, %dma_wait3A_393] : memref<1x2x16x80x128xi32, #tpu.memory_space<hbm>> -> memref<1x1x1x80x128xi32, #tpu.memory_space<hbm>>
      %dma_wait3A_395 = tpu.memref_squeeze %dma_wait3A_394 : memref<1x1x1x80x128xi32, #tpu.memory_space<hbm>> -> memref<80x128xi32, #tpu.memory_space<hbm>>
      %dma_wait3A_396 = arith.constant 0 : i32
      %dma_wait3A_397 = arith.constant 0 : i32
      %dma_wait3A_398 = tpu.memref_slice %arg4[%run_scoped3A, %arg0, %arg1, %dma_wait3A_396, %dma_wait3A_397] : memref<1x2x16x80x128xi32, #tpu.memory_space<hbm>> -> memref<1x1x1x80x128xi32, #tpu.memory_space<hbm>>
      %dma_wait3A_399 = tpu.memref_squeeze %dma_wait3A_398 : memref<1x1x1x80x128xi32, #tpu.memory_space<hbm>> -> memref<80x128xi32, #tpu.memory_space<hbm>>
      tpu.wait_dma2 semaphore(%run_scoped3A_383 : memref<!tpu.dma_semaphore, #tpu.memory_space<semaphore_mem>>) src(%dma_wait3A_399 : memref<80x128xi32, #tpu.memory_space<hbm>>) dst(%arg7 : memref<80x128xi32, #tpu.memory_space<vmem>>)
      tpu.yield
    }) : () -> ()
    %scan3A = arith.constant 0 : i32
    %scan3A_0 = arith.constant 128 : i32
    %scan3A_1 = arith.addi %scan3A, %scan3A_0 : i32
    %scan3A_2 = arith.constant 1 : i32
    scf.for %scan3A_383 = %scan3A to %scan3A_1 step %scan3A_2  : i32 {
      %mul3A_384 = arith.constant 1 : i32
      %mul3A_385 = arith.muli %scan3A_383, %mul3A_384 : i32
      %add3A_386 = arith.constant 0 : i32
      %add3A_387 = arith.addi %add3A_386, %mul3A_385 : i32
      %broadcast_in_dim3A = arith.constant 0.000000e+00 : f32
      %broadcast_in_dim3A_388 = vector.broadcast %broadcast_in_dim3A : f32 to vector<16xf32>
      %swap3A = arith.index_cast %add3A_387 : i32 to index
      %swap3A_389 = arith.constant 0 : index
      %swap3A_390 = tpu.vector_load %arg8[%swap3A, %swap3A_389] {strides = array<i32>} : memref<128x128xf32, #tpu.memory_space<vmem>>, vector<1x16xf32>,
      %swap3A_391 = vector.shape_cast %swap3A_390 : vector<1x16xf32> to vector<16xf32>
      %swap3A_392 = vector.shape_cast %broadcast_in_dim3A_388 : vector<16xf32> to vector<1x16xf32>
      tpu.vector_store %arg8[%swap3A, %swap3A_389], %swap3A_392 {strides = array<i32>} : memref<128x128xf32, #tpu.memory_space<vmem>>, vector<1x16xf32>,
      %broadcast_in_dim3A_393 = arith.constant 0.000000e+00 : f32
      %broadcast_in_dim3A_394 = vector.broadcast %broadcast_in_dim3A_393 : f32 to vector<16xf32>
      %swap3A_395 = arith.index_cast %add3A_387 : i32 to index
      %swap3A_396 = arith.constant 16 : index
      %swap3A_397 = tpu.vector_load %arg8[%swap3A_395, %swap3A_396] {strides = array<i32>} : memref<128x128xf32, #tpu.memory_space<vmem>>, vector<1x16xf32>,
      %swap3A_398 = vector.shape_cast %swap3A_397 : vector<1x16xf32> to vector<16xf32>
      %swap3A_399 = vector.shape_cast %broadcast_in_dim3A_394 : vector<16xf32> to vector<1x16xf32>
      tpu.vector_store %arg8[%swap3A_395, %swap3A_396], %swap3A_399 {strides = array<i32>} : memref<128x128xf32, #tpu.memory_space<vmem>>, vector<1x16xf32>,
      %broadcast_in_dim3A_400 = arith.constant 0.000000e+00 : f32
      %broadcast_in_dim3A_401 = vector.broadcast %broadcast_in_dim3A_400 : f32 to vector<16xf32>
      %swap3A_402 = arith.index_cast %add3A_387 : i32 to index
      %swap3A_403 = arith.constant 32 : index
      %swap3A_404 = tpu.vector_load %arg8[%swap3A_402, %swap3A_403] {strides = array<i32>} : memref<128x128xf32, #tpu.memory_space<vmem>>, vector<1x16xf32>,
      %swap3A_405 = vector.shape_cast %swap3A_404 : vector<1x16xf32> to vector<16xf32>
      %swap3A_406 = vector.shape_cast %broadcast_in_dim3A_401 : vector<16xf32> to vector<1x16xf32>
      tpu.vector_store %arg8[%swap3A_402, %swap3A_403], %swap3A_406 {strides = array<i32>} : memref<128x128xf32, #tpu.memory_space<vmem>>, vector<1x16xf32>,
      %broadcast_in_dim3A_407 = arith.constant 0.000000e+00 : f32
      %broadcast_in_dim3A_408 = vector.broadcast %broadcast_in_dim3A_407 : f32 to vector<16xf32>
      %swap3A_409 = arith.index_cast %add3A_387 : i32 to index
      %swap3A_410 = arith.constant 48 : index
      %swap3A_411 = tpu.vector_load %arg8[%swap3A_409, %swap3A_410] {strides = array<i32>} : memref<128x128xf32, #tpu.memory_space<vmem>>, vector<1x16xf32>,
      %swap3A_412 = vector.shape_cast %swap3A_411 : vector<1x16xf32> to vector<16xf32>
      %swap3A_413 = vector.shape_cast %broadcast_in_dim3A_408 : vector<16xf32> to vector<1x16xf32>
      tpu.vector_store %arg8[%swap3A_409, %swap3A_410], %swap3A_413 {strides = array<i32>} : memref<128x128xf32, #tpu.memory_space<vmem>>, vector<1x16xf32>,
      %broadcast_in_dim3A_414 = arith.constant 0.000000e+00 : f32
      %broadcast_in_dim3A_415 = vector.broadcast %broadcast_in_dim3A_414 : f32 to vector<16xf32>
      %swap3A_416 = arith.index_cast %add3A_387 : i32 to index
      %swap3A_417 = arith.constant 64 : index
      %swap3A_418 = tpu.vector_load %arg8[%swap3A_416, %swap3A_417] {strides = array<i32>} : memref<128x128xf32, #tpu.memory_space<vmem>>, vector<1x16xf32>,
      %swap3A_419 = vector.shape_cast %swap3A_418 : vector<1x16xf32> to vector<16xf32>
      %swap3A_420 = vector.shape_cast %broadcast_in_dim3A_415 : vector<16xf32> to vector<1x16xf32>
      tpu.vector_store %arg8[%swap3A_416, %swap3A_417], %swap3A_420 {strides = array<i32>} : memref<128x128xf32, #tpu.memory_space<vmem>>, vector<1x16xf32>,
      %broadcast_in_dim3A_421 = arith.constant 0.000000e+00 : f32
      %broadcast_in_dim3A_422 = vector.broadcast %broadcast_in_dim3A_421 : f32 to vector<16xf32>
      %swap3A_423 = arith.index_cast %add3A_387 : i32 to index
      %swap3A_424 = arith.constant 80 : index
      %swap3A_425 = tpu.vector_load %arg8[%swap3A_423, %swap3A_424] {strides = array<i32>} : memref<128x128xf32, #tpu.memory_space<vmem>>, vector<1x16xf32>,
      %swap3A_426 = vector.shape_cast %swap3A_425 : vector<1x16xf32> to vector<16xf32>
      %swap3A_427 = vector.shape_cast %broadcast_in_dim3A_422 : vector<16xf32> to vector<1x16xf32>
      tpu.vector_store %arg8[%swap3A_423, %swap3A_424], %swap3A_427 {strides = array<i32>} : memref<128x128xf32, #tpu.memory_space<vmem>>, vector<1x16xf32>,
      %broadcast_in_dim3A_428 = arith.constant 0.000000e+00 : f32
      %broadcast_in_dim3A_429 = vector.broadcast %broadcast_in_dim3A_428 : f32 to vector<16xf32>
      %swap3A_430 = arith.index_cast %add3A_387 : i32 to index
      %swap3A_431 = arith.constant 96 : index
      %swap3A_432 = tpu.vector_load %arg8[%swap3A_430, %swap3A_431] {strides = array<i32>} : memref<128x128xf32, #tpu.memory_space<vmem>>, vector<1x16xf32>,
      %swap3A_433 = vector.shape_cast %swap3A_432 : vector<1x16xf32> to vector<16xf32>
      %swap3A_434 = vector.shape_cast %broadcast_in_dim3A_429 : vector<16xf32> to vector<1x16xf32>
      tpu.vector_store %arg8[%swap3A_430, %swap3A_431], %swap3A_434 {strides = array<i32>} : memref<128x128xf32, #tpu.memory_space<vmem>>, vector<1x16xf32>,
      %broadcast_in_dim3A_435 = arith.constant 0.000000e+00 : f32
      %broadcast_in_dim3A_436 = vector.broadcast %broadcast_in_dim3A_435 : f32 to vector<16xf32>
      %swap3A_437 = arith.index_cast %add3A_387 : i32 to index
      %swap3A_438 = arith.constant 112 : index
      %swap3A_439 = tpu.vector_load %arg8[%swap3A_437, %swap3A_438] {strides = array<i32>} : memref<128x128xf32, #tpu.memory_space<vmem>>, vector<1x16xf32>,
      %swap3A_440 = vector.shape_cast %swap3A_439 : vector<1x16xf32> to vector<16xf32>
      %swap3A_441 = vector.shape_cast %broadcast_in_dim3A_436 : vector<16xf32> to vector<1x16xf32>
      tpu.vector_store %arg8[%swap3A_437, %swap3A_438], %swap3A_441 {strides = array<i32>} : memref<128x128xf32, #tpu.memory_space<vmem>>, vector<1x16xf32>,
    }
    %scan3A_3 = arith.constant 128 : i32
    %mul3A = arith.constant 320 : i32
    %mul3A_4 = arith.muli %arg1, %mul3A : i32
    %add3A = arith.constant 0 : i32
    %add3A_5 = arith.addi %mul3A_4, %add3A : i32
    "tpu.region"() ({
      %run_scoped3A_383 = tpu.sem_alloc : memref<!tpu.dma_semaphore, #tpu.memory_space<semaphore_mem>>
      %dma_start3A_384 = arith.constant 0 : i32
      %dma_start3A_385 = tpu.memref_slice %arg16[%add3A_5, %dma_start3A_384] : memref<5184x128xf32, #tpu.memory_space<vmem_shared>> -> memref<128x128xf32, #tpu.memory_space<vmem_shared>>
      %dma_start3A_386 = arith.constant 0 : i32
      %dma_start3A_387 = tpu.memref_slice %arg16[%add3A_5, %dma_start3A_386] : memref<5184x128xf32, #tpu.memory_space<vmem_shared>> -> memref<128x128xf32, #tpu.memory_space<vmem_shared>>
      tpu.enqueue_dma source(%arg8 : memref<128x128xf32, #tpu.memory_space<vmem>>) target(%dma_start3A_387 : memref<128x128xf32, #tpu.memory_space<vmem_shared>>) target_semaphore(%run_scoped3A_383 : memref<!tpu.dma_semaphore, #tpu.memory_space<semaphore_mem>>)
      %dma_wait3A_388 = arith.constant 0 : i32
      %dma_wait3A_389 = tpu.memref_slice %arg16[%add3A_5, %dma_wait3A_388] : memref<5184x128xf32, #tpu.memory_space<vmem_shared>> -> memref<128x128xf32, #tpu.memory_space<vmem_shared>>
      %dma_wait3A_390 = arith.constant 0 : i32
      %dma_wait3A_391 = tpu.memref_slice %arg16[%add3A_5, %dma_wait3A_390] : memref<5184x128xf32, #tpu.memory_space<vmem_shared>> -> memref<128x128xf32, #tpu.memory_space<vmem_shared>>
      tpu.wait_dma2 semaphore(%run_scoped3A_383 : memref<!tpu.dma_semaphore, #tpu.memory_space<semaphore_mem>>) src(%arg8 : memref<128x128xf32, #tpu.memory_space<vmem>>) dst(%dma_wait3A_391 : memref<128x128xf32, #tpu.memory_space<vmem_shared>>)
      tpu.yield
    }) : () -> ()
    %mul3A_6 = arith.constant 320 : i32
    %mul3A_7 = arith.muli %arg1, %mul3A_6 : i32
    %add3A_8 = arith.constant 128 : i32
    %add3A_9 = arith.addi %mul3A_7, %add3A_8 : i32
    "tpu.region"() ({
      %run_scoped3A_383 = tpu.sem_alloc : memref<!tpu.dma_semaphore, #tpu.memory_space<semaphore_mem>>
      %dma_start3A_384 = arith.constant 0 : i32
      %dma_start3A_385 = tpu.memref_slice %arg16[%add3A_9, %dma_start3A_384] : memref<5184x128xf32, #tpu.memory_space<vmem_shared>> -> memref<128x128xf32, #tpu.memory_space<vmem_shared>>
      %dma_start3A_386 = arith.constant 0 : i32
      %dma_start3A_387 = tpu.memref_slice %arg16[%add3A_9, %dma_start3A_386] : memref<5184x128xf32, #tpu.memory_space<vmem_shared>> -> memref<128x128xf32, #tpu.memory_space<vmem_shared>>
      tpu.enqueue_dma source(%arg8 : memref<128x128xf32, #tpu.memory_space<vmem>>) target(%dma_start3A_387 : memref<128x128xf32, #tpu.memory_space<vmem_shared>>) target_semaphore(%run_scoped3A_383 : memref<!tpu.dma_semaphore, #tpu.memory_space<semaphore_mem>>)
      %dma_wait3A_388 = arith.constant 0 : i32
      %dma_wait3A_389 = tpu.memref_slice %arg16[%add3A_9, %dma_wait3A_388] : memref<5184x128xf32, #tpu.memory_space<vmem_shared>> -> memref<128x128xf32, #tpu.memory_space<vmem_shared>>
      %dma_wait3A_390 = arith.constant 0 : i32
      %dma_wait3A_391 = tpu.memref_slice %arg16[%add3A_9, %dma_wait3A_390] : memref<5184x128xf32, #tpu.memory_space<vmem_shared>> -> memref<128x128xf32, #tpu.memory_space<vmem_shared>>
      tpu.wait_dma2 semaphore(%run_scoped3A_383 : memref<!tpu.dma_semaphore, #tpu.memory_space<semaphore_mem>>) src(%arg8 : memref<128x128xf32, #tpu.memory_space<vmem>>) dst(%dma_wait3A_391 : memref<128x128xf32, #tpu.memory_space<vmem_shared>>)
      tpu.yield
    }) : () -> ()
    %mul3A_10 = arith.constant 320 : i32
    %mul3A_11 = arith.muli %arg1, %mul3A_10 : i32
    %add3A_12 = arith.constant 256 : i32
    %add3A_13 = arith.addi %mul3A_11, %add3A_12 : i32
    "tpu.region"() ({
      %run_scoped3A_383 = tpu.sem_alloc : memref<!tpu.dma_semaphore, #tpu.memory_space<semaphore_mem>>
      %dma_start3A_384 = arith.constant 0 : i32
      %dma_start3A_385 = arith.constant 0 : i32
      %dma_start3A_386 = tpu.memref_slice %arg8[%dma_start3A_384, %dma_start3A_385] : memref<128x128xf32, #tpu.memory_space<vmem>> -> memref<64x128xf32, #tpu.memory_space<vmem>>
      %dma_start3A_387 = arith.constant 0 : i32
      %dma_start3A_388 = tpu.memref_slice %arg16[%add3A_13, %dma_start3A_387] : memref<5184x128xf32, #tpu.memory_space<vmem_shared>> -> memref<64x128xf32, #tpu.memory_space<vmem_shared>>
      %dma_start3A_389 = arith.constant 0 : i32
      %dma_start3A_390 = tpu.memref_slice %arg16[%add3A_13, %dma_start3A_389] : memref<5184x128xf32, #tpu.memory_space<vmem_shared>> -> memref<64x128xf32, #tpu.memory_space<vmem_shared>>
      %dma_start3A_391 = arith.constant 0 : i32
      %dma_start3A_392 = arith.constant 0 : i32
      %dma_start3A_393 = tpu.memref_slice %arg8[%dma_start3A_391, %dma_start3A_392] : memref<128x128xf32, #tpu.memory_space<vmem>> -> memref<64x128xf32, #tpu.memory_space<vmem>>
      tpu.enqueue_dma source(%dma_start3A_393 : memref<64x128xf32, #tpu.memory_space<vmem>>) target(%dma_start3A_390 : memref<64x128xf32, #tpu.memory_space<vmem_shared>>) target_semaphore(%run_scoped3A_383 : memref<!tpu.dma_semaphore, #tpu.memory_space<semaphore_mem>>)
      %dma_wait3A_394 = arith.constant 0 : i32
      %dma_wait3A_395 = arith.constant 0 : i32
      %dma_wait3A_396 = tpu.memref_slice %arg8[%dma_wait3A_394, %dma_wait3A_395] : memref<128x128xf32, #tpu.memory_space<vmem>> -> memref<64x128xf32, #tpu.memory_space<vmem>>
      %dma_wait3A_397 = arith.constant 0 : i32
      %dma_wait3A_398 = tpu.memref_slice %arg16[%add3A_13, %dma_wait3A_397] : memref<5184x128xf32, #tpu.memory_space<vmem_shared>> -> memref<64x128xf32, #tpu.memory_space<vmem_shared>>
      %dma_wait3A_399 = arith.constant 0 : i32
      %dma_wait3A_400 = tpu.memref_slice %arg16[%add3A_13, %dma_wait3A_399] : memref<5184x128xf32, #tpu.memory_space<vmem_shared>> -> memref<64x128xf32, #tpu.memory_space<vmem_shared>>
      %dma_wait3A_401 = arith.constant 0 : i32
      %dma_wait3A_402 = arith.constant 0 : i32
      %dma_wait3A_403 = tpu.memref_slice %arg8[%dma_wait3A_401, %dma_wait3A_402] : memref<128x128xf32, #tpu.memory_space<vmem>> -> memref<64x128xf32, #tpu.memory_space<vmem>>
      tpu.wait_dma2 semaphore(%run_scoped3A_383 : memref<!tpu.dma_semaphore, #tpu.memory_space<semaphore_mem>>) src(%dma_wait3A_403 : memref<64x128xf32, #tpu.memory_space<vmem>>) dst(%dma_wait3A_400 : memref<64x128xf32, #tpu.memory_space<vmem_shared>>)
      tpu.yield
    }) : () -> ()
    %barrier3A = arith.constant 0 : index
    tpu.barrier barrier_id(%barrier3A)
    %dma_start3A = arith.constant 0 : i32
    %dma_start3A_14 = arith.constant 0 : i32
    %dma_start3A_15 = arith.constant 0 : i32
    %dma_start3A_16 = tpu.memref_slice %arg6[%dma_start3A_14, %dma_start3A_15] : memref<80x128xi32, #tpu.memory_space<vmem>> -> memref<1x128xi32, #tpu.memory_space<vmem>>
    %dma_start3A_17 = tpu.memref_squeeze %dma_start3A_16 : memref<1x128xi32, #tpu.memory_space<vmem>> -> memref<128xi32, #tpu.memory_space<vmem>>
    %dma_start3A_18 = arith.constant 0 : i32
    %dma_start3A_19 = arith.constant 0 : i32
    %dma_start3A_20 = tpu.memref_slice %arg2[%dma_start3A, %dma_start3A_18, %dma_start3A_19] : memref<2x10240x128xf32, #tpu.memory_space<hbm>> -> memref<1x10240x128xf32, #tpu.memory_space<hbm>>
    %dma_start3A_21 = tpu.memref_squeeze %dma_start3A_20 : memref<1x10240x128xf32, #tpu.memory_space<hbm>> -> memref<10240x128xf32, #tpu.memory_space<hbm>>
    %dma_start3A_22 = arith.constant 0 : i32
    %dma_start3A_23 = arith.constant 0 : i32
    %dma_start3A_24 = tpu.memref_slice %dma_start3A_21[%dma_start3A_22, %dma_start3A_23] : memref<10240x128xf32, #tpu.memory_space<hbm>> -> memref<10240x128xf32, #tpu.memory_space<hbm>>
    tpu.enqueue_indirect_dma source(%dma_start3A_24 : memref<10240x128xf32, #tpu.memory_space<hbm>>) target(%arg8 : memref<128x128xf32, #tpu.memory_space<vmem>>) offsets(%dma_start3A_17 : memref<128xi32, #tpu.memory_space<vmem>>) semaphore(%arg12 : memref<!tpu.dma_semaphore, #tpu.memory_space<semaphore_mem>>)
    %dma_start3A_25 = arith.constant 0 : i32
    %dma_start3A_26 = arith.constant 1 : i32
    %dma_start3A_27 = arith.constant 0 : i32
    %dma_start3A_28 = tpu.memref_slice %arg6[%dma_start3A_26, %dma_start3A_27] : memref<80x128xi32, #tpu.memory_space<vmem>> -> memref<1x128xi32, #tpu.memory_space<vmem>>
    %dma_start3A_29 = tpu.memref_squeeze %dma_start3A_28 : memref<1x128xi32, #tpu.memory_space<vmem>> -> memref<128xi32, #tpu.memory_space<vmem>>
    %dma_start3A_30 = arith.constant 0 : i32
    %dma_start3A_31 = arith.constant 0 : i32
    %dma_start3A_32 = tpu.memref_slice %arg2[%dma_start3A_25, %dma_start3A_30, %dma_start3A_31] : memref<2x10240x128xf32, #tpu.memory_space<hbm>> -> memref<1x10240x128xf32, #tpu.memory_space<hbm>>
    %dma_start3A_33 = tpu.memref_squeeze %dma_start3A_32 : memref<1x10240x128xf32, #tpu.memory_space<hbm>> -> memref<10240x128xf32, #tpu.memory_space<hbm>>
    %dma_start3A_34 = arith.constant 0 : i32
    %dma_start3A_35 = arith.constant 0 : i32
    %dma_start3A_36 = tpu.memref_slice %dma_start3A_33[%dma_start3A_34, %dma_start3A_35] : memref<10240x128xf32, #tpu.memory_space<hbm>> -> memref<10240x128xf32, #tpu.memory_space<hbm>>
    tpu.enqueue_indirect_dma source(%dma_start3A_36 : memref<10240x128xf32, #tpu.memory_space<hbm>>) target(%arg9 : memref<128x128xf32, #tpu.memory_space<vmem>>) offsets(%dma_start3A_29 : memref<128xi32, #tpu.memory_space<vmem>>) semaphore(%arg12 : memref<!tpu.dma_semaphore, #tpu.memory_space<semaphore_mem>>)
    %dma_wait3A = arith.constant 0 : i32
    %dma_wait3A_37 = arith.constant 0 : i32
    %dma_wait3A_38 = arith.constant 0 : i32
    %dma_wait3A_39 = tpu.memref_slice %arg2[%dma_wait3A, %dma_wait3A_37, %dma_wait3A_38] : memref<2x10240x128xf32, #tpu.memory_space<hbm>> -> memref<1x10240x128xf32, #tpu.memory_space<hbm>>
    %dma_wait3A_40 = tpu.memref_squeeze %dma_wait3A_39 : memref<1x10240x128xf32, #tpu.memory_space<hbm>> -> memref<10240x128xf32, #tpu.memory_space<hbm>>
    %dma_wait3A_41 = arith.constant 0 : i32
    %dma_wait3A_42 = arith.constant 0 : i32
    %dma_wait3A_43 = tpu.memref_slice %dma_wait3A_40[%dma_wait3A_41, %dma_wait3A_42] : memref<10240x128xf32, #tpu.memory_space<hbm>> -> memref<128x128xf32, #tpu.memory_space<hbm>>
    %dma_wait3A_44 = arith.constant 0 : i32
    %dma_wait3A_45 = arith.constant 0 : i32
    %dma_wait3A_46 = tpu.memref_slice %arg2[%dma_wait3A, %dma_wait3A_44, %dma_wait3A_45] : memref<2x10240x128xf32, #tpu.memory_space<hbm>> -> memref<1x10240x128xf32, #tpu.memory_space<hbm>>
    %dma_wait3A_47 = tpu.memref_squeeze %dma_wait3A_46 : memref<1x10240x128xf32, #tpu.memory_space<hbm>> -> memref<10240x128xf32, #tpu.memory_space<hbm>>
    %dma_wait3A_48 = arith.constant 0 : i32
    %dma_wait3A_49 = arith.constant 0 : i32
    %dma_wait3A_50 = tpu.memref_slice %dma_wait3A_47[%dma_wait3A_48, %dma_wait3A_49] : memref<10240x128xf32, #tpu.memory_space<hbm>> -> memref<128x128xf32, #tpu.memory_space<hbm>>
    tpu.wait_dma2 semaphore(%arg12 : memref<!tpu.dma_semaphore, #tpu.memory_space<semaphore_mem>>) src(%dma_wait3A_50 : memref<128x128xf32, #tpu.memory_space<hbm>>) dst(%arg8 : memref<128x128xf32, #tpu.memory_space<vmem>>)
    %dma_wait3A_51 = arith.constant 0 : i32
    %dma_wait3A_52 = arith.constant 0 : i32
    %dma_wait3A_53 = arith.constant 0 : i32
    %dma_wait3A_54 = tpu.memref_slice %arg2[%dma_wait3A_51, %dma_wait3A_52, %dma_wait3A_53] : memref<2x10240x128xf32, #tpu.memory_space<hbm>> -> memref<1x10240x128xf32, #tpu.memory_space<hbm>>
    %dma_wait3A_55 = tpu.memref_squeeze %dma_wait3A_54 : memref<1x10240x128xf32, #tpu.memory_space<hbm>> -> memref<10240x128xf32, #tpu.memory_space<hbm>>
    %dma_wait3A_56 = arith.constant 0 : i32
    %dma_wait3A_57 = arith.constant 0 : i32
    %dma_wait3A_58 = tpu.memref_slice %dma_wait3A_55[%dma_wait3A_56, %dma_wait3A_57] : memref<10240x128xf32, #tpu.memory_space<hbm>> -> memref<128x128xf32, #tpu.memory_space<hbm>>
    %dma_wait3A_59 = arith.constant 0 : i32
    %dma_wait3A_60 = arith.constant 0 : i32
    %dma_wait3A_61 = tpu.memref_slice %arg2[%dma_wait3A_51, %dma_wait3A_59, %dma_wait3A_60] : memref<2x10240x128xf32, #tpu.memory_space<hbm>> -> memref<1x10240x128xf32, #tpu.memory_space<hbm>>
    %dma_wait3A_62 = tpu.memref_squeeze %dma_wait3A_61 : memref<1x10240x128xf32, #tpu.memory_space<hbm>> -> memref<10240x128xf32, #tpu.memory_space<hbm>>
    %dma_wait3A_63 = arith.constant 0 : i32
    %dma_wait3A_64 = arith.constant 0 : i32
    %dma_wait3A_65 = tpu.memref_slice %dma_wait3A_62[%dma_wait3A_63, %dma_wait3A_64] : memref<10240x128xf32, #tpu.memory_space<hbm>> -> memref<128x128xf32, #tpu.memory_space<hbm>>
    tpu.wait_dma2 semaphore(%arg12 : memref<!tpu.dma_semaphore, #tpu.memory_space<semaphore_mem>>) src(%dma_wait3A_65 : memref<128x128xf32, #tpu.memory_space<hbm>>) dst(%arg9 : memref<128x128xf32, #tpu.memory_space<vmem>>)
    %dma_start3A_66 = arith.constant 0 : i32
    %dma_start3A_67 = arith.constant 0 : i32
    %dma_start3A_68 = tpu.memref_slice %arg7[%dma_start3A_66, %dma_start3A_67] : memref<80x128xi32, #tpu.memory_space<vmem>> -> memref<1x128xi32, #tpu.memory_space<vmem>>
    %dma_start3A_69 = tpu.memref_squeeze %dma_start3A_68 : memref<1x128xi32, #tpu.memory_space<vmem>> -> memref<128xi32, #tpu.memory_space<vmem>>
    %dma_start3A_70 = arith.constant 0 : i32
    %dma_start3A_71 = arith.constant 0 : i32
    %dma_start3A_72 = tpu.memref_slice %arg16[%dma_start3A_70, %dma_start3A_71] : memref<5184x128xf32, #tpu.memory_space<vmem_shared>> -> memref<5184x128xf32, #tpu.memory_space<vmem_shared>>
    tpu.enqueue_indirect_dma source(%arg8 : memref<128x128xf32, #tpu.memory_space<vmem>>) target(%dma_start3A_72 : memref<5184x128xf32, #tpu.memory_space<vmem_shared>>) offsets(%dma_start3A_69 : memref<128xi32, #tpu.memory_space<vmem>>) semaphore(%arg14 : memref<!tpu.dma_semaphore, #tpu.memory_space<semaphore_mem>>) {add = true}
    %dma_start3A_73 = arith.constant 1 : i32
    %dma_start3A_74 = arith.constant 0 : i32
    %dma_start3A_75 = tpu.memref_slice %arg7[%dma_start3A_73, %dma_start3A_74] : memref<80x128xi32, #tpu.memory_space<vmem>> -> memref<1x128xi32, #tpu.memory_space<vmem>>
    %dma_start3A_76 = tpu.memref_squeeze %dma_start3A_75 : memref<1x128xi32, #tpu.memory_space<vmem>> -> memref<128xi32, #tpu.memory_space<vmem>>
    %dma_start3A_77 = arith.constant 0 : i32
    %dma_start3A_78 = arith.constant 0 : i32
    %dma_start3A_79 = tpu.memref_slice %arg16[%dma_start3A_77, %dma_start3A_78] : memref<5184x128xf32, #tpu.memory_space<vmem_shared>> -> memref<5184x128xf32, #tpu.memory_space<vmem_shared>>
    tpu.enqueue_indirect_dma source(%arg9 : memref<128x128xf32, #tpu.memory_space<vmem>>) target(%dma_start3A_79 : memref<5184x128xf32, #tpu.memory_space<vmem_shared>>) offsets(%dma_start3A_76 : memref<128xi32, #tpu.memory_space<vmem>>) semaphore(%arg14 : memref<!tpu.dma_semaphore, #tpu.memory_space<semaphore_mem>>) {add = true}
    %dma_start3A_80 = arith.constant 0 : i32
    %dma_start3A_81 = arith.constant 2 : i32
    %dma_start3A_82 = arith.constant 0 : i32
    %dma_start3A_83 = tpu.memref_slice %arg6[%dma_start3A_81, %dma_start3A_82] : memref<80x128xi32, #tpu.memory_space<vmem>> -> memref<1x128xi32, #tpu.memory_space<vmem>>
    %dma_start3A_84 = tpu.memref_squeeze %dma_start3A_83 : memref<1x128xi32, #tpu.memory_space<vmem>> -> memref<128xi32, #tpu.memory_space<vmem>>
    %dma_start3A_85 = arith.constant 0 : i32
    %dma_start3A_86 = arith.constant 0 : i32
    %dma_start3A_87 = tpu.memref_slice %arg2[%dma_start3A_80, %dma_start3A_85, %dma_start3A_86] : memref<2x10240x128xf32, #tpu.memory_space<hbm>> -> memref<1x10240x128xf32, #tpu.memory_space<hbm>>
    %dma_start3A_88 = tpu.memref_squeeze %dma_start3A_87 : memref<1x10240x128xf32, #tpu.memory_space<hbm>> -> memref<10240x128xf32, #tpu.memory_space<hbm>>
    %dma_start3A_89 = arith.constant 0 : i32
    %dma_start3A_90 = arith.constant 0 : i32
    %dma_start3A_91 = tpu.memref_slice %dma_start3A_88[%dma_start3A_89, %dma_start3A_90] : memref<10240x128xf32, #tpu.memory_space<hbm>> -> memref<10240x128xf32, #tpu.memory_space<hbm>>
    tpu.enqueue_indirect_dma source(%dma_start3A_91 : memref<10240x128xf32, #tpu.memory_space<hbm>>) target(%arg10 : memref<128x128xf32, #tpu.memory_space<vmem>>) offsets(%dma_start3A_84 : memref<128xi32, #tpu.memory_space<vmem>>) semaphore(%arg13 : memref<!tpu.dma_semaphore, #tpu.memory_space<semaphore_mem>>)
    %dma_start3A_92 = arith.constant 0 : i32
    %dma_start3A_93 = arith.constant 3 : i32
    %dma_start3A_94 = arith.constant 0 : i32
    %dma_start3A_95 = tpu.memref_slice %arg6[%dma_start3A_93, %dma_start3A_94] : memref<80x128xi32, #tpu.memory_space<vmem>> -> memref<1x128xi32, #tpu.memory_space<vmem>>
    %dma_start3A_96 = tpu.memref_squeeze %dma_start3A_95 : memref<1x128xi32, #tpu.memory_space<vmem>> -> memref<128xi32, #tpu.memory_space<vmem>>
    %dma_start3A_97 = arith.constant 0 : i32
    %dma_start3A_98 = arith.constant 0 : i32
    %dma_start3A_99 = tpu.memref_slice %arg2[%dma_start3A_92, %dma_start3A_97, %dma_start3A_98] : memref<2x10240x128xf32, #tpu.memory_space<hbm>> -> memref<1x10240x128xf32, #tpu.memory_space<hbm>>
    %dma_start3A_100 = tpu.memref_squeeze %dma_start3A_99 : memref<1x10240x128xf32, #tpu.memory_space<hbm>> -> memref<10240x128xf32, #tpu.memory_space<hbm>>
    %dma_start3A_101 = arith.constant 0 : i32
    %dma_start3A_102 = arith.constant 0 : i32
    %dma_start3A_103 = tpu.memref_slice %dma_start3A_100[%dma_start3A_101, %dma_start3A_102] : memref<10240x128xf32, #tpu.memory_space<hbm>> -> memref<10240x128xf32, #tpu.memory_space<hbm>>
    tpu.enqueue_indirect_dma source(%dma_start3A_103 : memref<10240x128xf32, #tpu.memory_space<hbm>>) target(%arg11 : memref<128x128xf32, #tpu.memory_space<vmem>>) offsets(%dma_start3A_96 : memref<128xi32, #tpu.memory_space<vmem>>) semaphore(%arg13 : memref<!tpu.dma_semaphore, #tpu.memory_space<semaphore_mem>>)
    %scan3A_104 = arith.constant 0 : i32
    %scan3A_105 = arith.constant 19 : i32
    %scan3A_106 = arith.addi %scan3A_104, %scan3A_105 : i32
    %scan3A_107 = arith.constant 1 : i32
    scf.for %scan3A_383 = %scan3A_104 to %scan3A_106 step %scan3A_107  : i32 {
      %mul3A_384 = arith.constant 1 : i32
      %mul3A_385 = arith.muli %scan3A_383, %mul3A_384 : i32
      %add3A_386 = arith.constant 0 : i32
      %add3A_387 = arith.addi %add3A_386, %mul3A_385 : i32
      %mul3A_388 = arith.constant 2 : i32
      %mul3A_389 = arith.muli %mul3A_388, %add3A_387 : i32
      %add3A_390 = arith.constant 1 : i32
      %add3A_391 = arith.addi %mul3A_389, %add3A_390 : i32
      %dma_wait3A_392 = arith.constant 0 : i32
      %dma_wait3A_393 = arith.constant 0 : i32
      %dma_wait3A_394 = arith.constant 0 : i32
      %dma_wait3A_395 = tpu.memref_slice %arg2[%dma_wait3A_392, %dma_wait3A_393, %dma_wait3A_394] : memref<2x10240x128xf32, #tpu.memory_space<hbm>> -> memref<1x10240x128xf32, #tpu.memory_space<hbm>>
      %dma_wait3A_396 = tpu.memref_squeeze %dma_wait3A_395 : memref<1x10240x128xf32, #tpu.memory_space<hbm>> -> memref<10240x128xf32, #tpu.memory_space<hbm>>
      %dma_wait3A_397 = arith.constant 0 : i32
      %dma_wait3A_398 = arith.constant 0 : i32
      %dma_wait3A_399 = tpu.memref_slice %dma_wait3A_396[%dma_wait3A_397, %dma_wait3A_398] : memref<10240x128xf32, #tpu.memory_space<hbm>> -> memref<128x128xf32, #tpu.memory_space<hbm>>
      %dma_wait3A_400 = arith.constant 0 : i32
      %dma_wait3A_401 = arith.constant 0 : i32
      %dma_wait3A_402 = tpu.memref_slice %arg2[%dma_wait3A_392, %dma_wait3A_400, %dma_wait3A_401] : memref<2x10240x128xf32, #tpu.memory_space<hbm>> -> memref<1x10240x128xf32, #tpu.memory_space<hbm>>
      %dma_wait3A_403 = tpu.memref_squeeze %dma_wait3A_402 : memref<1x10240x128xf32, #tpu.memory_space<hbm>> -> memref<10240x128xf32, #tpu.memory_space<hbm>>
      %dma_wait3A_404 = arith.constant 0 : i32
      %dma_wait3A_405 = arith.constant 0 : i32
      %dma_wait3A_406 = tpu.memref_slice %dma_wait3A_403[%dma_wait3A_404, %dma_wait3A_405] : memref<10240x128xf32, #tpu.memory_space<hbm>> -> memref<128x128xf32, #tpu.memory_space<hbm>>
      tpu.wait_dma2 semaphore(%arg13 : memref<!tpu.dma_semaphore, #tpu.memory_space<semaphore_mem>>) src(%dma_wait3A_406 : memref<128x128xf32, #tpu.memory_space<hbm>>) dst(%arg10 : memref<128x128xf32, #tpu.memory_space<vmem>>)
      %dma_wait3A_407 = arith.constant 0 : i32
      %dma_wait3A_408 = arith.constant 0 : i32
      %dma_wait3A_409 = arith.constant 0 : i32
      %dma_wait3A_410 = tpu.memref_slice %arg2[%dma_wait3A_407, %dma_wait3A_408, %dma_wait3A_409] : memref<2x10240x128xf32, #tpu.memory_space<hbm>> -> memref<1x10240x128xf32, #tpu.memory_space<hbm>>
      %dma_wait3A_411 = tpu.memref_squeeze %dma_wait3A_410 : memref<1x10240x128xf32, #tpu.memory_space<hbm>> -> memref<10240x128xf32, #tpu.memory_space<hbm>>
      %dma_wait3A_412 = arith.constant 0 : i32
      %dma_wait3A_413 = arith.constant 0 : i32
      %dma_wait3A_414 = tpu.memref_slice %dma_wait3A_411[%dma_wait3A_412, %dma_wait3A_413] : memref<10240x128xf32, #tpu.memory_space<hbm>> -> memref<128x128xf32, #tpu.memory_space<hbm>>
      %dma_wait3A_415 = arith.constant 0 : i32
      %dma_wait3A_416 = arith.constant 0 : i32
      %dma_wait3A_417 = tpu.memref_slice %arg2[%dma_wait3A_407, %dma_wait3A_415, %dma_wait3A_416] : memref<2x10240x128xf32, #tpu.memory_space<hbm>> -> memref<1x10240x128xf32, #tpu.memory_space<hbm>>
      %dma_wait3A_418 = tpu.memref_squeeze %dma_wait3A_417 : memref<1x10240x128xf32, #tpu.memory_space<hbm>> -> memref<10240x128xf32, #tpu.memory_space<hbm>>
      %dma_wait3A_419 = arith.constant 0 : i32
      %dma_wait3A_420 = arith.constant 0 : i32
      %dma_wait3A_421 = tpu.memref_slice %dma_wait3A_418[%dma_wait3A_419, %dma_wait3A_420] : memref<10240x128xf32, #tpu.memory_space<hbm>> -> memref<128x128xf32, #tpu.memory_space<hbm>>
      tpu.wait_dma2 semaphore(%arg13 : memref<!tpu.dma_semaphore, #tpu.memory_space<semaphore_mem>>) src(%dma_wait3A_421 : memref<128x128xf32, #tpu.memory_space<hbm>>) dst(%arg11 : memref<128x128xf32, #tpu.memory_space<vmem>>)
      %mul3A_422 = arith.constant 2 : i32
      %mul3A_423 = arith.muli %add3A_391, %mul3A_422 : i32
      %add3A_424 = arith.constant 0 : i32
      %add3A_425 = arith.addi %mul3A_423, %add3A_424 : i32
      %dma_start3A_426 = arith.constant 0 : i32
      %dma_start3A_427 = tpu.memref_slice %arg7[%add3A_425, %dma_start3A_426] : memref<80x128xi32, #tpu.memory_space<vmem>> -> memref<1x128xi32, #tpu.memory_space<vmem>>
      %dma_start3A_428 = tpu.memref_squeeze %dma_start3A_427 : memref<1x128xi32, #tpu.memory_space<vmem>> -> memref<128xi32, #tpu.memory_space<vmem>>
      %dma_start3A_429 = arith.constant 0 : i32
      %dma_start3A_430 = arith.constant 0 : i32
      %dma_start3A_431 = tpu.memref_slice %arg16[%dma_start3A_429, %dma_start3A_430] : memref<5184x128xf32, #tpu.memory_space<vmem_shared>> -> memref<5184x128xf32, #tpu.memory_space<vmem_shared>>
      tpu.enqueue_indirect_dma source(%arg10 : memref<128x128xf32, #tpu.memory_space<vmem>>) target(%dma_start3A_431 : memref<5184x128xf32, #tpu.memory_space<vmem_shared>>) offsets(%dma_start3A_428 : memref<128xi32, #tpu.memory_space<vmem>>) semaphore(%arg15 : memref<!tpu.dma_semaphore, #tpu.memory_space<semaphore_mem>>) {add = true}
      %mul3A_432 = arith.constant 2 : i32
      %mul3A_433 = arith.muli %add3A_391, %mul3A_432 : i32
      %add3A_434 = arith.constant 1 : i32
      %add3A_435 = arith.addi %mul3A_433, %add3A_434 : i32
      %dma_start3A_436 = arith.constant 0 : i32
      %dma_start3A_437 = tpu.memref_slice %arg7[%add3A_435, %dma_start3A_436] : memref<80x128xi32, #tpu.memory_space<vmem>> -> memref<1x128xi32, #tpu.memory_space<vmem>>
      %dma_start3A_438 = tpu.memref_squeeze %dma_start3A_437 : memref<1x128xi32, #tpu.memory_space<vmem>> -> memref<128xi32, #tpu.memory_space<vmem>>
      %dma_start3A_439 = arith.constant 0 : i32
      %dma_start3A_440 = arith.constant 0 : i32
      %dma_start3A_441 = tpu.memref_slice %arg16[%dma_start3A_439, %dma_start3A_440] : memref<5184x128xf32, #tpu.memory_space<vmem_shared>> -> memref<5184x128xf32, #tpu.memory_space<vmem_shared>>
      tpu.enqueue_indirect_dma source(%arg11 : memref<128x128xf32, #tpu.memory_space<vmem>>) target(%dma_start3A_441 : memref<5184x128xf32, #tpu.memory_space<vmem_shared>>) offsets(%dma_start3A_438 : memref<128xi32, #tpu.memory_space<vmem>>) semaphore(%arg15 : memref<!tpu.dma_semaphore, #tpu.memory_space<semaphore_mem>>) {add = true}
      %dma_wait3A_442 = arith.constant 0 : i32
      %dma_wait3A_443 = arith.constant 0 : i32
      %dma_wait3A_444 = tpu.memref_slice %arg16[%dma_wait3A_442, %dma_wait3A_443] : memref<5184x128xf32, #tpu.memory_space<vmem_shared>> -> memref<128x128xf32, #tpu.memory_space<vmem_shared>>
      %dma_wait3A_445 = arith.constant 0 : i32
      %dma_wait3A_446 = arith.constant 0 : i32
      %dma_wait3A_447 = tpu.memref_slice %arg16[%dma_wait3A_445, %dma_wait3A_446] : memref<5184x128xf32, #tpu.memory_space<vmem_shared>> -> memref<128x128xf32, #tpu.memory_space<vmem_shared>>
      tpu.wait_dma2 semaphore(%arg14 : memref<!tpu.dma_semaphore, #tpu.memory_space<semaphore_mem>>) src(%arg8 : memref<128x128xf32, #tpu.memory_space<vmem>>) dst(%dma_wait3A_447 : memref<128x128xf32, #tpu.memory_space<vmem_shared>>)
      %dma_wait3A_448 = arith.constant 0 : i32
      %dma_wait3A_449 = arith.constant 0 : i32
      %dma_wait3A_450 = tpu.memref_slice %arg16[%dma_wait3A_448, %dma_wait3A_449] : memref<5184x128xf32, #tpu.memory_space<vmem_shared>> -> memref<128x128xf32, #tpu.memory_space<vmem_shared>>
      %dma_wait3A_451 = arith.constant 0 : i32
      %dma_wait3A_452 = arith.constant 0 : i32
      %dma_wait3A_453 = tpu.memref_slice %arg16[%dma_wait3A_451, %dma_wait3A_452] : memref<5184x128xf32, #tpu.memory_space<vmem_shared>> -> memref<128x128xf32, #tpu.memory_space<vmem_shared>>
      tpu.wait_dma2 semaphore(%arg14 : memref<!tpu.dma_semaphore, #tpu.memory_space<semaphore_mem>>) src(%arg9 : memref<128x128xf32, #tpu.memory_space<vmem>>) dst(%dma_wait3A_453 : memref<128x128xf32, #tpu.memory_space<vmem_shared>>)
      %add3A_454 = arith.constant 1 : i32
      %add3A_455 = arith.addi %add3A_391, %add3A_454 : i32
      %mul3A_456 = arith.constant 2 : i32
      %mul3A_457 = arith.muli %add3A_455, %mul3A_456 : i32
      %add3A_458 = arith.constant 0 : i32
      %add3A_459 = arith.addi %mul3A_457, %add3A_458 : i32
      %dma_start3A_460 = arith.constant 0 : i32
      %dma_start3A_461 = arith.constant 0 : i32
      %dma_start3A_462 = tpu.memref_slice %arg6[%add3A_459, %dma_start3A_461] : memref<80x128xi32, #tpu.memory_space<vmem>> -> memref<1x128xi32, #tpu.memory_space<vmem>>
      %dma_start3A_463 = tpu.memref_squeeze %dma_start3A_462 : memref<1x128xi32, #tpu.memory_space<vmem>> -> memref<128xi32, #tpu.memory_space<vmem>>
      %dma_start3A_464 = arith.constant 0 : i32
      %dma_start3A_465 = arith.constant 0 : i32
      %dma_start3A_466 = tpu.memref_slice %arg2[%dma_start3A_460, %dma_start3A_464, %dma_start3A_465] : memref<2x10240x128xf32, #tpu.memory_space<hbm>> -> memref<1x10240x128xf32, #tpu.memory_space<hbm>>
      %dma_start3A_467 = tpu.memref_squeeze %dma_start3A_466 : memref<1x10240x128xf32, #tpu.memory_space<hbm>> -> memref<10240x128xf32, #tpu.memory_space<hbm>>
      %dma_start3A_468 = arith.constant 0 : i32
      %dma_start3A_469 = arith.constant 0 : i32
      %dma_start3A_470 = tpu.memref_slice %dma_start3A_467[%dma_start3A_468, %dma_start3A_469] : memref<10240x128xf32, #tpu.memory_space<hbm>> -> memref<10240x128xf32, #tpu.memory_space<hbm>>
      tpu.enqueue_indirect_dma source(%dma_start3A_470 : memref<10240x128xf32, #tpu.memory_space<hbm>>) target(%arg8 : memref<128x128xf32, #tpu.memory_space<vmem>>) offsets(%dma_start3A_463 : memref<128xi32, #tpu.memory_space<vmem>>) semaphore(%arg12 : memref<!tpu.dma_semaphore, #tpu.memory_space<semaphore_mem>>)
      %mul3A_471 = arith.constant 2 : i32
      %mul3A_472 = arith.muli %add3A_455, %mul3A_471 : i32
      %add3A_473 = arith.constant 1 : i32
      %add3A_474 = arith.addi %mul3A_472, %add3A_473 : i32
      %dma_start3A_475 = arith.constant 0 : i32
      %dma_start3A_476 = arith.constant 0 : i32
      %dma_start3A_477 = tpu.memref_slice %arg6[%add3A_474, %dma_start3A_476] : memref<80x128xi32, #tpu.memory_space<vmem>> -> memref<1x128xi32, #tpu.memory_space<vmem>>
      %dma_start3A_478 = tpu.memref_squeeze %dma_start3A_477 : memref<1x128xi32, #tpu.memory_space<vmem>> -> memref<128xi32, #tpu.memory_space<vmem>>
      %dma_start3A_479 = arith.constant 0 : i32
      %dma_start3A_480 = arith.constant 0 : i32
      %dma_start3A_481 = tpu.memref_slice %arg2[%dma_start3A_475, %dma_start3A_479, %dma_start3A_480] : memref<2x10240x128xf32, #tpu.memory_space<hbm>> -> memref<1x10240x128xf32, #tpu.memory_space<hbm>>
      %dma_start3A_482 = tpu.memref_squeeze %dma_start3A_481 : memref<1x10240x128xf32, #tpu.memory_space<hbm>> -> memref<10240x128xf32, #tpu.memory_space<hbm>>
      %dma_start3A_483 = arith.constant 0 : i32
      %dma_start3A_484 = arith.constant 0 : i32
      %dma_start3A_485 = tpu.memref_slice %dma_start3A_482[%dma_start3A_483, %dma_start3A_484] : memref<10240x128xf32, #tpu.memory_space<hbm>> -> memref<10240x128xf32, #tpu.memory_space<hbm>>
      tpu.enqueue_indirect_dma source(%dma_start3A_485 : memref<10240x128xf32, #tpu.memory_space<hbm>>) target(%arg9 : memref<128x128xf32, #tpu.memory_space<vmem>>) offsets(%dma_start3A_478 : memref<128xi32, #tpu.memory_space<vmem>>) semaphore(%arg12 : memref<!tpu.dma_semaphore, #tpu.memory_space<semaphore_mem>>)
      %mul3A_486 = arith.constant 2 : i32
      %mul3A_487 = arith.muli %mul3A_486, %add3A_387 : i32
      %add3A_488 = arith.constant 2 : i32
      %add3A_489 = arith.addi %mul3A_487, %add3A_488 : i32
      %dma_wait3A_490 = arith.constant 0 : i32
      %dma_wait3A_491 = arith.constant 0 : i32
      %dma_wait3A_492 = arith.constant 0 : i32
      %dma_wait3A_493 = tpu.memref_slice %arg2[%dma_wait3A_490, %dma_wait3A_491, %dma_wait3A_492] : memref<2x10240x128xf32, #tpu.memory_space<hbm>> -> memref<1x10240x128xf32, #tpu.memory_space<hbm>>
      %dma_wait3A_494 = tpu.memref_squeeze %dma_wait3A_493 : memref<1x10240x128xf32, #tpu.memory_space<hbm>> -> memref<10240x128xf32, #tpu.memory_space<hbm>>
      %dma_wait3A_495 = arith.constant 0 : i32
      %dma_wait3A_496 = arith.constant 0 : i32
      %dma_wait3A_497 = tpu.memref_slice %dma_wait3A_494[%dma_wait3A_495, %dma_wait3A_496] : memref<10240x128xf32, #tpu.memory_space<hbm>> -> memref<128x128xf32, #tpu.memory_space<hbm>>
      %dma_wait3A_498 = arith.constant 0 : i32
      %dma_wait3A_499 = arith.constant 0 : i32
      %dma_wait3A_500 = tpu.memref_slice %arg2[%dma_wait3A_490, %dma_wait3A_498, %dma_wait3A_499] : memref<2x10240x128xf32, #tpu.memory_space<hbm>> -> memref<1x10240x128xf32, #tpu.memory_space<hbm>>
      %dma_wait3A_501 = tpu.memref_squeeze %dma_wait3A_500 : memref<1x10240x128xf32, #tpu.memory_space<hbm>> -> memref<10240x128xf32, #tpu.memory_space<hbm>>
      %dma_wait3A_502 = arith.constant 0 : i32
      %dma_wait3A_503 = arith.constant 0 : i32
      %dma_wait3A_504 = tpu.memref_slice %dma_wait3A_501[%dma_wait3A_502, %dma_wait3A_503] : memref<10240x128xf32, #tpu.memory_space<hbm>> -> memref<128x128xf32, #tpu.memory_space<hbm>>
      tpu.wait_dma2 semaphore(%arg12 : memref<!tpu.dma_semaphore, #tpu.memory_space<semaphore_mem>>) src(%dma_wait3A_504 : memref<128x128xf32, #tpu.memory_space<hbm>>) dst(%arg8 : memref<128x128xf32, #tpu.memory_space<vmem>>)
      %dma_wait3A_505 = arith.constant 0 : i32
      %dma_wait3A_506 = arith.constant 0 : i32
      %dma_wait3A_507 = arith.constant 0 : i32
      %dma_wait3A_508 = tpu.memref_slice %arg2[%dma_wait3A_505, %dma_wait3A_506, %dma_wait3A_507] : memref<2x10240x128xf32, #tpu.memory_space<hbm>> -> memref<1x10240x128xf32, #tpu.memory_space<hbm>>
      %dma_wait3A_509 = tpu.memref_squeeze %dma_wait3A_508 : memref<1x10240x128xf32, #tpu.memory_space<hbm>> -> memref<10240x128xf32, #tpu.memory_space<hbm>>
      %dma_wait3A_510 = arith.constant 0 : i32
      %dma_wait3A_511 = arith.constant 0 : i32
      %dma_wait3A_512 = tpu.memref_slice %dma_wait3A_509[%dma_wait3A_510, %dma_wait3A_511] : memref<10240x128xf32, #tpu.memory_space<hbm>> -> memref<128x128xf32, #tpu.memory_space<hbm>>
      %dma_wait3A_513 = arith.constant 0 : i32
      %dma_wait3A_514 = arith.constant 0 : i32
      %dma_wait3A_515 = tpu.memref_slice %arg2[%dma_wait3A_505, %dma_wait3A_513, %dma_wait3A_514] : memref<2x10240x128xf32, #tpu.memory_space<hbm>> -> memref<1x10240x128xf32, #tpu.memory_space<hbm>>
      %dma_wait3A_516 = tpu.memref_squeeze %dma_wait3A_515 : memref<1x10240x128xf32, #tpu.memory_space<hbm>> -> memref<10240x128xf32, #tpu.memory_space<hbm>>
      %dma_wait3A_517 = arith.constant 0 : i32
      %dma_wait3A_518 = arith.constant 0 : i32
      %dma_wait3A_519 = tpu.memref_slice %dma_wait3A_516[%dma_wait3A_517, %dma_wait3A_518] : memref<10240x128xf32, #tpu.memory_space<hbm>> -> memref<128x128xf32, #tpu.memory_space<hbm>>
      tpu.wait_dma2 semaphore(%arg12 : memref<!tpu.dma_semaphore, #tpu.memory_space<semaphore_mem>>) src(%dma_wait3A_519 : memref<128x128xf32, #tpu.memory_space<hbm>>) dst(%arg9 : memref<128x128xf32, #tpu.memory_space<vmem>>)
      %mul3A_520 = arith.constant 2 : i32
      %mul3A_521 = arith.muli %add3A_489, %mul3A_520 : i32
      %add3A_522 = arith.constant 0 : i32
      %add3A_523 = arith.addi %mul3A_521, %add3A_522 : i32
      %dma_start3A_524 = arith.constant 0 : i32
      %dma_start3A_525 = tpu.memref_slice %arg7[%add3A_523, %dma_start3A_524] : memref<80x128xi32, #tpu.memory_space<vmem>> -> memref<1x128xi32, #tpu.memory_space<vmem>>
      %dma_start3A_526 = tpu.memref_squeeze %dma_start3A_525 : memref<1x128xi32, #tpu.memory_space<vmem>> -> memref<128xi32, #tpu.memory_space<vmem>>
      %dma_start3A_527 = arith.constant 0 : i32
      %dma_start3A_528 = arith.constant 0 : i32
      %dma_start3A_529 = tpu.memref_slice %arg16[%dma_start3A_527, %dma_start3A_528] : memref<5184x128xf32, #tpu.memory_space<vmem_shared>> -> memref<5184x128xf32, #tpu.memory_space<vmem_shared>>
      tpu.enqueue_indirect_dma source(%arg8 : memref<128x128xf32, #tpu.memory_space<vmem>>) target(%dma_start3A_529 : memref<5184x128xf32, #tpu.memory_space<vmem_shared>>) offsets(%dma_start3A_526 : memref<128xi32, #tpu.memory_space<vmem>>) semaphore(%arg14 : memref<!tpu.dma_semaphore, #tpu.memory_space<semaphore_mem>>) {add = true}
      %mul3A_530 = arith.constant 2 : i32
      %mul3A_531 = arith.muli %add3A_489, %mul3A_530 : i32
      %add3A_532 = arith.constant 1 : i32
      %add3A_533 = arith.addi %mul3A_531, %add3A_532 : i32
      %dma_start3A_534 = arith.constant 0 : i32
      %dma_start3A_535 = tpu.memref_slice %arg7[%add3A_533, %dma_start3A_534] : memref<80x128xi32, #tpu.memory_space<vmem>> -> memref<1x128xi32, #tpu.memory_space<vmem>>
      %dma_start3A_536 = tpu.memref_squeeze %dma_start3A_535 : memref<1x128xi32, #tpu.memory_space<vmem>> -> memref<128xi32, #tpu.memory_space<vmem>>
      %dma_start3A_537 = arith.constant 0 : i32
      %dma_start3A_538 = arith.constant 0 : i32
      %dma_start3A_539 = tpu.memref_slice %arg16[%dma_start3A_537, %dma_start3A_538] : memref<5184x128xf32, #tpu.memory_space<vmem_shared>> -> memref<5184x128xf32, #tpu.memory_space<vmem_shared>>
      tpu.enqueue_indirect_dma source(%arg9 : memref<128x128xf32, #tpu.memory_space<vmem>>) target(%dma_start3A_539 : memref<5184x128xf32, #tpu.memory_space<vmem_shared>>) offsets(%dma_start3A_536 : memref<128xi32, #tpu.memory_space<vmem>>) semaphore(%arg14 : memref<!tpu.dma_semaphore, #tpu.memory_space<semaphore_mem>>) {add = true}
      %dma_wait3A_540 = arith.constant 0 : i32
      %dma_wait3A_541 = arith.constant 0 : i32
      %dma_wait3A_542 = tpu.memref_slice %arg16[%dma_wait3A_540, %dma_wait3A_541] : memref<5184x128xf32, #tpu.memory_space<vmem_shared>> -> memref<128x128xf32, #tpu.memory_space<vmem_shared>>
      %dma_wait3A_543 = arith.constant 0 : i32
      %dma_wait3A_544 = arith.constant 0 : i32
      %dma_wait3A_545 = tpu.memref_slice %arg16[%dma_wait3A_543, %dma_wait3A_544] : memref<5184x128xf32, #tpu.memory_space<vmem_shared>> -> memref<128x128xf32, #tpu.memory_space<vmem_shared>>
      tpu.wait_dma2 semaphore(%arg15 : memref<!tpu.dma_semaphore, #tpu.memory_space<semaphore_mem>>) src(%arg10 : memref<128x128xf32, #tpu.memory_space<vmem>>) dst(%dma_wait3A_545 : memref<128x128xf32, #tpu.memory_space<vmem_shared>>)
      %dma_wait3A_546 = arith.constant 0 : i32
      %dma_wait3A_547 = arith.constant 0 : i32
      %dma_wait3A_548 = tpu.memref_slice %arg16[%dma_wait3A_546, %dma_wait3A_547] : memref<5184x128xf32, #tpu.memory_space<vmem_shared>> -> memref<128x128xf32, #tpu.memory_space<vmem_shared>>
      %dma_wait3A_549 = arith.constant 0 : i32
      %dma_wait3A_550 = arith.constant 0 : i32
      %dma_wait3A_551 = tpu.memref_slice %arg16[%dma_wait3A_549, %dma_wait3A_550] : memref<5184x128xf32, #tpu.memory_space<vmem_shared>> -> memref<128x128xf32, #tpu.memory_space<vmem_shared>>
      tpu.wait_dma2 semaphore(%arg15 : memref<!tpu.dma_semaphore, #tpu.memory_space<semaphore_mem>>) src(%arg11 : memref<128x128xf32, #tpu.memory_space<vmem>>) dst(%dma_wait3A_551 : memref<128x128xf32, #tpu.memory_space<vmem_shared>>)
      %add3A_552 = arith.constant 1 : i32
      %add3A_553 = arith.addi %add3A_489, %add3A_552 : i32
      %mul3A_554 = arith.constant 2 : i32
      %mul3A_555 = arith.muli %add3A_553, %mul3A_554 : i32
      %add3A_556 = arith.constant 0 : i32
      %add3A_557 = arith.addi %mul3A_555, %add3A_556 : i32
      %dma_start3A_558 = arith.constant 0 : i32
      %dma_start3A_559 = arith.constant 0 : i32
      %dma_start3A_560 = tpu.memref_slice %arg6[%add3A_557, %dma_start3A_559] : memref<80x128xi32, #tpu.memory_space<vmem>> -> memref<1x128xi32, #tpu.memory_space<vmem>>
      %dma_start3A_561 = tpu.memref_squeeze %dma_start3A_560 : memref<1x128xi32, #tpu.memory_space<vmem>> -> memref<128xi32, #tpu.memory_space<vmem>>
      %dma_start3A_562 = arith.constant 0 : i32
      %dma_start3A_563 = arith.constant 0 : i32
      %dma_start3A_564 = tpu.memref_slice %arg2[%dma_start3A_558, %dma_start3A_562, %dma_start3A_563] : memref<2x10240x128xf32, #tpu.memory_space<hbm>> -> memref<1x10240x128xf32, #tpu.memory_space<hbm>>
      %dma_start3A_565 = tpu.memref_squeeze %dma_start3A_564 : memref<1x10240x128xf32, #tpu.memory_space<hbm>> -> memref<10240x128xf32, #tpu.memory_space<hbm>>
      %dma_start3A_566 = arith.constant 0 : i32
      %dma_start3A_567 = arith.constant 0 : i32
      %dma_start3A_568 = tpu.memref_slice %dma_start3A_565[%dma_start3A_566, %dma_start3A_567] : memref<10240x128xf32, #tpu.memory_space<hbm>> -> memref<10240x128xf32, #tpu.memory_space<hbm>>
      tpu.enqueue_indirect_dma source(%dma_start3A_568 : memref<10240x128xf32, #tpu.memory_space<hbm>>) target(%arg10 : memref<128x128xf32, #tpu.memory_space<vmem>>) offsets(%dma_start3A_561 : memref<128xi32, #tpu.memory_space<vmem>>) semaphore(%arg13 : memref<!tpu.dma_semaphore, #tpu.memory_space<semaphore_mem>>)
      %mul3A_569 = arith.constant 2 : i32
      %mul3A_570 = arith.muli %add3A_553, %mul3A_569 : i32
      %add3A_571 = arith.constant 1 : i32
      %add3A_572 = arith.addi %mul3A_570, %add3A_571 : i32
      %dma_start3A_573 = arith.constant 0 : i32
      %dma_start3A_574 = arith.constant 0 : i32
      %dma_start3A_575 = tpu.memref_slice %arg6[%add3A_572, %dma_start3A_574] : memref<80x128xi32, #tpu.memory_space<vmem>> -> memref<1x128xi32, #tpu.memory_space<vmem>>
      %dma_start3A_576 = tpu.memref_squeeze %dma_start3A_575 : memref<1x128xi32, #tpu.memory_space<vmem>> -> memref<128xi32, #tpu.memory_space<vmem>>
      %dma_start3A_577 = arith.constant 0 : i32
      %dma_start3A_578 = arith.constant 0 : i32
      %dma_start3A_579 = tpu.memref_slice %arg2[%dma_start3A_573, %dma_start3A_577, %dma_start3A_578] : memref<2x10240x128xf32, #tpu.memory_space<hbm>> -> memref<1x10240x128xf32, #tpu.memory_space<hbm>>
      %dma_start3A_580 = tpu.memref_squeeze %dma_start3A_579 : memref<1x10240x128xf32, #tpu.memory_space<hbm>> -> memref<10240x128xf32, #tpu.memory_space<hbm>>
      %dma_start3A_581 = arith.constant 0 : i32
      %dma_start3A_582 = arith.constant 0 : i32
      %dma_start3A_583 = tpu.memref_slice %dma_start3A_580[%dma_start3A_581, %dma_start3A_582] : memref<10240x128xf32, #tpu.memory_space<hbm>> -> memref<10240x128xf32, #tpu.memory_space<hbm>>
      tpu.enqueue_indirect_dma source(%dma_start3A_583 : memref<10240x128xf32, #tpu.memory_space<hbm>>) target(%arg11 : memref<128x128xf32, #tpu.memory_space<vmem>>) offsets(%dma_start3A_576 : memref<128xi32, #tpu.memory_space<vmem>>) semaphore(%arg13 : memref<!tpu.dma_semaphore, #tpu.memory_space<semaphore_mem>>)
    }
    %scan3A_108 = arith.constant 19 : i32
    %dma_wait3A_109 = arith.constant 0 : i32
    %dma_wait3A_110 = arith.constant 0 : i32
    %dma_wait3A_111 = arith.constant 0 : i32
    %dma_wait3A_112 = tpu.memref_slice %arg2[%dma_wait3A_109, %dma_wait3A_110, %dma_wait3A_111] : memref<2x10240x128xf32, #tpu.memory_space<hbm>> -> memref<1x10240x128xf32, #tpu.memory_space<hbm>>
    %dma_wait3A_113 = tpu.memref_squeeze %dma_wait3A_112 : memref<1x10240x128xf32, #tpu.memory_space<hbm>> -> memref<10240x128xf32, #tpu.memory_space<hbm>>
    %dma_wait3A_114 = arith.constant 0 : i32
    %dma_wait3A_115 = arith.constant 0 : i32
    %dma_wait3A_116 = tpu.memref_slice %dma_wait3A_113[%dma_wait3A_114, %dma_wait3A_115] : memref<10240x128xf32, #tpu.memory_space<hbm>> -> memref<128x128xf32, #tpu.memory_space<hbm>>
    %dma_wait3A_117 = arith.constant 0 : i32
    %dma_wait3A_118 = arith.constant 0 : i32
    %dma_wait3A_119 = tpu.memref_slice %arg2[%dma_wait3A_109, %dma_wait3A_117, %dma_wait3A_118] : memref<2x10240x128xf32, #tpu.memory_space<hbm>> -> memref<1x10240x128xf32, #tpu.memory_space<hbm>>
    %dma_wait3A_120 = tpu.memref_squeeze %dma_wait3A_119 : memref<1x10240x128xf32, #tpu.memory_space<hbm>> -> memref<10240x128xf32, #tpu.memory_space<hbm>>
    %dma_wait3A_121 = arith.constant 0 : i32
    %dma_wait3A_122 = arith.constant 0 : i32
    %dma_wait3A_123 = tpu.memref_slice %dma_wait3A_120[%dma_wait3A_121, %dma_wait3A_122] : memref<10240x128xf32, #tpu.memory_space<hbm>> -> memref<128x128xf32, #tpu.memory_space<hbm>>
    tpu.wait_dma2 semaphore(%arg13 : memref<!tpu.dma_semaphore, #tpu.memory_space<semaphore_mem>>) src(%dma_wait3A_123 : memref<128x128xf32, #tpu.memory_space<hbm>>) dst(%arg10 : memref<128x128xf32, #tpu.memory_space<vmem>>)
    %dma_wait3A_124 = arith.constant 0 : i32
    %dma_wait3A_125 = arith.constant 0 : i32
    %dma_wait3A_126 = arith.constant 0 : i32
    %dma_wait3A_127 = tpu.memref_slice %arg2[%dma_wait3A_124, %dma_wait3A_125, %dma_wait3A_126] : memref<2x10240x128xf32, #tpu.memory_space<hbm>> -> memref<1x10240x128xf32, #tpu.memory_space<hbm>>
    %dma_wait3A_128 = tpu.memref_squeeze %dma_wait3A_127 : memref<1x10240x128xf32, #tpu.memory_space<hbm>> -> memref<10240x128xf32, #tpu.memory_space<hbm>>
    %dma_wait3A_129 = arith.constant 0 : i32
    %dma_wait3A_130 = arith.constant 0 : i32
    %dma_wait3A_131 = tpu.memref_slice %dma_wait3A_128[%dma_wait3A_129, %dma_wait3A_130] : memref<10240x128xf32, #tpu.memory_space<hbm>> -> memref<128x128xf32, #tpu.memory_space<hbm>>
    %dma_wait3A_132 = arith.constant 0 : i32
    %dma_wait3A_133 = arith.constant 0 : i32
    %dma_wait3A_134 = tpu.memref_slice %arg2[%dma_wait3A_124, %dma_wait3A_132, %dma_wait3A_133] : memref<2x10240x128xf32, #tpu.memory_space<hbm>> -> memref<1x10240x128xf32, #tpu.memory_space<hbm>>
    %dma_wait3A_135 = tpu.memref_squeeze %dma_wait3A_134 : memref<1x10240x128xf32, #tpu.memory_space<hbm>> -> memref<10240x128xf32, #tpu.memory_space<hbm>>
    %dma_wait3A_136 = arith.constant 0 : i32
    %dma_wait3A_137 = arith.constant 0 : i32
    %dma_wait3A_138 = tpu.memref_slice %dma_wait3A_135[%dma_wait3A_136, %dma_wait3A_137] : memref<10240x128xf32, #tpu.memory_space<hbm>> -> memref<128x128xf32, #tpu.memory_space<hbm>>
    tpu.wait_dma2 semaphore(%arg13 : memref<!tpu.dma_semaphore, #tpu.memory_space<semaphore_mem>>) src(%dma_wait3A_138 : memref<128x128xf32, #tpu.memory_space<hbm>>) dst(%arg11 : memref<128x128xf32, #tpu.memory_space<vmem>>)
    %dma_start3A_139 = arith.constant 78 : i32
    %dma_start3A_140 = arith.constant 0 : i32
    %dma_start3A_141 = tpu.memref_slice %arg7[%dma_start3A_139, %dma_start3A_140] : memref<80x128xi32, #tpu.memory_space<vmem>> -> memref<1x128xi32, #tpu.memory_space<vmem>>
    %dma_start3A_142 = tpu.memref_squeeze %dma_start3A_141 : memref<1x128xi32, #tpu.memory_space<vmem>> -> memref<128xi32, #tpu.memory_space<vmem>>
    %dma_start3A_143 = arith.constant 0 : i32
    %dma_start3A_144 = arith.constant 0 : i32
    %dma_start3A_145 = tpu.memref_slice %arg16[%dma_start3A_143, %dma_start3A_144] : memref<5184x128xf32, #tpu.memory_space<vmem_shared>> -> memref<5184x128xf32, #tpu.memory_space<vmem_shared>>
    tpu.enqueue_indirect_dma source(%arg10 : memref<128x128xf32, #tpu.memory_space<vmem>>) target(%dma_start3A_145 : memref<5184x128xf32, #tpu.memory_space<vmem_shared>>) offsets(%dma_start3A_142 : memref<128xi32, #tpu.memory_space<vmem>>) semaphore(%arg15 : memref<!tpu.dma_semaphore, #tpu.memory_space<semaphore_mem>>) {add = true}
    %dma_start3A_146 = arith.constant 79 : i32
    %dma_start3A_147 = arith.constant 0 : i32
    %dma_start3A_148 = tpu.memref_slice %arg7[%dma_start3A_146, %dma_start3A_147] : memref<80x128xi32, #tpu.memory_space<vmem>> -> memref<1x128xi32, #tpu.memory_space<vmem>>
    %dma_start3A_149 = tpu.memref_squeeze %dma_start3A_148 : memref<1x128xi32, #tpu.memory_space<vmem>> -> memref<128xi32, #tpu.memory_space<vmem>>
    %dma_start3A_150 = arith.constant 0 : i32
    %dma_start3A_151 = arith.constant 0 : i32
    %dma_start3A_152 = tpu.memref_slice %arg16[%dma_start3A_150, %dma_start3A_151] : memref<5184x128xf32, #tpu.memory_space<vmem_shared>> -> memref<5184x128xf32, #tpu.memory_space<vmem_shared>>
    tpu.enqueue_indirect_dma source(%arg11 : memref<128x128xf32, #tpu.memory_space<vmem>>) target(%dma_start3A_152 : memref<5184x128xf32, #tpu.memory_space<vmem_shared>>) offsets(%dma_start3A_149 : memref<128xi32, #tpu.memory_space<vmem>>) semaphore(%arg15 : memref<!tpu.dma_semaphore, #tpu.memory_space<semaphore_mem>>) {add = true}
    %dma_wait3A_153 = arith.constant 0 : i32
    %dma_wait3A_154 = arith.constant 0 : i32
    %dma_wait3A_155 = tpu.memref_slice %arg16[%dma_wait3A_153, %dma_wait3A_154] : memref<5184x128xf32, #tpu.memory_space<vmem_shared>> -> memref<128x128xf32, #tpu.memory_space<vmem_shared>>
    %dma_wait3A_156 = arith.constant 0 : i32
    %dma_wait3A_157 = arith.constant 0 : i32
    %dma_wait3A_158 = tpu.memref_slice %arg16[%dma_wait3A_156, %dma_wait3A_157] : memref<5184x128xf32, #tpu.memory_space<vmem_shared>> -> memref<128x128xf32, #tpu.memory_space<vmem_shared>>
    tpu.wait_dma2 semaphore(%arg14 : memref<!tpu.dma_semaphore, #tpu.memory_space<semaphore_mem>>) src(%arg8 : memref<128x128xf32, #tpu.memory_space<vmem>>) dst(%dma_wait3A_158 : memref<128x128xf32, #tpu.memory_space<vmem_shared>>)
    %dma_wait3A_159 = arith.constant 0 : i32
    %dma_wait3A_160 = arith.constant 0 : i32
    %dma_wait3A_161 = tpu.memref_slice %arg16[%dma_wait3A_159, %dma_wait3A_160] : memref<5184x128xf32, #tpu.memory_space<vmem_shared>> -> memref<128x128xf32, #tpu.memory_space<vmem_shared>>
    %dma_wait3A_162 = arith.constant 0 : i32
    %dma_wait3A_163 = arith.constant 0 : i32
    %dma_wait3A_164 = tpu.memref_slice %arg16[%dma_wait3A_162, %dma_wait3A_163] : memref<5184x128xf32, #tpu.memory_space<vmem_shared>> -> memref<128x128xf32, #tpu.memory_space<vmem_shared>>
    tpu.wait_dma2 semaphore(%arg14 : memref<!tpu.dma_semaphore, #tpu.memory_space<semaphore_mem>>) src(%arg9 : memref<128x128xf32, #tpu.memory_space<vmem>>) dst(%dma_wait3A_164 : memref<128x128xf32, #tpu.memory_space<vmem_shared>>)
    %dma_wait3A_165 = arith.constant 0 : i32
    %dma_wait3A_166 = arith.constant 0 : i32
    %dma_wait3A_167 = tpu.memref_slice %arg16[%dma_wait3A_165, %dma_wait3A_166] : memref<5184x128xf32, #tpu.memory_space<vmem_shared>> -> memref<128x128xf32, #tpu.memory_space<vmem_shared>>
    %dma_wait3A_168 = arith.constant 0 : i32
    %dma_wait3A_169 = arith.constant 0 : i32
    %dma_wait3A_170 = tpu.memref_slice %arg16[%dma_wait3A_168, %dma_wait3A_169] : memref<5184x128xf32, #tpu.memory_space<vmem_shared>> -> memref<128x128xf32, #tpu.memory_space<vmem_shared>>
    tpu.wait_dma2 semaphore(%arg15 : memref<!tpu.dma_semaphore, #tpu.memory_space<semaphore_mem>>) src(%arg10 : memref<128x128xf32, #tpu.memory_space<vmem>>) dst(%dma_wait3A_170 : memref<128x128xf32, #tpu.memory_space<vmem_shared>>)
    %dma_wait3A_171 = arith.constant 0 : i32
    %dma_wait3A_172 = arith.constant 0 : i32
    %dma_wait3A_173 = tpu.memref_slice %arg16[%dma_wait3A_171, %dma_wait3A_172] : memref<5184x128xf32, #tpu.memory_space<vmem_shared>> -> memref<128x128xf32, #tpu.memory_space<vmem_shared>>
    %dma_wait3A_174 = arith.constant 0 : i32
    %dma_wait3A_175 = arith.constant 0 : i32
    %dma_wait3A_176 = tpu.memref_slice %arg16[%dma_wait3A_174, %dma_wait3A_175] : memref<5184x128xf32, #tpu.memory_space<vmem_shared>> -> memref<128x128xf32, #tpu.memory_space<vmem_shared>>
    tpu.wait_dma2 semaphore(%arg15 : memref<!tpu.dma_semaphore, #tpu.memory_space<semaphore_mem>>) src(%arg11 : memref<128x128xf32, #tpu.memory_space<vmem>>) dst(%dma_wait3A_176 : memref<128x128xf32, #tpu.memory_space<vmem_shared>>)
    %barrier3A_177 = arith.constant 0 : index
    tpu.barrier barrier_id(%barrier3A_177)
    %mul3A_178 = arith.constant 320 : i32
    %mul3A_179 = arith.muli %arg1, %mul3A_178 : i32
    %add3A_180 = arith.constant 0 : i32
    %add3A_181 = arith.addi %add3A_180, %arg0 : i32
    %mul3A_182 = arith.constant 5120 : i32
    %mul3A_183 = arith.muli %add3A_181, %mul3A_182 : i32
    %mul3A_184 = arith.constant 320 : i32
    %mul3A_185 = arith.muli %arg1, %mul3A_184 : i32
    %add3A_186 = arith.addi %mul3A_183, %mul3A_185 : i32
    %run_scoped3A_187 = arith.constant 0 : i32
    "tpu.region"() ({
      %run_scoped3A_383 = tpu.sem_alloc : memref<!tpu.dma_semaphore, #tpu.memory_space<semaphore_mem>>
      %dma_start3A_384 = arith.constant 0 : i32
      %dma_start3A_385 = tpu.memref_slice %arg5[%run_scoped3A_187, %add3A_186, %dma_start3A_384] : memref<2x10240x128xf32, #tpu.memory_space<hbm>> -> memref<1x320x128xf32, #tpu.memory_space<hbm>>
      %dma_start3A_386 = tpu.memref_squeeze %dma_start3A_385 : memref<1x320x128xf32, #tpu.memory_space<hbm>> -> memref<320x128xf32, #tpu.memory_space<hbm>>
      %dma_start3A_387 = arith.constant 0 : i32
      %dma_start3A_388 = tpu.memref_slice %arg16[%mul3A_179, %dma_start3A_387] : memref<5184x128xf32, #tpu.memory_space<vmem_shared>> -> memref<320x128xf32, #tpu.memory_space<vmem_shared>>
      tpu.enqueue_dma source(%dma_start3A_388 : memref<320x128xf32, #tpu.memory_space<vmem_shared>>) target(%dma_start3A_386 : memref<320x128xf32, #tpu.memory_space<hbm>>) target_semaphore(%run_scoped3A_383 : memref<!tpu.dma_semaphore, #tpu.memory_space<semaphore_mem>>)
      %dma_wait3A_389 = arith.constant 0 : i32
      %dma_wait3A_390 = tpu.memref_slice %arg5[%run_scoped3A_187, %add3A_186, %dma_wait3A_389] : memref<2x10240x128xf32, #tpu.memory_space<hbm>> -> memref<1x320x128xf32, #tpu.memory_space<hbm>>
      %dma_wait3A_391 = tpu.memref_squeeze %dma_wait3A_390 : memref<1x320x128xf32, #tpu.memory_space<hbm>> -> memref<320x128xf32, #tpu.memory_space<hbm>>
      %dma_wait3A_392 = arith.constant 0 : i32
      %dma_wait3A_393 = tpu.memref_slice %arg16[%mul3A_179, %dma_wait3A_392] : memref<5184x128xf32, #tpu.memory_space<vmem_shared>> -> memref<320x128xf32, #tpu.memory_space<vmem_shared>>
      tpu.wait_dma2 semaphore(%run_scoped3A_383 : memref<!tpu.dma_semaphore, #tpu.memory_space<semaphore_mem>>) src(%dma_wait3A_393 : memref<320x128xf32, #tpu.memory_space<vmem_shared>>) dst(%dma_wait3A_391 : memref<320x128xf32, #tpu.memory_space<hbm>>)
      tpu.yield
    }) : () -> ()
    %run_scoped3A_188 = arith.constant 0 : i32
    "tpu.region"() ({
      %run_scoped3A_383 = tpu.sem_alloc : memref<!tpu.dma_semaphore, #tpu.memory_space<semaphore_mem>>
      %dma_start3A_384 = arith.constant 0 : i32
      %dma_start3A_385 = arith.constant 0 : i32
      %dma_start3A_386 = tpu.memref_slice %arg4[%run_scoped3A_188, %arg0, %arg1, %dma_start3A_384, %dma_start3A_385] : memref<1x2x16x80x128xi32, #tpu.memory_space<hbm>> -> memref<1x1x1x80x128xi32, #tpu.memory_space<hbm>>
      %dma_start3A_387 = tpu.memref_squeeze %dma_start3A_386 : memref<1x1x1x80x128xi32, #tpu.memory_space<hbm>> -> memref<80x128xi32, #tpu.memory_space<hbm>>
      %dma_start3A_388 = arith.constant 0 : i32
      %dma_start3A_389 = arith.constant 0 : i32
      %dma_start3A_390 = tpu.memref_slice %arg4[%run_scoped3A_188, %arg0, %arg1, %dma_start3A_388, %dma_start3A_389] : memref<1x2x16x80x128xi32, #tpu.memory_space<hbm>> -> memref<1x1x1x80x128xi32, #tpu.memory_space<hbm>>
      %dma_start3A_391 = tpu.memref_squeeze %dma_start3A_390 : memref<1x1x1x80x128xi32, #tpu.memory_space<hbm>> -> memref<80x128xi32, #tpu.memory_space<hbm>>
      tpu.enqueue_dma source(%dma_start3A_391 : memref<80x128xi32, #tpu.memory_space<hbm>>) target(%arg7 : memref<80x128xi32, #tpu.memory_space<vmem>>) target_semaphore(%run_scoped3A_383 : memref<!tpu.dma_semaphore, #tpu.memory_space<semaphore_mem>>)
      %dma_wait3A_392 = arith.constant 0 : i32
      %dma_wait3A_393 = arith.constant 0 : i32
      %dma_wait3A_394 = tpu.memref_slice %arg4[%run_scoped3A_188, %arg0, %arg1, %dma_wait3A_392, %dma_wait3A_393] : memref<1x2x16x80x128xi32, #tpu.memory_space<hbm>> -> memref<1x1x1x80x128xi32, #tpu.memory_space<hbm>>
      %dma_wait3A_395 = tpu.memref_squeeze %dma_wait3A_394 : memref<1x1x1x80x128xi32, #tpu.memory_space<hbm>> -> memref<80x128xi32, #tpu.memory_space<hbm>>
      %dma_wait3A_396 = arith.constant 0 : i32
      %dma_wait3A_397 = arith.constant 0 : i32
      %dma_wait3A_398 = tpu.memref_slice %arg4[%run_scoped3A_188, %arg0, %arg1, %dma_wait3A_396, %dma_wait3A_397] : memref<1x2x16x80x128xi32, #tpu.memory_space<hbm>> -> memref<1x1x1x80x128xi32, #tpu.memory_space<hbm>>
      %dma_wait3A_399 = tpu.memref_squeeze %dma_wait3A_398 : memref<1x1x1x80x128xi32, #tpu.memory_space<hbm>> -> memref<80x128xi32, #tpu.memory_space<hbm>>
      tpu.wait_dma2 semaphore(%run_scoped3A_383 : memref<!tpu.dma_semaphore, #tpu.memory_space<semaphore_mem>>) src(%dma_wait3A_399 : memref<80x128xi32, #tpu.memory_space<hbm>>) dst(%arg7 : memref<80x128xi32, #tpu.memory_space<vmem>>)
      tpu.yield
    }) : () -> ()
    %scan3A_189 = arith.constant 0 : i32
    %scan3A_190 = arith.constant 128 : i32
    %scan3A_191 = arith.addi %scan3A_189, %scan3A_190 : i32
    %scan3A_192 = arith.constant 1 : i32
    scf.for %scan3A_383 = %scan3A_189 to %scan3A_191 step %scan3A_192  : i32 {
      %mul3A_384 = arith.constant 1 : i32
      %mul3A_385 = arith.muli %scan3A_383, %mul3A_384 : i32
      %add3A_386 = arith.constant 0 : i32
      %add3A_387 = arith.addi %add3A_386, %mul3A_385 : i32
      %broadcast_in_dim3A = arith.constant 0.000000e+00 : f32
      %broadcast_in_dim3A_388 = vector.broadcast %broadcast_in_dim3A : f32 to vector<16xf32>
      %swap3A = arith.index_cast %add3A_387 : i32 to index
      %swap3A_389 = arith.constant 0 : index
      %swap3A_390 = tpu.vector_load %arg8[%swap3A, %swap3A_389] {strides = array<i32>} : memref<128x128xf32, #tpu.memory_space<vmem>>, vector<1x16xf32>,
      %swap3A_391 = vector.shape_cast %swap3A_390 : vector<1x16xf32> to vector<16xf32>
      %swap3A_392 = vector.shape_cast %broadcast_in_dim3A_388 : vector<16xf32> to vector<1x16xf32>
      tpu.vector_store %arg8[%swap3A, %swap3A_389], %swap3A_392 {strides = array<i32>} : memref<128x128xf32, #tpu.memory_space<vmem>>, vector<1x16xf32>,
      %broadcast_in_dim3A_393 = arith.constant 0.000000e+00 : f32
      %broadcast_in_dim3A_394 = vector.broadcast %broadcast_in_dim3A_393 : f32 to vector<16xf32>
      %swap3A_395 = arith.index_cast %add3A_387 : i32 to index
      %swap3A_396 = arith.constant 16 : index
      %swap3A_397 = tpu.vector_load %arg8[%swap3A_395, %swap3A_396] {strides = array<i32>} : memref<128x128xf32, #tpu.memory_space<vmem>>, vector<1x16xf32>,
      %swap3A_398 = vector.shape_cast %swap3A_397 : vector<1x16xf32> to vector<16xf32>
      %swap3A_399 = vector.shape_cast %broadcast_in_dim3A_394 : vector<16xf32> to vector<1x16xf32>
      tpu.vector_store %arg8[%swap3A_395, %swap3A_396], %swap3A_399 {strides = array<i32>} : memref<128x128xf32, #tpu.memory_space<vmem>>, vector<1x16xf32>,
      %broadcast_in_dim3A_400 = arith.constant 0.000000e+00 : f32
      %broadcast_in_dim3A_401 = vector.broadcast %broadcast_in_dim3A_400 : f32 to vector<16xf32>
      %swap3A_402 = arith.index_cast %add3A_387 : i32 to index
      %swap3A_403 = arith.constant 32 : index
      %swap3A_404 = tpu.vector_load %arg8[%swap3A_402, %swap3A_403] {strides = array<i32>} : memref<128x128xf32, #tpu.memory_space<vmem>>, vector<1x16xf32>,
      %swap3A_405 = vector.shape_cast %swap3A_404 : vector<1x16xf32> to vector<16xf32>
      %swap3A_406 = vector.shape_cast %broadcast_in_dim3A_401 : vector<16xf32> to vector<1x16xf32>
      tpu.vector_store %arg8[%swap3A_402, %swap3A_403], %swap3A_406 {strides = array<i32>} : memref<128x128xf32, #tpu.memory_space<vmem>>, vector<1x16xf32>,
      %broadcast_in_dim3A_407 = arith.constant 0.000000e+00 : f32
      %broadcast_in_dim3A_408 = vector.broadcast %broadcast_in_dim3A_407 : f32 to vector<16xf32>
      %swap3A_409 = arith.index_cast %add3A_387 : i32 to index
      %swap3A_410 = arith.constant 48 : index
      %swap3A_411 = tpu.vector_load %arg8[%swap3A_409, %swap3A_410] {strides = array<i32>} : memref<128x128xf32, #tpu.memory_space<vmem>>, vector<1x16xf32>,
      %swap3A_412 = vector.shape_cast %swap3A_411 : vector<1x16xf32> to vector<16xf32>
      %swap3A_413 = vector.shape_cast %broadcast_in_dim3A_408 : vector<16xf32> to vector<1x16xf32>
      tpu.vector_store %arg8[%swap3A_409, %swap3A_410], %swap3A_413 {strides = array<i32>} : memref<128x128xf32, #tpu.memory_space<vmem>>, vector<1x16xf32>,
      %broadcast_in_dim3A_414 = arith.constant 0.000000e+00 : f32
      %broadcast_in_dim3A_415 = vector.broadcast %broadcast_in_dim3A_414 : f32 to vector<16xf32>
      %swap3A_416 = arith.index_cast %add3A_387 : i32 to index
      %swap3A_417 = arith.constant 64 : index
      %swap3A_418 = tpu.vector_load %arg8[%swap3A_416, %swap3A_417] {strides = array<i32>} : memref<128x128xf32, #tpu.memory_space<vmem>>, vector<1x16xf32>,
      %swap3A_419 = vector.shape_cast %swap3A_418 : vector<1x16xf32> to vector<16xf32>
      %swap3A_420 = vector.shape_cast %broadcast_in_dim3A_415 : vector<16xf32> to vector<1x16xf32>
      tpu.vector_store %arg8[%swap3A_416, %swap3A_417], %swap3A_420 {strides = array<i32>} : memref<128x128xf32, #tpu.memory_space<vmem>>, vector<1x16xf32>,
      %broadcast_in_dim3A_421 = arith.constant 0.000000e+00 : f32
      %broadcast_in_dim3A_422 = vector.broadcast %broadcast_in_dim3A_421 : f32 to vector<16xf32>
      %swap3A_423 = arith.index_cast %add3A_387 : i32 to index
      %swap3A_424 = arith.constant 80 : index
      %swap3A_425 = tpu.vector_load %arg8[%swap3A_423, %swap3A_424] {strides = array<i32>} : memref<128x128xf32, #tpu.memory_space<vmem>>, vector<1x16xf32>,
      %swap3A_426 = vector.shape_cast %swap3A_425 : vector<1x16xf32> to vector<16xf32>
      %swap3A_427 = vector.shape_cast %broadcast_in_dim3A_422 : vector<16xf32> to vector<1x16xf32>
      tpu.vector_store %arg8[%swap3A_423, %swap3A_424], %swap3A_427 {strides = array<i32>} : memref<128x128xf32, #tpu.memory_space<vmem>>, vector<1x16xf32>,
      %broadcast_in_dim3A_428 = arith.constant 0.000000e+00 : f32
      %broadcast_in_dim3A_429 = vector.broadcast %broadcast_in_dim3A_428 : f32 to vector<16xf32>
      %swap3A_430 = arith.index_cast %add3A_387 : i32 to index
      %swap3A_431 = arith.constant 96 : index
      %swap3A_432 = tpu.vector_load %arg8[%swap3A_430, %swap3A_431] {strides = array<i32>} : memref<128x128xf32, #tpu.memory_space<vmem>>, vector<1x16xf32>,
      %swap3A_433 = vector.shape_cast %swap3A_432 : vector<1x16xf32> to vector<16xf32>
      %swap3A_434 = vector.shape_cast %broadcast_in_dim3A_429 : vector<16xf32> to vector<1x16xf32>
      tpu.vector_store %arg8[%swap3A_430, %swap3A_431], %swap3A_434 {strides = array<i32>} : memref<128x128xf32, #tpu.memory_space<vmem>>, vector<1x16xf32>,
      %broadcast_in_dim3A_435 = arith.constant 0.000000e+00 : f32
      %broadcast_in_dim3A_436 = vector.broadcast %broadcast_in_dim3A_435 : f32 to vector<16xf32>
      %swap3A_437 = arith.index_cast %add3A_387 : i32 to index
      %swap3A_438 = arith.constant 112 : index
      %swap3A_439 = tpu.vector_load %arg8[%swap3A_437, %swap3A_438] {strides = array<i32>} : memref<128x128xf32, #tpu.memory_space<vmem>>, vector<1x16xf32>,
      %swap3A_440 = vector.shape_cast %swap3A_439 : vector<1x16xf32> to vector<16xf32>
      %swap3A_441 = vector.shape_cast %broadcast_in_dim3A_436 : vector<16xf32> to vector<1x16xf32>
      tpu.vector_store %arg8[%swap3A_437, %swap3A_438], %swap3A_441 {strides = array<i32>} : memref<128x128xf32, #tpu.memory_space<vmem>>, vector<1x16xf32>,
    }
    %scan3A_193 = arith.constant 128 : i32
    %mul3A_194 = arith.constant 320 : i32
    %mul3A_195 = arith.muli %arg1, %mul3A_194 : i32
    %add3A_196 = arith.constant 0 : i32
    %add3A_197 = arith.addi %mul3A_195, %add3A_196 : i32
    "tpu.region"() ({
      %run_scoped3A_383 = tpu.sem_alloc : memref<!tpu.dma_semaphore, #tpu.memory_space<semaphore_mem>>
      %dma_start3A_384 = arith.constant 0 : i32
      %dma_start3A_385 = tpu.memref_slice %arg16[%add3A_197, %dma_start3A_384] : memref<5184x128xf32, #tpu.memory_space<vmem_shared>> -> memref<128x128xf32, #tpu.memory_space<vmem_shared>>
      %dma_start3A_386 = arith.constant 0 : i32
      %dma_start3A_387 = tpu.memref_slice %arg16[%add3A_197, %dma_start3A_386] : memref<5184x128xf32, #tpu.memory_space<vmem_shared>> -> memref<128x128xf32, #tpu.memory_space<vmem_shared>>
      tpu.enqueue_dma source(%arg8 : memref<128x128xf32, #tpu.memory_space<vmem>>) target(%dma_start3A_387 : memref<128x128xf32, #tpu.memory_space<vmem_shared>>) target_semaphore(%run_scoped3A_383 : memref<!tpu.dma_semaphore, #tpu.memory_space<semaphore_mem>>)
      %dma_wait3A_388 = arith.constant 0 : i32
      %dma_wait3A_389 = tpu.memref_slice %arg16[%add3A_197, %dma_wait3A_388] : memref<5184x128xf32, #tpu.memory_space<vmem_shared>> -> memref<128x128xf32, #tpu.memory_space<vmem_shared>>
      %dma_wait3A_390 = arith.constant 0 : i32
      %dma_wait3A_391 = tpu.memref_slice %arg16[%add3A_197, %dma_wait3A_390] : memref<5184x128xf32, #tpu.memory_space<vmem_shared>> -> memref<128x128xf32, #tpu.memory_space<vmem_shared>>
      tpu.wait_dma2 semaphore(%run_scoped3A_383 : memref<!tpu.dma_semaphore, #tpu.memory_space<semaphore_mem>>) src(%arg8 : memref<128x128xf32, #tpu.memory_space<vmem>>) dst(%dma_wait3A_391 : memref<128x128xf32, #tpu.memory_space<vmem_shared>>)
      tpu.yield
    }) : () -> ()
    %mul3A_198 = arith.constant 320 : i32
    %mul3A_199 = arith.muli %arg1, %mul3A_198 : i32
    %add3A_200 = arith.constant 128 : i32
    %add3A_201 = arith.addi %mul3A_199, %add3A_200 : i32
    "tpu.region"() ({
      %run_scoped3A_383 = tpu.sem_alloc : memref<!tpu.dma_semaphore, #tpu.memory_space<semaphore_mem>>
      %dma_start3A_384 = arith.constant 0 : i32
      %dma_start3A_385 = tpu.memref_slice %arg16[%add3A_201, %dma_start3A_384] : memref<5184x128xf32, #tpu.memory_space<vmem_shared>> -> memref<128x128xf32, #tpu.memory_space<vmem_shared>>
      %dma_start3A_386 = arith.constant 0 : i32
      %dma_start3A_387 = tpu.memref_slice %arg16[%add3A_201, %dma_start3A_386] : memref<5184x128xf32, #tpu.memory_space<vmem_shared>> -> memref<128x128xf32, #tpu.memory_space<vmem_shared>>
      tpu.enqueue_dma source(%arg8 : memref<128x128xf32, #tpu.memory_space<vmem>>) target(%dma_start3A_387 : memref<128x128xf32, #tpu.memory_space<vmem_shared>>) target_semaphore(%run_scoped3A_383 : memref<!tpu.dma_semaphore, #tpu.memory_space<semaphore_mem>>)
      %dma_wait3A_388 = arith.constant 0 : i32
      %dma_wait3A_389 = tpu.memref_slice %arg16[%add3A_201, %dma_wait3A_388] : memref<5184x128xf32, #tpu.memory_space<vmem_shared>> -> memref<128x128xf32, #tpu.memory_space<vmem_shared>>
      %dma_wait3A_390 = arith.constant 0 : i32
      %dma_wait3A_391 = tpu.memref_slice %arg16[%add3A_201, %dma_wait3A_390] : memref<5184x128xf32, #tpu.memory_space<vmem_shared>> -> memref<128x128xf32, #tpu.memory_space<vmem_shared>>
      tpu.wait_dma2 semaphore(%run_scoped3A_383 : memref<!tpu.dma_semaphore, #tpu.memory_space<semaphore_mem>>) src(%arg8 : memref<128x128xf32, #tpu.memory_space<vmem>>) dst(%dma_wait3A_391 : memref<128x128xf32, #tpu.memory_space<vmem_shared>>)
      tpu.yield
    }) : () -> ()
    %mul3A_202 = arith.constant 320 : i32
    %mul3A_203 = arith.muli %arg1, %mul3A_202 : i32
    %add3A_204 = arith.constant 256 : i32
    %add3A_205 = arith.addi %mul3A_203, %add3A_204 : i32
    "tpu.region"() ({
      %run_scoped3A_383 = tpu.sem_alloc : memref<!tpu.dma_semaphore, #tpu.memory_space<semaphore_mem>>
      %dma_start3A_384 = arith.constant 0 : i32
      %dma_start3A_385 = arith.constant 0 : i32
      %dma_start3A_386 = tpu.memref_slice %arg8[%dma_start3A_384, %dma_start3A_385] : memref<128x128xf32, #tpu.memory_space<vmem>> -> memref<64x128xf32, #tpu.memory_space<vmem>>
      %dma_start3A_387 = arith.constant 0 : i32
      %dma_start3A_388 = tpu.memref_slice %arg16[%add3A_205, %dma_start3A_387] : memref<5184x128xf32, #tpu.memory_space<vmem_shared>> -> memref<64x128xf32, #tpu.memory_space<vmem_shared>>
      %dma_start3A_389 = arith.constant 0 : i32
      %dma_start3A_390 = tpu.memref_slice %arg16[%add3A_205, %dma_start3A_389] : memref<5184x128xf32, #tpu.memory_space<vmem_shared>> -> memref<64x128xf32, #tpu.memory_space<vmem_shared>>
      %dma_start3A_391 = arith.constant 0 : i32
      %dma_start3A_392 = arith.constant 0 : i32
      %dma_start3A_393 = tpu.memref_slice %arg8[%dma_start3A_391, %dma_start3A_392] : memref<128x128xf32, #tpu.memory_space<vmem>> -> memref<64x128xf32, #tpu.memory_space<vmem>>
      tpu.enqueue_dma source(%dma_start3A_393 : memref<64x128xf32, #tpu.memory_space<vmem>>) target(%dma_start3A_390 : memref<64x128xf32, #tpu.memory_space<vmem_shared>>) target_semaphore(%run_scoped3A_383 : memref<!tpu.dma_semaphore, #tpu.memory_space<semaphore_mem>>)
      %dma_wait3A_394 = arith.constant 0 : i32
      %dma_wait3A_395 = arith.constant 0 : i32
      %dma_wait3A_396 = tpu.memref_slice %arg8[%dma_wait3A_394, %dma_wait3A_395] : memref<128x128xf32, #tpu.memory_space<vmem>> -> memref<64x128xf32, #tpu.memory_space<vmem>>
      %dma_wait3A_397 = arith.constant 0 : i32
      %dma_wait3A_398 = tpu.memref_slice %arg16[%add3A_205, %dma_wait3A_397] : memref<5184x128xf32, #tpu.memory_space<vmem_shared>> -> memref<64x128xf32, #tpu.memory_space<vmem_shared>>
      %dma_wait3A_399 = arith.constant 0 : i32
      %dma_wait3A_400 = tpu.memref_slice %arg16[%add3A_205, %dma_wait3A_399] : memref<5184x128xf32, #tpu.memory_space<vmem_shared>> -> memref<64x128xf32, #tpu.memory_space<vmem_shared>>
      %dma_wait3A_401 = arith.constant 0 : i32
      %dma_wait3A_402 = arith.constant 0 : i32
      %dma_wait3A_403 = tpu.memref_slice %arg8[%dma_wait3A_401, %dma_wait3A_402] : memref<128x128xf32, #tpu.memory_space<vmem>> -> memref<64x128xf32, #tpu.memory_space<vmem>>
      tpu.wait_dma2 semaphore(%run_scoped3A_383 : memref<!tpu.dma_semaphore, #tpu.memory_space<semaphore_mem>>) src(%dma_wait3A_403 : memref<64x128xf32, #tpu.memory_space<vmem>>) dst(%dma_wait3A_400 : memref<64x128xf32, #tpu.memory_space<vmem_shared>>)
      tpu.yield
    }) : () -> ()
    %barrier3A_206 = arith.constant 0 : index
    tpu.barrier barrier_id(%barrier3A_206)
    %dma_start3A_207 = arith.constant 1 : i32
    %dma_start3A_208 = arith.constant 0 : i32
    %dma_start3A_209 = arith.constant 0 : i32
    %dma_start3A_210 = tpu.memref_slice %arg6[%dma_start3A_208, %dma_start3A_209] : memref<80x128xi32, #tpu.memory_space<vmem>> -> memref<1x128xi32, #tpu.memory_space<vmem>>
    %dma_start3A_211 = tpu.memref_squeeze %dma_start3A_210 : memref<1x128xi32, #tpu.memory_space<vmem>> -> memref<128xi32, #tpu.memory_space<vmem>>
    %dma_start3A_212 = arith.constant 0 : i32
    %dma_start3A_213 = arith.constant 0 : i32
    %dma_start3A_214 = tpu.memref_slice %arg2[%dma_start3A_207, %dma_start3A_212, %dma_start3A_213] : memref<2x10240x128xf32, #tpu.memory_space<hbm>> -> memref<1x10240x128xf32, #tpu.memory_space<hbm>>
    %dma_start3A_215 = tpu.memref_squeeze %dma_start3A_214 : memref<1x10240x128xf32, #tpu.memory_space<hbm>> -> memref<10240x128xf32, #tpu.memory_space<hbm>>
    %dma_start3A_216 = arith.constant 0 : i32
    %dma_start3A_217 = arith.constant 0 : i32
    %dma_start3A_218 = tpu.memref_slice %dma_start3A_215[%dma_start3A_216, %dma_start3A_217] : memref<10240x128xf32, #tpu.memory_space<hbm>> -> memref<10240x128xf32, #tpu.memory_space<hbm>>
    tpu.enqueue_indirect_dma source(%dma_start3A_218 : memref<10240x128xf32, #tpu.memory_space<hbm>>) target(%arg8 : memref<128x128xf32, #tpu.memory_space<vmem>>) offsets(%dma_start3A_211 : memref<128xi32, #tpu.memory_space<vmem>>) semaphore(%arg12 : memref<!tpu.dma_semaphore, #tpu.memory_space<semaphore_mem>>)
    %dma_start3A_219 = arith.constant 1 : i32
    %dma_start3A_220 = arith.constant 1 : i32
    %dma_start3A_221 = arith.constant 0 : i32
    %dma_start3A_222 = tpu.memref_slice %arg6[%dma_start3A_220, %dma_start3A_221] : memref<80x128xi32, #tpu.memory_space<vmem>> -> memref<1x128xi32, #tpu.memory_space<vmem>>
    %dma_start3A_223 = tpu.memref_squeeze %dma_start3A_222 : memref<1x128xi32, #tpu.memory_space<vmem>> -> memref<128xi32, #tpu.memory_space<vmem>>
    %dma_start3A_224 = arith.constant 0 : i32
    %dma_start3A_225 = arith.constant 0 : i32
    %dma_start3A_226 = tpu.memref_slice %arg2[%dma_start3A_219, %dma_start3A_224, %dma_start3A_225] : memref<2x10240x128xf32, #tpu.memory_space<hbm>> -> memref<1x10240x128xf32, #tpu.memory_space<hbm>>
    %dma_start3A_227 = tpu.memref_squeeze %dma_start3A_226 : memref<1x10240x128xf32, #tpu.memory_space<hbm>> -> memref<10240x128xf32, #tpu.memory_space<hbm>>
    %dma_start3A_228 = arith.constant 0 : i32
    %dma_start3A_229 = arith.constant 0 : i32
    %dma_start3A_230 = tpu.memref_slice %dma_start3A_227[%dma_start3A_228, %dma_start3A_229] : memref<10240x128xf32, #tpu.memory_space<hbm>> -> memref<10240x128xf32, #tpu.memory_space<hbm>>
    tpu.enqueue_indirect_dma source(%dma_start3A_230 : memref<10240x128xf32, #tpu.memory_space<hbm>>) target(%arg9 : memref<128x128xf32, #tpu.memory_space<vmem>>) offsets(%dma_start3A_223 : memref<128xi32, #tpu.memory_space<vmem>>) semaphore(%arg12 : memref<!tpu.dma_semaphore, #tpu.memory_space<semaphore_mem>>)
    %dma_wait3A_231 = arith.constant 0 : i32
    %dma_wait3A_232 = arith.constant 0 : i32
    %dma_wait3A_233 = arith.constant 0 : i32
    %dma_wait3A_234 = tpu.memref_slice %arg2[%dma_wait3A_231, %dma_wait3A_232, %dma_wait3A_233] : memref<2x10240x128xf32, #tpu.memory_space<hbm>> -> memref<1x10240x128xf32, #tpu.memory_space<hbm>>
    %dma_wait3A_235 = tpu.memref_squeeze %dma_wait3A_234 : memref<1x10240x128xf32, #tpu.memory_space<hbm>> -> memref<10240x128xf32, #tpu.memory_space<hbm>>
    %dma_wait3A_236 = arith.constant 0 : i32
    %dma_wait3A_237 = arith.constant 0 : i32
    %dma_wait3A_238 = tpu.memref_slice %dma_wait3A_235[%dma_wait3A_236, %dma_wait3A_237] : memref<10240x128xf32, #tpu.memory_space<hbm>> -> memref<128x128xf32, #tpu.memory_space<hbm>>
    %dma_wait3A_239 = arith.constant 0 : i32
    %dma_wait3A_240 = arith.constant 0 : i32
    %dma_wait3A_241 = tpu.memref_slice %arg2[%dma_wait3A_231, %dma_wait3A_239, %dma_wait3A_240] : memref<2x10240x128xf32, #tpu.memory_space<hbm>> -> memref<1x10240x128xf32, #tpu.memory_space<hbm>>
    %dma_wait3A_242 = tpu.memref_squeeze %dma_wait3A_241 : memref<1x10240x128xf32, #tpu.memory_space<hbm>> -> memref<10240x128xf32, #tpu.memory_space<hbm>>
    %dma_wait3A_243 = arith.constant 0 : i32
    %dma_wait3A_244 = arith.constant 0 : i32
    %dma_wait3A_245 = tpu.memref_slice %dma_wait3A_242[%dma_wait3A_243, %dma_wait3A_244] : memref<10240x128xf32, #tpu.memory_space<hbm>> -> memref<128x128xf32, #tpu.memory_space<hbm>>
    tpu.wait_dma2 semaphore(%arg12 : memref<!tpu.dma_semaphore, #tpu.memory_space<semaphore_mem>>) src(%dma_wait3A_245 : memref<128x128xf32, #tpu.memory_space<hbm>>) dst(%arg8 : memref<128x128xf32, #tpu.memory_space<vmem>>)
    %dma_wait3A_246 = arith.constant 0 : i32
    %dma_wait3A_247 = arith.constant 0 : i32
    %dma_wait3A_248 = arith.constant 0 : i32
    %dma_wait3A_249 = tpu.memref_slice %arg2[%dma_wait3A_246, %dma_wait3A_247, %dma_wait3A_248] : memref<2x10240x128xf32, #tpu.memory_space<hbm>> -> memref<1x10240x128xf32, #tpu.memory_space<hbm>>
    %dma_wait3A_250 = tpu.memref_squeeze %dma_wait3A_249 : memref<1x10240x128xf32, #tpu.memory_space<hbm>> -> memref<10240x128xf32, #tpu.memory_space<hbm>>
    %dma_wait3A_251 = arith.constant 0 : i32
    %dma_wait3A_252 = arith.constant 0 : i32
    %dma_wait3A_253 = tpu.memref_slice %dma_wait3A_250[%dma_wait3A_251, %dma_wait3A_252] : memref<10240x128xf32, #tpu.memory_space<hbm>> -> memref<128x128xf32, #tpu.memory_space<hbm>>
    %dma_wait3A_254 = arith.constant 0 : i32
    %dma_wait3A_255 = arith.constant 0 : i32
    %dma_wait3A_256 = tpu.memref_slice %arg2[%dma_wait3A_246, %dma_wait3A_254, %dma_wait3A_255] : memref<2x10240x128xf32, #tpu.memory_space<hbm>> -> memref<1x10240x128xf32, #tpu.memory_space<hbm>>
    %dma_wait3A_257 = tpu.memref_squeeze %dma_wait3A_256 : memref<1x10240x128xf32, #tpu.memory_space<hbm>> -> memref<10240x128xf32, #tpu.memory_space<hbm>>
    %dma_wait3A_258 = arith.constant 0 : i32
    %dma_wait3A_259 = arith.constant 0 : i32
    %dma_wait3A_260 = tpu.memref_slice %dma_wait3A_257[%dma_wait3A_258, %dma_wait3A_259] : memref<10240x128xf32, #tpu.memory_space<hbm>> -> memref<128x128xf32, #tpu.memory_space<hbm>>
    tpu.wait_dma2 semaphore(%arg12 : memref<!tpu.dma_semaphore, #tpu.memory_space<semaphore_mem>>) src(%dma_wait3A_260 : memref<128x128xf32, #tpu.memory_space<hbm>>) dst(%arg9 : memref<128x128xf32, #tpu.memory_space<vmem>>)
    %dma_start3A_261 = arith.constant 0 : i32
    %dma_start3A_262 = arith.constant 0 : i32
    %dma_start3A_263 = tpu.memref_slice %arg7[%dma_start3A_261, %dma_start3A_262] : memref<80x128xi32, #tpu.memory_space<vmem>> -> memref<1x128xi32, #tpu.memory_space<vmem>>
    %dma_start3A_264 = tpu.memref_squeeze %dma_start3A_263 : memref<1x128xi32, #tpu.memory_space<vmem>> -> memref<128xi32, #tpu.memory_space<vmem>>
    %dma_start3A_265 = arith.constant 0 : i32
    %dma_start3A_266 = arith.constant 0 : i32
    %dma_start3A_267 = tpu.memref_slice %arg16[%dma_start3A_265, %dma_start3A_266] : memref<5184x128xf32, #tpu.memory_space<vmem_shared>> -> memref<5184x128xf32, #tpu.memory_space<vmem_shared>>
    tpu.enqueue_indirect_dma source(%arg8 : memref<128x128xf32, #tpu.memory_space<vmem>>) target(%dma_start3A_267 : memref<5184x128xf32, #tpu.memory_space<vmem_shared>>) offsets(%dma_start3A_264 : memref<128xi32, #tpu.memory_space<vmem>>) semaphore(%arg14 : memref<!tpu.dma_semaphore, #tpu.memory_space<semaphore_mem>>) {add = true}
    %dma_start3A_268 = arith.constant 1 : i32
    %dma_start3A_269 = arith.constant 0 : i32
    %dma_start3A_270 = tpu.memref_slice %arg7[%dma_start3A_268, %dma_start3A_269] : memref<80x128xi32, #tpu.memory_space<vmem>> -> memref<1x128xi32, #tpu.memory_space<vmem>>
    %dma_start3A_271 = tpu.memref_squeeze %dma_start3A_270 : memref<1x128xi32, #tpu.memory_space<vmem>> -> memref<128xi32, #tpu.memory_space<vmem>>
    %dma_start3A_272 = arith.constant 0 : i32
    %dma_start3A_273 = arith.constant 0 : i32
    %dma_start3A_274 = tpu.memref_slice %arg16[%dma_start3A_272, %dma_start3A_273] : memref<5184x128xf32, #tpu.memory_space<vmem_shared>> -> memref<5184x128xf32, #tpu.memory_space<vmem_shared>>
    tpu.enqueue_indirect_dma source(%arg9 : memref<128x128xf32, #tpu.memory_space<vmem>>) target(%dma_start3A_274 : memref<5184x128xf32, #tpu.memory_space<vmem_shared>>) offsets(%dma_start3A_271 : memref<128xi32, #tpu.memory_space<vmem>>) semaphore(%arg14 : memref<!tpu.dma_semaphore, #tpu.memory_space<semaphore_mem>>) {add = true}
    %dma_start3A_275 = arith.constant 1 : i32
    %dma_start3A_276 = arith.constant 2 : i32
    %dma_start3A_277 = arith.constant 0 : i32
    %dma_start3A_278 = tpu.memref_slice %arg6[%dma_start3A_276, %dma_start3A_277] : memref<80x128xi32, #tpu.memory_space<vmem>> -> memref<1x128xi32, #tpu.memory_space<vmem>>
    %dma_start3A_279 = tpu.memref_squeeze %dma_start3A_278 : memref<1x128xi32, #tpu.memory_space<vmem>> -> memref<128xi32, #tpu.memory_space<vmem>>
    %dma_start3A_280 = arith.constant 0 : i32
    %dma_start3A_281 = arith.constant 0 : i32
    %dma_start3A_282 = tpu.memref_slice %arg2[%dma_start3A_275, %dma_start3A_280, %dma_start3A_281] : memref<2x10240x128xf32, #tpu.memory_space<hbm>> -> memref<1x10240x128xf32, #tpu.memory_space<hbm>>
    %dma_start3A_283 = tpu.memref_squeeze %dma_start3A_282 : memref<1x10240x128xf32, #tpu.memory_space<hbm>> -> memref<10240x128xf32, #tpu.memory_space<hbm>>
    %dma_start3A_284 = arith.constant 0 : i32
    %dma_start3A_285 = arith.constant 0 : i32
    %dma_start3A_286 = tpu.memref_slice %dma_start3A_283[%dma_start3A_284, %dma_start3A_285] : memref<10240x128xf32, #tpu.memory_space<hbm>> -> memref<10240x128xf32, #tpu.memory_space<hbm>>
    tpu.enqueue_indirect_dma source(%dma_start3A_286 : memref<10240x128xf32, #tpu.memory_space<hbm>>) target(%arg10 : memref<128x128xf32, #tpu.memory_space<vmem>>) offsets(%dma_start3A_279 : memref<128xi32, #tpu.memory_space<vmem>>) semaphore(%arg13 : memref<!tpu.dma_semaphore, #tpu.memory_space<semaphore_mem>>)
    %dma_start3A_287 = arith.constant 1 : i32
    %dma_start3A_288 = arith.constant 3 : i32
    %dma_start3A_289 = arith.constant 0 : i32
    %dma_start3A_290 = tpu.memref_slice %arg6[%dma_start3A_288, %dma_start3A_289] : memref<80x128xi32, #tpu.memory_space<vmem>> -> memref<1x128xi32, #tpu.memory_space<vmem>>
    %dma_start3A_291 = tpu.memref_squeeze %dma_start3A_290 : memref<1x128xi32, #tpu.memory_space<vmem>> -> memref<128xi32, #tpu.memory_space<vmem>>
    %dma_start3A_292 = arith.constant 0 : i32
    %dma_start3A_293 = arith.constant 0 : i32
    %dma_start3A_294 = tpu.memref_slice %arg2[%dma_start3A_287, %dma_start3A_292, %dma_start3A_293] : memref<2x10240x128xf32, #tpu.memory_space<hbm>> -> memref<1x10240x128xf32, #tpu.memory_space<hbm>>
    %dma_start3A_295 = tpu.memref_squeeze %dma_start3A_294 : memref<1x10240x128xf32, #tpu.memory_space<hbm>> -> memref<10240x128xf32, #tpu.memory_space<hbm>>
    %dma_start3A_296 = arith.constant 0 : i32
    %dma_start3A_297 = arith.constant 0 : i32
    %dma_start3A_298 = tpu.memref_slice %dma_start3A_295[%dma_start3A_296, %dma_start3A_297] : memref<10240x128xf32, #tpu.memory_space<hbm>> -> memref<10240x128xf32, #tpu.memory_space<hbm>>
    tpu.enqueue_indirect_dma source(%dma_start3A_298 : memref<10240x128xf32, #tpu.memory_space<hbm>>) target(%arg11 : memref<128x128xf32, #tpu.memory_space<vmem>>) offsets(%dma_start3A_291 : memref<128xi32, #tpu.memory_space<vmem>>) semaphore(%arg13 : memref<!tpu.dma_semaphore, #tpu.memory_space<semaphore_mem>>)
    %scan3A_299 = arith.constant 0 : i32
    %scan3A_300 = arith.constant 19 : i32
    %scan3A_301 = arith.addi %scan3A_299, %scan3A_300 : i32
    %scan3A_302 = arith.constant 1 : i32
    scf.for %scan3A_383 = %scan3A_299 to %scan3A_301 step %scan3A_302  : i32 {
      %mul3A_384 = arith.constant 1 : i32
      %mul3A_385 = arith.muli %scan3A_383, %mul3A_384 : i32
      %add3A_386 = arith.constant 0 : i32
      %add3A_387 = arith.addi %add3A_386, %mul3A_385 : i32
      %mul3A_388 = arith.constant 2 : i32
      %mul3A_389 = arith.muli %mul3A_388, %add3A_387 : i32
      %add3A_390 = arith.constant 1 : i32
      %add3A_391 = arith.addi %mul3A_389, %add3A_390 : i32
      %dma_wait3A_392 = arith.constant 0 : i32
      %dma_wait3A_393 = arith.constant 0 : i32
      %dma_wait3A_394 = arith.constant 0 : i32
      %dma_wait3A_395 = tpu.memref_slice %arg2[%dma_wait3A_392, %dma_wait3A_393, %dma_wait3A_394] : memref<2x10240x128xf32, #tpu.memory_space<hbm>> -> memref<1x10240x128xf32, #tpu.memory_space<hbm>>
      %dma_wait3A_396 = tpu.memref_squeeze %dma_wait3A_395 : memref<1x10240x128xf32, #tpu.memory_space<hbm>> -> memref<10240x128xf32, #tpu.memory_space<hbm>>
      %dma_wait3A_397 = arith.constant 0 : i32
      %dma_wait3A_398 = arith.constant 0 : i32
      %dma_wait3A_399 = tpu.memref_slice %dma_wait3A_396[%dma_wait3A_397, %dma_wait3A_398] : memref<10240x128xf32, #tpu.memory_space<hbm>> -> memref<128x128xf32, #tpu.memory_space<hbm>>
      %dma_wait3A_400 = arith.constant 0 : i32
      %dma_wait3A_401 = arith.constant 0 : i32
      %dma_wait3A_402 = tpu.memref_slice %arg2[%dma_wait3A_392, %dma_wait3A_400, %dma_wait3A_401] : memref<2x10240x128xf32, #tpu.memory_space<hbm>> -> memref<1x10240x128xf32, #tpu.memory_space<hbm>>
      %dma_wait3A_403 = tpu.memref_squeeze %dma_wait3A_402 : memref<1x10240x128xf32, #tpu.memory_space<hbm>> -> memref<10240x128xf32, #tpu.memory_space<hbm>>
      %dma_wait3A_404 = arith.constant 0 : i32
      %dma_wait3A_405 = arith.constant 0 : i32
      %dma_wait3A_406 = tpu.memref_slice %dma_wait3A_403[%dma_wait3A_404, %dma_wait3A_405] : memref<10240x128xf32, #tpu.memory_space<hbm>> -> memref<128x128xf32, #tpu.memory_space<hbm>>
      tpu.wait_dma2 semaphore(%arg13 : memref<!tpu.dma_semaphore, #tpu.memory_space<semaphore_mem>>) src(%dma_wait3A_406 : memref<128x128xf32, #tpu.memory_space<hbm>>) dst(%arg10 : memref<128x128xf32, #tpu.memory_space<vmem>>)
      %dma_wait3A_407 = arith.constant 0 : i32
      %dma_wait3A_408 = arith.constant 0 : i32
      %dma_wait3A_409 = arith.constant 0 : i32
      %dma_wait3A_410 = tpu.memref_slice %arg2[%dma_wait3A_407, %dma_wait3A_408, %dma_wait3A_409] : memref<2x10240x128xf32, #tpu.memory_space<hbm>> -> memref<1x10240x128xf32, #tpu.memory_space<hbm>>
      %dma_wait3A_411 = tpu.memref_squeeze %dma_wait3A_410 : memref<1x10240x128xf32, #tpu.memory_space<hbm>> -> memref<10240x128xf32, #tpu.memory_space<hbm>>
      %dma_wait3A_412 = arith.constant 0 : i32
      %dma_wait3A_413 = arith.constant 0 : i32
      %dma_wait3A_414 = tpu.memref_slice %dma_wait3A_411[%dma_wait3A_412, %dma_wait3A_413] : memref<10240x128xf32, #tpu.memory_space<hbm>> -> memref<128x128xf32, #tpu.memory_space<hbm>>
      %dma_wait3A_415 = arith.constant 0 : i32
      %dma_wait3A_416 = arith.constant 0 : i32
      %dma_wait3A_417 = tpu.memref_slice %arg2[%dma_wait3A_407, %dma_wait3A_415, %dma_wait3A_416] : memref<2x10240x128xf32, #tpu.memory_space<hbm>> -> memref<1x10240x128xf32, #tpu.memory_space<hbm>>
      %dma_wait3A_418 = tpu.memref_squeeze %dma_wait3A_417 : memref<1x10240x128xf32, #tpu.memory_space<hbm>> -> memref<10240x128xf32, #tpu.memory_space<hbm>>
      %dma_wait3A_419 = arith.constant 0 : i32
      %dma_wait3A_420 = arith.constant 0 : i32
      %dma_wait3A_421 = tpu.memref_slice %dma_wait3A_418[%dma_wait3A_419, %dma_wait3A_420] : memref<10240x128xf32, #tpu.memory_space<hbm>> -> memref<128x128xf32, #tpu.memory_space<hbm>>
      tpu.wait_dma2 semaphore(%arg13 : memref<!tpu.dma_semaphore, #tpu.memory_space<semaphore_mem>>) src(%dma_wait3A_421 : memref<128x128xf32, #tpu.memory_space<hbm>>) dst(%arg11 : memref<128x128xf32, #tpu.memory_space<vmem>>)
      %mul3A_422 = arith.constant 2 : i32
      %mul3A_423 = arith.muli %add3A_391, %mul3A_422 : i32
      %add3A_424 = arith.constant 0 : i32
      %add3A_425 = arith.addi %mul3A_423, %add3A_424 : i32
      %dma_start3A_426 = arith.constant 0 : i32
      %dma_start3A_427 = tpu.memref_slice %arg7[%add3A_425, %dma_start3A_426] : memref<80x128xi32, #tpu.memory_space<vmem>> -> memref<1x128xi32, #tpu.memory_space<vmem>>
      %dma_start3A_428 = tpu.memref_squeeze %dma_start3A_427 : memref<1x128xi32, #tpu.memory_space<vmem>> -> memref<128xi32, #tpu.memory_space<vmem>>
      %dma_start3A_429 = arith.constant 0 : i32
      %dma_start3A_430 = arith.constant 0 : i32
      %dma_start3A_431 = tpu.memref_slice %arg16[%dma_start3A_429, %dma_start3A_430] : memref<5184x128xf32, #tpu.memory_space<vmem_shared>> -> memref<5184x128xf32, #tpu.memory_space<vmem_shared>>
      tpu.enqueue_indirect_dma source(%arg10 : memref<128x128xf32, #tpu.memory_space<vmem>>) target(%dma_start3A_431 : memref<5184x128xf32, #tpu.memory_space<vmem_shared>>) offsets(%dma_start3A_428 : memref<128xi32, #tpu.memory_space<vmem>>) semaphore(%arg15 : memref<!tpu.dma_semaphore, #tpu.memory_space<semaphore_mem>>) {add = true}
      %mul3A_432 = arith.constant 2 : i32
      %mul3A_433 = arith.muli %add3A_391, %mul3A_432 : i32
      %add3A_434 = arith.constant 1 : i32
      %add3A_435 = arith.addi %mul3A_433, %add3A_434 : i32
      %dma_start3A_436 = arith.constant 0 : i32
      %dma_start3A_437 = tpu.memref_slice %arg7[%add3A_435, %dma_start3A_436] : memref<80x128xi32, #tpu.memory_space<vmem>> -> memref<1x128xi32, #tpu.memory_space<vmem>>
      %dma_start3A_438 = tpu.memref_squeeze %dma_start3A_437 : memref<1x128xi32, #tpu.memory_space<vmem>> -> memref<128xi32, #tpu.memory_space<vmem>>
      %dma_start3A_439 = arith.constant 0 : i32
      %dma_start3A_440 = arith.constant 0 : i32
      %dma_start3A_441 = tpu.memref_slice %arg16[%dma_start3A_439, %dma_start3A_440] : memref<5184x128xf32, #tpu.memory_space<vmem_shared>> -> memref<5184x128xf32, #tpu.memory_space<vmem_shared>>
      tpu.enqueue_indirect_dma source(%arg11 : memref<128x128xf32, #tpu.memory_space<vmem>>) target(%dma_start3A_441 : memref<5184x128xf32, #tpu.memory_space<vmem_shared>>) offsets(%dma_start3A_438 : memref<128xi32, #tpu.memory_space<vmem>>) semaphore(%arg15 : memref<!tpu.dma_semaphore, #tpu.memory_space<semaphore_mem>>) {add = true}
      %dma_wait3A_442 = arith.constant 0 : i32
      %dma_wait3A_443 = arith.constant 0 : i32
      %dma_wait3A_444 = tpu.memref_slice %arg16[%dma_wait3A_442, %dma_wait3A_443] : memref<5184x128xf32, #tpu.memory_space<vmem_shared>> -> memref<128x128xf32, #tpu.memory_space<vmem_shared>>
      %dma_wait3A_445 = arith.constant 0 : i32
      %dma_wait3A_446 = arith.constant 0 : i32
      %dma_wait3A_447 = tpu.memref_slice %arg16[%dma_wait3A_445, %dma_wait3A_446] : memref<5184x128xf32, #tpu.memory_space<vmem_shared>> -> memref<128x128xf32, #tpu.memory_space<vmem_shared>>
      tpu.wait_dma2 semaphore(%arg14 : memref<!tpu.dma_semaphore, #tpu.memory_space<semaphore_mem>>) src(%arg8 : memref<128x128xf32, #tpu.memory_space<vmem>>) dst(%dma_wait3A_447 : memref<128x128xf32, #tpu.memory_space<vmem_shared>>)
      %dma_wait3A_448 = arith.constant 0 : i32
      %dma_wait3A_449 = arith.constant 0 : i32
      %dma_wait3A_450 = tpu.memref_slice %arg16[%dma_wait3A_448, %dma_wait3A_449] : memref<5184x128xf32, #tpu.memory_space<vmem_shared>> -> memref<128x128xf32, #tpu.memory_space<vmem_shared>>
      %dma_wait3A_451 = arith.constant 0 : i32
      %dma_wait3A_452 = arith.constant 0 : i32
      %dma_wait3A_453 = tpu.memref_slice %arg16[%dma_wait3A_451, %dma_wait3A_452] : memref<5184x128xf32, #tpu.memory_space<vmem_shared>> -> memref<128x128xf32, #tpu.memory_space<vmem_shared>>
      tpu.wait_dma2 semaphore(%arg14 : memref<!tpu.dma_semaphore, #tpu.memory_space<semaphore_mem>>) src(%arg9 : memref<128x128xf32, #tpu.memory_space<vmem>>) dst(%dma_wait3A_453 : memref<128x128xf32, #tpu.memory_space<vmem_shared>>)
      %add3A_454 = arith.constant 1 : i32
      %add3A_455 = arith.addi %add3A_391, %add3A_454 : i32
      %mul3A_456 = arith.constant 2 : i32
      %mul3A_457 = arith.muli %add3A_455, %mul3A_456 : i32
      %add3A_458 = arith.constant 0 : i32
      %add3A_459 = arith.addi %mul3A_457, %add3A_458 : i32
      %dma_start3A_460 = arith.constant 1 : i32
      %dma_start3A_461 = arith.constant 0 : i32
      %dma_start3A_462 = tpu.memref_slice %arg6[%add3A_459, %dma_start3A_461] : memref<80x128xi32, #tpu.memory_space<vmem>> -> memref<1x128xi32, #tpu.memory_space<vmem>>
      %dma_start3A_463 = tpu.memref_squeeze %dma_start3A_462 : memref<1x128xi32, #tpu.memory_space<vmem>> -> memref<128xi32, #tpu.memory_space<vmem>>
      %dma_start3A_464 = arith.constant 0 : i32
      %dma_start3A_465 = arith.constant 0 : i32
      %dma_start3A_466 = tpu.memref_slice %arg2[%dma_start3A_460, %dma_start3A_464, %dma_start3A_465] : memref<2x10240x128xf32, #tpu.memory_space<hbm>> -> memref<1x10240x128xf32, #tpu.memory_space<hbm>>
      %dma_start3A_467 = tpu.memref_squeeze %dma_start3A_466 : memref<1x10240x128xf32, #tpu.memory_space<hbm>> -> memref<10240x128xf32, #tpu.memory_space<hbm>>
      %dma_start3A_468 = arith.constant 0 : i32
      %dma_start3A_469 = arith.constant 0 : i32
      %dma_start3A_470 = tpu.memref_slice %dma_start3A_467[%dma_start3A_468, %dma_start3A_469] : memref<10240x128xf32, #tpu.memory_space<hbm>> -> memref<10240x128xf32, #tpu.memory_space<hbm>>
      tpu.enqueue_indirect_dma source(%dma_start3A_470 : memref<10240x128xf32, #tpu.memory_space<hbm>>) target(%arg8 : memref<128x128xf32, #tpu.memory_space<vmem>>) offsets(%dma_start3A_463 : memref<128xi32, #tpu.memory_space<vmem>>) semaphore(%arg12 : memref<!tpu.dma_semaphore, #tpu.memory_space<semaphore_mem>>)
      %mul3A_471 = arith.constant 2 : i32
      %mul3A_472 = arith.muli %add3A_455, %mul3A_471 : i32
      %add3A_473 = arith.constant 1 : i32
      %add3A_474 = arith.addi %mul3A_472, %add3A_473 : i32
      %dma_start3A_475 = arith.constant 1 : i32
      %dma_start3A_476 = arith.constant 0 : i32
      %dma_start3A_477 = tpu.memref_slice %arg6[%add3A_474, %dma_start3A_476] : memref<80x128xi32, #tpu.memory_space<vmem>> -> memref<1x128xi32, #tpu.memory_space<vmem>>
      %dma_start3A_478 = tpu.memref_squeeze %dma_start3A_477 : memref<1x128xi32, #tpu.memory_space<vmem>> -> memref<128xi32, #tpu.memory_space<vmem>>
      %dma_start3A_479 = arith.constant 0 : i32
      %dma_start3A_480 = arith.constant 0 : i32
      %dma_start3A_481 = tpu.memref_slice %arg2[%dma_start3A_475, %dma_start3A_479, %dma_start3A_480] : memref<2x10240x128xf32, #tpu.memory_space<hbm>> -> memref<1x10240x128xf32, #tpu.memory_space<hbm>>
      %dma_start3A_482 = tpu.memref_squeeze %dma_start3A_481 : memref<1x10240x128xf32, #tpu.memory_space<hbm>> -> memref<10240x128xf32, #tpu.memory_space<hbm>>
      %dma_start3A_483 = arith.constant 0 : i32
      %dma_start3A_484 = arith.constant 0 : i32
      %dma_start3A_485 = tpu.memref_slice %dma_start3A_482[%dma_start3A_483, %dma_start3A_484] : memref<10240x128xf32, #tpu.memory_space<hbm>> -> memref<10240x128xf32, #tpu.memory_space<hbm>>
      tpu.enqueue_indirect_dma source(%dma_start3A_485 : memref<10240x128xf32, #tpu.memory_space<hbm>>) target(%arg9 : memref<128x128xf32, #tpu.memory_space<vmem>>) offsets(%dma_start3A_478 : memref<128xi32, #tpu.memory_space<vmem>>) semaphore(%arg12 : memref<!tpu.dma_semaphore, #tpu.memory_space<semaphore_mem>>)
      %mul3A_486 = arith.constant 2 : i32
      %mul3A_487 = arith.muli %mul3A_486, %add3A_387 : i32
      %add3A_488 = arith.constant 2 : i32
      %add3A_489 = arith.addi %mul3A_487, %add3A_488 : i32
      %dma_wait3A_490 = arith.constant 0 : i32
      %dma_wait3A_491 = arith.constant 0 : i32
      %dma_wait3A_492 = arith.constant 0 : i32
      %dma_wait3A_493 = tpu.memref_slice %arg2[%dma_wait3A_490, %dma_wait3A_491, %dma_wait3A_492] : memref<2x10240x128xf32, #tpu.memory_space<hbm>> -> memref<1x10240x128xf32, #tpu.memory_space<hbm>>
      %dma_wait3A_494 = tpu.memref_squeeze %dma_wait3A_493 : memref<1x10240x128xf32, #tpu.memory_space<hbm>> -> memref<10240x128xf32, #tpu.memory_space<hbm>>
      %dma_wait3A_495 = arith.constant 0 : i32
      %dma_wait3A_496 = arith.constant 0 : i32
      %dma_wait3A_497 = tpu.memref_slice %dma_wait3A_494[%dma_wait3A_495, %dma_wait3A_496] : memref<10240x128xf32, #tpu.memory_space<hbm>> -> memref<128x128xf32, #tpu.memory_space<hbm>>
      %dma_wait3A_498 = arith.constant 0 : i32
      %dma_wait3A_499 = arith.constant 0 : i32
      %dma_wait3A_500 = tpu.memref_slice %arg2[%dma_wait3A_490, %dma_wait3A_498, %dma_wait3A_499] : memref<2x10240x128xf32, #tpu.memory_space<hbm>> -> memref<1x10240x128xf32, #tpu.memory_space<hbm>>
      %dma_wait3A_501 = tpu.memref_squeeze %dma_wait3A_500 : memref<1x10240x128xf32, #tpu.memory_space<hbm>> -> memref<10240x128xf32, #tpu.memory_space<hbm>>
      %dma_wait3A_502 = arith.constant 0 : i32
      %dma_wait3A_503 = arith.constant 0 : i32
      %dma_wait3A_504 = tpu.memref_slice %dma_wait3A_501[%dma_wait3A_502, %dma_wait3A_503] : memref<10240x128xf32, #tpu.memory_space<hbm>> -> memref<128x128xf32, #tpu.memory_space<hbm>>
      tpu.wait_dma2 semaphore(%arg12 : memref<!tpu.dma_semaphore, #tpu.memory_space<semaphore_mem>>) src(%dma_wait3A_504 : memref<128x128xf32, #tpu.memory_space<hbm>>) dst(%arg8 : memref<128x128xf32, #tpu.memory_space<vmem>>)
      %dma_wait3A_505 = arith.constant 0 : i32
      %dma_wait3A_506 = arith.constant 0 : i32
      %dma_wait3A_507 = arith.constant 0 : i32
      %dma_wait3A_508 = tpu.memref_slice %arg2[%dma_wait3A_505, %dma_wait3A_506, %dma_wait3A_507] : memref<2x10240x128xf32, #tpu.memory_space<hbm>> -> memref<1x10240x128xf32, #tpu.memory_space<hbm>>
      %dma_wait3A_509 = tpu.memref_squeeze %dma_wait3A_508 : memref<1x10240x128xf32, #tpu.memory_space<hbm>> -> memref<10240x128xf32, #tpu.memory_space<hbm>>
      %dma_wait3A_510 = arith.constant 0 : i32
      %dma_wait3A_511 = arith.constant 0 : i32
      %dma_wait3A_512 = tpu.memref_slice %dma_wait3A_509[%dma_wait3A_510, %dma_wait3A_511] : memref<10240x128xf32, #tpu.memory_space<hbm>> -> memref<128x128xf32, #tpu.memory_space<hbm>>
      %dma_wait3A_513 = arith.constant 0 : i32
      %dma_wait3A_514 = arith.constant 0 : i32
      %dma_wait3A_515 = tpu.memref_slice %arg2[%dma_wait3A_505, %dma_wait3A_513, %dma_wait3A_514] : memref<2x10240x128xf32, #tpu.memory_space<hbm>> -> memref<1x10240x128xf32, #tpu.memory_space<hbm>>
      %dma_wait3A_516 = tpu.memref_squeeze %dma_wait3A_515 : memref<1x10240x128xf32, #tpu.memory_space<hbm>> -> memref<10240x128xf32, #tpu.memory_space<hbm>>
      %dma_wait3A_517 = arith.constant 0 : i32
      %dma_wait3A_518 = arith.constant 0 : i32
      %dma_wait3A_519 = tpu.memref_slice %dma_wait3A_516[%dma_wait3A_517, %dma_wait3A_518] : memref<10240x128xf32, #tpu.memory_space<hbm>> -> memref<128x128xf32, #tpu.memory_space<hbm>>
      tpu.wait_dma2 semaphore(%arg12 : memref<!tpu.dma_semaphore, #tpu.memory_space<semaphore_mem>>) src(%dma_wait3A_519 : memref<128x128xf32, #tpu.memory_space<hbm>>) dst(%arg9 : memref<128x128xf32, #tpu.memory_space<vmem>>)
      %mul3A_520 = arith.constant 2 : i32
      %mul3A_521 = arith.muli %add3A_489, %mul3A_520 : i32
      %add3A_522 = arith.constant 0 : i32
      %add3A_523 = arith.addi %mul3A_521, %add3A_522 : i32
      %dma_start3A_524 = arith.constant 0 : i32
      %dma_start3A_525 = tpu.memref_slice %arg7[%add3A_523, %dma_start3A_524] : memref<80x128xi32, #tpu.memory_space<vmem>> -> memref<1x128xi32, #tpu.memory_space<vmem>>
      %dma_start3A_526 = tpu.memref_squeeze %dma_start3A_525 : memref<1x128xi32, #tpu.memory_space<vmem>> -> memref<128xi32, #tpu.memory_space<vmem>>
      %dma_start3A_527 = arith.constant 0 : i32
      %dma_start3A_528 = arith.constant 0 : i32
      %dma_start3A_529 = tpu.memref_slice %arg16[%dma_start3A_527, %dma_start3A_528] : memref<5184x128xf32, #tpu.memory_space<vmem_shared>> -> memref<5184x128xf32, #tpu.memory_space<vmem_shared>>
      tpu.enqueue_indirect_dma source(%arg8 : memref<128x128xf32, #tpu.memory_space<vmem>>) target(%dma_start3A_529 : memref<5184x128xf32, #tpu.memory_space<vmem_shared>>) offsets(%dma_start3A_526 : memref<128xi32, #tpu.memory_space<vmem>>) semaphore(%arg14 : memref<!tpu.dma_semaphore, #tpu.memory_space<semaphore_mem>>) {add = true}
      %mul3A_530 = arith.constant 2 : i32
      %mul3A_531 = arith.muli %add3A_489, %mul3A_530 : i32
      %add3A_532 = arith.constant 1 : i32
      %add3A_533 = arith.addi %mul3A_531, %add3A_532 : i32
      %dma_start3A_534 = arith.constant 0 : i32
      %dma_start3A_535 = tpu.memref_slice %arg7[%add3A_533, %dma_start3A_534] : memref<80x128xi32, #tpu.memory_space<vmem>> -> memref<1x128xi32, #tpu.memory_space<vmem>>
      %dma_start3A_536 = tpu.memref_squeeze %dma_start3A_535 : memref<1x128xi32, #tpu.memory_space<vmem>> -> memref<128xi32, #tpu.memory_space<vmem>>
      %dma_start3A_537 = arith.constant 0 : i32
      %dma_start3A_538 = arith.constant 0 : i32
      %dma_start3A_539 = tpu.memref_slice %arg16[%dma_start3A_537, %dma_start3A_538] : memref<5184x128xf32, #tpu.memory_space<vmem_shared>> -> memref<5184x128xf32, #tpu.memory_space<vmem_shared>>
      tpu.enqueue_indirect_dma source(%arg9 : memref<128x128xf32, #tpu.memory_space<vmem>>) target(%dma_start3A_539 : memref<5184x128xf32, #tpu.memory_space<vmem_shared>>) offsets(%dma_start3A_536 : memref<128xi32, #tpu.memory_space<vmem>>) semaphore(%arg14 : memref<!tpu.dma_semaphore, #tpu.memory_space<semaphore_mem>>) {add = true}
      %dma_wait3A_540 = arith.constant 0 : i32
      %dma_wait3A_541 = arith.constant 0 : i32
      %dma_wait3A_542 = tpu.memref_slice %arg16[%dma_wait3A_540, %dma_wait3A_541] : memref<5184x128xf32, #tpu.memory_space<vmem_shared>> -> memref<128x128xf32, #tpu.memory_space<vmem_shared>>
      %dma_wait3A_543 = arith.constant 0 : i32
      %dma_wait3A_544 = arith.constant 0 : i32
      %dma_wait3A_545 = tpu.memref_slice %arg16[%dma_wait3A_543, %dma_wait3A_544] : memref<5184x128xf32, #tpu.memory_space<vmem_shared>> -> memref<128x128xf32, #tpu.memory_space<vmem_shared>>
      tpu.wait_dma2 semaphore(%arg15 : memref<!tpu.dma_semaphore, #tpu.memory_space<semaphore_mem>>) src(%arg10 : memref<128x128xf32, #tpu.memory_space<vmem>>) dst(%dma_wait3A_545 : memref<128x128xf32, #tpu.memory_space<vmem_shared>>)
      %dma_wait3A_546 = arith.constant 0 : i32
      %dma_wait3A_547 = arith.constant 0 : i32
      %dma_wait3A_548 = tpu.memref_slice %arg16[%dma_wait3A_546, %dma_wait3A_547] : memref<5184x128xf32, #tpu.memory_space<vmem_shared>> -> memref<128x128xf32, #tpu.memory_space<vmem_shared>>
      %dma_wait3A_549 = arith.constant 0 : i32
      %dma_wait3A_550 = arith.constant 0 : i32
      %dma_wait3A_551 = tpu.memref_slice %arg16[%dma_wait3A_549, %dma_wait3A_550] : memref<5184x128xf32, #tpu.memory_space<vmem_shared>> -> memref<128x128xf32, #tpu.memory_space<vmem_shared>>
      tpu.wait_dma2 semaphore(%arg15 : memref<!tpu.dma_semaphore, #tpu.memory_space<semaphore_mem>>) src(%arg11 : memref<128x128xf32, #tpu.memory_space<vmem>>) dst(%dma_wait3A_551 : memref<128x128xf32, #tpu.memory_space<vmem_shared>>)
      %add3A_552 = arith.constant 1 : i32
      %add3A_553 = arith.addi %add3A_489, %add3A_552 : i32
      %mul3A_554 = arith.constant 2 : i32
      %mul3A_555 = arith.muli %add3A_553, %mul3A_554 : i32
      %add3A_556 = arith.constant 0 : i32
      %add3A_557 = arith.addi %mul3A_555, %add3A_556 : i32
      %dma_start3A_558 = arith.constant 1 : i32
      %dma_start3A_559 = arith.constant 0 : i32
      %dma_start3A_560 = tpu.memref_slice %arg6[%add3A_557, %dma_start3A_559] : memref<80x128xi32, #tpu.memory_space<vmem>> -> memref<1x128xi32, #tpu.memory_space<vmem>>
      %dma_start3A_561 = tpu.memref_squeeze %dma_start3A_560 : memref<1x128xi32, #tpu.memory_space<vmem>> -> memref<128xi32, #tpu.memory_space<vmem>>
      %dma_start3A_562 = arith.constant 0 : i32
      %dma_start3A_563 = arith.constant 0 : i32
      %dma_start3A_564 = tpu.memref_slice %arg2[%dma_start3A_558, %dma_start3A_562, %dma_start3A_563] : memref<2x10240x128xf32, #tpu.memory_space<hbm>> -> memref<1x10240x128xf32, #tpu.memory_space<hbm>>
      %dma_start3A_565 = tpu.memref_squeeze %dma_start3A_564 : memref<1x10240x128xf32, #tpu.memory_space<hbm>> -> memref<10240x128xf32, #tpu.memory_space<hbm>>
      %dma_start3A_566 = arith.constant 0 : i32
      %dma_start3A_567 = arith.constant 0 : i32
      %dma_start3A_568 = tpu.memref_slice %dma_start3A_565[%dma_start3A_566, %dma_start3A_567] : memref<10240x128xf32, #tpu.memory_space<hbm>> -> memref<10240x128xf32, #tpu.memory_space<hbm>>
      tpu.enqueue_indirect_dma source(%dma_start3A_568 : memref<10240x128xf32, #tpu.memory_space<hbm>>) target(%arg10 : memref<128x128xf32, #tpu.memory_space<vmem>>) offsets(%dma_start3A_561 : memref<128xi32, #tpu.memory_space<vmem>>) semaphore(%arg13 : memref<!tpu.dma_semaphore, #tpu.memory_space<semaphore_mem>>)
      %mul3A_569 = arith.constant 2 : i32
      %mul3A_570 = arith.muli %add3A_553, %mul3A_569 : i32
      %add3A_571 = arith.constant 1 : i32
      %add3A_572 = arith.addi %mul3A_570, %add3A_571 : i32
      %dma_start3A_573 = arith.constant 1 : i32
      %dma_start3A_574 = arith.constant 0 : i32
      %dma_start3A_575 = tpu.memref_slice %arg6[%add3A_572, %dma_start3A_574] : memref<80x128xi32, #tpu.memory_space<vmem>> -> memref<1x128xi32, #tpu.memory_space<vmem>>
      %dma_start3A_576 = tpu.memref_squeeze %dma_start3A_575 : memref<1x128xi32, #tpu.memory_space<vmem>> -> memref<128xi32, #tpu.memory_space<vmem>>
      %dma_start3A_577 = arith.constant 0 : i32
      %dma_start3A_578 = arith.constant 0 : i32
      %dma_start3A_579 = tpu.memref_slice %arg2[%dma_start3A_573, %dma_start3A_577, %dma_start3A_578] : memref<2x10240x128xf32, #tpu.memory_space<hbm>> -> memref<1x10240x128xf32, #tpu.memory_space<hbm>>
      %dma_start3A_580 = tpu.memref_squeeze %dma_start3A_579 : memref<1x10240x128xf32, #tpu.memory_space<hbm>> -> memref<10240x128xf32, #tpu.memory_space<hbm>>
      %dma_start3A_581 = arith.constant 0 : i32
      %dma_start3A_582 = arith.constant 0 : i32
      %dma_start3A_583 = tpu.memref_slice %dma_start3A_580[%dma_start3A_581, %dma_start3A_582] : memref<10240x128xf32, #tpu.memory_space<hbm>> -> memref<10240x128xf32, #tpu.memory_space<hbm>>
      tpu.enqueue_indirect_dma source(%dma_start3A_583 : memref<10240x128xf32, #tpu.memory_space<hbm>>) target(%arg11 : memref<128x128xf32, #tpu.memory_space<vmem>>) offsets(%dma_start3A_576 : memref<128xi32, #tpu.memory_space<vmem>>) semaphore(%arg13 : memref<!tpu.dma_semaphore, #tpu.memory_space<semaphore_mem>>)
    }
    %scan3A_303 = arith.constant 19 : i32
    %dma_wait3A_304 = arith.constant 0 : i32
    %dma_wait3A_305 = arith.constant 0 : i32
    %dma_wait3A_306 = arith.constant 0 : i32
    %dma_wait3A_307 = tpu.memref_slice %arg2[%dma_wait3A_304, %dma_wait3A_305, %dma_wait3A_306] : memref<2x10240x128xf32, #tpu.memory_space<hbm>> -> memref<1x10240x128xf32, #tpu.memory_space<hbm>>
    %dma_wait3A_308 = tpu.memref_squeeze %dma_wait3A_307 : memref<1x10240x128xf32, #tpu.memory_space<hbm>> -> memref<10240x128xf32, #tpu.memory_space<hbm>>
    %dma_wait3A_309 = arith.constant 0 : i32
    %dma_wait3A_310 = arith.constant 0 : i32
    %dma_wait3A_311 = tpu.memref_slice %dma_wait3A_308[%dma_wait3A_309, %dma_wait3A_310] : memref<10240x128xf32, #tpu.memory_space<hbm>> -> memref<128x128xf32, #tpu.memory_space<hbm>>
    %dma_wait3A_312 = arith.constant 0 : i32
    %dma_wait3A_313 = arith.constant 0 : i32
    %dma_wait3A_314 = tpu.memref_slice %arg2[%dma_wait3A_304, %dma_wait3A_312, %dma_wait3A_313] : memref<2x10240x128xf32, #tpu.memory_space<hbm>> -> memref<1x10240x128xf32, #tpu.memory_space<hbm>>
    %dma_wait3A_315 = tpu.memref_squeeze %dma_wait3A_314 : memref<1x10240x128xf32, #tpu.memory_space<hbm>> -> memref<10240x128xf32, #tpu.memory_space<hbm>>
    %dma_wait3A_316 = arith.constant 0 : i32
    %dma_wait3A_317 = arith.constant 0 : i32
    %dma_wait3A_318 = tpu.memref_slice %dma_wait3A_315[%dma_wait3A_316, %dma_wait3A_317] : memref<10240x128xf32, #tpu.memory_space<hbm>> -> memref<128x128xf32, #tpu.memory_space<hbm>>
    tpu.wait_dma2 semaphore(%arg13 : memref<!tpu.dma_semaphore, #tpu.memory_space<semaphore_mem>>) src(%dma_wait3A_318 : memref<128x128xf32, #tpu.memory_space<hbm>>) dst(%arg10 : memref<128x128xf32, #tpu.memory_space<vmem>>)
    %dma_wait3A_319 = arith.constant 0 : i32
    %dma_wait3A_320 = arith.constant 0 : i32
    %dma_wait3A_321 = arith.constant 0 : i32
    %dma_wait3A_322 = tpu.memref_slice %arg2[%dma_wait3A_319, %dma_wait3A_320, %dma_wait3A_321] : memref<2x10240x128xf32, #tpu.memory_space<hbm>> -> memref<1x10240x128xf32, #tpu.memory_space<hbm>>
    %dma_wait3A_323 = tpu.memref_squeeze %dma_wait3A_322 : memref<1x10240x128xf32, #tpu.memory_space<hbm>> -> memref<10240x128xf32, #tpu.memory_space<hbm>>
    %dma_wait3A_324 = arith.constant 0 : i32
    %dma_wait3A_325 = arith.constant 0 : i32
    %dma_wait3A_326 = tpu.memref_slice %dma_wait3A_323[%dma_wait3A_324, %dma_wait3A_325] : memref<10240x128xf32, #tpu.memory_space<hbm>> -> memref<128x128xf32, #tpu.memory_space<hbm>>
    %dma_wait3A_327 = arith.constant 0 : i32
    %dma_wait3A_328 = arith.constant 0 : i32
    %dma_wait3A_329 = tpu.memref_slice %arg2[%dma_wait3A_319, %dma_wait3A_327, %dma_wait3A_328] : memref<2x10240x128xf32, #tpu.memory_space<hbm>> -> memref<1x10240x128xf32, #tpu.memory_space<hbm>>
    %dma_wait3A_330 = tpu.memref_squeeze %dma_wait3A_329 : memref<1x10240x128xf32, #tpu.memory_space<hbm>> -> memref<10240x128xf32, #tpu.memory_space<hbm>>
    %dma_wait3A_331 = arith.constant 0 : i32
    %dma_wait3A_332 = arith.constant 0 : i32
    %dma_wait3A_333 = tpu.memref_slice %dma_wait3A_330[%dma_wait3A_331, %dma_wait3A_332] : memref<10240x128xf32, #tpu.memory_space<hbm>> -> memref<128x128xf32, #tpu.memory_space<hbm>>
    tpu.wait_dma2 semaphore(%arg13 : memref<!tpu.dma_semaphore, #tpu.memory_space<semaphore_mem>>) src(%dma_wait3A_333 : memref<128x128xf32, #tpu.memory_space<hbm>>) dst(%arg11 : memref<128x128xf32, #tpu.memory_space<vmem>>)
    %dma_start3A_334 = arith.constant 78 : i32
    %dma_start3A_335 = arith.constant 0 : i32
    %dma_start3A_336 = tpu.memref_slice %arg7[%dma_start3A_334, %dma_start3A_335] : memref<80x128xi32, #tpu.memory_space<vmem>> -> memref<1x128xi32, #tpu.memory_space<vmem>>
    %dma_start3A_337 = tpu.memref_squeeze %dma_start3A_336 : memref<1x128xi32, #tpu.memory_space<vmem>> -> memref<128xi32, #tpu.memory_space<vmem>>
    %dma_start3A_338 = arith.constant 0 : i32
    %dma_start3A_339 = arith.constant 0 : i32
    %dma_start3A_340 = tpu.memref_slice %arg16[%dma_start3A_338, %dma_start3A_339] : memref<5184x128xf32, #tpu.memory_space<vmem_shared>> -> memref<5184x128xf32, #tpu.memory_space<vmem_shared>>
    tpu.enqueue_indirect_dma source(%arg10 : memref<128x128xf32, #tpu.memory_space<vmem>>) target(%dma_start3A_340 : memref<5184x128xf32, #tpu.memory_space<vmem_shared>>) offsets(%dma_start3A_337 : memref<128xi32, #tpu.memory_space<vmem>>) semaphore(%arg15 : memref<!tpu.dma_semaphore, #tpu.memory_space<semaphore_mem>>) {add = true}
    %dma_start3A_341 = arith.constant 79 : i32
    %dma_start3A_342 = arith.constant 0 : i32
    %dma_start3A_343 = tpu.memref_slice %arg7[%dma_start3A_341, %dma_start3A_342] : memref<80x128xi32, #tpu.memory_space<vmem>> -> memref<1x128xi32, #tpu.memory_space<vmem>>
    %dma_start3A_344 = tpu.memref_squeeze %dma_start3A_343 : memref<1x128xi32, #tpu.memory_space<vmem>> -> memref<128xi32, #tpu.memory_space<vmem>>
    %dma_start3A_345 = arith.constant 0 : i32
    %dma_start3A_346 = arith.constant 0 : i32
    %dma_start3A_347 = tpu.memref_slice %arg16[%dma_start3A_345, %dma_start3A_346] : memref<5184x128xf32, #tpu.memory_space<vmem_shared>> -> memref<5184x128xf32, #tpu.memory_space<vmem_shared>>
    tpu.enqueue_indirect_dma source(%arg11 : memref<128x128xf32, #tpu.memory_space<vmem>>) target(%dma_start3A_347 : memref<5184x128xf32, #tpu.memory_space<vmem_shared>>) offsets(%dma_start3A_344 : memref<128xi32, #tpu.memory_space<vmem>>) semaphore(%arg15 : memref<!tpu.dma_semaphore, #tpu.memory_space<semaphore_mem>>) {add = true}
    %dma_wait3A_348 = arith.constant 0 : i32
    %dma_wait3A_349 = arith.constant 0 : i32
    %dma_wait3A_350 = tpu.memref_slice %arg16[%dma_wait3A_348, %dma_wait3A_349] : memref<5184x128xf32, #tpu.memory_space<vmem_shared>> -> memref<128x128xf32, #tpu.memory_space<vmem_shared>>
    %dma_wait3A_351 = arith.constant 0 : i32
    %dma_wait3A_352 = arith.constant 0 : i32
    %dma_wait3A_353 = tpu.memref_slice %arg16[%dma_wait3A_351, %dma_wait3A_352] : memref<5184x128xf32, #tpu.memory_space<vmem_shared>> -> memref<128x128xf32, #tpu.memory_space<vmem_shared>>
    tpu.wait_dma2 semaphore(%arg14 : memref<!tpu.dma_semaphore, #tpu.memory_space<semaphore_mem>>) src(%arg8 : memref<128x128xf32, #tpu.memory_space<vmem>>) dst(%dma_wait3A_353 : memref<128x128xf32, #tpu.memory_space<vmem_shared>>)
    %dma_wait3A_354 = arith.constant 0 : i32
    %dma_wait3A_355 = arith.constant 0 : i32
    %dma_wait3A_356 = tpu.memref_slice %arg16[%dma_wait3A_354, %dma_wait3A_355] : memref<5184x128xf32, #tpu.memory_space<vmem_shared>> -> memref<128x128xf32, #tpu.memory_space<vmem_shared>>
    %dma_wait3A_357 = arith.constant 0 : i32
    %dma_wait3A_358 = arith.constant 0 : i32
    %dma_wait3A_359 = tpu.memref_slice %arg16[%dma_wait3A_357, %dma_wait3A_358] : memref<5184x128xf32, #tpu.memory_space<vmem_shared>> -> memref<128x128xf32, #tpu.memory_space<vmem_shared>>
    tpu.wait_dma2 semaphore(%arg14 : memref<!tpu.dma_semaphore, #tpu.memory_space<semaphore_mem>>) src(%arg9 : memref<128x128xf32, #tpu.memory_space<vmem>>) dst(%dma_wait3A_359 : memref<128x128xf32, #tpu.memory_space<vmem_shared>>)
    %dma_wait3A_360 = arith.constant 0 : i32
    %dma_wait3A_361 = arith.constant 0 : i32
    %dma_wait3A_362 = tpu.memref_slice %arg16[%dma_wait3A_360, %dma_wait3A_361] : memref<5184x128xf32, #tpu.memory_space<vmem_shared>> -> memref<128x128xf32, #tpu.memory_space<vmem_shared>>
    %dma_wait3A_363 = arith.constant 0 : i32
    %dma_wait3A_364 = arith.constant 0 : i32
    %dma_wait3A_365 = tpu.memref_slice %arg16[%dma_wait3A_363, %dma_wait3A_364] : memref<5184x128xf32, #tpu.memory_space<vmem_shared>> -> memref<128x128xf32, #tpu.memory_space<vmem_shared>>
    tpu.wait_dma2 semaphore(%arg15 : memref<!tpu.dma_semaphore, #tpu.memory_space<semaphore_mem>>) src(%arg10 : memref<128x128xf32, #tpu.memory_space<vmem>>) dst(%dma_wait3A_365 : memref<128x128xf32, #tpu.memory_space<vmem_shared>>)
    %dma_wait3A_366 = arith.constant 0 : i32
    %dma_wait3A_367 = arith.constant 0 : i32
    %dma_wait3A_368 = tpu.memref_slice %arg16[%dma_wait3A_366, %dma_wait3A_367] : memref<5184x128xf32, #tpu.memory_space<vmem_shared>> -> memref<128x128xf32, #tpu.memory_space<vmem_shared>>
    %dma_wait3A_369 = arith.constant 0 : i32
    %dma_wait3A_370 = arith.constant 0 : i32
    %dma_wait3A_371 = tpu.memref_slice %arg16[%dma_wait3A_369, %dma_wait3A_370] : memref<5184x128xf32, #tpu.memory_space<vmem_shared>> -> memref<128x128xf32, #tpu.memory_space<vmem_shared>>
    tpu.wait_dma2 semaphore(%arg15 : memref<!tpu.dma_semaphore, #tpu.memory_space<semaphore_mem>>) src(%arg11 : memref<128x128xf32, #tpu.memory_space<vmem>>) dst(%dma_wait3A_371 : memref<128x128xf32, #tpu.memory_space<vmem_shared>>)
    %barrier3A_372 = arith.constant 0 : index
    tpu.barrier barrier_id(%barrier3A_372)
    %mul3A_373 = arith.constant 320 : i32
    %mul3A_374 = arith.muli %arg1, %mul3A_373 : i32
    %add3A_375 = arith.constant 0 : i32
    %add3A_376 = arith.addi %add3A_375, %arg0 : i32
    %mul3A_377 = arith.constant 5120 : i32
    %mul3A_378 = arith.muli %add3A_376, %mul3A_377 : i32
    %mul3A_379 = arith.constant 320 : i32
    %mul3A_380 = arith.muli %arg1, %mul3A_379 : i32
    %add3A_381 = arith.addi %mul3A_378, %mul3A_380 : i32
    %run_scoped3A_382 = arith.constant 1 : i32
    "tpu.region"() ({
      %run_scoped3A_383 = tpu.sem_alloc : memref<!tpu.dma_semaphore, #tpu.memory_space<semaphore_mem>>
      %dma_start3A_384 = arith.constant 0 : i32
      %dma_start3A_385 = tpu.memref_slice %arg5[%run_scoped3A_382, %add3A_381, %dma_start3A_384] : memref<2x10240x128xf32, #tpu.memory_space<hbm>> -> memref<1x320x128xf32, #tpu.memory_space<hbm>>
      %dma_start3A_386 = tpu.memref_squeeze %dma_start3A_385 : memref<1x320x128xf32, #tpu.memory_space<hbm>> -> memref<320x128xf32, #tpu.memory_space<hbm>>
      %dma_start3A_387 = arith.constant 0 : i32
      %dma_start3A_388 = tpu.memref_slice %arg16[%mul3A_374, %dma_start3A_387] : memref<5184x128xf32, #tpu.memory_space<vmem_shared>> -> memref<320x128xf32, #tpu.memory_space<vmem_shared>>
      tpu.enqueue_dma source(%dma_start3A_388 : memref<320x128xf32, #tpu.memory_space<vmem_shared>>) target(%dma_start3A_386 : memref<320x128xf32, #tpu.memory_space<hbm>>) target_semaphore(%run_scoped3A_383 : memref<!tpu.dma_semaphore, #tpu.memory_space<semaphore_mem>>)
      %dma_wait3A_389 = arith.constant 0 : i32
      %dma_wait3A_390 = tpu.memref_slice %arg5[%run_scoped3A_382, %add3A_381, %dma_wait3A_389] : memref<2x10240x128xf32, #tpu.memory_space<hbm>> -> memref<1x320x128xf32, #tpu.memory_space<hbm>>
      %dma_wait3A_391 = tpu.memref_squeeze %dma_wait3A_390 : memref<1x320x128xf32, #tpu.memory_space<hbm>> -> memref<320x128xf32, #tpu.memory_space<hbm>>
      %dma_wait3A_392 = arith.constant 0 : i32
      %dma_wait3A_393 = tpu.memref_slice %arg16[%mul3A_374, %dma_wait3A_392] : memref<5184x128xf32, #tpu.memory_space<vmem_shared>> -> memref<320x128xf32, #tpu.memory_space<vmem_shared>>
      tpu.wait_dma2 semaphore(%run_scoped3A_383 : memref<!tpu.dma_semaphore, #tpu.memory_space<semaphore_mem>>) src(%dma_wait3A_393 : memref<320x128xf32, #tpu.memory_space<vmem_shared>>) dst(%dma_wait3A_391 : memref<320x128xf32, #tpu.memory_space<hbm>>)
      tpu.yield
    }) : () -> ()
    return
  }
}

module attributes {stable_mosaic.version = 14 : i64} {
  func.func @_mm1_body(%arg0: i32, %arg1: memref<256x256xf32, #tpu.memory_space<vmem>>, %arg2: memref<256x256xf32, #tpu.memory_space<vmem>>, %arg3: memref<256x2xf32, #tpu.memory_space<vmem>>, %arg4: memref<2x256x128xf32, #tpu.memory_space<vmem>>) attributes {dimension_semantics = [#tpu.dimension_semantics<arbitrary>], iteration_bounds = array<i64: 40>, scalar_prefetch = 0 : i64, scratch_operands = 0 : i64, tpu.core_type = #tpu.core_type<tc>, window_params = [{transform_indices = @transform_0, window_bounds = array<i64: 256, 256>}, {pipeline_mode = #tpu.pipeline_mode<synchronous>, transform_indices = @transform_1, window_bounds = array<i64: 256, 256>}, {transform_indices = @transform_2, window_bounds = array<i64: 256, 2>}, {transform_indices = @transform_3, window_bounds = array<i64: 2, 256, 128>}]} {
    %get3A = arith.constant 0 : index
    %get3A_0 = arith.constant 0 : index
    %get3A_1 = vector.load %arg3[%get3A, %get3A_0] : memref<256x2xf32, #tpu.memory_space<vmem>>, vector<256x1xf32>
    %get3A_2 = arith.constant 0 : index
    %get3A_3 = arith.constant 1 : index
    %get3A_4 = vector.load %arg3[%get3A_2, %get3A_3] : memref<256x2xf32, #tpu.memory_space<vmem>>, vector<256x1xf32>
    %add3A = arith.addf %get3A_1, %get3A_4 : vector<256x1xf32>
    %add3A_5 = arith.constant 1.000000e+00 : f32
    %add3A_6 = vector.broadcast %add3A_5 : f32 to vector<256x1xf32>
    %add3A_7 = arith.addf %add3A, %add3A_6 : vector<256x1xf32>
    %rsqrt3A = math.rsqrt %add3A_7 : vector<256x1xf32>
    %get3A_8 = arith.constant 0 : index
    %get3A_9 = arith.constant 0 : index
    %get3A_10 = vector.load %arg1[%get3A_8, %get3A_9] : memref<256x256xf32, #tpu.memory_space<vmem>>, vector<256x256xf32>
    %get3A_11 = arith.constant 0 : index
    %get3A_12 = arith.constant 0 : index
    %get3A_13 = vector.load %arg2[%get3A_11, %get3A_12] : memref<256x256xf32, #tpu.memory_space<vmem>>, vector<256x256xf32>
    %dot_general3A = arith.constant dense<0.000000e+00> : vector<256x256xf32>
    %dot_general3A_14 = tpu.matmul %get3A_10, %get3A_13, %dot_general3A {dimension_numbers = #tpu.dot_dimension_numbers<[1], [0], [0], [1], [0, 0, 1, 1], [], []>, transpose_lhs_hint = false} : vector<256x256xf32>, vector<256x256xf32>, vector<256x256xf32> -> vector<256x256xf32>
    %mul3A = vector.broadcast %rsqrt3A : vector<256x1xf32> to vector<256x256xf32>
    %mul3A_15 = arith.mulf %dot_general3A_14, %mul3A : vector<256x256xf32>
    %slice3A = vector.extract_strided_slice %mul3A_15 {offsets = [0, 0], sizes = [256, 128], strides = [1, 1]} : vector<256x256xf32> to vector<256x128xf32>
    %slice3A_16 = vector.extract_strided_slice %mul3A_15 {offsets = [0, 128], sizes = [256, 128], strides = [1, 1]} : vector<256x256xf32> to vector<256x128xf32>
    %stack3A = vector.shape_cast %slice3A : vector<256x128xf32> to vector<1x256x128xf32>
    %stack3A_17 = vector.shape_cast %slice3A_16 : vector<256x128xf32> to vector<1x256x128xf32>
    %stack3A_18 = tpu.concatenate %stack3A, %stack3A_17 in 0 : vector<1x256x128xf32>, vector<1x256x128xf32> -> vector<2x256x128xf32>
    %swap3A = arith.constant 0 : index
    %swap3A_19 = arith.constant 0 : index
    %swap3A_20 = arith.constant 0 : index
    %swap3A_21 = vector.load %arg4[%swap3A, %swap3A_19, %swap3A_20] : memref<2x256x128xf32, #tpu.memory_space<vmem>>, vector<2x256x128xf32>
    tpu.vector_store %arg4[%swap3A, %swap3A_19, %swap3A_20], %stack3A_18 {strides = array<i32>} : memref<2x256x128xf32, #tpu.memory_space<vmem>>, vector<2x256x128xf32>,
    return
  }
  func.func @transform_0(%arg0: i32) -> (i32, i32) {
    %c0_i32 = arith.constant 0 : i32
    %c0_i32_0 = arith.constant 0 : i32
    return %arg0, %c0_i32 : i32, i32
  }
  func.func @transform_1(%arg0: i32) -> (i32, i32) {
    %c0_i32 = arith.constant 0 : i32
    %c0_i32_0 = arith.constant 0 : i32
    %c0_i32_1 = arith.constant 0 : i32
    return %c0_i32, %c0_i32_0 : i32, i32
  }
  func.func @transform_2(%arg0: i32) -> (i32, i32) {
    %c0_i32 = arith.constant 0 : i32
    %c0_i32_0 = arith.constant 0 : i32
    return %arg0, %c0_i32 : i32, i32
  }
  func.func @transform_3(%arg0: i32) -> (i32, i32, i32) {
    %c0_i32 = arith.constant 0 : i32
    %c0_i32_0 = arith.constant 0 : i32
    %c0_i32_1 = arith.constant 0 : i32
    return %c0_i32, %arg0, %c0_i32_0 : i32, i32, i32
  }
}

module attributes {stable_mosaic.version = 14 : i64} {
  func.func @_mm2_body(%arg0: i32, %arg1: memref<2x256x128xf32, #tpu.memory_space<vmem>>, %arg2: memref<2x256x128xf32, #tpu.memory_space<vmem>>, %arg3: memref<256x2xf32, #tpu.memory_space<vmem>>, %arg4: memref<1x256xf32, #tpu.memory_space<vmem>>, %arg5: memref<256x256xf32, #tpu.memory_space<vmem>>, %arg6: memref<2x256x128xf32, #tpu.memory_space<vmem>>, %arg7: memref<256x256xf32, #tpu.memory_space<vmem>>) attributes {dimension_semantics = [#tpu.dimension_semantics<arbitrary>], iteration_bounds = array<i64: 40>, scalar_prefetch = 0 : i64, scratch_operands = 0 : i64, tpu.core_type = #tpu.core_type<tc>, window_params = [{transform_indices = @transform_0, window_bounds = array<i64: 2, 256, 128>}, {transform_indices = @transform_1, window_bounds = array<i64: 2, 256, 128>}, {transform_indices = @transform_2, window_bounds = array<i64: 256, 2>}, {pipeline_mode = #tpu.pipeline_mode<synchronous>, transform_indices = @transform_3, window_bounds = array<i64: 1, 256>}, {pipeline_mode = #tpu.pipeline_mode<synchronous>, transform_indices = @transform_4, window_bounds = array<i64: 256, 256>}, {transform_indices = @transform_5, window_bounds = array<i64: 2, 256, 128>}, {transform_indices = @transform_6, window_bounds = array<i64: 256, 256>}]} {
    %get3A = arith.constant 0 : index
    %get3A_0 = arith.constant 0 : index
    %get3A_1 = vector.load %arg3[%get3A, %get3A_0] : memref<256x2xf32, #tpu.memory_space<vmem>>, vector<256x1xf32>
    %get3A_2 = arith.constant 0 : index
    %get3A_3 = arith.constant 1 : index
    %get3A_4 = vector.load %arg3[%get3A_2, %get3A_3] : memref<256x2xf32, #tpu.memory_space<vmem>>, vector<256x1xf32>
    %add3A = arith.addf %get3A_1, %get3A_4 : vector<256x1xf32>
    %add3A_5 = arith.constant 1.000000e+00 : f32
    %add3A_6 = vector.broadcast %add3A_5 : f32 to vector<256x1xf32>
    %add3A_7 = arith.addf %add3A, %add3A_6 : vector<256x1xf32>
    %rsqrt3A = math.rsqrt %add3A_7 : vector<256x1xf32>
    %get3A_8 = arith.constant 0 : index
    %get3A_9 = arith.constant 0 : index
    %get3A_10 = arith.constant 0 : index
    %get3A_11 = vector.load %arg1[%get3A_8, %get3A_9, %get3A_10] : memref<2x256x128xf32, #tpu.memory_space<vmem>>, vector<1x256x128xf32>
    %get3A_12 = vector.shape_cast %get3A_11 : vector<1x256x128xf32> to vector<256x128xf32>
    %get3A_13 = arith.constant 1 : index
    %get3A_14 = arith.constant 0 : index
    %get3A_15 = arith.constant 0 : index
    %get3A_16 = vector.load %arg1[%get3A_13, %get3A_14, %get3A_15] : memref<2x256x128xf32, #tpu.memory_space<vmem>>, vector<1x256x128xf32>
    %get3A_17 = vector.shape_cast %get3A_16 : vector<1x256x128xf32> to vector<256x128xf32>
    %concatenate3A = tpu.concatenate %get3A_12, %get3A_17 in 1 : vector<256x128xf32>, vector<256x128xf32> -> vector<256x256xf32>
    %get3A_18 = arith.constant 0 : index
    %get3A_19 = arith.constant 0 : index
    %get3A_20 = arith.constant 0 : index
    %get3A_21 = vector.load %arg2[%get3A_18, %get3A_19, %get3A_20] : memref<2x256x128xf32, #tpu.memory_space<vmem>>, vector<1x256x128xf32>
    %get3A_22 = vector.shape_cast %get3A_21 : vector<1x256x128xf32> to vector<256x128xf32>
    %get3A_23 = arith.constant 1 : index
    %get3A_24 = arith.constant 0 : index
    %get3A_25 = arith.constant 0 : index
    %get3A_26 = vector.load %arg2[%get3A_23, %get3A_24, %get3A_25] : memref<2x256x128xf32, #tpu.memory_space<vmem>>, vector<1x256x128xf32>
    %get3A_27 = vector.shape_cast %get3A_26 : vector<1x256x128xf32> to vector<256x128xf32>
    %concatenate3A_28 = tpu.concatenate %get3A_22, %get3A_27 in 1 : vector<256x128xf32>, vector<256x128xf32> -> vector<256x256xf32>
    %add3A_29 = arith.addf %concatenate3A, %concatenate3A_28 : vector<256x256xf32>
    %mul3A = vector.broadcast %rsqrt3A : vector<256x1xf32> to vector<256x256xf32>
    %mul3A_30 = arith.mulf %mul3A, %add3A_29 : vector<256x256xf32>
    %get3A_31 = arith.constant 0 : index
    %get3A_32 = arith.constant 0 : index
    %get3A_33 = vector.load %arg4[%get3A_31, %get3A_32] : memref<1x256xf32, #tpu.memory_space<vmem>>, vector<1x256xf32>
    %add3A_34 = vector.broadcast %get3A_33 : vector<1x256xf32> to vector<256x256xf32>
    %add3A_35 = arith.addf %mul3A_30, %add3A_34 : vector<256x256xf32>
    %max3A = arith.constant 0.000000e+00 : f32
    %max3A_36 = vector.broadcast %max3A : f32 to vector<256x256xf32>
    %max3A_37 = arith.maximumf %add3A_35, %max3A_36 : vector<256x256xf32>
    %swap3A = arith.constant 0 : index
    %swap3A_38 = arith.constant 0 : index
    %swap3A_39 = vector.load %arg7[%swap3A, %swap3A_38] : memref<256x256xf32, #tpu.memory_space<vmem>>, vector<256x256xf32>
    tpu.vector_store %arg7[%swap3A, %swap3A_38], %max3A_37 {strides = array<i32>} : memref<256x256xf32, #tpu.memory_space<vmem>>, vector<256x256xf32>,
    %get3A_40 = arith.constant 0 : index
    %get3A_41 = arith.constant 0 : index
    %get3A_42 = vector.load %arg5[%get3A_40, %get3A_41] : memref<256x256xf32, #tpu.memory_space<vmem>>, vector<256x256xf32>
    %dot_general3A = arith.constant dense<0.000000e+00> : vector<256x256xf32>
    %dot_general3A_43 = tpu.matmul %max3A_37, %get3A_42, %dot_general3A {dimension_numbers = #tpu.dot_dimension_numbers<[1], [0], [0], [1], [0, 0, 1, 1], [], []>, transpose_lhs_hint = false} : vector<256x256xf32>, vector<256x256xf32>, vector<256x256xf32> -> vector<256x256xf32>
    %mul3A_44 = vector.broadcast %rsqrt3A : vector<256x1xf32> to vector<256x256xf32>
    %mul3A_45 = arith.mulf %dot_general3A_43, %mul3A_44 : vector<256x256xf32>
    %slice3A = vector.extract_strided_slice %mul3A_45 {offsets = [0, 0], sizes = [256, 128], strides = [1, 1]} : vector<256x256xf32> to vector<256x128xf32>
    %slice3A_46 = vector.extract_strided_slice %mul3A_45 {offsets = [0, 128], sizes = [256, 128], strides = [1, 1]} : vector<256x256xf32> to vector<256x128xf32>
    %stack3A = vector.shape_cast %slice3A : vector<256x128xf32> to vector<1x256x128xf32>
    %stack3A_47 = vector.shape_cast %slice3A_46 : vector<256x128xf32> to vector<1x256x128xf32>
    %stack3A_48 = tpu.concatenate %stack3A, %stack3A_47 in 0 : vector<1x256x128xf32>, vector<1x256x128xf32> -> vector<2x256x128xf32>
    %swap3A_49 = arith.constant 0 : index
    %swap3A_50 = arith.constant 0 : index
    %swap3A_51 = arith.constant 0 : index
    %swap3A_52 = vector.load %arg6[%swap3A_49, %swap3A_50, %swap3A_51] : memref<2x256x128xf32, #tpu.memory_space<vmem>>, vector<2x256x128xf32>
    tpu.vector_store %arg6[%swap3A_49, %swap3A_50, %swap3A_51], %stack3A_48 {strides = array<i32>} : memref<2x256x128xf32, #tpu.memory_space<vmem>>, vector<2x256x128xf32>,
    return
  }
  func.func @transform_0(%arg0: i32) -> (i32, i32, i32) {
    %c0_i32 = arith.constant 0 : i32
    %c0_i32_0 = arith.constant 0 : i32
    %c0_i32_1 = arith.constant 0 : i32
    return %c0_i32, %arg0, %c0_i32_0 : i32, i32, i32
  }
  func.func @transform_1(%arg0: i32) -> (i32, i32, i32) {
    %c0_i32 = arith.constant 0 : i32
    %c0_i32_0 = arith.constant 0 : i32
    %c0_i32_1 = arith.constant 0 : i32
    return %c0_i32, %arg0, %c0_i32_0 : i32, i32, i32
  }
  func.func @transform_2(%arg0: i32) -> (i32, i32) {
    %c0_i32 = arith.constant 0 : i32
    %c0_i32_0 = arith.constant 0 : i32
    return %arg0, %c0_i32 : i32, i32
  }
  func.func @transform_3(%arg0: i32) -> (i32, i32) {
    %c0_i32 = arith.constant 0 : i32
    %c0_i32_0 = arith.constant 0 : i32
    %c0_i32_1 = arith.constant 0 : i32
    return %c0_i32, %c0_i32_0 : i32, i32
  }
  func.func @transform_4(%arg0: i32) -> (i32, i32) {
    %c0_i32 = arith.constant 0 : i32
    %c0_i32_0 = arith.constant 0 : i32
    %c0_i32_1 = arith.constant 0 : i32
    return %c0_i32, %c0_i32_0 : i32, i32
  }
  func.func @transform_5(%arg0: i32) -> (i32, i32, i32) {
    %c0_i32 = arith.constant 0 : i32
    %c0_i32_0 = arith.constant 0 : i32
    %c0_i32_1 = arith.constant 0 : i32
    return %c0_i32, %arg0, %c0_i32_0 : i32, i32, i32
  }
  func.func @transform_6(%arg0: i32) -> (i32, i32) {
    %c0_i32 = arith.constant 0 : i32
    %c0_i32_0 = arith.constant 0 : i32
    return %arg0, %c0_i32 : i32, i32
  }
}

module attributes {stable_mosaic.version = 14 : i64} {
  func.func @_mm3_body(%arg0: i32, %arg1: memref<256x256xf32, #tpu.memory_space<vmem>>, %arg2: memref<256x256xf32, #tpu.memory_space<vmem>>, %arg3: memref<2x256x128xf32, #tpu.memory_space<vmem>>, %arg4: memref<2x256x128xf32, #tpu.memory_space<vmem>>, %arg5: memref<256x2xf32, #tpu.memory_space<vmem>>, %arg6: memref<1x256xf32, #tpu.memory_space<vmem>>, %arg7: memref<768x64xf32, #tpu.memory_space<vmem>>, %arg8: memref<256x128xf32, #tpu.memory_space<vmem>>) attributes {dimension_semantics = [#tpu.dimension_semantics<arbitrary>], iteration_bounds = array<i64: 40>, scalar_prefetch = 0 : i64, scratch_operands = 0 : i64, tpu.core_type = #tpu.core_type<tc>, window_params = [{transform_indices = @transform_0, window_bounds = array<i64: 256, 256>}, {transform_indices = @transform_1, window_bounds = array<i64: 256, 256>}, {transform_indices = @transform_2, window_bounds = array<i64: 2, 256, 128>}, {transform_indices = @transform_3, window_bounds = array<i64: 2, 256, 128>}, {transform_indices = @transform_4, window_bounds = array<i64: 256, 2>}, {pipeline_mode = #tpu.pipeline_mode<synchronous>, transform_indices = @transform_5, window_bounds = array<i64: 1, 256>}, {pipeline_mode = #tpu.pipeline_mode<synchronous>, transform_indices = @transform_6, window_bounds = array<i64: 768, 64>}, {transform_indices = @transform_7, window_bounds = array<i64: 256, 128>}]} {
    %get3A = arith.constant 0 : index
    %get3A_0 = arith.constant 0 : index
    %get3A_1 = vector.load %arg5[%get3A, %get3A_0] : memref<256x2xf32, #tpu.memory_space<vmem>>, vector<256x1xf32>
    %get3A_2 = arith.constant 0 : index
    %get3A_3 = arith.constant 1 : index
    %get3A_4 = vector.load %arg5[%get3A_2, %get3A_3] : memref<256x2xf32, #tpu.memory_space<vmem>>, vector<256x1xf32>
    %add3A = arith.addf %get3A_1, %get3A_4 : vector<256x1xf32>
    %add3A_5 = arith.constant 1.000000e+00 : f32
    %add3A_6 = vector.broadcast %add3A_5 : f32 to vector<256x1xf32>
    %add3A_7 = arith.addf %add3A, %add3A_6 : vector<256x1xf32>
    %rsqrt3A = math.rsqrt %add3A_7 : vector<256x1xf32>
    %get3A_8 = arith.constant 0 : index
    %get3A_9 = arith.constant 0 : index
    %get3A_10 = arith.constant 0 : index
    %get3A_11 = vector.load %arg3[%get3A_8, %get3A_9, %get3A_10] : memref<2x256x128xf32, #tpu.memory_space<vmem>>, vector<1x256x128xf32>
    %get3A_12 = vector.shape_cast %get3A_11 : vector<1x256x128xf32> to vector<256x128xf32>
    %get3A_13 = arith.constant 1 : index
    %get3A_14 = arith.constant 0 : index
    %get3A_15 = arith.constant 0 : index
    %get3A_16 = vector.load %arg3[%get3A_13, %get3A_14, %get3A_15] : memref<2x256x128xf32, #tpu.memory_space<vmem>>, vector<1x256x128xf32>
    %get3A_17 = vector.shape_cast %get3A_16 : vector<1x256x128xf32> to vector<256x128xf32>
    %concatenate3A = tpu.concatenate %get3A_12, %get3A_17 in 1 : vector<256x128xf32>, vector<256x128xf32> -> vector<256x256xf32>
    %get3A_18 = arith.constant 0 : index
    %get3A_19 = arith.constant 0 : index
    %get3A_20 = arith.constant 0 : index
    %get3A_21 = vector.load %arg4[%get3A_18, %get3A_19, %get3A_20] : memref<2x256x128xf32, #tpu.memory_space<vmem>>, vector<1x256x128xf32>
    %get3A_22 = vector.shape_cast %get3A_21 : vector<1x256x128xf32> to vector<256x128xf32>
    %get3A_23 = arith.constant 1 : index
    %get3A_24 = arith.constant 0 : index
    %get3A_25 = arith.constant 0 : index
    %get3A_26 = vector.load %arg4[%get3A_23, %get3A_24, %get3A_25] : memref<2x256x128xf32, #tpu.memory_space<vmem>>, vector<1x256x128xf32>
    %get3A_27 = vector.shape_cast %get3A_26 : vector<1x256x128xf32> to vector<256x128xf32>
    %concatenate3A_28 = tpu.concatenate %get3A_22, %get3A_27 in 1 : vector<256x128xf32>, vector<256x128xf32> -> vector<256x256xf32>
    %add3A_29 = arith.addf %concatenate3A, %concatenate3A_28 : vector<256x256xf32>
    %mul3A = vector.broadcast %rsqrt3A : vector<256x1xf32> to vector<256x256xf32>
    %mul3A_30 = arith.mulf %mul3A, %add3A_29 : vector<256x256xf32>
    %get3A_31 = arith.constant 0 : index
    %get3A_32 = arith.constant 0 : index
    %get3A_33 = vector.load %arg6[%get3A_31, %get3A_32] : memref<1x256xf32, #tpu.memory_space<vmem>>, vector<1x256xf32>
    %add3A_34 = vector.broadcast %get3A_33 : vector<1x256xf32> to vector<256x256xf32>
    %add3A_35 = arith.addf %mul3A_30, %add3A_34 : vector<256x256xf32>
    %max3A = arith.constant 0.000000e+00 : f32
    %max3A_36 = vector.broadcast %max3A : f32 to vector<256x256xf32>
    %max3A_37 = arith.maximumf %add3A_35, %max3A_36 : vector<256x256xf32>
    %get3A_38 = arith.constant 0 : index
    %get3A_39 = arith.constant 0 : index
    %get3A_40 = vector.load %arg1[%get3A_38, %get3A_39] : memref<256x256xf32, #tpu.memory_space<vmem>>, vector<256x256xf32>
    %get3A_41 = arith.constant 0 : index
    %get3A_42 = arith.constant 0 : index
    %get3A_43 = vector.load %arg7[%get3A_41, %get3A_42] : memref<768x64xf32, #tpu.memory_space<vmem>>, vector<256x64xf32>
    %dot_general3A = arith.constant dense<0.000000e+00> : vector<256x64xf32>
    %dot_general3A_44 = tpu.matmul %get3A_40, %get3A_43, %dot_general3A {dimension_numbers = #tpu.dot_dimension_numbers<[1], [0], [0], [1], [0, 0, 1, 1], [], []>, transpose_lhs_hint = false} : vector<256x256xf32>, vector<256x64xf32>, vector<256x64xf32> -> vector<256x64xf32>
    %get3A_45 = arith.constant 0 : index
    %get3A_46 = arith.constant 0 : index
    %get3A_47 = vector.load %arg2[%get3A_45, %get3A_46] : memref<256x256xf32, #tpu.memory_space<vmem>>, vector<256x256xf32>
    %get3A_48 = arith.constant 256 : index
    %get3A_49 = arith.constant 0 : index
    %get3A_50 = vector.load %arg7[%get3A_48, %get3A_49] : memref<768x64xf32, #tpu.memory_space<vmem>>, vector<256x64xf32>
    %dot_general3A_51 = arith.constant dense<0.000000e+00> : vector<256x64xf32>
    %dot_general3A_52 = tpu.matmul %get3A_47, %get3A_50, %dot_general3A_51 {dimension_numbers = #tpu.dot_dimension_numbers<[1], [0], [0], [1], [0, 0, 1, 1], [], []>, transpose_lhs_hint = false} : vector<256x256xf32>, vector<256x64xf32>, vector<256x64xf32> -> vector<256x64xf32>
    %add3A_53 = arith.addf %dot_general3A_44, %dot_general3A_52 : vector<256x64xf32>
    %get3A_54 = arith.constant 512 : index
    %get3A_55 = arith.constant 0 : index
    %get3A_56 = vector.load %arg7[%get3A_54, %get3A_55] : memref<768x64xf32, #tpu.memory_space<vmem>>, vector<256x64xf32>
    %dot_general3A_57 = arith.constant dense<0.000000e+00> : vector<256x64xf32>
    %dot_general3A_58 = tpu.matmul %max3A_37, %get3A_56, %dot_general3A_57 {dimension_numbers = #tpu.dot_dimension_numbers<[1], [0], [0], [1], [0, 0, 1, 1], [], []>, transpose_lhs_hint = false} : vector<256x256xf32>, vector<256x64xf32>, vector<256x64xf32> -> vector<256x64xf32>
    %add3A_59 = arith.addf %add3A_53, %dot_general3A_58 : vector<256x64xf32>
    %mul3A_60 = vector.broadcast %rsqrt3A : vector<256x1xf32> to vector<256x64xf32>
    %mul3A_61 = arith.mulf %add3A_59, %mul3A_60 : vector<256x64xf32>
    %broadcast_in_dim3A = arith.constant 0.000000e+00 : f32
    %broadcast_in_dim3A_62 = vector.broadcast %broadcast_in_dim3A : f32 to vector<256x64xf32>
    %concatenate3A_63 = tpu.concatenate %mul3A_61, %broadcast_in_dim3A_62 in 1 : vector<256x64xf32>, vector<256x64xf32> -> vector<256x128xf32>
    %swap3A = arith.constant 0 : index
    %swap3A_64 = arith.constant 0 : index
    %swap3A_65 = vector.load %arg8[%swap3A, %swap3A_64] : memref<256x128xf32, #tpu.memory_space<vmem>>, vector<256x128xf32>
    tpu.vector_store %arg8[%swap3A, %swap3A_64], %concatenate3A_63 {strides = array<i32>} : memref<256x128xf32, #tpu.memory_space<vmem>>, vector<256x128xf32>,
    return
  }
  func.func @transform_0(%arg0: i32) -> (i32, i32) {
    %c0_i32 = arith.constant 0 : i32
    %c0_i32_0 = arith.constant 0 : i32
    return %arg0, %c0_i32 : i32, i32
  }
  func.func @transform_1(%arg0: i32) -> (i32, i32) {
    %c0_i32 = arith.constant 0 : i32
    %c0_i32_0 = arith.constant 0 : i32
    return %arg0, %c0_i32 : i32, i32
  }
  func.func @transform_2(%arg0: i32) -> (i32, i32, i32) {
    %c0_i32 = arith.constant 0 : i32
    %c0_i32_0 = arith.constant 0 : i32
    %c0_i32_1 = arith.constant 0 : i32
    return %c0_i32, %arg0, %c0_i32_0 : i32, i32, i32
  }
  func.func @transform_3(%arg0: i32) -> (i32, i32, i32) {
    %c0_i32 = arith.constant 0 : i32
    %c0_i32_0 = arith.constant 0 : i32
    %c0_i32_1 = arith.constant 0 : i32
    return %c0_i32, %arg0, %c0_i32_0 : i32, i32, i32
  }
  func.func @transform_4(%arg0: i32) -> (i32, i32) {
    %c0_i32 = arith.constant 0 : i32
    %c0_i32_0 = arith.constant 0 : i32
    return %arg0, %c0_i32 : i32, i32
  }
  func.func @transform_5(%arg0: i32) -> (i32, i32) {
    %c0_i32 = arith.constant 0 : i32
    %c0_i32_0 = arith.constant 0 : i32
    %c0_i32_1 = arith.constant 0 : i32
    return %c0_i32, %c0_i32_0 : i32, i32
  }
  func.func @transform_6(%arg0: i32) -> (i32, i32) {
    %c0_i32 = arith.constant 0 : i32
    %c0_i32_0 = arith.constant 0 : i32
    %c0_i32_1 = arith.constant 0 : i32
    return %c0_i32, %c0_i32_0 : i32, i32
  }
  func.func @transform_7(%arg0: i32) -> (i32, i32) {
    %c0_i32 = arith.constant 0 : i32
    %c0_i32_0 = arith.constant 0 : i32
    return %arg0, %c0_i32 : i32, i32
  }
}

module attributes {stable_mosaic.version = 14 : i64} {
  func.func @_mm4_body(%arg0: i32, %arg1: memref<256x128xf32, #tpu.memory_space<vmem>>, %arg2: memref<256x128xf32, #tpu.memory_space<vmem>>, %arg3: memref<256x2xf32, #tpu.memory_space<vmem>>, %arg4: memref<1x64xf32, #tpu.memory_space<vmem>>, %arg5: memref<256x64xf32, #tpu.memory_space<vmem>>) attributes {dimension_semantics = [#tpu.dimension_semantics<arbitrary>], iteration_bounds = array<i64: 40>, scalar_prefetch = 0 : i64, scratch_operands = 0 : i64, tpu.core_type = #tpu.core_type<tc>, window_params = [{transform_indices = @transform_0, window_bounds = array<i64: 256, 128>}, {transform_indices = @transform_1, window_bounds = array<i64: 256, 128>}, {transform_indices = @transform_2, window_bounds = array<i64: 256, 2>}, {pipeline_mode = #tpu.pipeline_mode<synchronous>, transform_indices = @transform_3, window_bounds = array<i64: 1, 64>}, {transform_indices = @transform_4, window_bounds = array<i64: 256, 64>}]} {
    %get3A = arith.constant 0 : index
    %get3A_0 = arith.constant 0 : index
    %get3A_1 = vector.load %arg3[%get3A, %get3A_0] : memref<256x2xf32, #tpu.memory_space<vmem>>, vector<256x1xf32>
    %get3A_2 = arith.constant 0 : index
    %get3A_3 = arith.constant 1 : index
    %get3A_4 = vector.load %arg3[%get3A_2, %get3A_3] : memref<256x2xf32, #tpu.memory_space<vmem>>, vector<256x1xf32>
    %add3A = arith.addf %get3A_1, %get3A_4 : vector<256x1xf32>
    %add3A_5 = arith.constant 1.000000e+00 : f32
    %add3A_6 = vector.broadcast %add3A_5 : f32 to vector<256x1xf32>
    %add3A_7 = arith.addf %add3A, %add3A_6 : vector<256x1xf32>
    %rsqrt3A = math.rsqrt %add3A_7 : vector<256x1xf32>
    %get3A_8 = arith.constant 0 : index
    %get3A_9 = arith.constant 0 : index
    %get3A_10 = vector.load %arg1[%get3A_8, %get3A_9] : memref<256x128xf32, #tpu.memory_space<vmem>>, vector<256x64xf32>
    %get3A_11 = arith.constant 0 : index
    %get3A_12 = arith.constant 0 : index
    %get3A_13 = vector.load %arg2[%get3A_11, %get3A_12] : memref<256x128xf32, #tpu.memory_space<vmem>>, vector<256x64xf32>
    %add3A_14 = arith.addf %get3A_10, %get3A_13 : vector<256x64xf32>
    %mul3A = vector.broadcast %rsqrt3A : vector<256x1xf32> to vector<256x64xf32>
    %mul3A_15 = arith.mulf %mul3A, %add3A_14 : vector<256x64xf32>
    %get3A_16 = arith.constant 0 : index
    %get3A_17 = arith.constant 0 : index
    %get3A_18 = vector.load %arg4[%get3A_16, %get3A_17] : memref<1x64xf32, #tpu.memory_space<vmem>>, vector<1x64xf32>
    %add3A_19 = vector.broadcast %get3A_18 : vector<1x64xf32> to vector<256x64xf32>
    %add3A_20 = arith.addf %mul3A_15, %add3A_19 : vector<256x64xf32>
    %max3A = arith.constant 0.000000e+00 : f32
    %max3A_21 = vector.broadcast %max3A : f32 to vector<256x64xf32>
    %max3A_22 = arith.maximumf %add3A_20, %max3A_21 : vector<256x64xf32>
    %swap3A = arith.constant 0 : index
    %swap3A_23 = arith.constant 0 : index
    %swap3A_24 = vector.load %arg5[%swap3A, %swap3A_23] : memref<256x64xf32, #tpu.memory_space<vmem>>, vector<256x64xf32>
    tpu.vector_store %arg5[%swap3A, %swap3A_23], %max3A_22 {strides = array<i32>} : memref<256x64xf32, #tpu.memory_space<vmem>>, vector<256x64xf32>,
    return
  }
  func.func @transform_0(%arg0: i32) -> (i32, i32) {
    %c0_i32 = arith.constant 0 : i32
    %c0_i32_0 = arith.constant 0 : i32
    return %arg0, %c0_i32 : i32, i32
  }
  func.func @transform_1(%arg0: i32) -> (i32, i32) {
    %c0_i32 = arith.constant 0 : i32
    %c0_i32_0 = arith.constant 0 : i32
    return %arg0, %c0_i32 : i32, i32
  }
  func.func @transform_2(%arg0: i32) -> (i32, i32) {
    %c0_i32 = arith.constant 0 : i32
    %c0_i32_0 = arith.constant 0 : i32
    return %arg0, %c0_i32 : i32, i32
  }
  func.func @transform_3(%arg0: i32) -> (i32, i32) {
    %c0_i32 = arith.constant 0 : i32
    %c0_i32_0 = arith.constant 0 : i32
    %c0_i32_1 = arith.constant 0 : i32
    return %c0_i32, %c0_i32_0 : i32, i32
  }
  func.func @transform_4(%arg0: i32) -> (i32, i32) {
    %c0_i32 = arith.constant 0 : i32
    %c0_i32_0 = arith.constant 0 : i32
    return %arg0, %c0_i32 : i32, i32
  }
}

</mosaic_0001>

<sc_bundles>
// kernel: kernel.10.cloned.1.call-start
scs
__scs_entry_jumppad:
0x0: {  	(pc) =	sbr.rel $0x88, $3  }
0x1: {  	(tag) =	ssettag $0x0;
	lr =	simm.s32 $0x1  }
0x2: {  	[smem:$0x3F99] =	sst lr;
	_ =	strace $0xD0000000  }
0x3: {  	_ = 	snop  }
0x4: {  	_ = 	snop  }
0x5: {  	_ = 	snop  }
0x6: {  	_ = 	snop  }
0x7: {  	_ = 	snop  }
__scs_overlays_trampoline_lowered:
0x8: {  	[smem:$0x3FA8] =	sst s0  }
0x9: {  	[smem:$0x3FA9] =	sst s1  }
0xa: {  	[smem:$0x3FAA] =	sst s2  }
0xb: {  	[smem:$0x3FAB] =	sst s3  }
0xc: {  	[smem:$0x3FAC] =	sst s4  }
0xd: {  	[smem:$0x3FAD] =	sst s5  }
0xe: {  	[smem:$0x3FAE] =	sst s6  }
0xf: {  	[smem:$0x3FAF] =	sst s7  }
0x10: {  	[smem:$0x3FB0] =	sst s8  }
0x11: {  	[smem:$0x3FB1] =	sst s9;
	s0 =	simm.s32 @!p0 $0x0  }
0x12: {  	s1 =	sld [smem:$0x3F97];
	s0 =	simm.s32 @p0 $0x1  }
0x13: {  	[smem:$0x3FB2] =	sst s0;
	s0 =	simm.s32 @!p1 $0x0  }
0x14: {  	s2 =	sld [smem:$0x3F96];
	s0 =	simm.s32 @p1 $0x1  }
0x15: {  	[smem:$0x3FB3] =	sst s0;
	s0 =	simm.s32 @!p2 $0x0  }
0x16: {  	s3 =	sld [smem:$0x3FDB];
	s0 =	simm.s32 @p2 $0x1  }
0x17: {  	s4 =	simm.s32 $0x1BF5;
	[smem:$0x3FB5] =	sst s0  }
0x18: {  	s0 =	sld [smem:$0x3F98];
	_ =	swait.ge [sflag:s4], $0x0  }
0x19: {  	s7 =	sld [smem:$0x3F99]  }
0x1a: {  	s8 =	sadd.s32 $0xFFFFE003, lr  }
0x1b: {  	s9 =	sadd.s32 $0xFFFFFEF7, lr;
	s5 =	simm.s32 $0xFFFFFFFF;
	p2 =	slt.u32 s8, $0xFFFFF086  }
0x1c: {  	p1 =	slt.u32 s9, $0xF7A;
	s5 =	simm.s32 @!p2 $0x0  }
0x1d: {  	s5 =	simm.s32 @p1 $0x1;
	p0 =	seq.s32 s7, s2  }
0x1e: {  	s7 =	smul.u32 @!p0 $0xF7A, s2;
	p2 =	seq.s32 @!p0 s5, $0x0  }
0x1f: {  	s9 =	smul.u32 $0xF7A, s1;
	s8 =	simm.s32 @!p0 $0x1BF5;
	p2 =	por !p2, p0  }
0x20: {  	[sflag:s8] =	ssyncset.s32 @!p0 $0xFFFFF086;
	s6 =	sadd.s32 @!p0 s3, s7;
	s7 =	simm.s32 @!p0 $0x108  }
0x21: {  	s3 =	sadd.s32 s3, s9;
	s6 =	sadd.s32 @!p0 $0x88, s6;
	s7 =	simm.s32 @p2 $0x1082  }
0x22: {  	[simem:s7], [sflag:s8] =	dma.local @!p0 [hbm:s6], $0xF7A  }
0x23: {  	s9 =	sor.u32 $0xD0000000, s2;
	s6 =	simm.s32 $0x108;
	_ =	swait.ge @!p0 [sflag:s8], $0x0  }
0x24: {  	s3 =	sadd.s32 $0x88, s3;
	s6 =	simm.s32 @!p1 $0x1082;
	[sflag:s4] =	ssyncset.s32 $0xFFFFF086  }
0x25: {  	[simem:s6], [sflag:s4] =	dma.local [hbm:s3], $0xF7A  }
0x26: {  	[smem:$0x3F99] =	sst s1;
	(tag) =	ssettag s2;
	_ =	strace s9  }
0x27: {  	s1 =	sld [smem:$0x3FA9]  }
0x28: {  	s2 =	sld [smem:$0x3FAA]  }
0x29: {  	s4 =	sld [smem:$0x3FAC]  }
0x2a: {  	p0 =	seq.s32 s5, $0x0;
	s5 =	sld [smem:$0x3FAD]  }
0x2b: {  	s6 =	sld [smem:$0x3FAE]  }
0x2c: {  	s7 =	sld [smem:$0x3FAF]  }
0x2d: {  	s3 =	simm.s32 $0x108;
	s8 =	sld [smem:$0x3FB0]  }
0x2e: {  	s3 =	simm.s32 @!p0 $0x1082;
	s9 =	sld [smem:$0x3FB1]  }
0x2f: {  	lr =	sadd.s32 s0, s3;
	s0 =	sld [smem:$0x3FA8]  }
0x30: {  	s3 =	sld [smem:$0x3FAB]  }
0x31: {  	[smem:$0x3FB4] =	sst s10  }
0x32: {  	s10 =	sld [smem:$0x3FB2];
	_ =	sdelay $0x3  }
0x33: {  	p0 =	seq.s32 s10, $0x1;
	s10 =	sld [smem:$0x3FB4];
	_ =	sdelay $0x3  }
0x34: {  	[smem:$0x3FB4] =	sst s10  }
0x35: {  	s10 =	sld [smem:$0x3FB3];
	_ =	sdelay $0x3  }
0x36: {  	p1 =	seq.s32 s10, $0x1;
	s10 =	sld [smem:$0x3FB4];
	_ =	sdelay $0x3  }
0x37: {  	[smem:$0x3FB4] =	sst s10  }
0x38: {  	s10 =	sld [smem:$0x3FB5]  }
0x39: {  	_ = 	snop;
	(pc) =	sbr.ind lr, $3  }
0x3a: {  	_ = 	snop  }
0x3b: {  	_ = 	snop  }
0x3c: {  	p2 =	seq.s32 s10, $0x1;
	s10 =	sld [smem:$0x3FB4]  }
0x3d: {  	_ =	shalt  }
0x3e: {  	_ =	shalt  }
0x3f: {  	_ =	shalt  }
0x40: {  	_ =	shalt  }
0x41: {  	_ =	shalt  }
0x42: {  	_ =	shalt  }
0x43: {  	_ =	shalt  }
0x44: {  	_ =	shalt  }
0x45: {  	_ =	shalt  }
0x46: {  	_ =	shalt  }
0x47: {  	_ =	shalt  }
0x48: {  	_ =	shalt  }
0x49: {  	_ =	shalt  }
0x4a: {  	_ =	shalt  }
0x4b: {  	_ =	shalt  }
0x4c: {  	_ =	shalt  }
0x4d: {  	_ =	shalt  }
0x4e: {  	_ =	shalt  }
0x4f: {  	_ =	shalt  }
0x50: {  	_ =	shalt  }
0x51: {  	_ =	shalt  }
0x52: {  	_ =	shalt  }
0x53: {  	_ =	shalt  }
0x54: {  	_ =	shalt  }
0x55: {  	_ =	shalt  }
0x56: {  	_ =	shalt  }
0x57: {  	_ =	shalt  }
0x58: {  	_ =	shalt  }
0x59: {  	_ =	shalt  }
0x5a: {  	_ =	shalt  }
0x5b: {  	_ =	shalt  }
0x5c: {  	_ =	shalt  }
0x5d: {  	_ =	shalt  }
0x5e: {  	_ =	shalt  }
0x5f: {  	_ =	shalt  }
0x60: {  	_ =	shalt  }
0x61: {  	_ =	shalt  }
0x62: {  	_ =	shalt  }
0x63: {  	_ =	shalt  }
0x64: {  	_ =	shalt  }
0x65: {  	_ =	shalt  }
0x66: {  	_ =	shalt  }
0x67: {  	_ =	shalt  }
0x68: {  	_ =	shalt  }
0x69: {  	_ =	shalt  }
0x6a: {  	_ =	shalt  }
0x6b: {  	_ =	shalt  }
0x6c: {  	_ =	shalt  }
0x6d: {  	_ =	shalt  }
0x6e: {  	_ =	shalt  }
0x6f: {  	_ =	shalt  }
0x70: {  	_ =	shalt  }
0x71: {  	_ =	shalt  }
0x72: {  	_ =	shalt  }
0x73: {  	_ =	shalt  }
0x74: {  	_ =	shalt  }
0x75: {  	_ =	shalt  }
0x76: {  	_ =	shalt  }
0x77: {  	_ =	shalt  }
0x78: {  	_ =	shalt  }
0x79: {  	_ =	shalt  }
0x7a: {  	_ =	shalt  }
0x7b: {  	_ =	shalt  }
0x7c: {  	_ =	shalt  }
0x7d: {  	_ =	shalt  }
0x7e: {  	_ =	shalt  }
0x7f: {  	_ =	shalt  }
0x80: {  	_ =	shalt  }
0x81: {  	_ =	shalt  }
0x82: {  	_ =	shalt  }
0x83: {  	_ =	shalt  }
0x84: {  	_ =	shalt  }
0x85: {  	_ =	shalt  }
0x86: {  	_ =	shalt  }
0x87: {  	_ =	shalt  }
.Lfunc_end0:
.L_simem_size_0:
called_computation_lowered:
.L_overlay_start_0:
0x88: {  	s2 =	sld [smem:$0x3FD9]  }
0x89: {  	s3 =	sld [smem:$0x3FFE];
	_ =	sdelay $0x1  }
0x8a: {  	s1 =	srdreg.scid  }
0x8b: {  	s0 =	sand.u32 $0x1, s1  }
0x8c: {  	s16 =	sshll.u32 s0, $0xA;
	s2 =	sadd.s32 s3, s2  }
0x8d: {  	s2 =	sadd.s32 s2, s16  }
0x8e: {  	[smem:$0x3FC0] =	sst s2  }
0x8f: {  	_ = 	snop  }
0x90: {  	(tm) =	ssettm $0x1  }
0x91: {  	s17 =	sld [smem:$0x3FFB];
	_ =	sdelay $0x3  }
0x92: {  	_ =	strace s17  }
0x93: {  	s2 =	sld [smem:$0x3FFC];
	_ =	sdelay $0x3  }
0x94: {  	_ =	strace s2  }
0x95: {  	s2 =	sld [smem:$0x3FFD];
	_ =	sdelay $0x3  }
0x96: {  	_ =	strace s2  }
0x97: {  	_ =	strace $0x8FFFFFFF  }
0x98: {  	s18 =	sld [smem:$0x3FDB];
	_ =	sdelay $0x1  }
0x99: {  	s19 =	simm.s32 $_scs_section_size  }
0x9a: {  	s4 =	simm.s32 $_size__tile_overlayer_lowered;
	s5 =	simm.s32 $_tile_overlayer_lowered  }
0x9b: {  	s22 =	simm.s32 $0x1BFF;
	s21 =	sshll.u32 s5, $0x1;
	s2 =	sadd.s32 s19, s18  }
0x9c: {  	s6 =	simm.s32 $0x0;
	s20 =	sshll.u32 s4, $0x1;
	s4 =	sadd.s32 s21, s2  }
0x9d: {  	[timem:s6], [sflag:s22] =	dma.local [hbm:s4], s20  }
0x9e: {  	_ =	swait.ge [sflag:s22], s20  }
0x9f: {  	s3 =	ssub.s32 $0x0, s20;
	[sflag:s22] =	ssyncset.done $0x0  }
0xa0: {  	[sflag:s22] =	ssyncadd.s32 s3;
	_ =	sdelay $0x1  }
0xa1: {  	s23 =	simm.s32 $0x1B8B  }
0xa2: {  	_ =	swait.ge [sflag:s23], $0x1  }
0xa3: {  	[sflag:s23] =	ssyncset.done $0x0  }
0xa4: {  	s25 =	simm.s32 $0x1B8E;
	s24 =	sld [smem:$0x3FFE];
	[sflag:s23] =	ssyncadd.s32 $0xFFFFFFFF  }
0xa5: {  	s26 =	simm.s32 $execute0_lowered;
	[smem:$0x3FD2] =	sst s25  }
0xa6: {  	s4 =	sshll.u32 s26, $0x1;
	_ =	strace $0x80000046;
	[dreg:$0x1] =	wrdreg $0xFFFFFFFF  }
0xa7: {  	s28 =	simm.s32 $_size_execute0_lowered;
	s2 =	sadd.s32 s2, s4;
	[dreg:$0x0] =	wrdreg $0x0  }
0xa8: {  	s4 =	sshll.u32 s28, $0x1;
	[dreg:$0x2] =	wrdreg s2  }
0xa9: {  	[dreg:$0x3] =	wrdreg s4  }
0xaa: {  	[dreg:$0x4] =	wrdreg $0xC0  }
0xab: {  	_ =	task [dreg:s6], $0x5FFFF  }
0xac: {  	[dreg:$0x1] =	wrdreg $0xFFFFFFFF  }
0xad: {  	[dreg:$0x0] =	wrdreg $0x60  }
0xae: {  	[dreg:$0x2] =	wrdreg s24  }
0xaf: {  	[dreg:$0x3] =	wrdreg $0x17000  }
0xb0: {  	[dreg:$0x4] =	wrdreg $0x9  }
0xb1: {  	_ =	task.clear_ibuf [dreg:s6], $0x5FFFF;
	_ =	strace $0x90000046  }
0xb2: {  	s29 =	simm.s32 $0x9;
	_ =	strace $0x80000048  }
0xb3: {  	_ =	swait.ge [sflag:s29], $0x1  }
0xb4: {  	[sflag:s29] =	ssyncadd.s32 $0xFFFFFFFF  }
0xb5: {  	_ =	strace $0x90000048  }
0xb6: {  	_ =	sfence  }
0xb7: {  	s30 =	sld [smem:$0x0];
	_ =	sdelay $0x2  }
0xb8: {  	s31 =	sshll.u32 s1, $0xD;
	s1 =	sshrl.u32 s1, $0x2  }
0xb9: {  	s3 =	sand.u32 $0x4000, s31;
	s1 =	sadd.s32 s1, s30  }
0xba: {  	s0 =	sor.u32 s3, s0;
	s1 =	sshll.u32 s1, $0x11  }
0xbb: {  	s0 =	sor.u32 s1, s0  }
0xbc: {  	s0 =	sadd.s32 $0x8F2B, s0  }
0xbd: {  	[sflag:s0] =	ssyncadd.remote.s32 $0x1  }
0xbe: {  	_ =	sfence.sel $0xFFFF  }
0xbf: {  	[dreg:$0x0] =	wrdreg $0xFFFFFFFF;
	(pc) =	sbr.abs _section_cstart, $3  }
0xc0: {  	[dreg:$0x1] =	wrdreg $0xFFFFFFFF  }
0xc1: {  	_ =	task.clear_ibuf [dreg:s6], $0x2FFFF;
	_ =	strace $0x9FFFFFFF  }
0xc2: {  	(tm) =	ssettm $0x7FFFFFFF  }
0xc3: {  	_ =	shalt  }
tec
execute0_lowered:
.L_overlay_start_1:
0x0: {  	(tag) =	ssettag $0x1  }
0x1: {  	s1 =	srdreg.scid;
	s4 =	rddreg [dreg:$0x0]  }
0x2: {  	s0 =	stileid.u32;
	s2 =	rddreg [dreg:$0x1]  }
0x3: {  	s3 =	simm.s32 $0x0;
	s10 =	simm.s32 $0x80;
	s11 =	simm.s32 $0x1400  }
0x4: {  	s12 =	simm.s32 $0x1;
	s13 =	simm.s32 $0x2;
	s16 =	simm.s32 $0x20  }
0x5: {  	s17 =	simm.s32 $0x10;
	s18 =	simm.s32 $0x0;
	s6 =	smul.u32 $0x2800, s0  }
0x6: {  	s5 =	sand.u32 $0x1, s1;
	s1 =	rddreg [dreg:$0x2];
	s8 =	smul.u32 $0x500, s0  }
0x7: {  	[smem:$0x7FF] =	sst s3;
	s29 =	smul.u32 $0xA00, s0;
	s14 =	sshll.u32 s0, $0x6  }
0x8: {  	s7 =	smul.u32 $0x1400, s5;
	s28 =	sshll.u32 s5, $0x7;
	s5 =	ssub.s32 $0x2, s5  }
0x9: {  	_ =	strace $0x80000047;
	s14 =	sor.u32 $0x1C03, s14;
	s30 =	sshrl.u32 s5, $0x1  }
0xa: {  	s31 =	sshrl.u32 s29, $0x2;
	s6 =	sadd.s32 s7, s6;
	s7 =	sor.u32 s28, s8  }
0xb: {  	s9 =	ssub.s32 s5, s30;
	s5 =	sadd.s32 s31, s2;
	s6 =	sshrl.u32 s6, $0x3  }
0xc: {  	s8 =	simm.s32 $0x3;
	s7 =	sshrl.u32 s7, $0x3;
	s6 =	sadd.s32 s6, s4  }
0xd: {  	s15 =	sshrl.u32 s5, $0x3;
	s7 =	sadd.s32 s7, s4;
	s4 =	sadd.s32 $0x3200, s6  }
0xe: {  	v0 =	vimm.f32 $1.000000000e+00;
	v1 =	vimm.f32 $0.0e+00;
	s6 =	sadd.s32 $0x8200, s7;
	s7 =	smax.u32 s9, $0x1;
	s9 =	simm.s32 $0x1480  }
.LBB2_1:
0xf: {  	[tilespmem:s3], [sflag:$0x3] =	stream.linear.gather [hbm4b:s4+s3], $0x1400, $0x38;
	[tilespmem:$0x1988] =	vst v63  }
0x10: {  	_ =	swait.ge [sflag:s8], $0x1400  }
0x11: {  	[sflag:s8] =	ssyncset.done $0x0  }
0x12: {  	[sflag:s8] =	ssyncadd.s32 $0xFFFFEC00  }
0x13: {  	[tilespmem:$0x1400] =	vst v0  }
0x14: {  	[tilespmem:$0x1410] =	vst v0  }
0x15: {  	[tilespmem:$0x1420] =	vst v0  }
0x16: {  	[tilespmem:$0x1430] =	vst v0  }
0x17: {  	[tilespmem:$0x1440] =	vst v0  }
0x18: {  	[tilespmem:$0x1450] =	vst v0  }
0x19: {  	[tilespmem:$0x1460] =	vst v0  }
0x1a: {  	[tilespmem:$0x1470] =	vst v0  }
0x1b: {  	[tilespmem:$0x1480] =	vst v1  }
0x1c: {  	[tilespmem:$0x1490] =	vst v1  }
0x1d: {  	[tilespmem:$0x14A0] =	vst v1  }
0x1e: {  	[tilespmem:$0x14B0] =	vst v1  }
0x1f: {  	[tilespmem:$0x14C0] =	vst v1  }
0x20: {  	[tilespmem:$0x14D0] =	vst v1  }
0x21: {  	[tilespmem:$0x14E0] =	vst v1  }
0x22: {  	[tilespmem:$0x14F0] =	vst v1  }
0x23: {  	[tilespmem:$0x1500] =	vst v1  }
0x24: {  	[tilespmem:$0x1510] =	vst v1  }
0x25: {  	[tilespmem:$0x1520] =	vst v1  }
0x26: {  	[tilespmem:$0x1530] =	vst v1  }
0x27: {  	[tilespmem:$0x1540] =	vst v1  }
0x28: {  	[tilespmem:$0x1550] =	vst v1  }
0x29: {  	[tilespmem:$0x1560] =	vst v1  }
0x2a: {  	[tilespmem:$0x1570] =	vst v1  }
0x2b: {  	[tilespmem:$0x1580] =	vst v1  }
0x2c: {  	[tilespmem:$0x1590] =	vst v1  }
0x2d: {  	[tilespmem:$0x15A0] =	vst v1  }
0x2e: {  	[tilespmem:$0x15B0] =	vst v1  }
0x2f: {  	[tilespmem:$0x15C0] =	vst v1  }
0x30: {  	[tilespmem:$0x15D0] =	vst v1  }
0x31: {  	[tilespmem:$0x15E0] =	vst v1  }
0x32: {  	[tilespmem:$0x15F0] =	vst v1  }
0x33: {  	[tilespmem:$0x1600] =	vst v1  }
0x34: {  	[tilespmem:$0x1610] =	vst v1  }
0x35: {  	[tilespmem:$0x1620] =	vst v1  }
0x36: {  	[tilespmem:$0x1630] =	vst v1  }
0x37: {  	[tilespmem:$0x1640] =	vst v1  }
0x38: {  	[tilespmem:$0x1650] =	vst v1  }
0x39: {  	[tilespmem:$0x1660] =	vst v1  }
0x3a: {  	[tilespmem:$0x1670] =	vst v1  }
0x3b: {  	[tilespmem:$0x1680] =	vst v1  }
0x3c: {  	[tilespmem:$0x1690] =	vst v1  }
0x3d: {  	[tilespmem:$0x16A0] =	vst v1  }
0x3e: {  	[tilespmem:$0x16B0] =	vst v1  }
0x3f: {  	[tilespmem:$0x16C0] =	vst v1  }
0x40: {  	[tilespmem:$0x16D0] =	vst v1  }
0x41: {  	[tilespmem:$0x16E0] =	vst v1  }
0x42: {  	[tilespmem:$0x16F0] =	vst v1  }
0x43: {  	[spmem:s5] =	stream.linear.scatter [tilespmem:s9], [sflag:$0x3], $0x280, $0x38;
	[tilespmem:$0x1988] =	vst v63  }
0x44: {  	_ =	swait.ge [sflag:s8], $0x280  }
0x45: {  	[sflag:s8] =	ssyncset.done $0x0  }
0x46: {  	[sflag:s8] =	ssyncadd.s32 $0xFFFFFD80  }
0x47: {  	[bflag:$0x0] =	sbarrier.arrive $0xFFFF  }
0x48: {  	[spmem:s2] =	stream.indirect.scatter.add.f32 [tilespmem:s11], [sflag:$0x1], $0x1, s3, s10, $0xb8;
	[tilespmem:$0x1988] =	vst v63  }
0x49: {  	_ = 	snop  }
0x4a: {  	[spmem:s2] =	stream.indirect.scatter.add.f32 [tilespmem:s11], [sflag:$0x2], $0x1, s10, s10, $0xb8;
	[tilespmem:$0x1988] =	vst v63  }
0x4b: {  	_ =	swait.ge [sflag:s12], $0x80  }
0x4c: {  	[sflag:s12] =	ssyncset.done $0x0  }
0x4d: {  	s19 =	simm.s32 $0x100;
	[sflag:s12] =	ssyncadd.s32 $0xFFFFFF80  }
0x4e: {  	[spmem:s2] =	stream.indirect.scatter.add.f32 [tilespmem:s11], [sflag:$0x1], $0x1, s19, s10, $0xb8;
	[tilespmem:$0x1988] =	vst v63  }
0x4f: {  	_ =	swait.ge [sflag:s13], $0x80  }
0x50: {  	[sflag:s13] =	ssyncset.done $0x0  }
0x51: {  	s20 =	simm.s32 $0x180;
	s19 =	simm.s32 $0xFFFFB800;
	[sflag:s13] =	ssyncadd.s32 $0xFFFFFF80  }
.LBB2_2:
0x52: {  	[spmem:s2] =	stream.indirect.scatter.add.f32 [tilespmem:s11], [sflag:$0x2], $0x1, s20, s10, $0xb8;
	[tilespmem:$0x1988] =	vst v63  }
0x53: {  	s20 =	smov.u32 s19  }
0x54: {  	p0 =	sne.s32 s19, $0xFFFFFC00;
	s19 =	sadd.s32 $0x400, s19;
	_ =	swait.ge [sflag:s12], $0x80  }
0x55: {  	s20 =	sshra.s32 s20, $0x2;
	[sflag:s12] =	ssyncset.done $0x0  }
.Ltmp0:
0x56: {  	s21 =	sadd.s32 $0x1400, s20;
	[sflag:s12] =	ssyncadd.s32 $0xFFFFFF80;
	(pc) =	sbr.rel @p0 .LBB2_2-.Ltmp0, $4  }
0x57: {  	[spmem:s2] =	stream.indirect.scatter.add.f32 [tilespmem:s11], [sflag:$0x1], $0x1, s21, s10, $0xb8;
	[tilespmem:$0x1988] =	vst v63  }
0x58: {  	_ =	swait.ge [sflag:s13], $0x80  }
0x59: {  	[sflag:s13] =	ssyncset.done $0x0  }
0x5a: {  	s20 =	sadd.s32 $0x1480, s20;
	[sflag:s13] =	ssyncadd.s32 $0xFFFFFF80  }
0x5b: {  	[spmem:s2] =	stream.indirect.scatter.add.f32 [tilespmem:s11], [sflag:$0x2], $0x1, s20, s10, $0xb8;
	[tilespmem:$0x1988] =	vst v63  }
0x5c: {  	_ =	swait.ge [sflag:s12], $0x80  }
0x5d: {  	[sflag:s12] =	ssyncset.done $0x0  }
0x5e: {  	[sflag:s12] =	ssyncadd.s32 $0xFFFFFF80  }
0x5f: {  	_ =	swait.ge [sflag:s13], $0x80  }
0x60: {  	s18 =	sadd.s32 $0x1, s18;
	[sflag:s13] =	ssyncset.done $0x0  }
0x61: {  	p0 =	sne.s32 s18, s7;
	[sflag:s13] =	ssyncadd.s32 $0xFFFFFF80  }
.Ltmp1:
0x62: {  	[bflag:$0x0] =	sbarrier.arrive $0xFFFF;
	(pc) =	sbr.rel @p0 .LBB2_1-.Ltmp1, $4  }
0x63: {  	[hbm:s6@s16], [sflag:s14] =	dma.strided [spmem:s15@s17], $0x50, s12, $0x10   }
0x64: {  	_ =	swait.ge [sflag:s8], $0x50  }
0x65: {  	[sflag:s8] =	ssyncset.done $0x0  }
0x66: {  	[sflag:s8] =	ssyncadd.s32 $0xFFFFFFB0  }
0x67: {  	_ =	sfence.sel $0x180000  }
0x68: {  	[bflag:$0x0] =	sbarrier.arrive $0xFFFF  }
0x69: {  	p0 =	sne.s32 s0, $0x0;
	_ =	strace $0x90000047  }
0x6a: {  	s0 =	sadd.s32 @!p0 $0x100000, s1;
	[bflag:$0x2] =	sbarrier.arrive $0xFFFF  }
0x6b: {  	[sflag:s0] =	ssyncadd.tile.s32 @!p0 $0x1;
	_ =	shalt  }
.Lfunc_end2:
_tile_overlayer_lowered:
.L_overlay_start_2:
0x6c: {  	(tag) =	ssettag $0x2  }
0x6d: {  	s0 =	rddreg [dreg:$0x0];
	s2 =	stileid.u32  }
0x6e: {  	s1 =	rddreg [dreg:$0x1];
	p0 =	sne.s32 s2, $0x0  }
0x6f: {  	s3 =	rddreg [dreg:$0x2];
	[bflag:$0x3] =	sbarrier.arrive $0xFFFF;
	s2 =	simm.s32 @!p0 $0x1C03  }
0x70: {  	[timem:s3], [sflag:s2] =	dma.local @!p0 [hbm:s0], s1  }
0x71: {  	s0 =	simm.s32 @!p0 $0x3  }
0x72: {  	_ =	swait.ge @!p0 [sflag:s0], s1  }
0x73: {  	s1 =	ssub.s32 @!p0 $0x0, s1;
	[sflag:s0] =	ssyncset.done @!p0 $0x0  }
0x74: {  	[sflag:s0] =	ssyncadd.s32 @!p0 s1  }
0x75: {  	[bflag:$0x3] =	sbarrier.arrive $0xFFFF  }
0x76: {  	_ =	shalt  }

// kernel: kernel.13.cloned.1.call-start
scs
__scs_entry_jumppad:
0x0: {  	(pc) =	sbr.rel $0x88, $3  }
0x1: {  	(tag) =	ssettag $0x0;
	lr =	simm.s32 $0x1  }
0x2: {  	[smem:$0x3F99] =	sst lr;
	_ =	strace $0xD0000000  }
0x3: {  	_ = 	snop  }
0x4: {  	_ = 	snop  }
0x5: {  	_ = 	snop  }
0x6: {  	_ = 	snop  }
0x7: {  	_ = 	snop  }
__scs_overlays_trampoline_lowered:
0x8: {  	[smem:$0x3FA8] =	sst s0  }
0x9: {  	[smem:$0x3FA9] =	sst s1  }
0xa: {  	[smem:$0x3FAA] =	sst s2  }
0xb: {  	[smem:$0x3FAB] =	sst s3  }
0xc: {  	[smem:$0x3FAC] =	sst s4  }
0xd: {  	[smem:$0x3FAD] =	sst s5  }
0xe: {  	[smem:$0x3FAE] =	sst s6  }
0xf: {  	[smem:$0x3FAF] =	sst s7  }
0x10: {  	[smem:$0x3FB0] =	sst s8  }
0x11: {  	[smem:$0x3FB1] =	sst s9;
	s0 =	simm.s32 @!p0 $0x0  }
0x12: {  	s1 =	sld [smem:$0x3F97];
	s0 =	simm.s32 @p0 $0x1  }
0x13: {  	[smem:$0x3FB2] =	sst s0;
	s0 =	simm.s32 @!p1 $0x0  }
0x14: {  	s2 =	sld [smem:$0x3F96];
	s0 =	simm.s32 @p1 $0x1  }
0x15: {  	[smem:$0x3FB3] =	sst s0;
	s0 =	simm.s32 @!p2 $0x0  }
0x16: {  	s3 =	sld [smem:$0x3FDB];
	s0 =	simm.s32 @p2 $0x1  }
0x17: {  	s4 =	simm.s32 $0x1BF5;
	[smem:$0x3FB5] =	sst s0  }
0x18: {  	s0 =	sld [smem:$0x3F98];
	_ =	swait.ge [sflag:s4], $0x0  }
0x19: {  	s7 =	sld [smem:$0x3F99]  }
0x1a: {  	s8 =	sadd.s32 $0xFFFFE003, lr  }
0x1b: {  	s9 =	sadd.s32 $0xFFFFFEF7, lr;
	s5 =	simm.s32 $0xFFFFFFFF;
	p2 =	slt.u32 s8, $0xFFFFF086  }
0x1c: {  	p1 =	slt.u32 s9, $0xF7A;
	s5 =	simm.s32 @!p2 $0x0  }
0x1d: {  	s5 =	simm.s32 @p1 $0x1;
	p0 =	seq.s32 s7, s2  }
0x1e: {  	s7 =	smul.u32 @!p0 $0xF7A, s2;
	p2 =	seq.s32 @!p0 s5, $0x0  }
0x1f: {  	s9 =	smul.u32 $0xF7A, s1;
	s8 =	simm.s32 @!p0 $0x1BF5;
	p2 =	por !p2, p0  }
0x20: {  	[sflag:s8] =	ssyncset.s32 @!p0 $0xFFFFF086;
	s6 =	sadd.s32 @!p0 s3, s7;
	s7 =	simm.s32 @!p0 $0x108  }
0x21: {  	s3 =	sadd.s32 s3, s9;
	s6 =	sadd.s32 @!p0 $0x88, s6;
	s7 =	simm.s32 @p2 $0x1082  }
0x22: {  	[simem:s7], [sflag:s8] =	dma.local @!p0 [hbm:s6], $0xF7A  }
0x23: {  	s9 =	sor.u32 $0xD0000000, s2;
	s6 =	simm.s32 $0x108;
	_ =	swait.ge @!p0 [sflag:s8], $0x0  }
0x24: {  	s3 =	sadd.s32 $0x88, s3;
	s6 =	simm.s32 @!p1 $0x1082;
	[sflag:s4] =	ssyncset.s32 $0xFFFFF086  }
0x25: {  	[simem:s6], [sflag:s4] =	dma.local [hbm:s3], $0xF7A  }
0x26: {  	[smem:$0x3F99] =	sst s1;
	(tag) =	ssettag s2;
	_ =	strace s9  }
0x27: {  	s1 =	sld [smem:$0x3FA9]  }
0x28: {  	s2 =	sld [smem:$0x3FAA]  }
0x29: {  	s4 =	sld [smem:$0x3FAC]  }
0x2a: {  	p0 =	seq.s32 s5, $0x0;
	s5 =	sld [smem:$0x3FAD]  }
0x2b: {  	s6 =	sld [smem:$0x3FAE]  }
0x2c: {  	s7 =	sld [smem:$0x3FAF]  }
0x2d: {  	s3 =	simm.s32 $0x108;
	s8 =	sld [smem:$0x3FB0]  }
0x2e: {  	s3 =	simm.s32 @!p0 $0x1082;
	s9 =	sld [smem:$0x3FB1]  }
0x2f: {  	lr =	sadd.s32 s0, s3;
	s0 =	sld [smem:$0x3FA8]  }
0x30: {  	s3 =	sld [smem:$0x3FAB]  }
0x31: {  	[smem:$0x3FB4] =	sst s10  }
0x32: {  	s10 =	sld [smem:$0x3FB2];
	_ =	sdelay $0x3  }
0x33: {  	p0 =	seq.s32 s10, $0x1;
	s10 =	sld [smem:$0x3FB4];
	_ =	sdelay $0x3  }
0x34: {  	[smem:$0x3FB4] =	sst s10  }
0x35: {  	s10 =	sld [smem:$0x3FB3];
	_ =	sdelay $0x3  }
0x36: {  	p1 =	seq.s32 s10, $0x1;
	s10 =	sld [smem:$0x3FB4];
	_ =	sdelay $0x3  }
0x37: {  	[smem:$0x3FB4] =	sst s10  }
0x38: {  	s10 =	sld [smem:$0x3FB5]  }
0x39: {  	_ = 	snop;
	(pc) =	sbr.ind lr, $3  }
0x3a: {  	_ = 	snop  }
0x3b: {  	_ = 	snop  }
0x3c: {  	p2 =	seq.s32 s10, $0x1;
	s10 =	sld [smem:$0x3FB4]  }
0x3d: {  	_ =	shalt  }
0x3e: {  	_ =	shalt  }
0x3f: {  	_ =	shalt  }
0x40: {  	_ =	shalt  }
0x41: {  	_ =	shalt  }
0x42: {  	_ =	shalt  }
0x43: {  	_ =	shalt  }
0x44: {  	_ =	shalt  }
0x45: {  	_ =	shalt  }
0x46: {  	_ =	shalt  }
0x47: {  	_ =	shalt  }
0x48: {  	_ =	shalt  }
0x49: {  	_ =	shalt  }
0x4a: {  	_ =	shalt  }
0x4b: {  	_ =	shalt  }
0x4c: {  	_ =	shalt  }
0x4d: {  	_ =	shalt  }
0x4e: {  	_ =	shalt  }
0x4f: {  	_ =	shalt  }
0x50: {  	_ =	shalt  }
0x51: {  	_ =	shalt  }
0x52: {  	_ =	shalt  }
0x53: {  	_ =	shalt  }
0x54: {  	_ =	shalt  }
0x55: {  	_ =	shalt  }
0x56: {  	_ =	shalt  }
0x57: {  	_ =	shalt  }
0x58: {  	_ =	shalt  }
0x59: {  	_ =	shalt  }
0x5a: {  	_ =	shalt  }
0x5b: {  	_ =	shalt  }
0x5c: {  	_ =	shalt  }
0x5d: {  	_ =	shalt  }
0x5e: {  	_ =	shalt  }
0x5f: {  	_ =	shalt  }
0x60: {  	_ =	shalt  }
0x61: {  	_ =	shalt  }
0x62: {  	_ =	shalt  }
0x63: {  	_ =	shalt  }
0x64: {  	_ =	shalt  }
0x65: {  	_ =	shalt  }
0x66: {  	_ =	shalt  }
0x67: {  	_ =	shalt  }
0x68: {  	_ =	shalt  }
0x69: {  	_ =	shalt  }
0x6a: {  	_ =	shalt  }
0x6b: {  	_ =	shalt  }
0x6c: {  	_ =	shalt  }
0x6d: {  	_ =	shalt  }
0x6e: {  	_ =	shalt  }
0x6f: {  	_ =	shalt  }
0x70: {  	_ =	shalt  }
0x71: {  	_ =	shalt  }
0x72: {  	_ =	shalt  }
0x73: {  	_ =	shalt  }
0x74: {  	_ =	shalt  }
0x75: {  	_ =	shalt  }
0x76: {  	_ =	shalt  }
0x77: {  	_ =	shalt  }
0x78: {  	_ =	shalt  }
0x79: {  	_ =	shalt  }
0x7a: {  	_ =	shalt  }
0x7b: {  	_ =	shalt  }
0x7c: {  	_ =	shalt  }
0x7d: {  	_ =	shalt  }
0x7e: {  	_ =	shalt  }
0x7f: {  	_ =	shalt  }
0x80: {  	_ =	shalt  }
0x81: {  	_ =	shalt  }
0x82: {  	_ =	shalt  }
0x83: {  	_ =	shalt  }
0x84: {  	_ =	shalt  }
0x85: {  	_ =	shalt  }
0x86: {  	_ =	shalt  }
0x87: {  	_ =	shalt  }
.Lfunc_end0:
.L_simem_size_0:
called_computation.1_lowered:
.L_overlay_start_0:
0x88: {  	s2 =	sld [smem:$0x3FD9]  }
0x89: {  	s3 =	sld [smem:$0x3FFE];
	_ =	sdelay $0x1  }
0x8a: {  	s1 =	srdreg.scid  }
0x8b: {  	s0 =	sand.u32 $0x1, s1  }
0x8c: {  	s17 =	sshll.u32 s0, $0xA;
	s2 =	sadd.s32 s3, s2  }
0x8d: {  	s2 =	sadd.s32 s2, s17  }
0x8e: {  	[smem:$0x3FC0] =	sst s2  }
0x8f: {  	_ = 	snop  }
0x90: {  	s2 =	sld [smem:$0x3FD0];
	(tm) =	ssettm $0x1  }
0x91: {  	s18 =	sld [smem:$0x3FFB];
	_ =	sdelay $0x3  }
0x92: {  	_ =	strace s18  }
0x93: {  	s3 =	sld [smem:$0x3FFC];
	_ =	sdelay $0x3  }
0x94: {  	_ =	strace s3  }
0x95: {  	s3 =	sld [smem:$0x3FFD];
	_ =	sdelay $0x3  }
0x96: {  	_ =	strace s3  }
0x97: {  	_ =	strace $0x8FFFFFFF  }
0x98: {  	s19 =	sld [smem:$0x3FDB];
	_ =	sdelay $0x1  }
0x99: {  	s4 =	simm.s32 $_scs_section_size  }
0x9a: {  	s5 =	simm.s32 $_size__tile_overlayer_lowered;
	s6 =	simm.s32 $_tile_overlayer_lowered  }
0x9b: {  	s22 =	simm.s32 $0x1BFF;
	s21 =	sshll.u32 s6, $0x1;
	s3 =	sadd.s32 s4, s19  }
0x9c: {  	s7 =	simm.s32 $0x0;
	s20 =	sshll.u32 s5, $0x1;
	s5 =	sadd.s32 s21, s3  }
0x9d: {  	[timem:s7], [sflag:s22] =	dma.local [hbm:s5], s20  }
0x9e: {  	_ =	swait.ge [sflag:s22], s20  }
0x9f: {  	s4 =	ssub.s32 $0x0, s20;
	[sflag:s22] =	ssyncset.done $0x0  }
0xa0: {  	[sflag:s22] =	ssyncadd.s32 s4;
	_ =	sdelay $0x1  }
0xa1: {  	s23 =	simm.s32 $0x1B8B  }
0xa2: {  	_ =	swait.ge [sflag:s23], $0x1  }
0xa3: {  	[sflag:s23] =	ssyncset.done $0x0  }
0xa4: {  	s25 =	simm.s32 $0x1B8E;
	s24 =	sld [smem:$0x3FFE];
	[sflag:s23] =	ssyncadd.s32 $0xFFFFFFFF  }
0xa5: {  	s26 =	simm.s32 $execute0_lowered;
	[smem:$0x3FD2] =	sst s25  }
0xa6: {  	s5 =	sshll.u32 s26, $0x1;
	_ =	strace $0x80000049;
	[dreg:$0x1] =	wrdreg $0xFFFFFFFF  }
0xa7: {  	s28 =	simm.s32 $_size_execute0_lowered;
	s3 =	sadd.s32 s3, s5;
	[dreg:$0x0] =	wrdreg $0x0  }
0xa8: {  	s5 =	sshll.u32 s28, $0x1;
	[dreg:$0x2] =	wrdreg s3  }
0xa9: {  	[dreg:$0x3] =	wrdreg s5  }
0xaa: {  	[dreg:$0x4] =	wrdreg $0xC0  }
0xab: {  	_ =	task [dreg:s7], $0x5FFFF  }
0xac: {  	[dreg:$0x1] =	wrdreg $0xFFFFFFFF  }
0xad: {  	[dreg:$0x0] =	wrdreg $0x60  }
0xae: {  	[dreg:$0x2] =	wrdreg s24  }
0xaf: {  	[dreg:$0x3] =	wrdreg s2  }
0xb0: {  	[dreg:$0x4] =	wrdreg $0x150000  }
0xb1: {  	[dreg:$0x5] =	wrdreg $0x9  }
0xb2: {  	_ =	task.clear_ibuf [dreg:s7], $0x6FFFF;
	_ =	strace $0x90000049  }
0xb3: {  	s29 =	simm.s32 $0x9;
	_ =	strace $0x8000004B  }
0xb4: {  	_ =	swait.ge [sflag:s29], $0x1  }
0xb5: {  	[sflag:s29] =	ssyncadd.s32 $0xFFFFFFFF  }
0xb6: {  	_ =	strace $0x9000004B  }
0xb7: {  	_ =	sfence  }
0xb8: {  	s30 =	sld [smem:$0x0];
	_ =	sdelay $0x2  }
0xb9: {  	s31 =	sshll.u32 s1, $0xD;
	s1 =	sshrl.u32 s1, $0x2  }
0xba: {  	s3 =	sand.u32 $0x4000, s31;
	s1 =	sadd.s32 s1, s30  }
0xbb: {  	s0 =	sor.u32 s3, s0;
	s1 =	sshll.u32 s1, $0x11  }
0xbc: {  	s0 =	sor.u32 s1, s0  }
0xbd: {  	s0 =	sadd.s32 $0x8F2B, s0  }
0xbe: {  	[sflag:s0] =	ssyncadd.remote.s32 $0x1  }
0xbf: {  	_ =	sfence.sel $0xFFFF  }
0xc0: {  	[dreg:$0x0] =	wrdreg $0xFFFFFFFF;
	(pc) =	sbr.abs _section_cstart, $3  }
0xc1: {  	[dreg:$0x1] =	wrdreg $0xFFFFFFFF  }
0xc2: {  	_ =	task.clear_ibuf [dreg:s7], $0x2FFFF;
	_ =	strace $0x9FFFFFFF  }
0xc3: {  	(tm) =	ssettm $0x7FFFFFFF  }
tec
execute0_lowered:
.L_overlay_start_1:
0x0: {  	(tag) =	ssettag $0x1  }
0x1: {  	s0 =	rddreg [dreg:$0x0]  }
0x2: {  	s1 =	rddreg [dreg:$0x1]  }
0x3: {  	s2 =	rddreg [dreg:$0x2]  }
0x4: {  	s9 =	stileid.u32;
	s4 =	srdreg.scid;
	s7 =	simm.s32 $0x0  }
0x5: {  	s14 =	simm.s32 $0x5;
	s15 =	simm.s32 $0x2800;
	s16 =	simm.s32 $0x5000  }
0x6: {  	s17 =	simm.s32 $0x80;
	s18 =	simm.s32 $0x9000;
	s19 =	simm.s32 $0x1  }
0x7: {  	s20 =	simm.s32 $0x2880;
	s28 =	simm.s32 $0x4;
	s3 =	smul.u32 $0x2800, s9  }
0x8: {  	s29 =	simm.s32 $0x4F00;
	s30 =	simm.s32 $0x4F80;
	s6 =	smul.u32 $0x140, s9  }
0x9: {  	s31 =	simm.s32 $0x0;
	s5 =	sand.u32 $0x1, s4;
	s9 =	smul.u32 $0x28000, s9  }
0xa: {  	[smem:$0x7FF] =	sst s7;
	s4 =	sadd.s32 $0x5DC00, s0;
	s21 =	smul.u32 $0x1400, s5  }
0xb: {  	s11 =	sadd.s32 $0x85C00, s0;
	s22 =	smul.u32 $0x28000, s5;
	s5 =	ssub.s32 $0x2, s5  }
0xc: {  	_ =	strace $0x8000004A;
	s8 =	sshrl.u32 s3, $0x3;
	s23 =	sshrl.u32 s5, $0x1  }
0xd: {  	s24 =	sshrl.u32 s9, $0x2;
	s6 =	sadd.s32 s6, s21;
	s8 =	sadd.s32 s8, s0  }
0xe: {  	s5 =	ssub.s32 s5, s23;
	s3 =	sadd.s32 s3, s22;
	s21 =	simm.s32 $0x100  }
0xf: {  	s22 =	simm.s32 $0xD000;
	s23 =	simm.s32 $0x180;
	s6 =	sshll.u32 s6, $0x4  }
0x10: {  	s25 =	sadd.s32 $0x8C00, s8;
	s3 =	sshrl.u32 s3, $0x3;
	s13 =	smax.u32 s5, $0x1  }
0x11: {  	s12 =	sadd.s32 s6, s0;
	[dreg:$0x4] =	wrdreg s25;
	s6 =	sadd.s32 s24, s2  }
0x12: {  	s7 =	sadd.s32 s1, s3;
	s24 =	simm.s32 $0x11000;
	s25 =	simm.s32 $0x2  }
0x13: {  	s8 =	sadd.s32 $0x4000, s6;
	s9 =	sadd.s32 $0x8000, s6;
	s26 =	sadd.s32 $0xADC00, s12  }
0x14: {  	v0 =	vimm.f32 $0.0e+00;
	s12 =	sadd.s32 $0xD5C00, s12;
	[dreg:$0x5] =	wrdreg s26;
	s26 =	simm.s32 $0x3  }
.LBB2_1:
0x15: {  	s0 =	simm.s32 $0x0;
	s1 =	rddreg [dreg:$0x4]  }
0x16: {  	[tilespmem:s0], [sflag:$0x5] =	stream.linear.gather [hbm4b:s1+s0], $0x2800, $0x38;
	[tilespmem:$0x1F200] =	vst v63  }
0x17: {  	_ =	swait.ge [sflag:s14], $0x2800  }
0x18: {  	[sflag:s14] =	ssyncset.done $0x0  }
0x19: {  	[sflag:s14] =	ssyncadd.s32 $0xFFFFD800  }
0x1a: {  	[tilespmem:s15], [sflag:$0x5] =	stream.linear.gather [hbm4b:s7+s0], $0x2800, $0x38;
	[tilespmem:$0x1F200] =	vst v63  }
0x1b: {  	_ =	swait.ge [sflag:s14], $0x2800  }
0x1c: {  	[sflag:s14] =	ssyncset.done $0x0  }
0x1d: {  	s1 =	simm.s32 $0x200;
	s0 =	simm.s32 $0x0;
	[sflag:s14] =	ssyncadd.s32 $0xFFFFD800  }
.LBB2_2:
0x1e: {  	p0 =	sne.s32 s1, $0xFE00;
	[tilespmem:s0+$0x5070] =	vst v0  }
0x1f: {  	[tilespmem:s0+$0x5000] =	vst v0  }
0x20: {  	[tilespmem:s0+$0x5010] =	vst v0  }
.Ltmp0:
0x21: {  	[tilespmem:s0+$0x5020] =	vst v0;
	(pc) =	sbr.rel @p0 .LBB2_2-.Ltmp0, $4  }
0x22: {  	[tilespmem:s0+$0x5030] =	vst v0  }
0x23: {  	[tilespmem:s0+$0x5040] =	vst v0  }
0x24: {  	[tilespmem:s0+$0x5050] =	vst v0  }
0x25: {  	[tilespmem:s0+$0x5060] =	vst v0;
	s0 =	sshra.s32 s1, $0x2;
	s1 =	sadd.s32 $0x200, s1  }
0x26: {  	[tilespmem:s0+$0x5070] =	vst v0  }
0x27: {  	[tilespmem:s0+$0x5000] =	vst v0  }
0x28: {  	[tilespmem:s0+$0x5010] =	vst v0  }
0x29: {  	[tilespmem:s0+$0x5020] =	vst v0  }
0x2a: {  	[tilespmem:s0+$0x5030] =	vst v0  }
0x2b: {  	[tilespmem:s0+$0x5040] =	vst v0  }
0x2c: {  	[tilespmem:s0+$0x5050] =	vst v0  }
0x2d: {  	[tilespmem:s0+$0x5060] =	vst v0  }
0x2e: {  	[spmem:s6] =	stream.linear.scatter [tilespmem:s16], [sflag:$0x5], $0x4000, $0x38;
	[tilespmem:$0x1F200] =	vst v63  }
0x2f: {  	_ =	swait.ge [sflag:s14], $0x4000  }
0x30: {  	[sflag:s14] =	ssyncset.done $0x0  }
0x31: {  	[sflag:s14] =	ssyncadd.s32 $0xFFFFC000  }
0x32: {  	[spmem:s8] =	stream.linear.scatter [tilespmem:s16], [sflag:$0x5], $0x4000, $0x38;
	[tilespmem:$0x1F200] =	vst v63  }
0x33: {  	_ =	swait.ge [sflag:s14], $0x4000  }
0x34: {  	[sflag:s14] =	ssyncset.done $0x0  }
0x35: {  	[sflag:s14] =	ssyncadd.s32 $0xFFFFC000  }
0x36: {  	[spmem:s9] =	stream.linear.scatter [tilespmem:s16], [sflag:$0x5], $0x2000, $0x38;
	[tilespmem:$0x1F200] =	vst v63  }
0x37: {  	_ =	swait.ge [sflag:s14], $0x2000  }
0x38: {  	[sflag:s14] =	ssyncset.done $0x0  }
0x39: {  	[sflag:s14] =	ssyncadd.s32 $0xFFFFE000  }
0x3a: {  	s1 =	simm.s32 $0x0;
	[bflag:$0x0] =	sbarrier.arrive $0xFFFF  }
0x3b: {  	[tilespmem:s16], [sflag:$0x1] =	stream.indirect.gather [hbm4b:s4+s17], $0x80, s1, s17, $0xb8;
	[tilespmem:$0x1F200] =	vst v63  }
0x3c: {  	_ = 	snop  }
0x3d: {  	[tilespmem:s18], [sflag:$0x1] =	stream.indirect.gather [hbm4b:s4+s17], $0x80, s17, s17, $0xb8;
	[tilespmem:$0x1F200] =	vst v63  }
0x3e: {  	_ =	swait.ge [sflag:s19], $0x4000  }
0x3f: {  	[sflag:s19] =	ssyncset.done $0x0  }
0x40: {  	[sflag:s19] =	ssyncadd.s32 $0xFFFFC000  }
0x41: {  	_ =	swait.ge [sflag:s19], $0x4000  }
0x42: {  	[sflag:s19] =	ssyncset.done $0x0  }
0x43: {  	[sflag:s19] =	ssyncadd.s32 $0xFFFFC000  }
0x44: {  	[spmem:s2] =	stream.indirect.scatter.add.f32 [tilespmem:s16], [sflag:$0x3], $0x80, s15, s17, $0xb8;
	[tilespmem:$0x1F200] =	vst v63  }
0x45: {  	_ = 	snop  }
0x46: {  	[spmem:s2] =	stream.indirect.scatter.add.f32 [tilespmem:s18], [sflag:$0x3], $0x80, s20, s17, $0xb8;
	[tilespmem:$0x1F200] =	vst v63  }
0x47: {  	_ = 	snop  }
0x48: {  	[tilespmem:s22], [sflag:$0x2] =	stream.indirect.gather [hbm4b:s4+s17], $0x80, s21, s17, $0xb8;
	[tilespmem:$0x1F200] =	vst v63  }
0x49: {  	_ = 	snop  }
0x4a: {  	[tilespmem:s24], [sflag:$0x2] =	stream.indirect.gather [hbm4b:s4+s17], $0x80, s23, s17, $0xb8;
	[tilespmem:$0x1F200] =	vst v63  }
0x4b: {  	_ =	swait.ge [sflag:s25], $0x4000  }
0x4c: {  	[sflag:s25] =	ssyncset.done $0x0  }
0x4d: {  	[sflag:s25] =	ssyncadd.s32 $0xFFFFC000  }
0x4e: {  	_ =	swait.ge [sflag:s25], $0x4000  }
0x4f: {  	[sflag:s25] =	ssyncset.done $0x0  }
0x50: {  	s3 =	simm.s32 $0x2900;
	[sflag:s25] =	ssyncadd.s32 $0xFFFFC000  }
0x51: {  	[spmem:s2] =	stream.indirect.scatter.add.f32 [tilespmem:s22], [sflag:$0x4], $0x80, s3, s17, $0xb8;
	[tilespmem:$0x1F200] =	vst v63  }
0x52: {  	s5 =	simm.s32 $0x2980  }
0x53: {  	[spmem:s2] =	stream.indirect.scatter.add.f32 [tilespmem:s24], [sflag:$0x4], $0x80, s5, s17, $0xb8;
	[tilespmem:$0x1F200] =	vst v63  }
0x54: {  	_ =	swait.ge [sflag:s26], $0x4000  }
0x55: {  	[sflag:s26] =	ssyncset.done $0x0  }
0x56: {  	[sflag:s26] =	ssyncadd.s32 $0xFFFFC000  }
0x57: {  	_ =	swait.ge [sflag:s26], $0x4000  }
0x58: {  	[sflag:s26] =	ssyncset.done $0x0  }
0x59: {  	s10 =	simm.s32 $0x200;
	[sflag:s26] =	ssyncadd.s32 $0xFFFFC000  }
0x5a: {  	[tilespmem:s16], [sflag:$0x1] =	stream.indirect.gather [hbm4b:s4+s17], $0x80, s10, s17, $0xb8;
	[tilespmem:$0x1F200] =	vst v63  }
0x5b: {  	s1 =	simm.s32 $0x280  }
0x5c: {  	[tilespmem:s18], [sflag:$0x1] =	stream.indirect.gather [hbm4b:s4+s17], $0x80, s1, s17, $0xb8;
	[tilespmem:$0x1F200] =	vst v63  }
0x5d: {  	_ =	swait.ge [sflag:s19], $0x4000  }
0x5e: {  	[sflag:s19] =	ssyncset.done $0x0  }
0x5f: {  	[sflag:s19] =	ssyncadd.s32 $0xFFFFC000  }
0x60: {  	_ =	swait.ge [sflag:s19], $0x4000  }
0x61: {  	[sflag:s19] =	ssyncset.done $0x0  }
0x62: {  	s3 =	simm.s32 $0x2A00;
	[sflag:s19] =	ssyncadd.s32 $0xFFFFC000  }
0x63: {  	[spmem:s2] =	stream.indirect.scatter.add.f32 [tilespmem:s16], [sflag:$0x3], $0x80, s3, s17, $0xb8;
	[tilespmem:$0x1F200] =	vst v63  }
0x64: {  	s5 =	simm.s32 $0x2A80  }
0x65: {  	[spmem:s2] =	stream.indirect.scatter.add.f32 [tilespmem:s18], [sflag:$0x3], $0x80, s5, s17, $0xb8;
	[tilespmem:$0x1F200] =	vst v63  }
0x66: {  	_ =	swait.ge [sflag:s28], $0x4000  }
0x67: {  	[sflag:s28] =	ssyncset.done $0x0  }
0x68: {  	[sflag:s28] =	ssyncadd.s32 $0xFFFFC000  }
0x69: {  	_ =	swait.ge [sflag:s28], $0x4000  }
0x6a: {  	s0 =	simm.s32 $0x800;
	[sflag:s28] =	ssyncset.done $0x0  }
0x6b: {  	s10 =	simm.s32 $0x300;
	s1 =	simm.s32 $0x380;
	[sflag:s28] =	ssyncadd.s32 $0xFFFFC000  }
0x6c: {  	[tilespmem:s22], [sflag:$0x2] =	stream.indirect.gather [hbm4b:s4+s17], $0x80, s10, s17, $0xb8;
	[tilespmem:$0x1F200] =	vst v63  }
.LBB2_4:
0x6d: {  	[tilespmem:s24], [sflag:$0x2] =	stream.indirect.gather [hbm4b:s4+s17], $0x80, s1, s17, $0xb8;
	[tilespmem:$0x1F200] =	vst v63  }
0x6e: {  	s1 =	smov.u32 s0  }
0x6f: {  	p0 =	sne.s32 s0, $0x9000;
	s0 =	sadd.s32 $0x800, s0;
	_ =	swait.ge [sflag:s25], $0x4000  }
0x70: {  	[sflag:s25] =	ssyncset.done $0x0  }
0x71: {  	[sflag:s25] =	ssyncadd.s32 $0xFFFFC000  }
0x72: {  	_ =	swait.ge [sflag:s25], $0x4000  }
0x73: {  	s1 =	sshra.s32 s1, $0x2;
	[sflag:s25] =	ssyncset.done $0x0  }
0x74: {  	s3 =	sadd.s32 $0x2900, s1;
	[sflag:s25] =	ssyncadd.s32 $0xFFFFC000  }
0x75: {  	[spmem:s2] =	stream.indirect.scatter.add.f32 [tilespmem:s22], [sflag:$0x4], $0x80, s3, s17, $0xb8;
	[tilespmem:$0x1F200] =	vst v63  }
0x76: {  	s3 =	sadd.s32 $0x2980, s1  }
0x77: {  	[spmem:s2] =	stream.indirect.scatter.add.f32 [tilespmem:s24], [sflag:$0x4], $0x80, s3, s17, $0xb8;
	[tilespmem:$0x1F200] =	vst v63  }
0x78: {  	_ =	swait.ge [sflag:s26], $0x4000  }
0x79: {  	[sflag:s26] =	ssyncset.done $0x0  }
0x7a: {  	[sflag:s26] =	ssyncadd.s32 $0xFFFFC000  }
0x7b: {  	_ =	swait.ge [sflag:s26], $0x4000  }
0x7c: {  	[sflag:s26] =	ssyncset.done $0x0  }
0x7d: {  	s3 =	sadd.s32 $0x200, s1;
	[sflag:s26] =	ssyncadd.s32 $0xFFFFC000  }
0x7e: {  	[tilespmem:s16], [sflag:$0x1] =	stream.indirect.gather [hbm4b:s4+s17], $0x80, s3, s17, $0xb8;
	[tilespmem:$0x1F200] =	vst v63  }
0x7f: {  	s3 =	sadd.s32 $0x280, s1  }
0x80: {  	[tilespmem:s18], [sflag:$0x1] =	stream.indirect.gather [hbm4b:s4+s17], $0x80, s3, s17, $0xb8;
	[tilespmem:$0x1F200] =	vst v63  }
0x81: {  	_ =	swait.ge [sflag:s19], $0x4000  }
0x82: {  	[sflag:s19] =	ssyncset.done $0x0  }
0x83: {  	[sflag:s19] =	ssyncadd.s32 $0xFFFFC000  }
0x84: {  	_ =	swait.ge [sflag:s19], $0x4000  }
0x85: {  	[sflag:s19] =	ssyncset.done $0x0  }
0x86: {  	s3 =	sadd.s32 $0x2A00, s1;
	[sflag:s19] =	ssyncadd.s32 $0xFFFFC000  }
0x87: {  	[spmem:s2] =	stream.indirect.scatter.add.f32 [tilespmem:s16], [sflag:$0x3], $0x80, s3, s17, $0xb8;
	[tilespmem:$0x1F200] =	vst v63  }
0x88: {  	s3 =	sadd.s32 $0x2A80, s1  }
0x89: {  	[spmem:s2] =	stream.indirect.scatter.add.f32 [tilespmem:s18], [sflag:$0x3], $0x80, s3, s17, $0xb8;
	[tilespmem:$0x1F200] =	vst v63  }
0x8a: {  	_ =	swait.ge [sflag:s28], $0x4000  }
0x8b: {  	[sflag:s28] =	ssyncset.done $0x0  }
0x8c: {  	[sflag:s28] =	ssyncadd.s32 $0xFFFFC000  }
.Ltmp1:
0x8d: {  	_ =	swait.ge [sflag:s28], $0x4000;
	(pc) =	sbr.rel @p0 .LBB2_4-.Ltmp1, $4  }
0x8e: {  	[sflag:s28] =	ssyncset.done $0x0  }
0x8f: {  	s3 =	sadd.s32 $0x300, s1;
	[sflag:s28] =	ssyncadd.s32 $0xFFFFC000  }
0x90: {  	[tilespmem:s22], [sflag:$0x2] =	stream.indirect.gather [hbm4b:s4+s17], $0x80, s3, s17, $0xb8;
	[tilespmem:$0x1F200] =	vst v63  }
0x91: {  	s1 =	sadd.s32 $0x380, s1  }
0x92: {  	[tilespmem:s24], [sflag:$0x2] =	stream.indirect.gather [hbm4b:s4+s17], $0x80, s1, s17, $0xb8;
	[tilespmem:$0x1F200] =	vst v63  }
0x93: {  	_ =	swait.ge [sflag:s25], $0x4000  }
0x94: {  	[sflag:s25] =	ssyncset.done $0x0  }
0x95: {  	[sflag:s25] =	ssyncadd.s32 $0xFFFFC000  }
0x96: {  	_ =	swait.ge [sflag:s25], $0x4000  }
0x97: {  	[sflag:s25] =	ssyncset.done $0x0  }
0x98: {  	[sflag:s25] =	ssyncadd.s32 $0xFFFFC000  }
0x99: {  	[spmem:s2] =	stream.indirect.scatter.add.f32 [tilespmem:s22], [sflag:$0x4], $0x80, s29, s17, $0xb8;
	[tilespmem:$0x1F200] =	vst v63  }
0x9a: {  	_ = 	snop  }
0x9b: {  	[spmem:s2] =	stream.indirect.scatter.add.f32 [tilespmem:s24], [sflag:$0x4], $0x80, s30, s17, $0xb8;
	[tilespmem:$0x1F200] =	vst v63  }
0x9c: {  	_ =	swait.ge [sflag:s26], $0x4000  }
0x9d: {  	[sflag:s26] =	ssyncset.done $0x0  }
0x9e: {  	[sflag:s26] =	ssyncadd.s32 $0xFFFFC000  }
0x9f: {  	_ =	swait.ge [sflag:s26], $0x4000  }
0xa0: {  	[sflag:s26] =	ssyncset.done $0x0  }
0xa1: {  	[sflag:s26] =	ssyncadd.s32 $0xFFFFC000  }
0xa2: {  	_ =	swait.ge [sflag:s28], $0x4000  }
0xa3: {  	[sflag:s28] =	ssyncset.done $0x0  }
0xa4: {  	[sflag:s28] =	ssyncadd.s32 $0xFFFFC000  }
0xa5: {  	_ =	swait.ge [sflag:s28], $0x4000  }
0xa6: {  	[sflag:s28] =	ssyncset.done $0x0  }
0xa7: {  	s0 =	stileid.u32;
	[sflag:s28] =	ssyncadd.s32 $0xFFFFC000  }
0xa8: {  	s0 =	sshll.u32 s0, $0x6;
	[bflag:$0x0] =	sbarrier.arrive $0xFFFF  }
0xa9: {  	s1 =	sshrl.u32 s6, $0x3;
	s0 =	sor.u32 $0x1C05, s0;
	s3 =	rddreg [dreg:$0x5]  }
0xaa: {  	[hbm:s3], [sflag:s0] =	dma.local [spmem:s1], $0x1400  }
0xab: {  	_ =	swait.ge [sflag:s14], $0x1400  }
0xac: {  	[sflag:s14] =	ssyncset.done $0x0  }
0xad: {  	s10 =	simm.s32 $0x0;
	[sflag:s14] =	ssyncadd.s32 $0xFFFFEC00  }
0xae: {  	[tilespmem:s15], [sflag:$0x5] =	stream.linear.gather [hbm4b:s7+s10], $0x2800, $0x38;
	[tilespmem:$0x1F200] =	vst v63  }
0xaf: {  	_ =	swait.ge [sflag:s14], $0x2800  }
0xb0: {  	[sflag:s14] =	ssyncset.done $0x0  }
0xb1: {  	s5 =	simm.s32 $0x200;
	s3 =	simm.s32 $0x0;
	[sflag:s14] =	ssyncadd.s32 $0xFFFFD800  }
.LBB2_6:
0xb2: {  	p0 =	sne.s32 s5, $0xFE00;
	[tilespmem:s3+$0x5070] =	vst v0  }
0xb3: {  	[tilespmem:s3+$0x5000] =	vst v0  }
0xb4: {  	[tilespmem:s3+$0x5010] =	vst v0  }
.Ltmp2:
0xb5: {  	[tilespmem:s3+$0x5020] =	vst v0;
	(pc) =	sbr.rel @p0 .LBB2_6-.Ltmp2, $4  }
0xb6: {  	[tilespmem:s3+$0x5030] =	vst v0  }
0xb7: {  	[tilespmem:s3+$0x5040] =	vst v0  }
0xb8: {  	[tilespmem:s3+$0x5050] =	vst v0  }
0xb9: {  	[tilespmem:s3+$0x5060] =	vst v0;
	s3 =	sshra.s32 s5, $0x2;
	s5 =	sadd.s32 $0x200, s5  }
0xba: {  	[tilespmem:s3+$0x5070] =	vst v0  }
0xbb: {  	[tilespmem:s3+$0x5000] =	vst v0  }
0xbc: {  	[tilespmem:s3+$0x5010] =	vst v0  }
0xbd: {  	[tilespmem:s3+$0x5020] =	vst v0  }
0xbe: {  	[tilespmem:s3+$0x5030] =	vst v0  }
0xbf: {  	[tilespmem:s3+$0x5040] =	vst v0  }
0xc0: {  	[tilespmem:s3+$0x5050] =	vst v0  }
0xc1: {  	[tilespmem:s3+$0x5060] =	vst v0  }
0xc2: {  	[spmem:s6] =	stream.linear.scatter [tilespmem:s16], [sflag:$0x5], $0x4000, $0x38;
	[tilespmem:$0x1F200] =	vst v63  }
0xc3: {  	_ =	swait.ge [sflag:s14], $0x4000  }
0xc4: {  	[sflag:s14] =	ssyncset.done $0x0  }
0xc5: {  	[sflag:s14] =	ssyncadd.s32 $0xFFFFC000  }
0xc6: {  	[spmem:s8] =	stream.linear.scatter [tilespmem:s16], [sflag:$0x5], $0x4000, $0x38;
	[tilespmem:$0x1F200] =	vst v63  }
0xc7: {  	_ =	swait.ge [sflag:s14], $0x4000  }
0xc8: {  	[sflag:s14] =	ssyncset.done $0x0  }
0xc9: {  	[sflag:s14] =	ssyncadd.s32 $0xFFFFC000  }
0xca: {  	[spmem:s9] =	stream.linear.scatter [tilespmem:s16], [sflag:$0x5], $0x2000, $0x38;
	[tilespmem:$0x1F200] =	vst v63  }
0xcb: {  	_ =	swait.ge [sflag:s14], $0x2000  }
0xcc: {  	[sflag:s14] =	ssyncset.done $0x0  }
0xcd: {  	[sflag:s14] =	ssyncadd.s32 $0xFFFFE000  }
0xce: {  	s5 =	simm.s32 $0x0;
	[bflag:$0x0] =	sbarrier.arrive $0xFFFF  }
0xcf: {  	[tilespmem:s16], [sflag:$0x1] =	stream.indirect.gather [hbm4b:s11+s17], $0x80, s5, s17, $0xb8;
	[tilespmem:$0x1F200] =	vst v63  }
0xd0: {  	_ = 	snop  }
0xd1: {  	[tilespmem:s18], [sflag:$0x1] =	stream.indirect.gather [hbm4b:s11+s17], $0x80, s17, s17, $0xb8;
	[tilespmem:$0x1F200] =	vst v63  }
0xd2: {  	_ =	swait.ge [sflag:s19], $0x4000  }
0xd3: {  	[sflag:s19] =	ssyncset.done $0x0  }
0xd4: {  	[sflag:s19] =	ssyncadd.s32 $0xFFFFC000  }
0xd5: {  	_ =	swait.ge [sflag:s19], $0x4000  }
0xd6: {  	[sflag:s19] =	ssyncset.done $0x0  }
0xd7: {  	[sflag:s19] =	ssyncadd.s32 $0xFFFFC000  }
0xd8: {  	[spmem:s2] =	stream.indirect.scatter.add.f32 [tilespmem:s16], [sflag:$0x3], $0x80, s15, s17, $0xb8;
	[tilespmem:$0x1F200] =	vst v63  }
0xd9: {  	_ = 	snop  }
0xda: {  	[spmem:s2] =	stream.indirect.scatter.add.f32 [tilespmem:s18], [sflag:$0x3], $0x80, s20, s17, $0xb8;
	[tilespmem:$0x1F200] =	vst v63  }
0xdb: {  	_ = 	snop  }
0xdc: {  	[tilespmem:s22], [sflag:$0x2] =	stream.indirect.gather [hbm4b:s11+s17], $0x80, s21, s17, $0xb8;
	[tilespmem:$0x1F200] =	vst v63  }
0xdd: {  	_ = 	snop  }
0xde: {  	[tilespmem:s24], [sflag:$0x2] =	stream.indirect.gather [hbm4b:s11+s17], $0x80, s23, s17, $0xb8;
	[tilespmem:$0x1F200] =	vst v63  }
0xdf: {  	_ =	swait.ge [sflag:s25], $0x4000  }
0xe0: {  	[sflag:s25] =	ssyncset.done $0x0  }
0xe1: {  	[sflag:s25] =	ssyncadd.s32 $0xFFFFC000  }
0xe2: {  	_ =	swait.ge [sflag:s25], $0x4000  }
0xe3: {  	[sflag:s25] =	ssyncset.done $0x0  }
0xe4: {  	s10 =	simm.s32 $0x2900;
	[sflag:s25] =	ssyncadd.s32 $0xFFFFC000  }
0xe5: {  	[spmem:s2] =	stream.indirect.scatter.add.f32 [tilespmem:s22], [sflag:$0x4], $0x80, s10, s17, $0xb8;
	[tilespmem:$0x1F200] =	vst v63  }
0xe6: {  	s5 =	simm.s32 $0x2980  }
0xe7: {  	[spmem:s2] =	stream.indirect.scatter.add.f32 [tilespmem:s24], [sflag:$0x4], $0x80, s5, s17, $0xb8;
	[tilespmem:$0x1F200] =	vst v63  }
0xe8: {  	_ =	swait.ge [sflag:s26], $0x4000  }
0xe9: {  	[sflag:s26] =	ssyncset.done $0x0  }
0xea: {  	[sflag:s26] =	ssyncadd.s32 $0xFFFFC000  }
0xeb: {  	_ =	swait.ge [sflag:s26], $0x4000  }
0xec: {  	[sflag:s26] =	ssyncset.done $0x0  }
0xed: {  	s10 =	simm.s32 $0x200;
	[sflag:s26] =	ssyncadd.s32 $0xFFFFC000  }
0xee: {  	[tilespmem:s16], [sflag:$0x1] =	stream.indirect.gather [hbm4b:s11+s17], $0x80, s10, s17, $0xb8;
	[tilespmem:$0x1F200] =	vst v63  }
0xef: {  	s5 =	simm.s32 $0x280  }
0xf0: {  	[tilespmem:s18], [sflag:$0x1] =	stream.indirect.gather [hbm4b:s11+s17], $0x80, s5, s17, $0xb8;
	[tilespmem:$0x1F200] =	vst v63  }
0xf1: {  	_ =	swait.ge [sflag:s19], $0x4000  }
0xf2: {  	[sflag:s19] =	ssyncset.done $0x0  }
0xf3: {  	[sflag:s19] =	ssyncadd.s32 $0xFFFFC000  }
0xf4: {  	_ =	swait.ge [sflag:s19], $0x4000  }
0xf5: {  	[sflag:s19] =	ssyncset.done $0x0  }
0xf6: {  	s10 =	simm.s32 $0x2A00;
	[sflag:s19] =	ssyncadd.s32 $0xFFFFC000  }
0xf7: {  	[spmem:s2] =	stream.indirect.scatter.add.f32 [tilespmem:s16], [sflag:$0x3], $0x80, s10, s17, $0xb8;
	[tilespmem:$0x1F200] =	vst v63  }
0xf8: {  	s5 =	simm.s32 $0x2A80  }
0xf9: {  	[spmem:s2] =	stream.indirect.scatter.add.f32 [tilespmem:s18], [sflag:$0x3], $0x80, s5, s17, $0xb8;
	[tilespmem:$0x1F200] =	vst v63  }
0xfa: {  	_ =	swait.ge [sflag:s28], $0x4000  }
0xfb: {  	[sflag:s28] =	ssyncset.done $0x0  }
0xfc: {  	[sflag:s28] =	ssyncadd.s32 $0xFFFFC000  }
0xfd: {  	_ =	swait.ge [sflag:s28], $0x4000  }
0xfe: {  	s3 =	simm.s32 $0x800;
	[sflag:s28] =	ssyncset.done $0x0  }
0xff: {  	s10 =	simm.s32 $0x300;
	s5 =	simm.s32 $0x380;
	[sflag:s28] =	ssyncadd.s32 $0xFFFFC000  }
0x100: {  	[tilespmem:s22], [sflag:$0x2] =	stream.indirect.gather [hbm4b:s11+s17], $0x80, s10, s17, $0xb8;
	[tilespmem:$0x1F200] =	vst v63  }
.LBB2_8:
0x101: {  	[tilespmem:s24], [sflag:$0x2] =	stream.indirect.gather [hbm4b:s11+s17], $0x80, s5, s17, $0xb8;
	[tilespmem:$0x1F200] =	vst v63  }
0x102: {  	s5 =	smov.u32 s3  }
0x103: {  	p0 =	sne.s32 s3, $0x9000;
	s3 =	sadd.s32 $0x800, s3;
	_ =	swait.ge [sflag:s25], $0x4000  }
0x104: {  	[sflag:s25] =	ssyncset.done $0x0  }
0x105: {  	[sflag:s25] =	ssyncadd.s32 $0xFFFFC000  }
0x106: {  	_ =	swait.ge [sflag:s25], $0x4000  }
0x107: {  	s5 =	sshra.s32 s5, $0x2;
	[sflag:s25] =	ssyncset.done $0x0  }
0x108: {  	s10 =	sadd.s32 $0x2900, s5;
	[sflag:s25] =	ssyncadd.s32 $0xFFFFC000  }
0x109: {  	[spmem:s2] =	stream.indirect.scatter.add.f32 [tilespmem:s22], [sflag:$0x4], $0x80, s10, s17, $0xb8;
	[tilespmem:$0x1F200] =	vst v63  }
0x10a: {  	s10 =	sadd.s32 $0x2980, s5  }
0x10b: {  	[spmem:s2] =	stream.indirect.scatter.add.f32 [tilespmem:s24], [sflag:$0x4], $0x80, s10, s17, $0xb8;
	[tilespmem:$0x1F200] =	vst v63  }
0x10c: {  	_ =	swait.ge [sflag:s26], $0x4000  }
0x10d: {  	[sflag:s26] =	ssyncset.done $0x0  }
0x10e: {  	[sflag:s26] =	ssyncadd.s32 $0xFFFFC000  }
0x10f: {  	_ =	swait.ge [sflag:s26], $0x4000  }
0x110: {  	[sflag:s26] =	ssyncset.done $0x0  }
0x111: {  	s10 =	sadd.s32 $0x200, s5;
	[sflag:s26] =	ssyncadd.s32 $0xFFFFC000  }
0x112: {  	[tilespmem:s16], [sflag:$0x1] =	stream.indirect.gather [hbm4b:s11+s17], $0x80, s10, s17, $0xb8;
	[tilespmem:$0x1F200] =	vst v63  }
0x113: {  	s10 =	sadd.s32 $0x280, s5  }
0x114: {  	[tilespmem:s18], [sflag:$0x1] =	stream.indirect.gather [hbm4b:s11+s17], $0x80, s10, s17, $0xb8;
	[tilespmem:$0x1F200] =	vst v63  }
0x115: {  	_ =	swait.ge [sflag:s19], $0x4000  }
0x116: {  	[sflag:s19] =	ssyncset.done $0x0  }
0x117: {  	[sflag:s19] =	ssyncadd.s32 $0xFFFFC000  }
0x118: {  	_ =	swait.ge [sflag:s19], $0x4000  }
0x119: {  	[sflag:s19] =	ssyncset.done $0x0  }
0x11a: {  	s10 =	sadd.s32 $0x2A00, s5;
	[sflag:s19] =	ssyncadd.s32 $0xFFFFC000  }
0x11b: {  	[spmem:s2] =	stream.indirect.scatter.add.f32 [tilespmem:s16], [sflag:$0x3], $0x80, s10, s17, $0xb8;
	[tilespmem:$0x1F200] =	vst v63  }
0x11c: {  	s10 =	sadd.s32 $0x2A80, s5  }
0x11d: {  	[spmem:s2] =	stream.indirect.scatter.add.f32 [tilespmem:s18], [sflag:$0x3], $0x80, s10, s17, $0xb8;
	[tilespmem:$0x1F200] =	vst v63  }
0x11e: {  	_ =	swait.ge [sflag:s28], $0x4000  }
0x11f: {  	[sflag:s28] =	ssyncset.done $0x0  }
0x120: {  	[sflag:s28] =	ssyncadd.s32 $0xFFFFC000  }
.Ltmp3:
0x121: {  	_ =	swait.ge [sflag:s28], $0x4000;
	(pc) =	sbr.rel @p0 .LBB2_8-.Ltmp3, $4  }
0x122: {  	[sflag:s28] =	ssyncset.done $0x0  }
0x123: {  	s10 =	sadd.s32 $0x300, s5;
	[sflag:s28] =	ssyncadd.s32 $0xFFFFC000  }
0x124: {  	[tilespmem:s22], [sflag:$0x2] =	stream.indirect.gather [hbm4b:s11+s17], $0x80, s10, s17, $0xb8;
	[tilespmem:$0x1F200] =	vst v63  }
0x125: {  	s5 =	sadd.s32 $0x380, s5  }
0x126: {  	[tilespmem:s24], [sflag:$0x2] =	stream.indirect.gather [hbm4b:s11+s17], $0x80, s5, s17, $0xb8;
	[tilespmem:$0x1F200] =	vst v63  }
0x127: {  	_ =	swait.ge [sflag:s25], $0x4000  }
0x128: {  	[sflag:s25] =	ssyncset.done $0x0  }
0x129: {  	[sflag:s25] =	ssyncadd.s32 $0xFFFFC000  }
0x12a: {  	_ =	swait.ge [sflag:s25], $0x4000  }
0x12b: {  	[sflag:s25] =	ssyncset.done $0x0  }
0x12c: {  	[sflag:s25] =	ssyncadd.s32 $0xFFFFC000  }
0x12d: {  	[spmem:s2] =	stream.indirect.scatter.add.f32 [tilespmem:s22], [sflag:$0x4], $0x80, s29, s17, $0xb8;
	[tilespmem:$0x1F200] =	vst v63  }
0x12e: {  	_ = 	snop  }
0x12f: {  	[spmem:s2] =	stream.indirect.scatter.add.f32 [tilespmem:s24], [sflag:$0x4], $0x80, s30, s17, $0xb8;
	[tilespmem:$0x1F200] =	vst v63  }
0x130: {  	_ =	swait.ge [sflag:s26], $0x4000  }
0x131: {  	[sflag:s26] =	ssyncset.done $0x0  }
0x132: {  	[sflag:s26] =	ssyncadd.s32 $0xFFFFC000  }
0x133: {  	_ =	swait.ge [sflag:s26], $0x4000  }
0x134: {  	[sflag:s26] =	ssyncset.done $0x0  }
0x135: {  	[sflag:s26] =	ssyncadd.s32 $0xFFFFC000  }
0x136: {  	_ =	swait.ge [sflag:s28], $0x4000  }
0x137: {  	[sflag:s28] =	ssyncset.done $0x0  }
0x138: {  	[sflag:s28] =	ssyncadd.s32 $0xFFFFC000  }
0x139: {  	_ =	swait.ge [sflag:s28], $0x4000  }
0x13a: {  	s31 =	sadd.s32 $0x1, s31;
	[sflag:s28] =	ssyncset.done $0x0  }
0x13b: {  	p0 =	sne.s32 s31, s13;
	[sflag:s28] =	ssyncadd.s32 $0xFFFFC000  }
.Ltmp4:
0x13c: {  	[bflag:$0x0] =	sbarrier.arrive $0xFFFF;
	(pc) =	sbr.rel @p0 .LBB2_1-.Ltmp4, $4  }
0x13d: {  	[hbm:s12], [sflag:s0] =	dma.local [spmem:s1], $0x1400  }
0x13e: {  	_ =	swait.ge [sflag:s14], $0x1400  }
0x13f: {  	[sflag:s14] =	ssyncset.done $0x0  }
0x140: {  	[sflag:s14] =	ssyncadd.s32 $0xFFFFEC00  }
0x141: {  	_ =	sfence.sel $0x180000  }
0x142: {  	[bflag:$0x0] =	sbarrier.arrive $0xFFFF  }
0x143: {  	_ =	strace $0x9000004A  }
0x144: {  	s0 =	stileid.u32;
	[bflag:$0x2] =	sbarrier.arrive $0xFFFF  }
0x145: {  	p0 =	sne.s32 s0, $0x0;
	s0 =	rddreg [dreg:$0x3]  }
0x146: {  	s0 =	sadd.s32 @!p0 $0x100000, s0  }
0x147: {  	[sflag:s0] =	ssyncadd.tile.s32 @!p0 $0x1;
	_ =	shalt  }
.Lfunc_end2:
_tile_overlayer_lowered:
.L_overlay_start_2:
0x148: {  	(tag) =	ssettag $0x2  }
0x149: {  	s0 =	rddreg [dreg:$0x0];
	s2 =	stileid.u32  }
0x14a: {  	s1 =	rddreg [dreg:$0x1];
	p0 =	sne.s32 s2, $0x0  }
0x14b: {  	s3 =	rddreg [dreg:$0x2];
	[bflag:$0x3] =	sbarrier.arrive $0xFFFF;
	s2 =	simm.s32 @!p0 $0x1C05  }
0x14c: {  	[timem:s3], [sflag:s2] =	dma.local @!p0 [hbm:s0], s1  }
0x14d: {  	s0 =	simm.s32 @!p0 $0x5  }
0x14e: {  	_ =	swait.ge @!p0 [sflag:s0], s1  }
0x14f: {  	s1 =	ssub.s32 @!p0 $0x0, s1;
	[sflag:s0] =	ssyncset.done @!p0 $0x0  }
0x150: {  	[sflag:s0] =	ssyncadd.s32 @!p0 s1  }
0x151: {  	[bflag:$0x3] =	sbarrier.arrive $0xFFFF  }
0x152: {  	_ =	shalt  }

// kernel: kernel.16.cloned.1.call-start
scs
__scs_entry_jumppad:
0x0: {  	(pc) =	sbr.rel $0x88, $3  }
0x1: {  	(tag) =	ssettag $0x0;
	lr =	simm.s32 $0x1  }
0x2: {  	[smem:$0x3F99] =	sst lr;
	_ =	strace $0xD0000000  }
0x3: {  	_ = 	snop  }
0x4: {  	_ = 	snop  }
0x5: {  	_ = 	snop  }
0x6: {  	_ = 	snop  }
0x7: {  	_ = 	snop  }
__scs_overlays_trampoline_lowered:
0x8: {  	[smem:$0x3FA8] =	sst s0  }
0x9: {  	[smem:$0x3FA9] =	sst s1  }
0xa: {  	[smem:$0x3FAA] =	sst s2  }
0xb: {  	[smem:$0x3FAB] =	sst s3  }
0xc: {  	[smem:$0x3FAC] =	sst s4  }
0xd: {  	[smem:$0x3FAD] =	sst s5  }
0xe: {  	[smem:$0x3FAE] =	sst s6  }
0xf: {  	[smem:$0x3FAF] =	sst s7  }
0x10: {  	[smem:$0x3FB0] =	sst s8  }
0x11: {  	[smem:$0x3FB1] =	sst s9;
	s0 =	simm.s32 @!p0 $0x0  }
0x12: {  	s1 =	sld [smem:$0x3F97];
	s0 =	simm.s32 @p0 $0x1  }
0x13: {  	[smem:$0x3FB2] =	sst s0;
	s0 =	simm.s32 @!p1 $0x0  }
0x14: {  	s2 =	sld [smem:$0x3F96];
	s0 =	simm.s32 @p1 $0x1  }
0x15: {  	[smem:$0x3FB3] =	sst s0;
	s0 =	simm.s32 @!p2 $0x0  }
0x16: {  	s3 =	sld [smem:$0x3FDB];
	s0 =	simm.s32 @p2 $0x1  }
0x17: {  	s4 =	simm.s32 $0x1BF5;
	[smem:$0x3FB5] =	sst s0  }
0x18: {  	s0 =	sld [smem:$0x3F98];
	_ =	swait.ge [sflag:s4], $0x0  }
0x19: {  	s7 =	sld [smem:$0x3F99]  }
0x1a: {  	s8 =	sadd.s32 $0xFFFFE003, lr  }
0x1b: {  	s9 =	sadd.s32 $0xFFFFFEF7, lr;
	s5 =	simm.s32 $0xFFFFFFFF;
	p2 =	slt.u32 s8, $0xFFFFF086  }
0x1c: {  	p1 =	slt.u32 s9, $0xF7A;
	s5 =	simm.s32 @!p2 $0x0  }
0x1d: {  	s5 =	simm.s32 @p1 $0x1;
	p0 =	seq.s32 s7, s2  }
0x1e: {  	s7 =	smul.u32 @!p0 $0xF7A, s2;
	p2 =	seq.s32 @!p0 s5, $0x0  }
0x1f: {  	s9 =	smul.u32 $0xF7A, s1;
	s8 =	simm.s32 @!p0 $0x1BF5;
	p2 =	por !p2, p0  }
0x20: {  	[sflag:s8] =	ssyncset.s32 @!p0 $0xFFFFF086;
	s6 =	sadd.s32 @!p0 s3, s7;
	s7 =	simm.s32 @!p0 $0x108  }
0x21: {  	s3 =	sadd.s32 s3, s9;
	s6 =	sadd.s32 @!p0 $0x88, s6;
	s7 =	simm.s32 @p2 $0x1082  }
0x22: {  	[simem:s7], [sflag:s8] =	dma.local @!p0 [hbm:s6], $0xF7A  }
0x23: {  	s9 =	sor.u32 $0xD0000000, s2;
	s6 =	simm.s32 $0x108;
	_ =	swait.ge @!p0 [sflag:s8], $0x0  }
0x24: {  	s3 =	sadd.s32 $0x88, s3;
	s6 =	simm.s32 @!p1 $0x1082;
	[sflag:s4] =	ssyncset.s32 $0xFFFFF086  }
0x25: {  	[simem:s6], [sflag:s4] =	dma.local [hbm:s3], $0xF7A  }
0x26: {  	[smem:$0x3F99] =	sst s1;
	(tag) =	ssettag s2;
	_ =	strace s9  }
0x27: {  	s1 =	sld [smem:$0x3FA9]  }
0x28: {  	s2 =	sld [smem:$0x3FAA]  }
0x29: {  	s4 =	sld [smem:$0x3FAC]  }
0x2a: {  	p0 =	seq.s32 s5, $0x0;
	s5 =	sld [smem:$0x3FAD]  }
0x2b: {  	s6 =	sld [smem:$0x3FAE]  }
0x2c: {  	s7 =	sld [smem:$0x3FAF]  }
0x2d: {  	s3 =	simm.s32 $0x108;
	s8 =	sld [smem:$0x3FB0]  }
0x2e: {  	s3 =	simm.s32 @!p0 $0x1082;
	s9 =	sld [smem:$0x3FB1]  }
0x2f: {  	lr =	sadd.s32 s0, s3;
	s0 =	sld [smem:$0x3FA8]  }
0x30: {  	s3 =	sld [smem:$0x3FAB]  }
0x31: {  	[smem:$0x3FB4] =	sst s10  }
0x32: {  	s10 =	sld [smem:$0x3FB2];
	_ =	sdelay $0x3  }
0x33: {  	p0 =	seq.s32 s10, $0x1;
	s10 =	sld [smem:$0x3FB4];
	_ =	sdelay $0x3  }
0x34: {  	[smem:$0x3FB4] =	sst s10  }
0x35: {  	s10 =	sld [smem:$0x3FB3];
	_ =	sdelay $0x3  }
0x36: {  	p1 =	seq.s32 s10, $0x1;
	s10 =	sld [smem:$0x3FB4];
	_ =	sdelay $0x3  }
0x37: {  	[smem:$0x3FB4] =	sst s10  }
0x38: {  	s10 =	sld [smem:$0x3FB5]  }
0x39: {  	_ = 	snop;
	(pc) =	sbr.ind lr, $3  }
0x3a: {  	_ = 	snop  }
0x3b: {  	_ = 	snop  }
0x3c: {  	p2 =	seq.s32 s10, $0x1;
	s10 =	sld [smem:$0x3FB4]  }
0x3d: {  	_ =	shalt  }
0x3e: {  	_ =	shalt  }
0x3f: {  	_ =	shalt  }
0x40: {  	_ =	shalt  }
0x41: {  	_ =	shalt  }
0x42: {  	_ =	shalt  }
0x43: {  	_ =	shalt  }
0x44: {  	_ =	shalt  }
0x45: {  	_ =	shalt  }
0x46: {  	_ =	shalt  }
0x47: {  	_ =	shalt  }
0x48: {  	_ =	shalt  }
0x49: {  	_ =	shalt  }
0x4a: {  	_ =	shalt  }
0x4b: {  	_ =	shalt  }
0x4c: {  	_ =	shalt  }
0x4d: {  	_ =	shalt  }
0x4e: {  	_ =	shalt  }
0x4f: {  	_ =	shalt  }
0x50: {  	_ =	shalt  }
0x51: {  	_ =	shalt  }
0x52: {  	_ =	shalt  }
0x53: {  	_ =	shalt  }
0x54: {  	_ =	shalt  }
0x55: {  	_ =	shalt  }
0x56: {  	_ =	shalt  }
0x57: {  	_ =	shalt  }
0x58: {  	_ =	shalt  }
0x59: {  	_ =	shalt  }
0x5a: {  	_ =	shalt  }
0x5b: {  	_ =	shalt  }
0x5c: {  	_ =	shalt  }
0x5d: {  	_ =	shalt  }
0x5e: {  	_ =	shalt  }
0x5f: {  	_ =	shalt  }
0x60: {  	_ =	shalt  }
0x61: {  	_ =	shalt  }
0x62: {  	_ =	shalt  }
0x63: {  	_ =	shalt  }
0x64: {  	_ =	shalt  }
0x65: {  	_ =	shalt  }
0x66: {  	_ =	shalt  }
0x67: {  	_ =	shalt  }
0x68: {  	_ =	shalt  }
0x69: {  	_ =	shalt  }
0x6a: {  	_ =	shalt  }
0x6b: {  	_ =	shalt  }
0x6c: {  	_ =	shalt  }
0x6d: {  	_ =	shalt  }
0x6e: {  	_ =	shalt  }
0x6f: {  	_ =	shalt  }
0x70: {  	_ =	shalt  }
0x71: {  	_ =	shalt  }
0x72: {  	_ =	shalt  }
0x73: {  	_ =	shalt  }
0x74: {  	_ =	shalt  }
0x75: {  	_ =	shalt  }
0x76: {  	_ =	shalt  }
0x77: {  	_ =	shalt  }
0x78: {  	_ =	shalt  }
0x79: {  	_ =	shalt  }
0x7a: {  	_ =	shalt  }
0x7b: {  	_ =	shalt  }
0x7c: {  	_ =	shalt  }
0x7d: {  	_ =	shalt  }
0x7e: {  	_ =	shalt  }
0x7f: {  	_ =	shalt  }
0x80: {  	_ =	shalt  }
0x81: {  	_ =	shalt  }
0x82: {  	_ =	shalt  }
0x83: {  	_ =	shalt  }
0x84: {  	_ =	shalt  }
0x85: {  	_ =	shalt  }
0x86: {  	_ =	shalt  }
0x87: {  	_ =	shalt  }
.Lfunc_end0:
.L_simem_size_0:
called_computation.2_lowered:
.L_overlay_start_0:
0x88: {  	s2 =	sld [smem:$0x3FD9]  }
0x89: {  	s3 =	sld [smem:$0x3FFE];
	_ =	sdelay $0x1  }
0x8a: {  	s1 =	srdreg.scid  }
0x8b: {  	s0 =	sand.u32 $0x1, s1  }
0x8c: {  	s17 =	sshll.u32 s0, $0xA;
	s2 =	sadd.s32 s3, s2  }
0x8d: {  	s2 =	sadd.s32 s2, s17  }
0x8e: {  	[smem:$0x3FC0] =	sst s2  }
0x8f: {  	_ = 	snop  }
0x90: {  	s2 =	sld [smem:$0x3FD0];
	(tm) =	ssettm $0x1  }
0x91: {  	s18 =	sld [smem:$0x3FFB];
	_ =	sdelay $0x3  }
0x92: {  	_ =	strace s18  }
0x93: {  	s3 =	sld [smem:$0x3FFC];
	_ =	sdelay $0x3  }
0x94: {  	_ =	strace s3  }
0x95: {  	s3 =	sld [smem:$0x3FFD];
	_ =	sdelay $0x3  }
0x96: {  	_ =	strace s3  }
0x97: {  	_ =	strace $0x8FFFFFFF  }
0x98: {  	s19 =	sld [smem:$0x3FDB];
	_ =	sdelay $0x1  }
0x99: {  	s4 =	simm.s32 $_scs_section_size  }
0x9a: {  	s5 =	simm.s32 $_size__tile_overlayer_lowered;
	s6 =	simm.s32 $_tile_overlayer_lowered  }
0x9b: {  	s22 =	simm.s32 $0x1BFF;
	s21 =	sshll.u32 s6, $0x1;
	s3 =	sadd.s32 s4, s19  }
0x9c: {  	s7 =	simm.s32 $0x0;
	s20 =	sshll.u32 s5, $0x1;
	s5 =	sadd.s32 s21, s3  }
0x9d: {  	[timem:s7], [sflag:s22] =	dma.local [hbm:s5], s20  }
0x9e: {  	_ =	swait.ge [sflag:s22], s20  }
0x9f: {  	s4 =	ssub.s32 $0x0, s20;
	[sflag:s22] =	ssyncset.done $0x0  }
0xa0: {  	[sflag:s22] =	ssyncadd.s32 s4;
	_ =	sdelay $0x1  }
0xa1: {  	s23 =	simm.s32 $0x1B8B  }
0xa2: {  	_ =	swait.ge [sflag:s23], $0x1  }
0xa3: {  	[sflag:s23] =	ssyncset.done $0x0  }
0xa4: {  	s25 =	simm.s32 $0x1B8E;
	s24 =	sld [smem:$0x3FFE];
	[sflag:s23] =	ssyncadd.s32 $0xFFFFFFFF  }
0xa5: {  	s26 =	simm.s32 $execute0_lowered;
	[smem:$0x3FD2] =	sst s25  }
0xa6: {  	s5 =	sshll.u32 s26, $0x1;
	_ =	strace $0x8000004C;
	[dreg:$0x1] =	wrdreg $0xFFFFFFFF  }
0xa7: {  	s28 =	simm.s32 $_size_execute0_lowered;
	s3 =	sadd.s32 s3, s5;
	[dreg:$0x0] =	wrdreg $0x0  }
0xa8: {  	s5 =	sshll.u32 s28, $0x1;
	[dreg:$0x2] =	wrdreg s3  }
0xa9: {  	[dreg:$0x3] =	wrdreg s5  }
0xaa: {  	[dreg:$0x4] =	wrdreg $0xC0  }
0xab: {  	_ =	task [dreg:s7], $0x5FFFF  }
0xac: {  	[dreg:$0x1] =	wrdreg $0xFFFFFFFF  }
0xad: {  	[dreg:$0x0] =	wrdreg $0x60  }
0xae: {  	[dreg:$0x2] =	wrdreg s24  }
0xaf: {  	[dreg:$0x3] =	wrdreg s2  }
0xb0: {  	[dreg:$0x4] =	wrdreg $0x150000  }
0xb1: {  	[dreg:$0x5] =	wrdreg $0x9  }
0xb2: {  	_ =	task.clear_ibuf [dreg:s7], $0x6FFFF;
	_ =	strace $0x9000004C  }
0xb3: {  	s29 =	simm.s32 $0x9;
	_ =	strace $0x8000004E  }
0xb4: {  	_ =	swait.ge [sflag:s29], $0x1  }
0xb5: {  	[sflag:s29] =	ssyncadd.s32 $0xFFFFFFFF  }
0xb6: {  	_ =	strace $0x9000004E  }
0xb7: {  	_ =	sfence  }
0xb8: {  	s30 =	sld [smem:$0x0];
	_ =	sdelay $0x2  }
0xb9: {  	s31 =	sshll.u32 s1, $0xD;
	s1 =	sshrl.u32 s1, $0x2  }
0xba: {  	s3 =	sand.u32 $0x4000, s31;
	s1 =	sadd.s32 s1, s30  }
0xbb: {  	s0 =	sor.u32 s3, s0;
	s1 =	sshll.u32 s1, $0x11  }
0xbc: {  	s0 =	sor.u32 s1, s0  }
0xbd: {  	s0 =	sadd.s32 $0x8F2B, s0  }
0xbe: {  	[sflag:s0] =	ssyncadd.remote.s32 $0x1  }
0xbf: {  	_ =	sfence.sel $0xFFFF  }
0xc0: {  	[dreg:$0x0] =	wrdreg $0xFFFFFFFF;
	(pc) =	sbr.abs _section_cstart, $3  }
0xc1: {  	[dreg:$0x1] =	wrdreg $0xFFFFFFFF  }
0xc2: {  	_ =	task.clear_ibuf [dreg:s7], $0x2FFFF;
	_ =	strace $0x9FFFFFFF  }
0xc3: {  	(tm) =	ssettm $0x7FFFFFFF  }
tec
execute0_lowered:
.L_overlay_start_1:
0x0: {  	(tag) =	ssettag $0x1  }
0x1: {  	s0 =	rddreg [dreg:$0x0]  }
0x2: {  	s1 =	rddreg [dreg:$0x1]  }
0x3: {  	s2 =	rddreg [dreg:$0x2]  }
0x4: {  	s9 =	stileid.u32;
	s4 =	srdreg.scid;
	s7 =	simm.s32 $0x0  }
0x5: {  	s14 =	simm.s32 $0x5;
	s15 =	simm.s32 $0x2800;
	s16 =	simm.s32 $0x5000  }
0x6: {  	s17 =	simm.s32 $0x80;
	s18 =	simm.s32 $0x9000;
	s19 =	simm.s32 $0x1  }
0x7: {  	s20 =	simm.s32 $0x2880;
	s28 =	simm.s32 $0x4;
	s3 =	smul.u32 $0x2800, s9  }
0x8: {  	s29 =	simm.s32 $0x4F00;
	s30 =	simm.s32 $0x4F80;
	s6 =	smul.u32 $0x140, s9  }
0x9: {  	s31 =	simm.s32 $0x0;
	s5 =	sand.u32 $0x1, s4;
	s9 =	smul.u32 $0x28000, s9  }
0xa: {  	[smem:$0x7FF] =	sst s7;
	s4 =	sadd.s32 $0x5DC00, s0;
	s21 =	smul.u32 $0x1400, s5  }
0xb: {  	s11 =	sadd.s32 $0x85C00, s0;
	s22 =	smul.u32 $0x28000, s5;
	s5 =	ssub.s32 $0x2, s5  }
0xc: {  	_ =	strace $0x8000004D;
	s8 =	sshrl.u32 s3, $0x3;
	s23 =	sshrl.u32 s5, $0x1  }
0xd: {  	s24 =	sshrl.u32 s9, $0x2;
	s6 =	sadd.s32 s6, s21;
	s8 =	sadd.s32 s8, s0  }
0xe: {  	s5 =	ssub.s32 s5, s23;
	s3 =	sadd.s32 s3, s22;
	s21 =	simm.s32 $0x100  }
0xf: {  	s22 =	simm.s32 $0xD000;
	s23 =	simm.s32 $0x180;
	s6 =	sshll.u32 s6, $0x4  }
0x10: {  	s25 =	sadd.s32 $0x8C00, s8;
	s3 =	sshrl.u32 s3, $0x3;
	s13 =	smax.u32 s5, $0x1  }
0x11: {  	s12 =	sadd.s32 s6, s0;
	[dreg:$0x4] =	wrdreg s25;
	s6 =	sadd.s32 s24, s2  }
0x12: {  	s7 =	sadd.s32 s1, s3;
	s24 =	simm.s32 $0x11000;
	s25 =	simm.s32 $0x2  }
0x13: {  	s8 =	sadd.s32 $0x4000, s6;
	s9 =	sadd.s32 $0x8000, s6;
	s26 =	sadd.s32 $0xADC00, s12  }
0x14: {  	v0 =	vimm.f32 $0.0e+00;
	s12 =	sadd.s32 $0xD5C00, s12;
	[dreg:$0x5] =	wrdreg s26;
	s26 =	simm.s32 $0x3  }
.LBB2_1:
0x15: {  	s0 =	simm.s32 $0x0;
	s1 =	rddreg [dreg:$0x4]  }
0x16: {  	[tilespmem:s0], [sflag:$0x5] =	stream.linear.gather [hbm4b:s1+s0], $0x2800, $0x38;
	[tilespmem:$0x1F200] =	vst v63  }
0x17: {  	_ =	swait.ge [sflag:s14], $0x2800  }
0x18: {  	[sflag:s14] =	ssyncset.done $0x0  }
0x19: {  	[sflag:s14] =	ssyncadd.s32 $0xFFFFD800  }
0x1a: {  	[tilespmem:s15], [sflag:$0x5] =	stream.linear.gather [hbm4b:s7+s0], $0x2800, $0x38;
	[tilespmem:$0x1F200] =	vst v63  }
0x1b: {  	_ =	swait.ge [sflag:s14], $0x2800  }
0x1c: {  	[sflag:s14] =	ssyncset.done $0x0  }
0x1d: {  	s1 =	simm.s32 $0x200;
	s0 =	simm.s32 $0x0;
	[sflag:s14] =	ssyncadd.s32 $0xFFFFD800  }
.LBB2_2:
0x1e: {  	p0 =	sne.s32 s1, $0xFE00;
	[tilespmem:s0+$0x5070] =	vst v0  }
0x1f: {  	[tilespmem:s0+$0x5000] =	vst v0  }
0x20: {  	[tilespmem:s0+$0x5010] =	vst v0  }
.Ltmp0:
0x21: {  	[tilespmem:s0+$0x5020] =	vst v0;
	(pc) =	sbr.rel @p0 .LBB2_2-.Ltmp0, $4  }
0x22: {  	[tilespmem:s0+$0x5030] =	vst v0  }
0x23: {  	[tilespmem:s0+$0x5040] =	vst v0  }
0x24: {  	[tilespmem:s0+$0x5050] =	vst v0  }
0x25: {  	[tilespmem:s0+$0x5060] =	vst v0;
	s0 =	sshra.s32 s1, $0x2;
	s1 =	sadd.s32 $0x200, s1  }
0x26: {  	[tilespmem:s0+$0x5070] =	vst v0  }
0x27: {  	[tilespmem:s0+$0x5000] =	vst v0  }
0x28: {  	[tilespmem:s0+$0x5010] =	vst v0  }
0x29: {  	[tilespmem:s0+$0x5020] =	vst v0  }
0x2a: {  	[tilespmem:s0+$0x5030] =	vst v0  }
0x2b: {  	[tilespmem:s0+$0x5040] =	vst v0  }
0x2c: {  	[tilespmem:s0+$0x5050] =	vst v0  }
0x2d: {  	[tilespmem:s0+$0x5060] =	vst v0  }
0x2e: {  	[spmem:s6] =	stream.linear.scatter [tilespmem:s16], [sflag:$0x5], $0x4000, $0x38;
	[tilespmem:$0x1F200] =	vst v63  }
0x2f: {  	_ =	swait.ge [sflag:s14], $0x4000  }
0x30: {  	[sflag:s14] =	ssyncset.done $0x0  }
0x31: {  	[sflag:s14] =	ssyncadd.s32 $0xFFFFC000  }
0x32: {  	[spmem:s8] =	stream.linear.scatter [tilespmem:s16], [sflag:$0x5], $0x4000, $0x38;
	[tilespmem:$0x1F200] =	vst v63  }
0x33: {  	_ =	swait.ge [sflag:s14], $0x4000  }
0x34: {  	[sflag:s14] =	ssyncset.done $0x0  }
0x35: {  	[sflag:s14] =	ssyncadd.s32 $0xFFFFC000  }
0x36: {  	[spmem:s9] =	stream.linear.scatter [tilespmem:s16], [sflag:$0x5], $0x2000, $0x38;
	[tilespmem:$0x1F200] =	vst v63  }
0x37: {  	_ =	swait.ge [sflag:s14], $0x2000  }
0x38: {  	[sflag:s14] =	ssyncset.done $0x0  }
0x39: {  	[sflag:s14] =	ssyncadd.s32 $0xFFFFE000  }
0x3a: {  	s1 =	simm.s32 $0x0;
	[bflag:$0x0] =	sbarrier.arrive $0xFFFF  }
0x3b: {  	[tilespmem:s16], [sflag:$0x1] =	stream.indirect.gather [hbm4b:s4+s17], $0x80, s1, s17, $0xb8;
	[tilespmem:$0x1F200] =	vst v63  }
0x3c: {  	_ = 	snop  }
0x3d: {  	[tilespmem:s18], [sflag:$0x1] =	stream.indirect.gather [hbm4b:s4+s17], $0x80, s17, s17, $0xb8;
	[tilespmem:$0x1F200] =	vst v63  }
0x3e: {  	_ =	swait.ge [sflag:s19], $0x4000  }
0x3f: {  	[sflag:s19] =	ssyncset.done $0x0  }
0x40: {  	[sflag:s19] =	ssyncadd.s32 $0xFFFFC000  }
0x41: {  	_ =	swait.ge [sflag:s19], $0x4000  }
0x42: {  	[sflag:s19] =	ssyncset.done $0x0  }
0x43: {  	[sflag:s19] =	ssyncadd.s32 $0xFFFFC000  }
0x44: {  	[spmem:s2] =	stream.indirect.scatter.add.f32 [tilespmem:s16], [sflag:$0x3], $0x80, s15, s17, $0xb8;
	[tilespmem:$0x1F200] =	vst v63  }
0x45: {  	_ = 	snop  }
0x46: {  	[spmem:s2] =	stream.indirect.scatter.add.f32 [tilespmem:s18], [sflag:$0x3], $0x80, s20, s17, $0xb8;
	[tilespmem:$0x1F200] =	vst v63  }
0x47: {  	_ = 	snop  }
0x48: {  	[tilespmem:s22], [sflag:$0x2] =	stream.indirect.gather [hbm4b:s4+s17], $0x80, s21, s17, $0xb8;
	[tilespmem:$0x1F200] =	vst v63  }
0x49: {  	_ = 	snop  }
0x4a: {  	[tilespmem:s24], [sflag:$0x2] =	stream.indirect.gather [hbm4b:s4+s17], $0x80, s23, s17, $0xb8;
	[tilespmem:$0x1F200] =	vst v63  }
0x4b: {  	_ =	swait.ge [sflag:s25], $0x4000  }
0x4c: {  	[sflag:s25] =	ssyncset.done $0x0  }
0x4d: {  	[sflag:s25] =	ssyncadd.s32 $0xFFFFC000  }
0x4e: {  	_ =	swait.ge [sflag:s25], $0x4000  }
0x4f: {  	[sflag:s25] =	ssyncset.done $0x0  }
0x50: {  	s3 =	simm.s32 $0x2900;
	[sflag:s25] =	ssyncadd.s32 $0xFFFFC000  }
0x51: {  	[spmem:s2] =	stream.indirect.scatter.add.f32 [tilespmem:s22], [sflag:$0x4], $0x80, s3, s17, $0xb8;
	[tilespmem:$0x1F200] =	vst v63  }
0x52: {  	s5 =	simm.s32 $0x2980  }
0x53: {  	[spmem:s2] =	stream.indirect.scatter.add.f32 [tilespmem:s24], [sflag:$0x4], $0x80, s5, s17, $0xb8;
	[tilespmem:$0x1F200] =	vst v63  }
0x54: {  	_ =	swait.ge [sflag:s26], $0x4000  }
0x55: {  	[sflag:s26] =	ssyncset.done $0x0  }
0x56: {  	[sflag:s26] =	ssyncadd.s32 $0xFFFFC000  }
0x57: {  	_ =	swait.ge [sflag:s26], $0x4000  }
0x58: {  	[sflag:s26] =	ssyncset.done $0x0  }
0x59: {  	s10 =	simm.s32 $0x200;
	[sflag:s26] =	ssyncadd.s32 $0xFFFFC000  }
0x5a: {  	[tilespmem:s16], [sflag:$0x1] =	stream.indirect.gather [hbm4b:s4+s17], $0x80, s10, s17, $0xb8;
	[tilespmem:$0x1F200] =	vst v63  }
0x5b: {  	s1 =	simm.s32 $0x280  }
0x5c: {  	[tilespmem:s18], [sflag:$0x1] =	stream.indirect.gather [hbm4b:s4+s17], $0x80, s1, s17, $0xb8;
	[tilespmem:$0x1F200] =	vst v63  }
0x5d: {  	_ =	swait.ge [sflag:s19], $0x4000  }
0x5e: {  	[sflag:s19] =	ssyncset.done $0x0  }
0x5f: {  	[sflag:s19] =	ssyncadd.s32 $0xFFFFC000  }
0x60: {  	_ =	swait.ge [sflag:s19], $0x4000  }
0x61: {  	[sflag:s19] =	ssyncset.done $0x0  }
0x62: {  	s3 =	simm.s32 $0x2A00;
	[sflag:s19] =	ssyncadd.s32 $0xFFFFC000  }
0x63: {  	[spmem:s2] =	stream.indirect.scatter.add.f32 [tilespmem:s16], [sflag:$0x3], $0x80, s3, s17, $0xb8;
	[tilespmem:$0x1F200] =	vst v63  }
0x64: {  	s5 =	simm.s32 $0x2A80  }
0x65: {  	[spmem:s2] =	stream.indirect.scatter.add.f32 [tilespmem:s18], [sflag:$0x3], $0x80, s5, s17, $0xb8;
	[tilespmem:$0x1F200] =	vst v63  }
0x66: {  	_ =	swait.ge [sflag:s28], $0x4000  }
0x67: {  	[sflag:s28] =	ssyncset.done $0x0  }
0x68: {  	[sflag:s28] =	ssyncadd.s32 $0xFFFFC000  }
0x69: {  	_ =	swait.ge [sflag:s28], $0x4000  }
0x6a: {  	s0 =	simm.s32 $0x800;
	[sflag:s28] =	ssyncset.done $0x0  }
0x6b: {  	s10 =	simm.s32 $0x300;
	s1 =	simm.s32 $0x380;
	[sflag:s28] =	ssyncadd.s32 $0xFFFFC000  }
0x6c: {  	[tilespmem:s22], [sflag:$0x2] =	stream.indirect.gather [hbm4b:s4+s17], $0x80, s10, s17, $0xb8;
	[tilespmem:$0x1F200] =	vst v63  }
.LBB2_4:
0x6d: {  	[tilespmem:s24], [sflag:$0x2] =	stream.indirect.gather [hbm4b:s4+s17], $0x80, s1, s17, $0xb8;
	[tilespmem:$0x1F200] =	vst v63  }
0x6e: {  	s1 =	smov.u32 s0  }
0x6f: {  	p0 =	sne.s32 s0, $0x9000;
	s0 =	sadd.s32 $0x800, s0;
	_ =	swait.ge [sflag:s25], $0x4000  }
0x70: {  	[sflag:s25] =	ssyncset.done $0x0  }
0x71: {  	[sflag:s25] =	ssyncadd.s32 $0xFFFFC000  }
0x72: {  	_ =	swait.ge [sflag:s25], $0x4000  }
0x73: {  	s1 =	sshra.s32 s1, $0x2;
	[sflag:s25] =	ssyncset.done $0x0  }
0x74: {  	s3 =	sadd.s32 $0x2900, s1;
	[sflag:s25] =	ssyncadd.s32 $0xFFFFC000  }
0x75: {  	[spmem:s2] =	stream.indirect.scatter.add.f32 [tilespmem:s22], [sflag:$0x4], $0x80, s3, s17, $0xb8;
	[tilespmem:$0x1F200] =	vst v63  }
0x76: {  	s3 =	sadd.s32 $0x2980, s1  }
0x77: {  	[spmem:s2] =	stream.indirect.scatter.add.f32 [tilespmem:s24], [sflag:$0x4], $0x80, s3, s17, $0xb8;
	[tilespmem:$0x1F200] =	vst v63  }
0x78: {  	_ =	swait.ge [sflag:s26], $0x4000  }
0x79: {  	[sflag:s26] =	ssyncset.done $0x0  }
0x7a: {  	[sflag:s26] =	ssyncadd.s32 $0xFFFFC000  }
0x7b: {  	_ =	swait.ge [sflag:s26], $0x4000  }
0x7c: {  	[sflag:s26] =	ssyncset.done $0x0  }
0x7d: {  	s3 =	sadd.s32 $0x200, s1;
	[sflag:s26] =	ssyncadd.s32 $0xFFFFC000  }
0x7e: {  	[tilespmem:s16], [sflag:$0x1] =	stream.indirect.gather [hbm4b:s4+s17], $0x80, s3, s17, $0xb8;
	[tilespmem:$0x1F200] =	vst v63  }
0x7f: {  	s3 =	sadd.s32 $0x280, s1  }
0x80: {  	[tilespmem:s18], [sflag:$0x1] =	stream.indirect.gather [hbm4b:s4+s17], $0x80, s3, s17, $0xb8;
	[tilespmem:$0x1F200] =	vst v63  }
0x81: {  	_ =	swait.ge [sflag:s19], $0x4000  }
0x82: {  	[sflag:s19] =	ssyncset.done $0x0  }
0x83: {  	[sflag:s19] =	ssyncadd.s32 $0xFFFFC000  }
0x84: {  	_ =	swait.ge [sflag:s19], $0x4000  }
0x85: {  	[sflag:s19] =	ssyncset.done $0x0  }
0x86: {  	s3 =	sadd.s32 $0x2A00, s1;
	[sflag:s19] =	ssyncadd.s32 $0xFFFFC000  }
0x87: {  	[spmem:s2] =	stream.indirect.scatter.add.f32 [tilespmem:s16], [sflag:$0x3], $0x80, s3, s17, $0xb8;
	[tilespmem:$0x1F200] =	vst v63  }
0x88: {  	s3 =	sadd.s32 $0x2A80, s1  }
0x89: {  	[spmem:s2] =	stream.indirect.scatter.add.f32 [tilespmem:s18], [sflag:$0x3], $0x80, s3, s17, $0xb8;
	[tilespmem:$0x1F200] =	vst v63  }
0x8a: {  	_ =	swait.ge [sflag:s28], $0x4000  }
0x8b: {  	[sflag:s28] =	ssyncset.done $0x0  }
0x8c: {  	[sflag:s28] =	ssyncadd.s32 $0xFFFFC000  }
.Ltmp1:
0x8d: {  	_ =	swait.ge [sflag:s28], $0x4000;
	(pc) =	sbr.rel @p0 .LBB2_4-.Ltmp1, $4  }
0x8e: {  	[sflag:s28] =	ssyncset.done $0x0  }
0x8f: {  	s3 =	sadd.s32 $0x300, s1;
	[sflag:s28] =	ssyncadd.s32 $0xFFFFC000  }
0x90: {  	[tilespmem:s22], [sflag:$0x2] =	stream.indirect.gather [hbm4b:s4+s17], $0x80, s3, s17, $0xb8;
	[tilespmem:$0x1F200] =	vst v63  }
0x91: {  	s1 =	sadd.s32 $0x380, s1  }
0x92: {  	[tilespmem:s24], [sflag:$0x2] =	stream.indirect.gather [hbm4b:s4+s17], $0x80, s1, s17, $0xb8;
	[tilespmem:$0x1F200] =	vst v63  }
0x93: {  	_ =	swait.ge [sflag:s25], $0x4000  }
0x94: {  	[sflag:s25] =	ssyncset.done $0x0  }
0x95: {  	[sflag:s25] =	ssyncadd.s32 $0xFFFFC000  }
0x96: {  	_ =	swait.ge [sflag:s25], $0x4000  }
0x97: {  	[sflag:s25] =	ssyncset.done $0x0  }
0x98: {  	[sflag:s25] =	ssyncadd.s32 $0xFFFFC000  }
0x99: {  	[spmem:s2] =	stream.indirect.scatter.add.f32 [tilespmem:s22], [sflag:$0x4], $0x80, s29, s17, $0xb8;
	[tilespmem:$0x1F200] =	vst v63  }
0x9a: {  	_ = 	snop  }
0x9b: {  	[spmem:s2] =	stream.indirect.scatter.add.f32 [tilespmem:s24], [sflag:$0x4], $0x80, s30, s17, $0xb8;
	[tilespmem:$0x1F200] =	vst v63  }
0x9c: {  	_ =	swait.ge [sflag:s26], $0x4000  }
0x9d: {  	[sflag:s26] =	ssyncset.done $0x0  }
0x9e: {  	[sflag:s26] =	ssyncadd.s32 $0xFFFFC000  }
0x9f: {  	_ =	swait.ge [sflag:s26], $0x4000  }
0xa0: {  	[sflag:s26] =	ssyncset.done $0x0  }
0xa1: {  	[sflag:s26] =	ssyncadd.s32 $0xFFFFC000  }
0xa2: {  	_ =	swait.ge [sflag:s28], $0x4000  }
0xa3: {  	[sflag:s28] =	ssyncset.done $0x0  }
0xa4: {  	[sflag:s28] =	ssyncadd.s32 $0xFFFFC000  }
0xa5: {  	_ =	swait.ge [sflag:s28], $0x4000  }
0xa6: {  	[sflag:s28] =	ssyncset.done $0x0  }
0xa7: {  	s0 =	stileid.u32;
	[sflag:s28] =	ssyncadd.s32 $0xFFFFC000  }
0xa8: {  	s0 =	sshll.u32 s0, $0x6;
	[bflag:$0x0] =	sbarrier.arrive $0xFFFF  }
0xa9: {  	s1 =	sshrl.u32 s6, $0x3;
	s0 =	sor.u32 $0x1C05, s0;
	s3 =	rddreg [dreg:$0x5]  }
0xaa: {  	[hbm:s3], [sflag:s0] =	dma.local [spmem:s1], $0x1400  }
0xab: {  	_ =	swait.ge [sflag:s14], $0x1400  }
0xac: {  	[sflag:s14] =	ssyncset.done $0x0  }
0xad: {  	s10 =	simm.s32 $0x0;
	[sflag:s14] =	ssyncadd.s32 $0xFFFFEC00  }
0xae: {  	[tilespmem:s15], [sflag:$0x5] =	stream.linear.gather [hbm4b:s7+s10], $0x2800, $0x38;
	[tilespmem:$0x1F200] =	vst v63  }
0xaf: {  	_ =	swait.ge [sflag:s14], $0x2800  }
0xb0: {  	[sflag:s14] =	ssyncset.done $0x0  }
0xb1: {  	s5 =	simm.s32 $0x200;
	s3 =	simm.s32 $0x0;
	[sflag:s14] =	ssyncadd.s32 $0xFFFFD800  }
.LBB2_6:
0xb2: {  	p0 =	sne.s32 s5, $0xFE00;
	[tilespmem:s3+$0x5070] =	vst v0  }
0xb3: {  	[tilespmem:s3+$0x5000] =	vst v0  }
0xb4: {  	[tilespmem:s3+$0x5010] =	vst v0  }
.Ltmp2:
0xb5: {  	[tilespmem:s3+$0x5020] =	vst v0;
	(pc) =	sbr.rel @p0 .LBB2_6-.Ltmp2, $4  }
0xb6: {  	[tilespmem:s3+$0x5030] =	vst v0  }
0xb7: {  	[tilespmem:s3+$0x5040] =	vst v0  }
0xb8: {  	[tilespmem:s3+$0x5050] =	vst v0  }
0xb9: {  	[tilespmem:s3+$0x5060] =	vst v0;
	s3 =	sshra.s32 s5, $0x2;
	s5 =	sadd.s32 $0x200, s5  }
0xba: {  	[tilespmem:s3+$0x5070] =	vst v0  }
0xbb: {  	[tilespmem:s3+$0x5000] =	vst v0  }
0xbc: {  	[tilespmem:s3+$0x5010] =	vst v0  }
0xbd: {  	[tilespmem:s3+$0x5020] =	vst v0  }
0xbe: {  	[tilespmem:s3+$0x5030] =	vst v0  }
0xbf: {  	[tilespmem:s3+$0x5040] =	vst v0  }
0xc0: {  	[tilespmem:s3+$0x5050] =	vst v0  }
0xc1: {  	[tilespmem:s3+$0x5060] =	vst v0  }
0xc2: {  	[spmem:s6] =	stream.linear.scatter [tilespmem:s16], [sflag:$0x5], $0x4000, $0x38;
	[tilespmem:$0x1F200] =	vst v63  }
0xc3: {  	_ =	swait.ge [sflag:s14], $0x4000  }
0xc4: {  	[sflag:s14] =	ssyncset.done $0x0  }
0xc5: {  	[sflag:s14] =	ssyncadd.s32 $0xFFFFC000  }
0xc6: {  	[spmem:s8] =	stream.linear.scatter [tilespmem:s16], [sflag:$0x5], $0x4000, $0x38;
	[tilespmem:$0x1F200] =	vst v63  }
0xc7: {  	_ =	swait.ge [sflag:s14], $0x4000  }
0xc8: {  	[sflag:s14] =	ssyncset.done $0x0  }
0xc9: {  	[sflag:s14] =	ssyncadd.s32 $0xFFFFC000  }
0xca: {  	[spmem:s9] =	stream.linear.scatter [tilespmem:s16], [sflag:$0x5], $0x2000, $0x38;
	[tilespmem:$0x1F200] =	vst v63  }
0xcb: {  	_ =	swait.ge [sflag:s14], $0x2000  }
0xcc: {  	[sflag:s14] =	ssyncset.done $0x0  }
0xcd: {  	[sflag:s14] =	ssyncadd.s32 $0xFFFFE000  }
0xce: {  	s5 =	simm.s32 $0x0;
	[bflag:$0x0] =	sbarrier.arrive $0xFFFF  }
0xcf: {  	[tilespmem:s16], [sflag:$0x1] =	stream.indirect.gather [hbm4b:s11+s17], $0x80, s5, s17, $0xb8;
	[tilespmem:$0x1F200] =	vst v63  }
0xd0: {  	_ = 	snop  }
0xd1: {  	[tilespmem:s18], [sflag:$0x1] =	stream.indirect.gather [hbm4b:s11+s17], $0x80, s17, s17, $0xb8;
	[tilespmem:$0x1F200] =	vst v63  }
0xd2: {  	_ =	swait.ge [sflag:s19], $0x4000  }
0xd3: {  	[sflag:s19] =	ssyncset.done $0x0  }
0xd4: {  	[sflag:s19] =	ssyncadd.s32 $0xFFFFC000  }
0xd5: {  	_ =	swait.ge [sflag:s19], $0x4000  }
0xd6: {  	[sflag:s19] =	ssyncset.done $0x0  }
0xd7: {  	[sflag:s19] =	ssyncadd.s32 $0xFFFFC000  }
0xd8: {  	[spmem:s2] =	stream.indirect.scatter.add.f32 [tilespmem:s16], [sflag:$0x3], $0x80, s15, s17, $0xb8;
	[tilespmem:$0x1F200] =	vst v63  }
0xd9: {  	_ = 	snop  }
0xda: {  	[spmem:s2] =	stream.indirect.scatter.add.f32 [tilespmem:s18], [sflag:$0x3], $0x80, s20, s17, $0xb8;
	[tilespmem:$0x1F200] =	vst v63  }
0xdb: {  	_ = 	snop  }
0xdc: {  	[tilespmem:s22], [sflag:$0x2] =	stream.indirect.gather [hbm4b:s11+s17], $0x80, s21, s17, $0xb8;
	[tilespmem:$0x1F200] =	vst v63  }
0xdd: {  	_ = 	snop  }
0xde: {  	[tilespmem:s24], [sflag:$0x2] =	stream.indirect.gather [hbm4b:s11+s17], $0x80, s23, s17, $0xb8;
	[tilespmem:$0x1F200] =	vst v63  }
0xdf: {  	_ =	swait.ge [sflag:s25], $0x4000  }
0xe0: {  	[sflag:s25] =	ssyncset.done $0x0  }
0xe1: {  	[sflag:s25] =	ssyncadd.s32 $0xFFFFC000  }
0xe2: {  	_ =	swait.ge [sflag:s25], $0x4000  }
0xe3: {  	[sflag:s25] =	ssyncset.done $0x0  }
0xe4: {  	s10 =	simm.s32 $0x2900;
	[sflag:s25] =	ssyncadd.s32 $0xFFFFC000  }
0xe5: {  	[spmem:s2] =	stream.indirect.scatter.add.f32 [tilespmem:s22], [sflag:$0x4], $0x80, s10, s17, $0xb8;
	[tilespmem:$0x1F200] =	vst v63  }
0xe6: {  	s5 =	simm.s32 $0x2980  }
0xe7: {  	[spmem:s2] =	stream.indirect.scatter.add.f32 [tilespmem:s24], [sflag:$0x4], $0x80, s5, s17, $0xb8;
	[tilespmem:$0x1F200] =	vst v63  }
0xe8: {  	_ =	swait.ge [sflag:s26], $0x4000  }
0xe9: {  	[sflag:s26] =	ssyncset.done $0x0  }
0xea: {  	[sflag:s26] =	ssyncadd.s32 $0xFFFFC000  }
0xeb: {  	_ =	swait.ge [sflag:s26], $0x4000  }
0xec: {  	[sflag:s26] =	ssyncset.done $0x0  }
0xed: {  	s10 =	simm.s32 $0x200;
	[sflag:s26] =	ssyncadd.s32 $0xFFFFC000  }
0xee: {  	[tilespmem:s16], [sflag:$0x1] =	stream.indirect.gather [hbm4b:s11+s17], $0x80, s10, s17, $0xb8;
	[tilespmem:$0x1F200] =	vst v63  }
0xef: {  	s5 =	simm.s32 $0x280  }
0xf0: {  	[tilespmem:s18], [sflag:$0x1] =	stream.indirect.gather [hbm4b:s11+s17], $0x80, s5, s17, $0xb8;
	[tilespmem:$0x1F200] =	vst v63  }
0xf1: {  	_ =	swait.ge [sflag:s19], $0x4000  }
0xf2: {  	[sflag:s19] =	ssyncset.done $0x0  }
0xf3: {  	[sflag:s19] =	ssyncadd.s32 $0xFFFFC000  }
0xf4: {  	_ =	swait.ge [sflag:s19], $0x4000  }
0xf5: {  	[sflag:s19] =	ssyncset.done $0x0  }
0xf6: {  	s10 =	simm.s32 $0x2A00;
	[sflag:s19] =	ssyncadd.s32 $0xFFFFC000  }
0xf7: {  	[spmem:s2] =	stream.indirect.scatter.add.f32 [tilespmem:s16], [sflag:$0x3], $0x80, s10, s17, $0xb8;
	[tilespmem:$0x1F200] =	vst v63  }
0xf8: {  	s5 =	simm.s32 $0x2A80  }
0xf9: {  	[spmem:s2] =	stream.indirect.scatter.add.f32 [tilespmem:s18], [sflag:$0x3], $0x80, s5, s17, $0xb8;
	[tilespmem:$0x1F200] =	vst v63  }
0xfa: {  	_ =	swait.ge [sflag:s28], $0x4000  }
0xfb: {  	[sflag:s28] =	ssyncset.done $0x0  }
0xfc: {  	[sflag:s28] =	ssyncadd.s32 $0xFFFFC000  }
0xfd: {  	_ =	swait.ge [sflag:s28], $0x4000  }
0xfe: {  	s3 =	simm.s32 $0x800;
	[sflag:s28] =	ssyncset.done $0x0  }
0xff: {  	s10 =	simm.s32 $0x300;
	s5 =	simm.s32 $0x380;
	[sflag:s28] =	ssyncadd.s32 $0xFFFFC000  }
0x100: {  	[tilespmem:s22], [sflag:$0x2] =	stream.indirect.gather [hbm4b:s11+s17], $0x80, s10, s17, $0xb8;
	[tilespmem:$0x1F200] =	vst v63  }
.LBB2_8:
0x101: {  	[tilespmem:s24], [sflag:$0x2] =	stream.indirect.gather [hbm4b:s11+s17], $0x80, s5, s17, $0xb8;
	[tilespmem:$0x1F200] =	vst v63  }
0x102: {  	s5 =	smov.u32 s3  }
0x103: {  	p0 =	sne.s32 s3, $0x9000;
	s3 =	sadd.s32 $0x800, s3;
	_ =	swait.ge [sflag:s25], $0x4000  }
0x104: {  	[sflag:s25] =	ssyncset.done $0x0  }
0x105: {  	[sflag:s25] =	ssyncadd.s32 $0xFFFFC000  }
0x106: {  	_ =	swait.ge [sflag:s25], $0x4000  }
0x107: {  	s5 =	sshra.s32 s5, $0x2;
	[sflag:s25] =	ssyncset.done $0x0  }
0x108: {  	s10 =	sadd.s32 $0x2900, s5;
	[sflag:s25] =	ssyncadd.s32 $0xFFFFC000  }
0x109: {  	[spmem:s2] =	stream.indirect.scatter.add.f32 [tilespmem:s22], [sflag:$0x4], $0x80, s10, s17, $0xb8;
	[tilespmem:$0x1F200] =	vst v63  }
0x10a: {  	s10 =	sadd.s32 $0x2980, s5  }
0x10b: {  	[spmem:s2] =	stream.indirect.scatter.add.f32 [tilespmem:s24], [sflag:$0x4], $0x80, s10, s17, $0xb8;
	[tilespmem:$0x1F200] =	vst v63  }
0x10c: {  	_ =	swait.ge [sflag:s26], $0x4000  }
0x10d: {  	[sflag:s26] =	ssyncset.done $0x0  }
0x10e: {  	[sflag:s26] =	ssyncadd.s32 $0xFFFFC000  }
0x10f: {  	_ =	swait.ge [sflag:s26], $0x4000  }
0x110: {  	[sflag:s26] =	ssyncset.done $0x0  }
0x111: {  	s10 =	sadd.s32 $0x200, s5;
	[sflag:s26] =	ssyncadd.s32 $0xFFFFC000  }
0x112: {  	[tilespmem:s16], [sflag:$0x1] =	stream.indirect.gather [hbm4b:s11+s17], $0x80, s10, s17, $0xb8;
	[tilespmem:$0x1F200] =	vst v63  }
0x113: {  	s10 =	sadd.s32 $0x280, s5  }
0x114: {  	[tilespmem:s18], [sflag:$0x1] =	stream.indirect.gather [hbm4b:s11+s17], $0x80, s10, s17, $0xb8;
	[tilespmem:$0x1F200] =	vst v63  }
0x115: {  	_ =	swait.ge [sflag:s19], $0x4000  }
0x116: {  	[sflag:s19] =	ssyncset.done $0x0  }
0x117: {  	[sflag:s19] =	ssyncadd.s32 $0xFFFFC000  }
0x118: {  	_ =	swait.ge [sflag:s19], $0x4000  }
0x119: {  	[sflag:s19] =	ssyncset.done $0x0  }
0x11a: {  	s10 =	sadd.s32 $0x2A00, s5;
	[sflag:s19] =	ssyncadd.s32 $0xFFFFC000  }
0x11b: {  	[spmem:s2] =	stream.indirect.scatter.add.f32 [tilespmem:s16], [sflag:$0x3], $0x80, s10, s17, $0xb8;
	[tilespmem:$0x1F200] =	vst v63  }
0x11c: {  	s10 =	sadd.s32 $0x2A80, s5  }
0x11d: {  	[spmem:s2] =	stream.indirect.scatter.add.f32 [tilespmem:s18], [sflag:$0x3], $0x80, s10, s17, $0xb8;
	[tilespmem:$0x1F200] =	vst v63  }
0x11e: {  	_ =	swait.ge [sflag:s28], $0x4000  }
0x11f: {  	[sflag:s28] =	ssyncset.done $0x0  }
0x120: {  	[sflag:s28] =	ssyncadd.s32 $0xFFFFC000  }
.Ltmp3:
0x121: {  	_ =	swait.ge [sflag:s28], $0x4000;
	(pc) =	sbr.rel @p0 .LBB2_8-.Ltmp3, $4  }
0x122: {  	[sflag:s28] =	ssyncset.done $0x0  }
0x123: {  	s10 =	sadd.s32 $0x300, s5;
	[sflag:s28] =	ssyncadd.s32 $0xFFFFC000  }
0x124: {  	[tilespmem:s22], [sflag:$0x2] =	stream.indirect.gather [hbm4b:s11+s17], $0x80, s10, s17, $0xb8;
	[tilespmem:$0x1F200] =	vst v63  }
0x125: {  	s5 =	sadd.s32 $0x380, s5  }
0x126: {  	[tilespmem:s24], [sflag:$0x2] =	stream.indirect.gather [hbm4b:s11+s17], $0x80, s5, s17, $0xb8;
	[tilespmem:$0x1F200] =	vst v63  }
0x127: {  	_ =	swait.ge [sflag:s25], $0x4000  }
0x128: {  	[sflag:s25] =	ssyncset.done $0x0  }
0x129: {  	[sflag:s25] =	ssyncadd.s32 $0xFFFFC000  }
0x12a: {  	_ =	swait.ge [sflag:s25], $0x4000  }
0x12b: {  	[sflag:s25] =	ssyncset.done $0x0  }
0x12c: {  	[sflag:s25] =	ssyncadd.s32 $0xFFFFC000  }
0x12d: {  	[spmem:s2] =	stream.indirect.scatter.add.f32 [tilespmem:s22], [sflag:$0x4], $0x80, s29, s17, $0xb8;
	[tilespmem:$0x1F200] =	vst v63  }
0x12e: {  	_ = 	snop  }
0x12f: {  	[spmem:s2] =	stream.indirect.scatter.add.f32 [tilespmem:s24], [sflag:$0x4], $0x80, s30, s17, $0xb8;
	[tilespmem:$0x1F200] =	vst v63  }
0x130: {  	_ =	swait.ge [sflag:s26], $0x4000  }
0x131: {  	[sflag:s26] =	ssyncset.done $0x0  }
0x132: {  	[sflag:s26] =	ssyncadd.s32 $0xFFFFC000  }
0x133: {  	_ =	swait.ge [sflag:s26], $0x4000  }
0x134: {  	[sflag:s26] =	ssyncset.done $0x0  }
0x135: {  	[sflag:s26] =	ssyncadd.s32 $0xFFFFC000  }
0x136: {  	_ =	swait.ge [sflag:s28], $0x4000  }
0x137: {  	[sflag:s28] =	ssyncset.done $0x0  }
0x138: {  	[sflag:s28] =	ssyncadd.s32 $0xFFFFC000  }
0x139: {  	_ =	swait.ge [sflag:s28], $0x4000  }
0x13a: {  	s31 =	sadd.s32 $0x1, s31;
	[sflag:s28] =	ssyncset.done $0x0  }
0x13b: {  	p0 =	sne.s32 s31, s13;
	[sflag:s28] =	ssyncadd.s32 $0xFFFFC000  }
.Ltmp4:
0x13c: {  	[bflag:$0x0] =	sbarrier.arrive $0xFFFF;
	(pc) =	sbr.rel @p0 .LBB2_1-.Ltmp4, $4  }
0x13d: {  	[hbm:s12], [sflag:s0] =	dma.local [spmem:s1], $0x1400  }
0x13e: {  	_ =	swait.ge [sflag:s14], $0x1400  }
0x13f: {  	[sflag:s14] =	ssyncset.done $0x0  }
0x140: {  	[sflag:s14] =	ssyncadd.s32 $0xFFFFEC00  }
0x141: {  	_ =	sfence.sel $0x180000  }
0x142: {  	[bflag:$0x0] =	sbarrier.arrive $0xFFFF  }
0x143: {  	_ =	strace $0x9000004D  }
0x144: {  	s0 =	stileid.u32;
	[bflag:$0x2] =	sbarrier.arrive $0xFFFF  }
0x145: {  	p0 =	sne.s32 s0, $0x0;
	s0 =	rddreg [dreg:$0x3]  }
0x146: {  	s0 =	sadd.s32 @!p0 $0x100000, s0  }
0x147: {  	[sflag:s0] =	ssyncadd.tile.s32 @!p0 $0x1;
	_ =	shalt  }
.Lfunc_end2:
_tile_overlayer_lowered:
.L_overlay_start_2:
0x148: {  	(tag) =	ssettag $0x2  }
0x149: {  	s0 =	rddreg [dreg:$0x0];
	s2 =	stileid.u32  }
0x14a: {  	s1 =	rddreg [dreg:$0x1];
	p0 =	sne.s32 s2, $0x0  }
0x14b: {  	s3 =	rddreg [dreg:$0x2];
	[bflag:$0x3] =	sbarrier.arrive $0xFFFF;
	s2 =	simm.s32 @!p0 $0x1C05  }
0x14c: {  	[timem:s3], [sflag:s2] =	dma.local @!p0 [hbm:s0], s1  }
0x14d: {  	s0 =	simm.s32 @!p0 $0x5  }
0x14e: {  	_ =	swait.ge @!p0 [sflag:s0], s1  }
0x14f: {  	s1 =	ssub.s32 @!p0 $0x0, s1;
	[sflag:s0] =	ssyncset.done @!p0 $0x0  }
0x150: {  	[sflag:s0] =	ssyncadd.s32 @!p0 s1  }
0x151: {  	[bflag:$0x3] =	sbarrier.arrive $0xFFFF  }
0x152: {  	_ =	shalt  }

// kernel: kernel.19.cloned.1.call-start
scs
__scs_entry_jumppad:
0x0: {  	(pc) =	sbr.rel $0x88, $3  }
0x1: {  	(tag) =	ssettag $0x0;
	lr =	simm.s32 $0x1  }
0x2: {  	[smem:$0x3F99] =	sst lr;
	_ =	strace $0xD0000000  }
0x3: {  	_ = 	snop  }
0x4: {  	_ = 	snop  }
0x5: {  	_ = 	snop  }
0x6: {  	_ = 	snop  }
0x7: {  	_ = 	snop  }
__scs_overlays_trampoline_lowered:
0x8: {  	[smem:$0x3FA8] =	sst s0  }
0x9: {  	[smem:$0x3FA9] =	sst s1  }
0xa: {  	[smem:$0x3FAA] =	sst s2  }
0xb: {  	[smem:$0x3FAB] =	sst s3  }
0xc: {  	[smem:$0x3FAC] =	sst s4  }
0xd: {  	[smem:$0x3FAD] =	sst s5  }
0xe: {  	[smem:$0x3FAE] =	sst s6  }
0xf: {  	[smem:$0x3FAF] =	sst s7  }
0x10: {  	[smem:$0x3FB0] =	sst s8  }
0x11: {  	[smem:$0x3FB1] =	sst s9;
	s0 =	simm.s32 @!p0 $0x0  }
0x12: {  	s1 =	sld [smem:$0x3F97];
	s0 =	simm.s32 @p0 $0x1  }
0x13: {  	[smem:$0x3FB2] =	sst s0;
	s0 =	simm.s32 @!p1 $0x0  }
0x14: {  	s2 =	sld [smem:$0x3F96];
	s0 =	simm.s32 @p1 $0x1  }
0x15: {  	[smem:$0x3FB3] =	sst s0;
	s0 =	simm.s32 @!p2 $0x0  }
0x16: {  	s3 =	sld [smem:$0x3FDB];
	s0 =	simm.s32 @p2 $0x1  }
0x17: {  	s4 =	simm.s32 $0x1BF5;
	[smem:$0x3FB5] =	sst s0  }
0x18: {  	s0 =	sld [smem:$0x3F98];
	_ =	swait.ge [sflag:s4], $0x0  }
0x19: {  	s7 =	sld [smem:$0x3F99]  }
0x1a: {  	s8 =	sadd.s32 $0xFFFFE003, lr  }
0x1b: {  	s9 =	sadd.s32 $0xFFFFFEF7, lr;
	s5 =	simm.s32 $0xFFFFFFFF;
	p2 =	slt.u32 s8, $0xFFFFF086  }
0x1c: {  	p1 =	slt.u32 s9, $0xF7A;
	s5 =	simm.s32 @!p2 $0x0  }
0x1d: {  	s5 =	simm.s32 @p1 $0x1;
	p0 =	seq.s32 s7, s2  }
0x1e: {  	s7 =	smul.u32 @!p0 $0xF7A, s2;
	p2 =	seq.s32 @!p0 s5, $0x0  }
0x1f: {  	s9 =	smul.u32 $0xF7A, s1;
	s8 =	simm.s32 @!p0 $0x1BF5;
	p2 =	por !p2, p0  }
0x20: {  	[sflag:s8] =	ssyncset.s32 @!p0 $0xFFFFF086;
	s6 =	sadd.s32 @!p0 s3, s7;
	s7 =	simm.s32 @!p0 $0x108  }
0x21: {  	s3 =	sadd.s32 s3, s9;
	s6 =	sadd.s32 @!p0 $0x88, s6;
	s7 =	simm.s32 @p2 $0x1082  }
0x22: {  	[simem:s7], [sflag:s8] =	dma.local @!p0 [hbm:s6], $0xF7A  }
0x23: {  	s9 =	sor.u32 $0xD0000000, s2;
	s6 =	simm.s32 $0x108;
	_ =	swait.ge @!p0 [sflag:s8], $0x0  }
0x24: {  	s3 =	sadd.s32 $0x88, s3;
	s6 =	simm.s32 @!p1 $0x1082;
	[sflag:s4] =	ssyncset.s32 $0xFFFFF086  }
0x25: {  	[simem:s6], [sflag:s4] =	dma.local [hbm:s3], $0xF7A  }
0x26: {  	[smem:$0x3F99] =	sst s1;
	(tag) =	ssettag s2;
	_ =	strace s9  }
0x27: {  	s1 =	sld [smem:$0x3FA9]  }
0x28: {  	s2 =	sld [smem:$0x3FAA]  }
0x29: {  	s4 =	sld [smem:$0x3FAC]  }
0x2a: {  	p0 =	seq.s32 s5, $0x0;
	s5 =	sld [smem:$0x3FAD]  }
0x2b: {  	s6 =	sld [smem:$0x3FAE]  }
0x2c: {  	s7 =	sld [smem:$0x3FAF]  }
0x2d: {  	s3 =	simm.s32 $0x108;
	s8 =	sld [smem:$0x3FB0]  }
0x2e: {  	s3 =	simm.s32 @!p0 $0x1082;
	s9 =	sld [smem:$0x3FB1]  }
0x2f: {  	lr =	sadd.s32 s0, s3;
	s0 =	sld [smem:$0x3FA8]  }
0x30: {  	s3 =	sld [smem:$0x3FAB]  }
0x31: {  	[smem:$0x3FB4] =	sst s10  }
0x32: {  	s10 =	sld [smem:$0x3FB2];
	_ =	sdelay $0x3  }
0x33: {  	p0 =	seq.s32 s10, $0x1;
	s10 =	sld [smem:$0x3FB4];
	_ =	sdelay $0x3  }
0x34: {  	[smem:$0x3FB4] =	sst s10  }
0x35: {  	s10 =	sld [smem:$0x3FB3];
	_ =	sdelay $0x3  }
0x36: {  	p1 =	seq.s32 s10, $0x1;
	s10 =	sld [smem:$0x3FB4];
	_ =	sdelay $0x3  }
0x37: {  	[smem:$0x3FB4] =	sst s10  }
0x38: {  	s10 =	sld [smem:$0x3FB5]  }
0x39: {  	_ = 	snop;
	(pc) =	sbr.ind lr, $3  }
0x3a: {  	_ = 	snop  }
0x3b: {  	_ = 	snop  }
0x3c: {  	p2 =	seq.s32 s10, $0x1;
	s10 =	sld [smem:$0x3FB4]  }
0x3d: {  	_ =	shalt  }
0x3e: {  	_ =	shalt  }
0x3f: {  	_ =	shalt  }
0x40: {  	_ =	shalt  }
0x41: {  	_ =	shalt  }
0x42: {  	_ =	shalt  }
0x43: {  	_ =	shalt  }
0x44: {  	_ =	shalt  }
0x45: {  	_ =	shalt  }
0x46: {  	_ =	shalt  }
0x47: {  	_ =	shalt  }
0x48: {  	_ =	shalt  }
0x49: {  	_ =	shalt  }
0x4a: {  	_ =	shalt  }
0x4b: {  	_ =	shalt  }
0x4c: {  	_ =	shalt  }
0x4d: {  	_ =	shalt  }
0x4e: {  	_ =	shalt  }
0x4f: {  	_ =	shalt  }
0x50: {  	_ =	shalt  }
0x51: {  	_ =	shalt  }
0x52: {  	_ =	shalt  }
0x53: {  	_ =	shalt  }
0x54: {  	_ =	shalt  }
0x55: {  	_ =	shalt  }
0x56: {  	_ =	shalt  }
0x57: {  	_ =	shalt  }
0x58: {  	_ =	shalt  }
0x59: {  	_ =	shalt  }
0x5a: {  	_ =	shalt  }
0x5b: {  	_ =	shalt  }
0x5c: {  	_ =	shalt  }
0x5d: {  	_ =	shalt  }
0x5e: {  	_ =	shalt  }
0x5f: {  	_ =	shalt  }
0x60: {  	_ =	shalt  }
0x61: {  	_ =	shalt  }
0x62: {  	_ =	shalt  }
0x63: {  	_ =	shalt  }
0x64: {  	_ =	shalt  }
0x65: {  	_ =	shalt  }
0x66: {  	_ =	shalt  }
0x67: {  	_ =	shalt  }
0x68: {  	_ =	shalt  }
0x69: {  	_ =	shalt  }
0x6a: {  	_ =	shalt  }
0x6b: {  	_ =	shalt  }
0x6c: {  	_ =	shalt  }
0x6d: {  	_ =	shalt  }
0x6e: {  	_ =	shalt  }
0x6f: {  	_ =	shalt  }
0x70: {  	_ =	shalt  }
0x71: {  	_ =	shalt  }
0x72: {  	_ =	shalt  }
0x73: {  	_ =	shalt  }
0x74: {  	_ =	shalt  }
0x75: {  	_ =	shalt  }
0x76: {  	_ =	shalt  }
0x77: {  	_ =	shalt  }
0x78: {  	_ =	shalt  }
0x79: {  	_ =	shalt  }
0x7a: {  	_ =	shalt  }
0x7b: {  	_ =	shalt  }
0x7c: {  	_ =	shalt  }
0x7d: {  	_ =	shalt  }
0x7e: {  	_ =	shalt  }
0x7f: {  	_ =	shalt  }
0x80: {  	_ =	shalt  }
0x81: {  	_ =	shalt  }
0x82: {  	_ =	shalt  }
0x83: {  	_ =	shalt  }
0x84: {  	_ =	shalt  }
0x85: {  	_ =	shalt  }
0x86: {  	_ =	shalt  }
0x87: {  	_ =	shalt  }
.Lfunc_end0:
.L_simem_size_0:
called_computation.3_lowered:
.L_overlay_start_0:
0x88: {  	s2 =	sld [smem:$0x3FD9]  }
0x89: {  	s3 =	sld [smem:$0x3FFE];
	_ =	sdelay $0x1  }
0x8a: {  	s1 =	srdreg.scid  }
0x8b: {  	s0 =	sand.u32 $0x1, s1  }
0x8c: {  	s17 =	sshll.u32 s0, $0xA;
	s2 =	sadd.s32 s3, s2  }
0x8d: {  	s2 =	sadd.s32 s2, s17  }
0x8e: {  	[smem:$0x3FC0] =	sst s2  }
0x8f: {  	_ = 	snop  }
0x90: {  	s2 =	sld [smem:$0x3FD0];
	(tm) =	ssettm $0x1  }
0x91: {  	s18 =	sld [smem:$0x3FFB];
	_ =	sdelay $0x3  }
0x92: {  	_ =	strace s18  }
0x93: {  	s3 =	sld [smem:$0x3FFC];
	_ =	sdelay $0x3  }
0x94: {  	_ =	strace s3  }
0x95: {  	s3 =	sld [smem:$0x3FFD];
	_ =	sdelay $0x3  }
0x96: {  	_ =	strace s3  }
0x97: {  	_ =	strace $0x8FFFFFFF  }
0x98: {  	s19 =	sld [smem:$0x3FDB];
	_ =	sdelay $0x1  }
0x99: {  	s4 =	simm.s32 $_scs_section_size  }
0x9a: {  	s5 =	simm.s32 $_size__tile_overlayer_lowered;
	s6 =	simm.s32 $_tile_overlayer_lowered  }
0x9b: {  	s22 =	simm.s32 $0x1BFF;
	s21 =	sshll.u32 s6, $0x1;
	s3 =	sadd.s32 s4, s19  }
0x9c: {  	s7 =	simm.s32 $0x0;
	s20 =	sshll.u32 s5, $0x1;
	s5 =	sadd.s32 s21, s3  }
0x9d: {  	[timem:s7], [sflag:s22] =	dma.local [hbm:s5], s20  }
0x9e: {  	_ =	swait.ge [sflag:s22], s20  }
0x9f: {  	s4 =	ssub.s32 $0x0, s20;
	[sflag:s22] =	ssyncset.done $0x0  }
0xa0: {  	[sflag:s22] =	ssyncadd.s32 s4;
	_ =	sdelay $0x1  }
0xa1: {  	s23 =	simm.s32 $0x1B8B  }
0xa2: {  	_ =	swait.ge [sflag:s23], $0x1  }
0xa3: {  	[sflag:s23] =	ssyncset.done $0x0  }
0xa4: {  	s25 =	simm.s32 $0x1B8E;
	s24 =	sld [smem:$0x3FFE];
	[sflag:s23] =	ssyncadd.s32 $0xFFFFFFFF  }
0xa5: {  	s26 =	simm.s32 $execute0_lowered;
	[smem:$0x3FD2] =	sst s25  }
0xa6: {  	s5 =	sshll.u32 s26, $0x1;
	_ =	strace $0x8000004F;
	[dreg:$0x1] =	wrdreg $0xFFFFFFFF  }
0xa7: {  	s28 =	simm.s32 $_size_execute0_lowered;
	s3 =	sadd.s32 s3, s5;
	[dreg:$0x0] =	wrdreg $0x0  }
0xa8: {  	s5 =	sshll.u32 s28, $0x1;
	[dreg:$0x2] =	wrdreg s3  }
0xa9: {  	[dreg:$0x3] =	wrdreg s5  }
0xaa: {  	[dreg:$0x4] =	wrdreg $0xC0  }
0xab: {  	_ =	task [dreg:s7], $0x5FFFF  }
0xac: {  	[dreg:$0x1] =	wrdreg $0xFFFFFFFF  }
0xad: {  	[dreg:$0x0] =	wrdreg $0x60  }
0xae: {  	[dreg:$0x2] =	wrdreg s24  }
0xaf: {  	[dreg:$0x3] =	wrdreg s2  }
0xb0: {  	[dreg:$0x4] =	wrdreg $0x150000  }
0xb1: {  	[dreg:$0x5] =	wrdreg $0x9  }
0xb2: {  	_ =	task.clear_ibuf [dreg:s7], $0x6FFFF;
	_ =	strace $0x9000004F  }
0xb3: {  	s29 =	simm.s32 $0x9;
	_ =	strace $0x80000051  }
0xb4: {  	_ =	swait.ge [sflag:s29], $0x1  }
0xb5: {  	[sflag:s29] =	ssyncadd.s32 $0xFFFFFFFF  }
0xb6: {  	_ =	strace $0x90000051  }
0xb7: {  	_ =	sfence  }
0xb8: {  	s30 =	sld [smem:$0x0];
	_ =	sdelay $0x2  }
0xb9: {  	s31 =	sshll.u32 s1, $0xD;
	s1 =	sshrl.u32 s1, $0x2  }
0xba: {  	s3 =	sand.u32 $0x4000, s31;
	s1 =	sadd.s32 s1, s30  }
0xbb: {  	s0 =	sor.u32 s3, s0;
	s1 =	sshll.u32 s1, $0x11  }
0xbc: {  	s0 =	sor.u32 s1, s0  }
0xbd: {  	s0 =	sadd.s32 $0x8F2B, s0  }
0xbe: {  	[sflag:s0] =	ssyncadd.remote.s32 $0x1  }
0xbf: {  	_ =	sfence.sel $0xFFFF  }
0xc0: {  	[dreg:$0x0] =	wrdreg $0xFFFFFFFF;
	(pc) =	sbr.abs _section_cstart, $3  }
0xc1: {  	[dreg:$0x1] =	wrdreg $0xFFFFFFFF  }
0xc2: {  	_ =	task.clear_ibuf [dreg:s7], $0x2FFFF;
	_ =	strace $0x9FFFFFFF  }
0xc3: {  	(tm) =	ssettm $0x7FFFFFFF  }
tec
execute0_lowered:
.L_overlay_start_1:
0x0: {  	(tag) =	ssettag $0x1  }
0x1: {  	s5 =	rddreg [dreg:$0x0]  }
0x2: {  	s6 =	rddreg [dreg:$0x1]  }
0x3: {  	s2 =	rddreg [dreg:$0x2];
	s1 =	stileid.u32  }
0x4: {  	s3 =	simm.s32 $0x0;
	s4 =	srdreg.scid;
	s14 =	simm.s32 $0x5000  }
0x5: {  	s15 =	simm.s32 $0x80;
	s16 =	simm.s32 $0x9000;
	s17 =	simm.s32 $0x1  }
0x6: {  	s18 =	simm.s32 $0x2880;
	s19 =	simm.s32 $0x100;
	s20 =	simm.s32 $0xD000  }
0x7: {  	s21 =	simm.s32 $0x180;
	s22 =	simm.s32 $0x11000;
	s7 =	smul.u32 $0x2800, s1  }
0x8: {  	s23 =	simm.s32 $0x2;
	s24 =	simm.s32 $0x3;
	s9 =	smul.u32 $0x1400, s1  }
0x9: {  	s28 =	simm.s32 $0x4F80;
	s8 =	sand.u32 $0x1, s4;
	s25 =	smul.u32 $0x28000, s1  }
0xa: {  	s29 =	simm.s32 $0x0;
	[smem:$0x7FF] =	sst s3;
	s11 =	smul.u32 $0x14000, s8  }
0xb: {  	s4 =	sadd.s32 $0xDC00, s5;
	s12 =	smul.u32 $0x28000, s8;
	s8 =	ssub.s32 $0x2, s8  }
0xc: {  	_ =	strace $0x80000050;
	s10 =	sshrl.u32 s7, $0x3;
	s26 =	sshrl.u32 s8, $0x1  }
0xd: {  	s31 =	sshrl.u32 s25, $0x2;
	s25 =	simm.s32 $0x4;
	s10 =	sadd.s32 s10, s5  }
0xe: {  	s9 =	sadd.s32 s9, s11;
	s7 =	sadd.s32 s7, s12;
	s30 =	ssub.s32 s8, s26  }
0xf: {  	s12 =	simm.s32 $0x5;
	s26 =	simm.s32 $0x4F00;
	s13 =	sadd.s32 s9, s5  }
0x10: {  	s7 =	sshrl.u32 s7, $0x3;
	s5 =	sadd.s32 $0x8C00, s10;
	s11 =	smax.u32 s30, $0x1  }
0x11: {  	s6 =	sadd.s32 s6, s7;
	s7 =	sadd.s32 s31, s2;
	s10 =	sadd.s32 $0x35C00, s13  }
0x12: {  	v0 =	vimm.f32 $0.0e+00;
	s13 =	simm.s32 $0x2800;
	s8 =	sadd.s32 $0x4000, s7;
	s9 =	sadd.s32 $0x8000, s7  }
.LBB2_1:
0x13: {  	[tilespmem:s3], [sflag:$0x5] =	stream.linear.gather [hbm4b:s5+s3], $0x2800, $0x38;
	[tilespmem:$0x1F200] =	vst v63  }
0x14: {  	_ =	swait.ge [sflag:s12], $0x2800  }
0x15: {  	[sflag:s12] =	ssyncset.done $0x0  }
0x16: {  	[sflag:s12] =	ssyncadd.s32 $0xFFFFD800  }
0x17: {  	[tilespmem:s13], [sflag:$0x5] =	stream.linear.gather [hbm4b:s6+s3], $0x2800, $0x38;
	[tilespmem:$0x1F200] =	vst v63  }
0x18: {  	_ =	swait.ge [sflag:s12], $0x2800  }
0x19: {  	[sflag:s12] =	ssyncset.done $0x0  }
0x1a: {  	s30 =	simm.s32 $0x0;
	s31 =	simm.s32 $0x200;
	[sflag:s12] =	ssyncadd.s32 $0xFFFFD800  }
.LBB2_2:
0x1b: {  	p0 =	sne.s32 s31, $0xFE00;
	[tilespmem:s30+$0x5070] =	vst v0  }
0x1c: {  	[tilespmem:s30+$0x5000] =	vst v0  }
0x1d: {  	[tilespmem:s30+$0x5010] =	vst v0  }
.Ltmp0:
0x1e: {  	[tilespmem:s30+$0x5020] =	vst v0;
	(pc) =	sbr.rel @p0 .LBB2_2-.Ltmp0, $4  }
0x1f: {  	[tilespmem:s30+$0x5030] =	vst v0  }
0x20: {  	[tilespmem:s30+$0x5040] =	vst v0  }
0x21: {  	[tilespmem:s30+$0x5050] =	vst v0  }
0x22: {  	[tilespmem:s30+$0x5060] =	vst v0;
	s30 =	sshra.s32 s31, $0x2;
	s31 =	sadd.s32 $0x200, s31  }
0x23: {  	[tilespmem:s30+$0x5070] =	vst v0  }
0x24: {  	[tilespmem:s30+$0x5000] =	vst v0  }
0x25: {  	[tilespmem:s30+$0x5010] =	vst v0  }
0x26: {  	[tilespmem:s30+$0x5020] =	vst v0  }
0x27: {  	[tilespmem:s30+$0x5030] =	vst v0  }
0x28: {  	[tilespmem:s30+$0x5040] =	vst v0  }
0x29: {  	[tilespmem:s30+$0x5050] =	vst v0  }
0x2a: {  	[tilespmem:s30+$0x5060] =	vst v0  }
0x2b: {  	[spmem:s7] =	stream.linear.scatter [tilespmem:s14], [sflag:$0x5], $0x4000, $0x38;
	[tilespmem:$0x1F200] =	vst v63  }
0x2c: {  	_ =	swait.ge [sflag:s12], $0x4000  }
0x2d: {  	[sflag:s12] =	ssyncset.done $0x0  }
0x2e: {  	[sflag:s12] =	ssyncadd.s32 $0xFFFFC000  }
0x2f: {  	[spmem:s8] =	stream.linear.scatter [tilespmem:s14], [sflag:$0x5], $0x4000, $0x38;
	[tilespmem:$0x1F200] =	vst v63  }
0x30: {  	_ =	swait.ge [sflag:s12], $0x4000  }
0x31: {  	[sflag:s12] =	ssyncset.done $0x0  }
0x32: {  	[sflag:s12] =	ssyncadd.s32 $0xFFFFC000  }
0x33: {  	[spmem:s9] =	stream.linear.scatter [tilespmem:s14], [sflag:$0x5], $0x2000, $0x38;
	[tilespmem:$0x1F200] =	vst v63  }
0x34: {  	_ =	swait.ge [sflag:s12], $0x2000  }
0x35: {  	[sflag:s12] =	ssyncset.done $0x0  }
0x36: {  	[sflag:s12] =	ssyncadd.s32 $0xFFFFE000  }
0x37: {  	s30 =	simm.s32 $0x0;
	[bflag:$0x0] =	sbarrier.arrive $0xFFFF  }
0x38: {  	[tilespmem:s14], [sflag:$0x1] =	stream.indirect.gather [hbm4b:s4+s15], $0x80, s30, s15, $0xb8;
	[tilespmem:$0x1F200] =	vst v63  }
0x39: {  	_ = 	snop  }
0x3a: {  	[tilespmem:s16], [sflag:$0x1] =	stream.indirect.gather [hbm4b:s4+s15], $0x80, s15, s15, $0xb8;
	[tilespmem:$0x1F200] =	vst v63  }
0x3b: {  	_ =	swait.ge [sflag:s17], $0x4000  }
0x3c: {  	[sflag:s17] =	ssyncset.done $0x0  }
0x3d: {  	[sflag:s17] =	ssyncadd.s32 $0xFFFFC000  }
0x3e: {  	_ =	swait.ge [sflag:s17], $0x4000  }
0x3f: {  	[sflag:s17] =	ssyncset.done $0x0  }
0x40: {  	[sflag:s17] =	ssyncadd.s32 $0xFFFFC000  }
0x41: {  	[spmem:s2] =	stream.indirect.scatter.add.f32 [tilespmem:s14], [sflag:$0x3], $0x80, s13, s15, $0xb8;
	[tilespmem:$0x1F200] =	vst v63  }
0x42: {  	_ = 	snop  }
0x43: {  	[spmem:s2] =	stream.indirect.scatter.add.f32 [tilespmem:s16], [sflag:$0x3], $0x80, s18, s15, $0xb8;
	[tilespmem:$0x1F200] =	vst v63  }
0x44: {  	_ = 	snop  }
0x45: {  	[tilespmem:s20], [sflag:$0x2] =	stream.indirect.gather [hbm4b:s4+s15], $0x80, s19, s15, $0xb8;
	[tilespmem:$0x1F200] =	vst v63  }
0x46: {  	_ = 	snop  }
0x47: {  	[tilespmem:s22], [sflag:$0x2] =	stream.indirect.gather [hbm4b:s4+s15], $0x80, s21, s15, $0xb8;
	[tilespmem:$0x1F200] =	vst v63  }
0x48: {  	_ =	swait.ge [sflag:s23], $0x4000  }
0x49: {  	[sflag:s23] =	ssyncset.done $0x0  }
0x4a: {  	[sflag:s23] =	ssyncadd.s32 $0xFFFFC000  }
0x4b: {  	_ =	swait.ge [sflag:s23], $0x4000  }
0x4c: {  	[sflag:s23] =	ssyncset.done $0x0  }
0x4d: {  	s30 =	simm.s32 $0x2900;
	[sflag:s23] =	ssyncadd.s32 $0xFFFFC000  }
0x4e: {  	[spmem:s2] =	stream.indirect.scatter.add.f32 [tilespmem:s20], [sflag:$0x4], $0x80, s30, s15, $0xb8;
	[tilespmem:$0x1F200] =	vst v63  }
0x4f: {  	s30 =	simm.s32 $0x2980  }
0x50: {  	[spmem:s2] =	stream.indirect.scatter.add.f32 [tilespmem:s22], [sflag:$0x4], $0x80, s30, s15, $0xb8;
	[tilespmem:$0x1F200] =	vst v63  }
0x51: {  	_ =	swait.ge [sflag:s24], $0x4000  }
0x52: {  	[sflag:s24] =	ssyncset.done $0x0  }
0x53: {  	[sflag:s24] =	ssyncadd.s32 $0xFFFFC000  }
0x54: {  	_ =	swait.ge [sflag:s24], $0x4000  }
0x55: {  	[sflag:s24] =	ssyncset.done $0x0  }
0x56: {  	s30 =	simm.s32 $0x200;
	[sflag:s24] =	ssyncadd.s32 $0xFFFFC000  }
0x57: {  	[tilespmem:s14], [sflag:$0x1] =	stream.indirect.gather [hbm4b:s4+s15], $0x80, s30, s15, $0xb8;
	[tilespmem:$0x1F200] =	vst v63  }
0x58: {  	s30 =	simm.s32 $0x280  }
0x59: {  	[tilespmem:s16], [sflag:$0x1] =	stream.indirect.gather [hbm4b:s4+s15], $0x80, s30, s15, $0xb8;
	[tilespmem:$0x1F200] =	vst v63  }
0x5a: {  	_ =	swait.ge [sflag:s17], $0x4000  }
0x5b: {  	[sflag:s17] =	ssyncset.done $0x0  }
0x5c: {  	[sflag:s17] =	ssyncadd.s32 $0xFFFFC000  }
0x5d: {  	_ =	swait.ge [sflag:s17], $0x4000  }
0x5e: {  	[sflag:s17] =	ssyncset.done $0x0  }
0x5f: {  	s30 =	simm.s32 $0x2A00;
	[sflag:s17] =	ssyncadd.s32 $0xFFFFC000  }
0x60: {  	[spmem:s2] =	stream.indirect.scatter.add.f32 [tilespmem:s14], [sflag:$0x3], $0x80, s30, s15, $0xb8;
	[tilespmem:$0x1F200] =	vst v63  }
0x61: {  	s30 =	simm.s32 $0x2A80  }
0x62: {  	[spmem:s2] =	stream.indirect.scatter.add.f32 [tilespmem:s16], [sflag:$0x3], $0x80, s30, s15, $0xb8;
	[tilespmem:$0x1F200] =	vst v63  }
0x63: {  	_ =	swait.ge [sflag:s25], $0x4000  }
0x64: {  	[sflag:s25] =	ssyncset.done $0x0  }
0x65: {  	[sflag:s25] =	ssyncadd.s32 $0xFFFFC000  }
0x66: {  	_ =	swait.ge [sflag:s25], $0x4000  }
0x67: {  	[sflag:s25] =	ssyncset.done $0x0  }
0x68: {  	s30 =	simm.s32 $0x300;
	[sflag:s25] =	ssyncadd.s32 $0xFFFFC000  }
0x69: {  	[tilespmem:s20], [sflag:$0x2] =	stream.indirect.gather [hbm4b:s4+s15], $0x80, s30, s15, $0xb8;
	[tilespmem:$0x1F200] =	vst v63  }
0x6a: {  	s31 =	simm.s32 $0x380;
	s30 =	simm.s32 $0x800  }
.LBB2_4:
0x6b: {  	[tilespmem:s22], [sflag:$0x2] =	stream.indirect.gather [hbm4b:s4+s15], $0x80, s31, s15, $0xb8;
	[tilespmem:$0x1F200] =	vst v63  }
0x6c: {  	s31 =	smov.u32 s30  }
0x6d: {  	p0 =	sne.s32 s30, $0x9000;
	s30 =	sadd.s32 $0x800, s30;
	_ =	swait.ge [sflag:s23], $0x4000  }
0x6e: {  	[sflag:s23] =	ssyncset.done $0x0  }
0x6f: {  	[sflag:s23] =	ssyncadd.s32 $0xFFFFC000  }
0x70: {  	_ =	swait.ge [sflag:s23], $0x4000  }
0x71: {  	s31 =	sshra.s32 s31, $0x2;
	[sflag:s23] =	ssyncset.done $0x0  }
0x72: {  	s0 =	sadd.s32 $0x2900, s31;
	[sflag:s23] =	ssyncadd.s32 $0xFFFFC000  }
0x73: {  	[spmem:s2] =	stream.indirect.scatter.add.f32 [tilespmem:s20], [sflag:$0x4], $0x80, s0, s15, $0xb8;
	[tilespmem:$0x1F200] =	vst v63  }
0x74: {  	s0 =	sadd.s32 $0x2980, s31  }
0x75: {  	[spmem:s2] =	stream.indirect.scatter.add.f32 [tilespmem:s22], [sflag:$0x4], $0x80, s0, s15, $0xb8;
	[tilespmem:$0x1F200] =	vst v63  }
0x76: {  	_ =	swait.ge [sflag:s24], $0x4000  }
0x77: {  	[sflag:s24] =	ssyncset.done $0x0  }
0x78: {  	[sflag:s24] =	ssyncadd.s32 $0xFFFFC000  }
0x79: {  	_ =	swait.ge [sflag:s24], $0x4000  }
0x7a: {  	[sflag:s24] =	ssyncset.done $0x0  }
0x7b: {  	s0 =	sadd.s32 $0x200, s31;
	[sflag:s24] =	ssyncadd.s32 $0xFFFFC000  }
0x7c: {  	[tilespmem:s14], [sflag:$0x1] =	stream.indirect.gather [hbm4b:s4+s15], $0x80, s0, s15, $0xb8;
	[tilespmem:$0x1F200] =	vst v63  }
0x7d: {  	s0 =	sadd.s32 $0x280, s31  }
0x7e: {  	[tilespmem:s16], [sflag:$0x1] =	stream.indirect.gather [hbm4b:s4+s15], $0x80, s0, s15, $0xb8;
	[tilespmem:$0x1F200] =	vst v63  }
0x7f: {  	_ =	swait.ge [sflag:s17], $0x4000  }
0x80: {  	[sflag:s17] =	ssyncset.done $0x0  }
0x81: {  	[sflag:s17] =	ssyncadd.s32 $0xFFFFC000  }
0x82: {  	_ =	swait.ge [sflag:s17], $0x4000  }
0x83: {  	[sflag:s17] =	ssyncset.done $0x0  }
0x84: {  	s0 =	sadd.s32 $0x2A00, s31;
	[sflag:s17] =	ssyncadd.s32 $0xFFFFC000  }
0x85: {  	[spmem:s2] =	stream.indirect.scatter.add.f32 [tilespmem:s14], [sflag:$0x3], $0x80, s0, s15, $0xb8;
	[tilespmem:$0x1F200] =	vst v63  }
0x86: {  	s0 =	sadd.s32 $0x2A80, s31  }
0x87: {  	[spmem:s2] =	stream.indirect.scatter.add.f32 [tilespmem:s16], [sflag:$0x3], $0x80, s0, s15, $0xb8;
	[tilespmem:$0x1F200] =	vst v63  }
0x88: {  	_ =	swait.ge [sflag:s25], $0x4000  }
0x89: {  	[sflag:s25] =	ssyncset.done $0x0  }
0x8a: {  	[sflag:s25] =	ssyncadd.s32 $0xFFFFC000  }
.Ltmp1:
0x8b: {  	_ =	swait.ge [sflag:s25], $0x4000;
	(pc) =	sbr.rel @p0 .LBB2_4-.Ltmp1, $4  }
0x8c: {  	[sflag:s25] =	ssyncset.done $0x0  }
0x8d: {  	s0 =	sadd.s32 $0x300, s31;
	[sflag:s25] =	ssyncadd.s32 $0xFFFFC000  }
0x8e: {  	[tilespmem:s20], [sflag:$0x2] =	stream.indirect.gather [hbm4b:s4+s15], $0x80, s0, s15, $0xb8;
	[tilespmem:$0x1F200] =	vst v63  }
0x8f: {  	s31 =	sadd.s32 $0x380, s31  }
0x90: {  	[tilespmem:s22], [sflag:$0x2] =	stream.indirect.gather [hbm4b:s4+s15], $0x80, s31, s15, $0xb8;
	[tilespmem:$0x1F200] =	vst v63  }
0x91: {  	_ =	swait.ge [sflag:s23], $0x4000  }
0x92: {  	[sflag:s23] =	ssyncset.done $0x0  }
0x93: {  	[sflag:s23] =	ssyncadd.s32 $0xFFFFC000  }
0x94: {  	_ =	swait.ge [sflag:s23], $0x4000  }
0x95: {  	[sflag:s23] =	ssyncset.done $0x0  }
0x96: {  	[sflag:s23] =	ssyncadd.s32 $0xFFFFC000  }
0x97: {  	[spmem:s2] =	stream.indirect.scatter.add.f32 [tilespmem:s20], [sflag:$0x4], $0x80, s26, s15, $0xb8;
	[tilespmem:$0x1F200] =	vst v63  }
0x98: {  	_ = 	snop  }
0x99: {  	[spmem:s2] =	stream.indirect.scatter.add.f32 [tilespmem:s22], [sflag:$0x4], $0x80, s28, s15, $0xb8;
	[tilespmem:$0x1F200] =	vst v63  }
0x9a: {  	_ =	swait.ge [sflag:s24], $0x4000  }
0x9b: {  	[sflag:s24] =	ssyncset.done $0x0  }
0x9c: {  	[sflag:s24] =	ssyncadd.s32 $0xFFFFC000  }
0x9d: {  	_ =	swait.ge [sflag:s24], $0x4000  }
0x9e: {  	[sflag:s24] =	ssyncset.done $0x0  }
0x9f: {  	[sflag:s24] =	ssyncadd.s32 $0xFFFFC000  }
0xa0: {  	_ =	swait.ge [sflag:s25], $0x4000  }
0xa1: {  	[sflag:s25] =	ssyncset.done $0x0  }
0xa2: {  	[sflag:s25] =	ssyncadd.s32 $0xFFFFC000  }
0xa3: {  	_ =	swait.ge [sflag:s25], $0x4000  }
0xa4: {  	s0 =	sshll.u32 s1, $0x6;
	s29 =	sadd.s32 $0x1, s29;
	[sflag:s25] =	ssyncset.done $0x0  }
0xa5: {  	s30 =	sshrl.u32 s7, $0x3;
	p0 =	sne.s32 s29, s11;
	[sflag:s25] =	ssyncadd.s32 $0xFFFFC000  }
.Ltmp2:
0xa6: {  	s0 =	sor.u32 $0x1C05, s0;
	[bflag:$0x0] =	sbarrier.arrive $0xFFFF;
	(pc) =	sbr.rel @p0 .LBB2_1-.Ltmp2, $4  }
0xa7: {  	[hbm:s10], [sflag:s0] =	dma.local [spmem:s30], $0x1400  }
0xa8: {  	_ =	swait.ge [sflag:s12], $0x1400  }
0xa9: {  	[sflag:s12] =	ssyncset.done $0x0  }
0xaa: {  	[sflag:s12] =	ssyncadd.s32 $0xFFFFEC00  }
0xab: {  	_ =	sfence.sel $0x180000  }
0xac: {  	[bflag:$0x0] =	sbarrier.arrive $0xFFFF  }
0xad: {  	_ =	strace $0x90000050  }
0xae: {  	[bflag:$0x2] =	sbarrier.arrive $0xFFFF  }
0xaf: {  	p0 =	sne.s32 s1, $0x0;
	s0 =	rddreg [dreg:$0x3]  }
0xb0: {  	s0 =	sadd.s32 @!p0 $0x100000, s0  }
0xb1: {  	[sflag:s0] =	ssyncadd.tile.s32 @!p0 $0x1;
	_ =	shalt  }
.Lfunc_end2:
_tile_overlayer_lowered:
.L_overlay_start_2:
0xb2: {  	(tag) =	ssettag $0x2  }
0xb3: {  	s0 =	rddreg [dreg:$0x0];
	s2 =	stileid.u32  }
0xb4: {  	s1 =	rddreg [dreg:$0x1];
	p0 =	sne.s32 s2, $0x0  }
0xb5: {  	s3 =	rddreg [dreg:$0x2];
	[bflag:$0x3] =	sbarrier.arrive $0xFFFF;
	s2 =	simm.s32 @!p0 $0x1C05  }
0xb6: {  	[timem:s3], [sflag:s2] =	dma.local @!p0 [hbm:s0], s1  }
0xb7: {  	s0 =	simm.s32 @!p0 $0x5  }
0xb8: {  	_ =	swait.ge @!p0 [sflag:s0], s1  }
0xb9: {  	s1 =	ssub.s32 @!p0 $0x0, s1;
	[sflag:s0] =	ssyncset.done @!p0 $0x0  }
0xba: {  	[sflag:s0] =	ssyncadd.s32 @!p0 s1  }
0xbb: {  	[bflag:$0x3] =	sbarrier.arrive $0xFFFF  }
0xbc: {  	_ =	shalt  }

</sc_bundles>
